<compile_context>
chip_gen: v7x
topology: tpu7x:2x2x1
jax: 0.10.2.dev20260603
libtpu: 0.0.44.dev20260713+nightly
codegen_flags: <defaults>
</compile_context>

<pallas_src>
import functools

import jax
import jax.numpy as jnp
from jax import lax
from jax.experimental import pallas as pl
from jax.experimental.pallas import tpu as pltpu
from jax.experimental.pallas import tpu_sc as plsc

_NUM_CORES = 2
_NUM_SUBCORES = 16
_NUM_WORKERS = _NUM_CORES * _NUM_SUBCORES

_L = 16
_CHUNK = 512
_TILE = 128
_WIN = 128


def _cdiv(a, b):
    return (a + b - 1) // b


@jax.jit
def _scan_gather(input_idx, table):
    B = input_idx.shape[0]
    V, D = table.shape
    tableT = table.T
    n_tiles = _cdiv(V, _TILE)
    tiles_per_w = _cdiv(n_tiles, _NUM_WORKERS)
    n_idx_vec = B // _L

    mesh = plsc.VectorSubcoreMesh(core_axis_name="c", subcore_axis_name="s")

    packed_sd = jax.ShapeDtypeStruct((_NUM_WORKERS * B, 2 * D), jnp.float32)
    inv_pad = 16512
    inv_sd = jax.ShapeDtypeStruct((inv_pad,), jnp.int32)

    @functools.partial(
        pl.kernel,
        mesh=mesh,
        out_type=(packed_sd, inv_sd, inv_sd),
        scratch_types=[
            pltpu.VMEM((D, _CHUNK + 1), jnp.float32),
            pltpu.VMEM((B,), jnp.int32),
            pltpu.VMEM((B,), jnp.int32),
            pltpu.VMEM((B,), jnp.int32),
            pltpu.VMEM((B + _L,), jnp.int32),
            pltpu.VMEM((_L, 2 * D), jnp.float32),
            pltpu.VMEM((1, _L), jnp.int32),
            pltpu.VMEM((1, _L), jnp.int32),
            pltpu.VMEM_SHARED((16512,), jnp.int32),
            pltpu.VMEM((16512 // _NUM_SUBCORES,), jnp.int32),
            pltpu.SemaphoreType.DMA,
            pltpu.SemaphoreType.DMA,
        ],
        compiler_params=pltpu.CompilerParams(needs_layout_passes=False),
    )
    def k1(idx_hbm, tab_hbm, packed_hbm, inv0_hbm, inv1_hbm,
           buf, idx_v, ml_idx, ml_b, sub, rowblk, slotb, bb, stage_inv,
           invtmp, sem, sem2):
        core = lax.axis_index("c")
        sub_id = lax.axis_index("s")
        wid = sub_id * _NUM_CORES + core

        lo_tile = wid * tiles_per_w
        hi_tile = jnp.minimum(lo_tile + tiles_per_w, n_tiles)
        lo = lo_tile * _TILE
        n_lanes = (hi_tile - lo_tile) * _TILE
        n_chunks = lax.div(n_lanes + _CHUNK - 1, _CHUNK)

        pltpu.sync_copy(idx_hbm, idx_v)

        iota = lax.iota(jnp.int32, _L)
        sent_b = jnp.full((_L,), B, jnp.int32)

        def build(i, cnt):
            v = idx_v[pl.ds(i * _L, _L)]
            m = jnp.logical_and(v >= lo, v < lo + n_lanes)
            m32 = m.astype(jnp.int32)
            csum = plsc.cumsum(m32)
            pos = cnt + csum - 1
            plsc.store_scatter(ml_idx, [pos], v, mask=m)
            plsc.store_scatter(ml_b, [pos], i * _L + iota, mask=m)
            return cnt + csum[_L - 1]

        cnt = lax.fori_loop(0, n_idx_vec, build, 0)
        n_ml_vec = lax.div(cnt + _L - 1, _L)
        plsc.store_scatter(ml_idx, [cnt + iota],
                           jnp.full((_L,), 0x3FFFFFFF, jnp.int32))
        plsc.store_scatter(ml_b, [cnt + iota], sent_b)

        def chunk(c, nbatch0):
            off = jnp.minimum(c * _CHUNK, n_lanes - _CHUNK)
            l0 = lo + off
            for g in range(8):
                pltpu.make_async_copy(
                    tab_hbm.at[pl.ds(g * 8, 8), pl.ds(l0, _CHUNK)],
                    buf.at[pl.ds(g * 8, 8), pl.ds(0, _CHUNK)],
                    sem,
                ).start()

            def filt(i, scnt):
                mi = ml_idx[pl.ds(i * _L, _L)]
                mb = ml_b[pl.ds(i * _L, _L)]
                m = jnp.logical_and(mi >= l0, mi < l0 + _CHUNK)
                m32 = m.astype(jnp.int32)
                csum = plsc.cumsum(m32)
                pos = scnt + csum - 1
                pk = lax.shift_left(mi - l0, 15) | mb
                plsc.store_scatter(sub, [pos], pk, mask=m)
                return scnt + csum[_L - 1]

            scnt = lax.fori_loop(0, n_ml_vec, filt, 0)
            plsc.store_scatter(sub, [scnt + iota], sent_b)
            n_sub_vec = lax.div(scnt + _L - 1, _L)

            for g in range(8):
                pltpu.make_async_copy(
                    tab_hbm.at[pl.ds(g * 8, 8), pl.ds(l0, _CHUNK)],
                    buf.at[pl.ds(g * 8, 8), pl.ds(0, _CHUNK)],
                    sem,
                ).wait()

            def extract(sv, nb):
                pk = sub[pl.ds(sv * _L, _L)]
                lvec = lax.shift_right_logical(pk, 15)
                bvec = lax.bitwise_and(pk, 0x7FFF)
                for e in range(_L):
                    le = jnp.full((_L,), lvec[e], jnp.int32)
                    for q in range(D // _L):
                        vals = plsc.load_gather(buf, [iota + q * _L, le])
                        rowblk[e, pl.ds(q * _L, _L)] = vals
                pltpu.sync_copy(
                    rowblk,
                    packed_hbm.at[pl.ds(wid * B + nb * _L, _L)])
                slotb[0, :] = wid * B + nb * _L + iota
                bb[0, :] = bvec
                pltpu.sync_copy(slotb.at[0], stage_inv.at[bb.at[0]])
                return nb + 1

            return lax.fori_loop(0, n_sub_vec, extract, nbatch0)

        lax.fori_loop(0, n_chunks, chunk, 0)

        plsc.subcore_barrier()
        seg = 16512 // _NUM_SUBCORES
        pltpu.sync_copy(stage_inv.at[pl.ds(sub_id * seg, seg)], invtmp)

        @pl.when(core == 0)
        def _():
            pltpu.sync_copy(invtmp, inv0_hbm.at[pl.ds(sub_id * seg, seg)])

        @pl.when(core == 1)
        def _():
            pltpu.sync_copy(invtmp, inv1_hbm.at[pl.ds(sub_id * seg, seg)])

    out_sd = jax.ShapeDtypeStruct((B, 2 * D), jnp.float32)
    n_slots = _NUM_WORKERS * B
    rows_per_sub = B // _NUM_SUBCORES
    grp = 128

    @functools.partial(
        pl.kernel,
        mesh=mesh,
        out_type=(out_sd, out_sd),
        scratch_types=[
            pltpu.VMEM((grp,), jnp.int32),
            pltpu.VMEM((1, grp), jnp.int32),
            pltpu.VMEM((2, grp, 2 * D), jnp.float32),
            pltpu.SemaphoreType.DMA,
        ],
        compiler_params=pltpu.CompilerParams(
            use_tc_tiling_on_sc=False, needs_layout_passes=False),
    )
    def k2(packed_hbm, inv0_hbm, inv1_hbm, out0_hbm, out1_hbm,
           invbuf, slotidx, gbuf, sem):
        core = lax.axis_index("c")
        sub_id = lax.axis_index("s")

        def body(inv_hbm, out_hbm):
            def group(g, carry):
                slot = lax.rem(g, 2)
                row0 = sub_id * rows_per_sub + g * grp
                pltpu.sync_copy(inv_hbm.at[pl.ds(row0, grp)], invbuf)
                for sb in range(grp // _L):
                    sv = invbuf[pl.ds(sb * _L, _L)]
                    slotidx[0, pl.ds(sb * _L, _L)] = jnp.clip(
                        sv, 0, n_slots - 1)
                pltpu.make_async_copy(
                    packed_hbm.at[slotidx.at[0]], gbuf.at[slot], sem).start()
                pltpu.make_async_copy(
                    packed_hbm.at[slotidx.at[0]], gbuf.at[slot], sem).wait()
                pltpu.sync_copy(gbuf.at[slot], out_hbm.at[pl.ds(row0, grp)])
                return carry

            lax.fori_loop(0, rows_per_sub // grp, group, 0)

        @pl.when(core == 0)
        def _():
            body(inv0_hbm, out0_hbm)

        @pl.when(core == 1)
        def _():
            body(inv1_hbm, out1_hbm)

    packed, inv0, inv1 = k1(input_idx, tableT)
    out0, out1 = k2(packed, inv0, inv1)

    wid_of = jnp.minimum(lax.shift_right_logical(input_idx, 7) // tiles_per_w,
                         _NUM_WORKERS - 1)
    from_core0 = (wid_of % _NUM_CORES) == 0
    return jnp.where(from_core0[:, None], out0[:, :D], out1[:, :D])


def kernel(input, table):
    return _scan_gather(input, table)

# --- scband reference (transcript-rebuilt; emitter-appended) ---
"""Pipeline reference for scband-embedding-61022895342169 (READ-ONLY COPY).

The authoritative reference and input builder live on the scoring server;
editing this copy changes nothing except your own understanding.
"""

import jax, jax.numpy as jnp
import numpy as np

N_EMBEDDINGS = 1000000
D_EMBEDDINGS = 64
BATCH = 16384

def setup_inputs(seed: int = 0) -> dict:
    key = jax.random.key(seed)
    k1, k2 = jax.random.split(key)
    input_idx = jax.random.randint(k1, (BATCH,), 0, N_EMBEDDINGS, dtype=jnp.int64 if jax.config.jax_enable_x64 else jnp.int32).astype(jnp.int32)
    # The module builds its sharded table from torch.randn chunks; logically it is
    # one contiguous [n_embeddings, d_embeddings] table.
    table = jax.random.normal(k2, (N_EMBEDDINGS, D_EMBEDDINGS), dtype=jnp.float32)
    return {"input": input_idx, "table": table}

def reference(input, table):
    # shard_tensor[input] gathers the rows for the requested indices; the
    # subsequent F.embedding(arange(len(input)), weight) is an identity gather,
    # so the net forward is table[input].
    weight = jnp.take(table, input, axis=0)
    idx = jnp.arange(input.shape[0])
    out = jnp.take(weight, idx, axis=0)
    return out

if __name__ == "__main__":
    import jax
    _d = setup_inputs()
    print(jax.jit(kernel)(*tuple(_d.values())))

</pallas_src>

<mosaic_0001>
#map = affine_map<(d0, d1) -> (0)>
#map1 = affine_map<(d0, d1) -> (0, 0)>
module attributes {stable_mosaic.version = 14 : i64} {
  func.func @k1(%arg0: i32, %arg1: i32, %arg2: memref<16384xi32, #tpu.memory_space<hbm>>, %arg3: memref<64x1000000xf32, #tpu.memory_space<hbm>>, %arg4: memref<524288x128xf32, #tpu.memory_space<hbm>>, %arg5: memref<16512xi32, #tpu.memory_space<hbm>>, %arg6: memref<16512xi32, #tpu.memory_space<hbm>>, %arg7: memref<64x513xf32, #tpu.memory_space<vmem>>, %arg8: memref<16384xi32, #tpu.memory_space<vmem>>, %arg9: memref<16384xi32, #tpu.memory_space<vmem>>, %arg10: memref<16384xi32, #tpu.memory_space<vmem>>, %arg11: memref<16400xi32, #tpu.memory_space<vmem>>, %arg12: memref<16x128xf32, #tpu.memory_space<vmem>>, %arg13: memref<1x16xi32, #tpu.memory_space<vmem>>, %arg14: memref<1x16xi32, #tpu.memory_space<vmem>>, %arg15: memref<16512xi32, #tpu.memory_space<vmem_shared>>, %arg16: memref<1032xi32, #tpu.memory_space<vmem>>, %arg17: memref<!tpu.dma_semaphore, #tpu.memory_space<semaphore_mem>>, %arg18: memref<!tpu.dma_semaphore, #tpu.memory_space<semaphore_mem>>) attributes {dimension_semantics = [#tpu.dimension_semantics<core_parallel>, #tpu.dimension_semantics<subcore_parallel>], iteration_bounds = array<i64: 2, 16>, scalar_prefetch = 0 : i64, scratch_operands = 12 : i64, tpu.core_type = #tpu.core_type<sc_vector_subcore>, window_params = [{transform_indices = #map}, {transform_indices = #map1}, {transform_indices = #map1}, {transform_indices = #map}, {transform_indices = #map}]} {
    %mul3A = arith.constant 2 : i32
    %mul3A_0 = arith.muli %arg1, %mul3A : i32
    %add3A = arith.addi %mul3A_0, %arg0 : i32
    %mul3A_1 = arith.constant 245 : i32
    %mul3A_2 = arith.muli %add3A, %mul3A_1 : i32
    %add3A_3 = arith.constant 245 : i32
    %add3A_4 = arith.addi %mul3A_2, %add3A_3 : i32
    %min3A = arith.constant 7813 : i32
    %min3A_5 = arith.minsi %add3A_4, %min3A : i32
    %mul3A_6 = arith.constant 128 : i32
    %mul3A_7 = arith.muli %mul3A_2, %mul3A_6 : i32
    %sub3A = arith.subi %min3A_5, %mul3A_2 : i32
    %mul3A_8 = arith.constant 128 : i32
    %mul3A_9 = arith.muli %sub3A, %mul3A_8 : i32
    %add3A_10 = arith.constant 512 : i32
    %add3A_11 = arith.addi %mul3A_9, %add3A_10 : i32
    %sub3A_12 = arith.constant 1 : i32
    %sub3A_13 = arith.subi %add3A_11, %sub3A_12 : i32
    %div3A = arith.constant 512 : i32
    %div3A_14 = arith.divsi %sub3A_13, %div3A : i32
    "tpu.region"() ({
      %run_scoped3A = tpu.sem_alloc : memref<!tpu.dma_semaphore, #tpu.memory_space<semaphore_mem>>
      tpu.enqueue_dma source(%arg2 : memref<16384xi32, #tpu.memory_space<hbm>>) target(%arg8 : memref<16384xi32, #tpu.memory_space<vmem>>) target_semaphore(%run_scoped3A : memref<!tpu.dma_semaphore, #tpu.memory_space<semaphore_mem>>)
      tpu.wait_dma2 semaphore(%run_scoped3A : memref<!tpu.dma_semaphore, #tpu.memory_space<semaphore_mem>>) src(%arg2 : memref<16384xi32, #tpu.memory_space<hbm>>) dst(%arg8 : memref<16384xi32, #tpu.memory_space<vmem>>)
      tpu.yield
    }) : () -> ()
    %iota3A = tpu.iota {dimensions = array<i32: 0>} : vector<16xi32>
    %broadcast_in_dim3A = arith.constant 16384 : i32
    %broadcast_in_dim3A_15 = vector.broadcast %broadcast_in_dim3A : i32 to vector<16xi32>
    %scan3A = arith.constant 0 : i32
    %scan3A_16 = arith.constant 0 : i32
    %scan3A_17 = arith.constant 1024 : i32
    %scan3A_18 = arith.addi %scan3A_16, %scan3A_17 : i32
    %scan3A_19 = arith.constant 1 : i32
    %scan3A_20 = scf.for %scan3A_54 = %scan3A_16 to %scan3A_18 step %scan3A_19 iter_args(%scan3A_55 = %scan3A) -> (i32)  : i32 {
      %mul3A_56 = arith.constant 16 : i32
      %mul3A_57 = arith.muli %scan3A_54, %mul3A_56 : i32
      %get3A = arith.index_cast %mul3A_57 : i32 to index
      %get3A_58 = tpu.vector_load %arg8[%get3A] {strides = array<i32>} : memref<16384xi32, #tpu.memory_space<vmem>>, vector<16xi32>,
      %ge3A = vector.broadcast %mul3A_7 : i32 to vector<16xi32>
      %ge3A_59 = arith.cmpi sge, %get3A_58, %ge3A : vector<16xi32>
      %add3A_60 = arith.addi %mul3A_7, %mul3A_9 : i32
      %lt3A = vector.broadcast %add3A_60 : i32 to vector<16xi32>
      %lt3A_61 = arith.cmpi slt, %get3A_58, %lt3A : vector<16xi32>
      %and3A = arith.andi %ge3A_59, %lt3A_61 : vector<16xi1>
      %convert_element_type3A_62 = arith.extui %and3A : vector<16xi1> to vector<16xi32>
      %broadcast_in_dim3A_63 = arith.constant true
      %broadcast_in_dim3A_64 = vector.broadcast %broadcast_in_dim3A_63 : i1 to vector<16xi1>
      %masked_cumsum3A = tpu.scan <sum>, %convert_element_type3A_62 masked %broadcast_in_dim3A_64 : vector<16xi32>, vector<16xi1> -> vector<16xi32>
      %add3A_65 = vector.broadcast %scan3A_55 : i32 to vector<16xi32>
      %add3A_66 = arith.addi %add3A_65, %masked_cumsum3A : vector<16xi32>
      %sub3A_67 = arith.constant 1 : i32
      %sub3A_68 = vector.broadcast %sub3A_67 : i32 to vector<16xi32>
      %sub3A_69 = arith.subi %add3A_66, %sub3A_68 : vector<16xi32>
      tpu.vector_store_idx %arg9[%sub3A_69], %get3A_58 masked %and3A : memref<16384xi32, #tpu.memory_space<vmem>>[vector<16xi32>], vector<16xi32>, vector<16xi1>
      %mul3A_70 = arith.constant 16 : i32
      %mul3A_71 = arith.muli %scan3A_54, %mul3A_70 : i32
      %add3A_72 = vector.broadcast %mul3A_71 : i32 to vector<16xi32>
      %add3A_73 = arith.addi %add3A_72, %iota3A : vector<16xi32>
      tpu.vector_store_idx %arg10[%sub3A_69], %add3A_73 masked %and3A : memref<16384xi32, #tpu.memory_space<vmem>>[vector<16xi32>], vector<16xi32>, vector<16xi1>
      %slice3A = vector.extract_strided_slice %masked_cumsum3A {offsets = [15], sizes = [1], strides = [1]} : vector<16xi32> to vector<1xi32>
      %squeeze3A = vector.extract %slice3A[0] : i32 from vector<1xi32>
      %add3A_74 = arith.addi %scan3A_55, %squeeze3A : i32
      scf.yield %add3A_74 : i32
    }
    %scan3A_21 = arith.constant 1024 : i32
    %add3A_22 = arith.constant 16 : i32
    %add3A_23 = arith.addi %scan3A_20, %add3A_22 : i32
    %sub3A_24 = arith.constant 1 : i32
    %sub3A_25 = arith.subi %add3A_23, %sub3A_24 : i32
    %div3A_26 = arith.constant 16 : i32
    %div3A_27 = arith.divsi %sub3A_25, %div3A_26 : i32
    %add3A_28 = vector.broadcast %scan3A_20 : i32 to vector<16xi32>
    %add3A_29 = arith.addi %add3A_28, %iota3A : vector<16xi32>
    %broadcast_in_dim3A_30 = arith.constant 1073741823 : i32
    %broadcast_in_dim3A_31 = vector.broadcast %broadcast_in_dim3A_30 : i32 to vector<16xi32>
    tpu.vector_store_idx %arg9[%add3A_29], %broadcast_in_dim3A_31 : memref<16384xi32, #tpu.memory_space<vmem>>[vector<16xi32>], vector<16xi32>,
    %add3A_32 = vector.broadcast %scan3A_20 : i32 to vector<16xi32>
    %add3A_33 = arith.addi %add3A_32, %iota3A : vector<16xi32>
    tpu.vector_store_idx %arg10[%add3A_33], %broadcast_in_dim3A_15 : memref<16384xi32, #tpu.memory_space<vmem>>[vector<16xi32>], vector<16xi32>,
    %while3A = arith.constant 0 : i32
    %while3A_34 = arith.constant 0 : i32
    %while3A_35 = arith.subi %div3A_14, %while3A : i32
    %while3A_36 = arith.addi %while3A, %while3A_35 : i32
    %while3A_37 = arith.constant 1 : i32
    %while3A_38 = arith.divsi %while3A_35, %while3A_37 : i32
    %while3A_39 = arith.muli %while3A_38, %while3A_37 : i32
    %while3A_40 = arith.addi %while3A, %while3A_39 : i32
    %while3A_41 = arith.constant 1 : i32
    %while3A_42 = scf.for %while3A_54 = %while3A to %while3A_40 step %while3A_41 iter_args(%while3A_55 = %while3A_34) -> (i32)  : i32 {
      %mul3A_56 = arith.constant 512 : i32
      %mul3A_57 = arith.muli %while3A_54, %mul3A_56 : i32
      %sub3A_58 = arith.constant 512 : i32
      %sub3A_59 = arith.subi %mul3A_9, %sub3A_58 : i32
      %min3A_60 = arith.minsi %mul3A_57, %sub3A_59 : i32
      %add3A_61 = arith.addi %mul3A_7, %min3A_60 : i32
      %dma_start3A = arith.constant 0 : i32
      %dma_start3A_62 = arith.constant 0 : i32
      %dma_start3A_63 = tpu.memref_slice %arg7[%dma_start3A, %dma_start3A_62] : memref<64x513xf32, #tpu.memory_space<vmem>> -> memref<8x512xf32, #tpu.memory_space<vmem>>
      %dma_start3A_64 = arith.constant 0 : i32
      %dma_start3A_65 = tpu.memref_slice %arg3[%dma_start3A_64, %add3A_61] : memref<64x1000000xf32, #tpu.memory_space<hbm>> -> memref<8x512xf32, #tpu.memory_space<hbm>>
      %dma_start3A_66 = arith.constant 0 : i32
      %dma_start3A_67 = arith.constant 0 : i32
      %dma_start3A_68 = tpu.memref_slice %arg7[%dma_start3A_66, %dma_start3A_67] : memref<64x513xf32, #tpu.memory_space<vmem>> -> memref<8x512xf32, #tpu.memory_space<vmem>>
      %dma_start3A_69 = arith.constant 0 : i32
      %dma_start3A_70 = tpu.memref_slice %arg3[%dma_start3A_69, %add3A_61] : memref<64x1000000xf32, #tpu.memory_space<hbm>> -> memref<8x512xf32, #tpu.memory_space<hbm>>
      tpu.enqueue_dma source(%dma_start3A_70 : memref<8x512xf32, #tpu.memory_space<hbm>>) target(%dma_start3A_68 : memref<8x512xf32, #tpu.memory_space<vmem>>) target_semaphore(%arg17 : memref<!tpu.dma_semaphore, #tpu.memory_space<semaphore_mem>>)
      %dma_start3A_71 = arith.constant 8 : i32
      %dma_start3A_72 = arith.constant 0 : i32
      %dma_start3A_73 = tpu.memref_slice %arg7[%dma_start3A_71, %dma_start3A_72] : memref<64x513xf32, #tpu.memory_space<vmem>> -> memref<8x512xf32, #tpu.memory_space<vmem>>
      %dma_start3A_74 = arith.constant 8 : i32
      %dma_start3A_75 = tpu.memref_slice %arg3[%dma_start3A_74, %add3A_61] : memref<64x1000000xf32, #tpu.memory_space<hbm>> -> memref<8x512xf32, #tpu.memory_space<hbm>>
      %dma_start3A_76 = arith.constant 8 : i32
      %dma_start3A_77 = arith.constant 0 : i32
      %dma_start3A_78 = tpu.memref_slice %arg7[%dma_start3A_76, %dma_start3A_77] : memref<64x513xf32, #tpu.memory_space<vmem>> -> memref<8x512xf32, #tpu.memory_space<vmem>>
      %dma_start3A_79 = arith.constant 8 : i32
      %dma_start3A_80 = tpu.memref_slice %arg3[%dma_start3A_79, %add3A_61] : memref<64x1000000xf32, #tpu.memory_space<hbm>> -> memref<8x512xf32, #tpu.memory_space<hbm>>
      tpu.enqueue_dma source(%dma_start3A_80 : memref<8x512xf32, #tpu.memory_space<hbm>>) target(%dma_start3A_78 : memref<8x512xf32, #tpu.memory_space<vmem>>) target_semaphore(%arg17 : memref<!tpu.dma_semaphore, #tpu.memory_space<semaphore_mem>>)
      %dma_start3A_81 = arith.constant 16 : i32
      %dma_start3A_82 = arith.constant 0 : i32
      %dma_start3A_83 = tpu.memref_slice %arg7[%dma_start3A_81, %dma_start3A_82] : memref<64x513xf32, #tpu.memory_space<vmem>> -> memref<8x512xf32, #tpu.memory_space<vmem>>
      %dma_start3A_84 = arith.constant 16 : i32
      %dma_start3A_85 = tpu.memref_slice %arg3[%dma_start3A_84, %add3A_61] : memref<64x1000000xf32, #tpu.memory_space<hbm>> -> memref<8x512xf32, #tpu.memory_space<hbm>>
      %dma_start3A_86 = arith.constant 16 : i32
      %dma_start3A_87 = arith.constant 0 : i32
      %dma_start3A_88 = tpu.memref_slice %arg7[%dma_start3A_86, %dma_start3A_87] : memref<64x513xf32, #tpu.memory_space<vmem>> -> memref<8x512xf32, #tpu.memory_space<vmem>>
      %dma_start3A_89 = arith.constant 16 : i32
      %dma_start3A_90 = tpu.memref_slice %arg3[%dma_start3A_89, %add3A_61] : memref<64x1000000xf32, #tpu.memory_space<hbm>> -> memref<8x512xf32, #tpu.memory_space<hbm>>
      tpu.enqueue_dma source(%dma_start3A_90 : memref<8x512xf32, #tpu.memory_space<hbm>>) target(%dma_start3A_88 : memref<8x512xf32, #tpu.memory_space<vmem>>) target_semaphore(%arg17 : memref<!tpu.dma_semaphore, #tpu.memory_space<semaphore_mem>>)
      %dma_start3A_91 = arith.constant 24 : i32
      %dma_start3A_92 = arith.constant 0 : i32
      %dma_start3A_93 = tpu.memref_slice %arg7[%dma_start3A_91, %dma_start3A_92] : memref<64x513xf32, #tpu.memory_space<vmem>> -> memref<8x512xf32, #tpu.memory_space<vmem>>
      %dma_start3A_94 = arith.constant 24 : i32
      %dma_start3A_95 = tpu.memref_slice %arg3[%dma_start3A_94, %add3A_61] : memref<64x1000000xf32, #tpu.memory_space<hbm>> -> memref<8x512xf32, #tpu.memory_space<hbm>>
      %dma_start3A_96 = arith.constant 24 : i32
      %dma_start3A_97 = arith.constant 0 : i32
      %dma_start3A_98 = tpu.memref_slice %arg7[%dma_start3A_96, %dma_start3A_97] : memref<64x513xf32, #tpu.memory_space<vmem>> -> memref<8x512xf32, #tpu.memory_space<vmem>>
      %dma_start3A_99 = arith.constant 24 : i32
      %dma_start3A_100 = tpu.memref_slice %arg3[%dma_start3A_99, %add3A_61] : memref<64x1000000xf32, #tpu.memory_space<hbm>> -> memref<8x512xf32, #tpu.memory_space<hbm>>
      tpu.enqueue_dma source(%dma_start3A_100 : memref<8x512xf32, #tpu.memory_space<hbm>>) target(%dma_start3A_98 : memref<8x512xf32, #tpu.memory_space<vmem>>) target_semaphore(%arg17 : memref<!tpu.dma_semaphore, #tpu.memory_space<semaphore_mem>>)
      %dma_start3A_101 = arith.constant 32 : i32
      %dma_start3A_102 = arith.constant 0 : i32
      %dma_start3A_103 = tpu.memref_slice %arg7[%dma_start3A_101, %dma_start3A_102] : memref<64x513xf32, #tpu.memory_space<vmem>> -> memref<8x512xf32, #tpu.memory_space<vmem>>
      %dma_start3A_104 = arith.constant 32 : i32
      %dma_start3A_105 = tpu.memref_slice %arg3[%dma_start3A_104, %add3A_61] : memref<64x1000000xf32, #tpu.memory_space<hbm>> -> memref<8x512xf32, #tpu.memory_space<hbm>>
      %dma_start3A_106 = arith.constant 32 : i32
      %dma_start3A_107 = arith.constant 0 : i32
      %dma_start3A_108 = tpu.memref_slice %arg7[%dma_start3A_106, %dma_start3A_107] : memref<64x513xf32, #tpu.memory_space<vmem>> -> memref<8x512xf32, #tpu.memory_space<vmem>>
      %dma_start3A_109 = arith.constant 32 : i32
      %dma_start3A_110 = tpu.memref_slice %arg3[%dma_start3A_109, %add3A_61] : memref<64x1000000xf32, #tpu.memory_space<hbm>> -> memref<8x512xf32, #tpu.memory_space<hbm>>
      tpu.enqueue_dma source(%dma_start3A_110 : memref<8x512xf32, #tpu.memory_space<hbm>>) target(%dma_start3A_108 : memref<8x512xf32, #tpu.memory_space<vmem>>) target_semaphore(%arg17 : memref<!tpu.dma_semaphore, #tpu.memory_space<semaphore_mem>>)
      %dma_start3A_111 = arith.constant 40 : i32
      %dma_start3A_112 = arith.constant 0 : i32
      %dma_start3A_113 = tpu.memref_slice %arg7[%dma_start3A_111, %dma_start3A_112] : memref<64x513xf32, #tpu.memory_space<vmem>> -> memref<8x512xf32, #tpu.memory_space<vmem>>
      %dma_start3A_114 = arith.constant 40 : i32
      %dma_start3A_115 = tpu.memref_slice %arg3[%dma_start3A_114, %add3A_61] : memref<64x1000000xf32, #tpu.memory_space<hbm>> -> memref<8x512xf32, #tpu.memory_space<hbm>>
      %dma_start3A_116 = arith.constant 40 : i32
      %dma_start3A_117 = arith.constant 0 : i32
      %dma_start3A_118 = tpu.memref_slice %arg7[%dma_start3A_116, %dma_start3A_117] : memref<64x513xf32, #tpu.memory_space<vmem>> -> memref<8x512xf32, #tpu.memory_space<vmem>>
      %dma_start3A_119 = arith.constant 40 : i32
      %dma_start3A_120 = tpu.memref_slice %arg3[%dma_start3A_119, %add3A_61] : memref<64x1000000xf32, #tpu.memory_space<hbm>> -> memref<8x512xf32, #tpu.memory_space<hbm>>
      tpu.enqueue_dma source(%dma_start3A_120 : memref<8x512xf32, #tpu.memory_space<hbm>>) target(%dma_start3A_118 : memref<8x512xf32, #tpu.memory_space<vmem>>) target_semaphore(%arg17 : memref<!tpu.dma_semaphore, #tpu.memory_space<semaphore_mem>>)
      %dma_start3A_121 = arith.constant 48 : i32
      %dma_start3A_122 = arith.constant 0 : i32
      %dma_start3A_123 = tpu.memref_slice %arg7[%dma_start3A_121, %dma_start3A_122] : memref<64x513xf32, #tpu.memory_space<vmem>> -> memref<8x512xf32, #tpu.memory_space<vmem>>
      %dma_start3A_124 = arith.constant 48 : i32
      %dma_start3A_125 = tpu.memref_slice %arg3[%dma_start3A_124, %add3A_61] : memref<64x1000000xf32, #tpu.memory_space<hbm>> -> memref<8x512xf32, #tpu.memory_space<hbm>>
      %dma_start3A_126 = arith.constant 48 : i32
      %dma_start3A_127 = arith.constant 0 : i32
      %dma_start3A_128 = tpu.memref_slice %arg7[%dma_start3A_126, %dma_start3A_127] : memref<64x513xf32, #tpu.memory_space<vmem>> -> memref<8x512xf32, #tpu.memory_space<vmem>>
      %dma_start3A_129 = arith.constant 48 : i32
      %dma_start3A_130 = tpu.memref_slice %arg3[%dma_start3A_129, %add3A_61] : memref<64x1000000xf32, #tpu.memory_space<hbm>> -> memref<8x512xf32, #tpu.memory_space<hbm>>
      tpu.enqueue_dma source(%dma_start3A_130 : memref<8x512xf32, #tpu.memory_space<hbm>>) target(%dma_start3A_128 : memref<8x512xf32, #tpu.memory_space<vmem>>) target_semaphore(%arg17 : memref<!tpu.dma_semaphore, #tpu.memory_space<semaphore_mem>>)
      %dma_start3A_131 = arith.constant 56 : i32
      %dma_start3A_132 = arith.constant 0 : i32
      %dma_start3A_133 = tpu.memref_slice %arg7[%dma_start3A_131, %dma_start3A_132] : memref<64x513xf32, #tpu.memory_space<vmem>> -> memref<8x512xf32, #tpu.memory_space<vmem>>
      %dma_start3A_134 = arith.constant 56 : i32
      %dma_start3A_135 = tpu.memref_slice %arg3[%dma_start3A_134, %add3A_61] : memref<64x1000000xf32, #tpu.memory_space<hbm>> -> memref<8x512xf32, #tpu.memory_space<hbm>>
      %dma_start3A_136 = arith.constant 56 : i32
      %dma_start3A_137 = arith.constant 0 : i32
      %dma_start3A_138 = tpu.memref_slice %arg7[%dma_start3A_136, %dma_start3A_137] : memref<64x513xf32, #tpu.memory_space<vmem>> -> memref<8x512xf32, #tpu.memory_space<vmem>>
      %dma_start3A_139 = arith.constant 56 : i32
      %dma_start3A_140 = tpu.memref_slice %arg3[%dma_start3A_139, %add3A_61] : memref<64x1000000xf32, #tpu.memory_space<hbm>> -> memref<8x512xf32, #tpu.memory_space<hbm>>
      tpu.enqueue_dma source(%dma_start3A_140 : memref<8x512xf32, #tpu.memory_space<hbm>>) target(%dma_start3A_138 : memref<8x512xf32, #tpu.memory_space<vmem>>) target_semaphore(%arg17 : memref<!tpu.dma_semaphore, #tpu.memory_space<semaphore_mem>>)
      %while3A_141 = arith.constant 0 : i32
      %while3A_142 = arith.constant 0 : i32
      %while3A_143 = arith.subi %div3A_27, %while3A_141 : i32
      %while3A_144 = arith.addi %while3A_141, %while3A_143 : i32
      %while3A_145 = arith.constant 1 : i32
      %while3A_146 = arith.divsi %while3A_143, %while3A_145 : i32
      %while3A_147 = arith.muli %while3A_146, %while3A_145 : i32
      %while3A_148 = arith.addi %while3A_141, %while3A_147 : i32
      %while3A_149 = arith.constant 1 : i32
      %while3A_150 = scf.for %while3A_251 = %while3A_141 to %while3A_148 step %while3A_149 iter_args(%while3A_252 = %while3A_142) -> (i32)  : i32 {
        %mul3A_253 = arith.constant 16 : i32
        %mul3A_254 = arith.muli %while3A_251, %mul3A_253 : i32
        %get3A = arith.index_cast %mul3A_254 : i32 to index
        %get3A_255 = tpu.vector_load %arg9[%get3A] {strides = array<i32>} : memref<16384xi32, #tpu.memory_space<vmem>>, vector<16xi32>,
        %mul3A_256 = arith.constant 16 : i32
        %mul3A_257 = arith.muli %while3A_251, %mul3A_256 : i32
        %get3A_258 = arith.index_cast %mul3A_257 : i32 to index
        %get3A_259 = tpu.vector_load %arg10[%get3A_258] {strides = array<i32>} : memref<16384xi32, #tpu.memory_space<vmem>>, vector<16xi32>,
        %ge3A = vector.broadcast %add3A_61 : i32 to vector<16xi32>
        %ge3A_260 = arith.cmpi sge, %get3A_255, %ge3A : vector<16xi32>
        %add3A_261 = arith.constant 512 : i32
        %add3A_262 = arith.addi %add3A_61, %add3A_261 : i32
        %lt3A = vector.broadcast %add3A_262 : i32 to vector<16xi32>
        %lt3A_263 = arith.cmpi slt, %get3A_255, %lt3A : vector<16xi32>
        %and3A = arith.andi %ge3A_260, %lt3A_263 : vector<16xi1>
        %convert_element_type3A_264 = arith.extui %and3A : vector<16xi1> to vector<16xi32>
        %broadcast_in_dim3A_265 = arith.constant true
        %broadcast_in_dim3A_266 = vector.broadcast %broadcast_in_dim3A_265 : i1 to vector<16xi1>
        %masked_cumsum3A = tpu.scan <sum>, %convert_element_type3A_264 masked %broadcast_in_dim3A_266 : vector<16xi32>, vector<16xi1> -> vector<16xi32>
        %add3A_267 = vector.broadcast %while3A_252 : i32 to vector<16xi32>
        %add3A_268 = arith.addi %add3A_267, %masked_cumsum3A : vector<16xi32>
        %sub3A_269 = arith.constant 1 : i32
        %sub3A_270 = vector.broadcast %sub3A_269 : i32 to vector<16xi32>
        %sub3A_271 = arith.subi %add3A_268, %sub3A_270 : vector<16xi32>
        %sub3A_272 = vector.broadcast %add3A_61 : i32 to vector<16xi32>
        %sub3A_273 = arith.subi %get3A_255, %sub3A_272 : vector<16xi32>
        %shift_left3A = arith.constant 15 : i32
        %shift_left3A_274 = vector.broadcast %shift_left3A : i32 to vector<16xi32>
        %shift_left3A_275 = arith.shli %sub3A_273, %shift_left3A_274 : vector<16xi32>
        %or3A = arith.ori %shift_left3A_275, %get3A_259 : vector<16xi32>
        tpu.vector_store_idx %arg11[%sub3A_271], %or3A masked %and3A : memref<16400xi32, #tpu.memory_space<vmem>>[vector<16xi32>], vector<16xi32>, vector<16xi1>
        %slice3A = vector.extract_strided_slice %masked_cumsum3A {offsets = [15], sizes = [1], strides = [1]} : vector<16xi32> to vector<1xi32>
        %squeeze3A = vector.extract %slice3A[0] : i32 from vector<1xi32>
        %add3A_276 = arith.addi %while3A_252, %squeeze3A : i32
        scf.yield %add3A_276 : i32
      }
      %while3A_151 = arith.constant 1 : i32
      %while3A_152 = scf.for %while3A_251 = %while3A_148 to %while3A_144 step %while3A_151 iter_args(%while3A_252 = %while3A_150) -> (i32)  : i32 {
        %mul3A_253 = arith.constant 16 : i32
        %mul3A_254 = arith.muli %while3A_251, %mul3A_253 : i32
        %get3A = arith.index_cast %mul3A_254 : i32 to index
        %get3A_255 = tpu.vector_load %arg9[%get3A] {strides = array<i32>} : memref<16384xi32, #tpu.memory_space<vmem>>, vector<16xi32>,
        %mul3A_256 = arith.constant 16 : i32
        %mul3A_257 = arith.muli %while3A_251, %mul3A_256 : i32
        %get3A_258 = arith.index_cast %mul3A_257 : i32 to index
        %get3A_259 = tpu.vector_load %arg10[%get3A_258] {strides = array<i32>} : memref<16384xi32, #tpu.memory_space<vmem>>, vector<16xi32>,
        %ge3A = vector.broadcast %add3A_61 : i32 to vector<16xi32>
        %ge3A_260 = arith.cmpi sge, %get3A_255, %ge3A : vector<16xi32>
        %add3A_261 = arith.constant 512 : i32
        %add3A_262 = arith.addi %add3A_61, %add3A_261 : i32
        %lt3A = vector.broadcast %add3A_262 : i32 to vector<16xi32>
        %lt3A_263 = arith.cmpi slt, %get3A_255, %lt3A : vector<16xi32>
        %and3A = arith.andi %ge3A_260, %lt3A_263 : vector<16xi1>
        %convert_element_type3A_264 = arith.extui %and3A : vector<16xi1> to vector<16xi32>
        %broadcast_in_dim3A_265 = arith.constant true
        %broadcast_in_dim3A_266 = vector.broadcast %broadcast_in_dim3A_265 : i1 to vector<16xi1>
        %masked_cumsum3A = tpu.scan <sum>, %convert_element_type3A_264 masked %broadcast_in_dim3A_266 : vector<16xi32>, vector<16xi1> -> vector<16xi32>
        %add3A_267 = vector.broadcast %while3A_252 : i32 to vector<16xi32>
        %add3A_268 = arith.addi %add3A_267, %masked_cumsum3A : vector<16xi32>
        %sub3A_269 = arith.constant 1 : i32
        %sub3A_270 = vector.broadcast %sub3A_269 : i32 to vector<16xi32>
        %sub3A_271 = arith.subi %add3A_268, %sub3A_270 : vector<16xi32>
        %sub3A_272 = vector.broadcast %add3A_61 : i32 to vector<16xi32>
        %sub3A_273 = arith.subi %get3A_255, %sub3A_272 : vector<16xi32>
        %shift_left3A = arith.constant 15 : i32
        %shift_left3A_274 = vector.broadcast %shift_left3A : i32 to vector<16xi32>
        %shift_left3A_275 = arith.shli %sub3A_273, %shift_left3A_274 : vector<16xi32>
        %or3A = arith.ori %shift_left3A_275, %get3A_259 : vector<16xi32>
        tpu.vector_store_idx %arg11[%sub3A_271], %or3A masked %and3A : memref<16400xi32, #tpu.memory_space<vmem>>[vector<16xi32>], vector<16xi32>, vector<16xi1>
        %slice3A = vector.extract_strided_slice %masked_cumsum3A {offsets = [15], sizes = [1], strides = [1]} : vector<16xi32> to vector<1xi32>
        %squeeze3A = vector.extract %slice3A[0] : i32 from vector<1xi32>
        %add3A_276 = arith.addi %while3A_252, %squeeze3A : i32
        scf.yield %add3A_276 : i32
      }
      %add3A_153 = vector.broadcast %while3A_152 : i32 to vector<16xi32>
      %add3A_154 = arith.addi %add3A_153, %iota3A : vector<16xi32>
      tpu.vector_store_idx %arg11[%add3A_154], %broadcast_in_dim3A_15 : memref<16400xi32, #tpu.memory_space<vmem>>[vector<16xi32>], vector<16xi32>,
      %add3A_155 = arith.constant 16 : i32
      %add3A_156 = arith.addi %while3A_152, %add3A_155 : i32
      %sub3A_157 = arith.constant 1 : i32
      %sub3A_158 = arith.subi %add3A_156, %sub3A_157 : i32
      %div3A_159 = arith.constant 16 : i32
      %div3A_160 = arith.divsi %sub3A_158, %div3A_159 : i32
      %dma_wait3A = arith.constant 0 : i32
      %dma_wait3A_161 = arith.constant 0 : i32
      %dma_wait3A_162 = tpu.memref_slice %arg7[%dma_wait3A, %dma_wait3A_161] : memref<64x513xf32, #tpu.memory_space<vmem>> -> memref<8x512xf32, #tpu.memory_space<vmem>>
      %dma_wait3A_163 = arith.constant 0 : i32
      %dma_wait3A_164 = tpu.memref_slice %arg3[%dma_wait3A_163, %add3A_61] : memref<64x1000000xf32, #tpu.memory_space<hbm>> -> memref<8x512xf32, #tpu.memory_space<hbm>>
      %dma_wait3A_165 = arith.constant 0 : i32
      %dma_wait3A_166 = arith.constant 0 : i32
      %dma_wait3A_167 = tpu.memref_slice %arg7[%dma_wait3A_165, %dma_wait3A_166] : memref<64x513xf32, #tpu.memory_space<vmem>> -> memref<8x512xf32, #tpu.memory_space<vmem>>
      %dma_wait3A_168 = arith.constant 0 : i32
      %dma_wait3A_169 = tpu.memref_slice %arg3[%dma_wait3A_168, %add3A_61] : memref<64x1000000xf32, #tpu.memory_space<hbm>> -> memref<8x512xf32, #tpu.memory_space<hbm>>
      tpu.wait_dma2 semaphore(%arg17 : memref<!tpu.dma_semaphore, #tpu.memory_space<semaphore_mem>>) src(%dma_wait3A_169 : memref<8x512xf32, #tpu.memory_space<hbm>>) dst(%dma_wait3A_167 : memref<8x512xf32, #tpu.memory_space<vmem>>)
      %dma_wait3A_170 = arith.constant 8 : i32
      %dma_wait3A_171 = arith.constant 0 : i32
      %dma_wait3A_172 = tpu.memref_slice %arg7[%dma_wait3A_170, %dma_wait3A_171] : memref<64x513xf32, #tpu.memory_space<vmem>> -> memref<8x512xf32, #tpu.memory_space<vmem>>
      %dma_wait3A_173 = arith.constant 8 : i32
      %dma_wait3A_174 = tpu.memref_slice %arg3[%dma_wait3A_173, %add3A_61] : memref<64x1000000xf32, #tpu.memory_space<hbm>> -> memref<8x512xf32, #tpu.memory_space<hbm>>
      %dma_wait3A_175 = arith.constant 8 : i32
      %dma_wait3A_176 = arith.constant 0 : i32
      %dma_wait3A_177 = tpu.memref_slice %arg7[%dma_wait3A_175, %dma_wait3A_176] : memref<64x513xf32, #tpu.memory_space<vmem>> -> memref<8x512xf32, #tpu.memory_space<vmem>>
      %dma_wait3A_178 = arith.constant 8 : i32
      %dma_wait3A_179 = tpu.memref_slice %arg3[%dma_wait3A_178, %add3A_61] : memref<64x1000000xf32, #tpu.memory_space<hbm>> -> memref<8x512xf32, #tpu.memory_space<hbm>>
      tpu.wait_dma2 semaphore(%arg17 : memref<!tpu.dma_semaphore, #tpu.memory_space<semaphore_mem>>) src(%dma_wait3A_179 : memref<8x512xf32, #tpu.memory_space<hbm>>) dst(%dma_wait3A_177 : memref<8x512xf32, #tpu.memory_space<vmem>>)
      %dma_wait3A_180 = arith.constant 16 : i32
      %dma_wait3A_181 = arith.constant 0 : i32
      %dma_wait3A_182 = tpu.memref_slice %arg7[%dma_wait3A_180, %dma_wait3A_181] : memref<64x513xf32, #tpu.memory_space<vmem>> -> memref<8x512xf32, #tpu.memory_space<vmem>>
      %dma_wait3A_183 = arith.constant 16 : i32
      %dma_wait3A_184 = tpu.memref_slice %arg3[%dma_wait3A_183, %add3A_61] : memref<64x1000000xf32, #tpu.memory_space<hbm>> -> memref<8x512xf32, #tpu.memory_space<hbm>>
      %dma_wait3A_185 = arith.constant 16 : i32
      %dma_wait3A_186 = arith.constant 0 : i32
      %dma_wait3A_187 = tpu.memref_slice %arg7[%dma_wait3A_185, %dma_wait3A_186] : memref<64x513xf32, #tpu.memory_space<vmem>> -> memref<8x512xf32, #tpu.memory_space<vmem>>
      %dma_wait3A_188 = arith.constant 16 : i32
      %dma_wait3A_189 = tpu.memref_slice %arg3[%dma_wait3A_188, %add3A_61] : memref<64x1000000xf32, #tpu.memory_space<hbm>> -> memref<8x512xf32, #tpu.memory_space<hbm>>
      tpu.wait_dma2 semaphore(%arg17 : memref<!tpu.dma_semaphore, #tpu.memory_space<semaphore_mem>>) src(%dma_wait3A_189 : memref<8x512xf32, #tpu.memory_space<hbm>>) dst(%dma_wait3A_187 : memref<8x512xf32, #tpu.memory_space<vmem>>)
      %dma_wait3A_190 = arith.constant 24 : i32
      %dma_wait3A_191 = arith.constant 0 : i32
      %dma_wait3A_192 = tpu.memref_slice %arg7[%dma_wait3A_190, %dma_wait3A_191] : memref<64x513xf32, #tpu.memory_space<vmem>> -> memref<8x512xf32, #tpu.memory_space<vmem>>
      %dma_wait3A_193 = arith.constant 24 : i32
      %dma_wait3A_194 = tpu.memref_slice %arg3[%dma_wait3A_193, %add3A_61] : memref<64x1000000xf32, #tpu.memory_space<hbm>> -> memref<8x512xf32, #tpu.memory_space<hbm>>
      %dma_wait3A_195 = arith.constant 24 : i32
      %dma_wait3A_196 = arith.constant 0 : i32
      %dma_wait3A_197 = tpu.memref_slice %arg7[%dma_wait3A_195, %dma_wait3A_196] : memref<64x513xf32, #tpu.memory_space<vmem>> -> memref<8x512xf32, #tpu.memory_space<vmem>>
      %dma_wait3A_198 = arith.constant 24 : i32
      %dma_wait3A_199 = tpu.memref_slice %arg3[%dma_wait3A_198, %add3A_61] : memref<64x1000000xf32, #tpu.memory_space<hbm>> -> memref<8x512xf32, #tpu.memory_space<hbm>>
      tpu.wait_dma2 semaphore(%arg17 : memref<!tpu.dma_semaphore, #tpu.memory_space<semaphore_mem>>) src(%dma_wait3A_199 : memref<8x512xf32, #tpu.memory_space<hbm>>) dst(%dma_wait3A_197 : memref<8x512xf32, #tpu.memory_space<vmem>>)
      %dma_wait3A_200 = arith.constant 32 : i32
      %dma_wait3A_201 = arith.constant 0 : i32
      %dma_wait3A_202 = tpu.memref_slice %arg7[%dma_wait3A_200, %dma_wait3A_201] : memref<64x513xf32, #tpu.memory_space<vmem>> -> memref<8x512xf32, #tpu.memory_space<vmem>>
      %dma_wait3A_203 = arith.constant 32 : i32
      %dma_wait3A_204 = tpu.memref_slice %arg3[%dma_wait3A_203, %add3A_61] : memref<64x1000000xf32, #tpu.memory_space<hbm>> -> memref<8x512xf32, #tpu.memory_space<hbm>>
      %dma_wait3A_205 = arith.constant 32 : i32
      %dma_wait3A_206 = arith.constant 0 : i32
      %dma_wait3A_207 = tpu.memref_slice %arg7[%dma_wait3A_205, %dma_wait3A_206] : memref<64x513xf32, #tpu.memory_space<vmem>> -> memref<8x512xf32, #tpu.memory_space<vmem>>
      %dma_wait3A_208 = arith.constant 32 : i32
      %dma_wait3A_209 = tpu.memref_slice %arg3[%dma_wait3A_208, %add3A_61] : memref<64x1000000xf32, #tpu.memory_space<hbm>> -> memref<8x512xf32, #tpu.memory_space<hbm>>
      tpu.wait_dma2 semaphore(%arg17 : memref<!tpu.dma_semaphore, #tpu.memory_space<semaphore_mem>>) src(%dma_wait3A_209 : memref<8x512xf32, #tpu.memory_space<hbm>>) dst(%dma_wait3A_207 : memref<8x512xf32, #tpu.memory_space<vmem>>)
      %dma_wait3A_210 = arith.constant 40 : i32
      %dma_wait3A_211 = arith.constant 0 : i32
      %dma_wait3A_212 = tpu.memref_slice %arg7[%dma_wait3A_210, %dma_wait3A_211] : memref<64x513xf32, #tpu.memory_space<vmem>> -> memref<8x512xf32, #tpu.memory_space<vmem>>
      %dma_wait3A_213 = arith.constant 40 : i32
      %dma_wait3A_214 = tpu.memref_slice %arg3[%dma_wait3A_213, %add3A_61] : memref<64x1000000xf32, #tpu.memory_space<hbm>> -> memref<8x512xf32, #tpu.memory_space<hbm>>
      %dma_wait3A_215 = arith.constant 40 : i32
      %dma_wait3A_216 = arith.constant 0 : i32
      %dma_wait3A_217 = tpu.memref_slice %arg7[%dma_wait3A_215, %dma_wait3A_216] : memref<64x513xf32, #tpu.memory_space<vmem>> -> memref<8x512xf32, #tpu.memory_space<vmem>>
      %dma_wait3A_218 = arith.constant 40 : i32
      %dma_wait3A_219 = tpu.memref_slice %arg3[%dma_wait3A_218, %add3A_61] : memref<64x1000000xf32, #tpu.memory_space<hbm>> -> memref<8x512xf32, #tpu.memory_space<hbm>>
      tpu.wait_dma2 semaphore(%arg17 : memref<!tpu.dma_semaphore, #tpu.memory_space<semaphore_mem>>) src(%dma_wait3A_219 : memref<8x512xf32, #tpu.memory_space<hbm>>) dst(%dma_wait3A_217 : memref<8x512xf32, #tpu.memory_space<vmem>>)
      %dma_wait3A_220 = arith.constant 48 : i32
      %dma_wait3A_221 = arith.constant 0 : i32
      %dma_wait3A_222 = tpu.memref_slice %arg7[%dma_wait3A_220, %dma_wait3A_221] : memref<64x513xf32, #tpu.memory_space<vmem>> -> memref<8x512xf32, #tpu.memory_space<vmem>>
      %dma_wait3A_223 = arith.constant 48 : i32
      %dma_wait3A_224 = tpu.memref_slice %arg3[%dma_wait3A_223, %add3A_61] : memref<64x1000000xf32, #tpu.memory_space<hbm>> -> memref<8x512xf32, #tpu.memory_space<hbm>>
      %dma_wait3A_225 = arith.constant 48 : i32
      %dma_wait3A_226 = arith.constant 0 : i32
      %dma_wait3A_227 = tpu.memref_slice %arg7[%dma_wait3A_225, %dma_wait3A_226] : memref<64x513xf32, #tpu.memory_space<vmem>> -> memref<8x512xf32, #tpu.memory_space<vmem>>
      %dma_wait3A_228 = arith.constant 48 : i32
      %dma_wait3A_229 = tpu.memref_slice %arg3[%dma_wait3A_228, %add3A_61] : memref<64x1000000xf32, #tpu.memory_space<hbm>> -> memref<8x512xf32, #tpu.memory_space<hbm>>
      tpu.wait_dma2 semaphore(%arg17 : memref<!tpu.dma_semaphore, #tpu.memory_space<semaphore_mem>>) src(%dma_wait3A_229 : memref<8x512xf32, #tpu.memory_space<hbm>>) dst(%dma_wait3A_227 : memref<8x512xf32, #tpu.memory_space<vmem>>)
      %dma_wait3A_230 = arith.constant 56 : i32
      %dma_wait3A_231 = arith.constant 0 : i32
      %dma_wait3A_232 = tpu.memref_slice %arg7[%dma_wait3A_230, %dma_wait3A_231] : memref<64x513xf32, #tpu.memory_space<vmem>> -> memref<8x512xf32, #tpu.memory_space<vmem>>
      %dma_wait3A_233 = arith.constant 56 : i32
      %dma_wait3A_234 = tpu.memref_slice %arg3[%dma_wait3A_233, %add3A_61] : memref<64x1000000xf32, #tpu.memory_space<hbm>> -> memref<8x512xf32, #tpu.memory_space<hbm>>
      %dma_wait3A_235 = arith.constant 56 : i32
      %dma_wait3A_236 = arith.constant 0 : i32
      %dma_wait3A_237 = tpu.memref_slice %arg7[%dma_wait3A_235, %dma_wait3A_236] : memref<64x513xf32, #tpu.memory_space<vmem>> -> memref<8x512xf32, #tpu.memory_space<vmem>>
      %dma_wait3A_238 = arith.constant 56 : i32
      %dma_wait3A_239 = tpu.memref_slice %arg3[%dma_wait3A_238, %add3A_61] : memref<64x1000000xf32, #tpu.memory_space<hbm>> -> memref<8x512xf32, #tpu.memory_space<hbm>>
      tpu.wait_dma2 semaphore(%arg17 : memref<!tpu.dma_semaphore, #tpu.memory_space<semaphore_mem>>) src(%dma_wait3A_239 : memref<8x512xf32, #tpu.memory_space<hbm>>) dst(%dma_wait3A_237 : memref<8x512xf32, #tpu.memory_space<vmem>>)
      %while3A_240 = arith.constant 0 : i32
      %while3A_241 = arith.subi %div3A_160, %while3A_240 : i32
      %while3A_242 = arith.addi %while3A_240, %while3A_241 : i32
      %while3A_243 = arith.constant 1 : i32
      %while3A_244 = arith.divsi %while3A_241, %while3A_243 : i32
      %while3A_245 = arith.muli %while3A_244, %while3A_243 : i32
      %while3A_246 = arith.addi %while3A_240, %while3A_245 : i32
      %while3A_247 = arith.constant 1 : i32
      %while3A_248 = scf.for %while3A_251 = %while3A_240 to %while3A_246 step %while3A_247 iter_args(%while3A_252 = %while3A_55) -> (i32)  : i32 {
        %mul3A_253 = arith.constant 16 : i32
        %mul3A_254 = arith.muli %while3A_251, %mul3A_253 : i32
        %get3A = arith.index_cast %mul3A_254 : i32 to index
        %get3A_255 = tpu.vector_load %arg11[%get3A] {strides = array<i32>} : memref<16400xi32, #tpu.memory_space<vmem>>, vector<16xi32>,
        %shift_right_logical3A = arith.constant 15 : i32
        %shift_right_logical3A_256 = vector.broadcast %shift_right_logical3A : i32 to vector<16xi32>
        %shift_right_logical3A_257 = arith.shrui %get3A_255, %shift_right_logical3A_256 : vector<16xi32>
        %and3A = arith.constant 32767 : i32
        %and3A_258 = vector.broadcast %and3A : i32 to vector<16xi32>
        %and3A_259 = arith.andi %get3A_255, %and3A_258 : vector<16xi32>
        %slice3A = vector.extract_strided_slice %shift_right_logical3A_257 {offsets = [0], sizes = [1], strides = [1]} : vector<16xi32> to vector<1xi32>
        %squeeze3A = vector.extract %slice3A[0] : i32 from vector<1xi32>
        %broadcast_in_dim3A_260 = vector.broadcast %squeeze3A : i32 to vector<16xi32>
        %add3A_261 = arith.constant 0 : i32
        %add3A_262 = vector.broadcast %add3A_261 : i32 to vector<16xi32>
        %add3A_263 = arith.addi %iota3A, %add3A_262 : vector<16xi32>
        %gather3A = tpu.vector_load_idx %arg7[%add3A_263, %broadcast_in_dim3A_260] : memref<64x513xf32, #tpu.memory_space<vmem>>[vector<16xi32>, vector<16xi32>], vector<16xf32>,
        %swap3A = arith.constant 0 : i32
        %swap3A_264 = arith.index_cast %swap3A : i32 to index
        %swap3A_265 = arith.constant 0 : index
        %swap3A_266 = tpu.vector_load %arg12[%swap3A_264, %swap3A_265] {strides = array<i32>} : memref<16x128xf32, #tpu.memory_space<vmem>>, vector<16xf32>,
        tpu.vector_store %arg12[%swap3A_264, %swap3A_265], %gather3A {strides = array<i32>} : memref<16x128xf32, #tpu.memory_space<vmem>>, vector<16xf32>,
        %add3A_267 = arith.constant 16 : i32
        %add3A_268 = vector.broadcast %add3A_267 : i32 to vector<16xi32>
        %add3A_269 = arith.addi %iota3A, %add3A_268 : vector<16xi32>
        %gather3A_270 = tpu.vector_load_idx %arg7[%add3A_269, %broadcast_in_dim3A_260] : memref<64x513xf32, #tpu.memory_space<vmem>>[vector<16xi32>, vector<16xi32>], vector<16xf32>,
        %swap3A_271 = arith.constant 0 : i32
        %swap3A_272 = arith.index_cast %swap3A_271 : i32 to index
        %swap3A_273 = arith.constant 16 : index
        %swap3A_274 = tpu.vector_load %arg12[%swap3A_272, %swap3A_273] {strides = array<i32>} : memref<16x128xf32, #tpu.memory_space<vmem>>, vector<16xf32>,
        tpu.vector_store %arg12[%swap3A_272, %swap3A_273], %gather3A_270 {strides = array<i32>} : memref<16x128xf32, #tpu.memory_space<vmem>>, vector<16xf32>,
        %add3A_275 = arith.constant 32 : i32
        %add3A_276 = vector.broadcast %add3A_275 : i32 to vector<16xi32>
        %add3A_277 = arith.addi %iota3A, %add3A_276 : vector<16xi32>
        %gather3A_278 = tpu.vector_load_idx %arg7[%add3A_277, %broadcast_in_dim3A_260] : memref<64x513xf32, #tpu.memory_space<vmem>>[vector<16xi32>, vector<16xi32>], vector<16xf32>,
        %swap3A_279 = arith.constant 0 : i32
        %swap3A_280 = arith.index_cast %swap3A_279 : i32 to index
        %swap3A_281 = arith.constant 32 : index
        %swap3A_282 = tpu.vector_load %arg12[%swap3A_280, %swap3A_281] {strides = array<i32>} : memref<16x128xf32, #tpu.memory_space<vmem>>, vector<16xf32>,
        tpu.vector_store %arg12[%swap3A_280, %swap3A_281], %gather3A_278 {strides = array<i32>} : memref<16x128xf32, #tpu.memory_space<vmem>>, vector<16xf32>,
        %add3A_283 = arith.constant 48 : i32
        %add3A_284 = vector.broadcast %add3A_283 : i32 to vector<16xi32>
        %add3A_285 = arith.addi %iota3A, %add3A_284 : vector<16xi32>
        %gather3A_286 = tpu.vector_load_idx %arg7[%add3A_285, %broadcast_in_dim3A_260] : memref<64x513xf32, #tpu.memory_space<vmem>>[vector<16xi32>, vector<16xi32>], vector<16xf32>,
        %swap3A_287 = arith.constant 0 : i32
        %swap3A_288 = arith.index_cast %swap3A_287 : i32 to index
        %swap3A_289 = arith.constant 48 : index
        %swap3A_290 = tpu.vector_load %arg12[%swap3A_288, %swap3A_289] {strides = array<i32>} : memref<16x128xf32, #tpu.memory_space<vmem>>, vector<16xf32>,
        tpu.vector_store %arg12[%swap3A_288, %swap3A_289], %gather3A_286 {strides = array<i32>} : memref<16x128xf32, #tpu.memory_space<vmem>>, vector<16xf32>,
        %slice3A_291 = vector.extract_strided_slice %shift_right_logical3A_257 {offsets = [1], sizes = [1], strides = [1]} : vector<16xi32> to vector<1xi32>
        %squeeze3A_292 = vector.extract %slice3A_291[0] : i32 from vector<1xi32>
        %broadcast_in_dim3A_293 = vector.broadcast %squeeze3A_292 : i32 to vector<16xi32>
        %add3A_294 = arith.constant 0 : i32
        %add3A_295 = vector.broadcast %add3A_294 : i32 to vector<16xi32>
        %add3A_296 = arith.addi %iota3A, %add3A_295 : vector<16xi32>
        %gather3A_297 = tpu.vector_load_idx %arg7[%add3A_296, %broadcast_in_dim3A_293] : memref<64x513xf32, #tpu.memory_space<vmem>>[vector<16xi32>, vector<16xi32>], vector<16xf32>,
        %swap3A_298 = arith.constant 1 : i32
        %swap3A_299 = arith.index_cast %swap3A_298 : i32 to index
        %swap3A_300 = arith.constant 0 : index
        %swap3A_301 = tpu.vector_load %arg12[%swap3A_299, %swap3A_300] {strides = array<i32>} : memref<16x128xf32, #tpu.memory_space<vmem>>, vector<16xf32>,
        tpu.vector_store %arg12[%swap3A_299, %swap3A_300], %gather3A_297 {strides = array<i32>} : memref<16x128xf32, #tpu.memory_space<vmem>>, vector<16xf32>,
        %add3A_302 = arith.constant 16 : i32
        %add3A_303 = vector.broadcast %add3A_302 : i32 to vector<16xi32>
        %add3A_304 = arith.addi %iota3A, %add3A_303 : vector<16xi32>
        %gather3A_305 = tpu.vector_load_idx %arg7[%add3A_304, %broadcast_in_dim3A_293] : memref<64x513xf32, #tpu.memory_space<vmem>>[vector<16xi32>, vector<16xi32>], vector<16xf32>,
        %swap3A_306 = arith.constant 1 : i32
        %swap3A_307 = arith.index_cast %swap3A_306 : i32 to index
        %swap3A_308 = arith.constant 16 : index
        %swap3A_309 = tpu.vector_load %arg12[%swap3A_307, %swap3A_308] {strides = array<i32>} : memref<16x128xf32, #tpu.memory_space<vmem>>, vector<16xf32>,
        tpu.vector_store %arg12[%swap3A_307, %swap3A_308], %gather3A_305 {strides = array<i32>} : memref<16x128xf32, #tpu.memory_space<vmem>>, vector<16xf32>,
        %add3A_310 = arith.constant 32 : i32
        %add3A_311 = vector.broadcast %add3A_310 : i32 to vector<16xi32>
        %add3A_312 = arith.addi %iota3A, %add3A_311 : vector<16xi32>
        %gather3A_313 = tpu.vector_load_idx %arg7[%add3A_312, %broadcast_in_dim3A_293] : memref<64x513xf32, #tpu.memory_space<vmem>>[vector<16xi32>, vector<16xi32>], vector<16xf32>,
        %swap3A_314 = arith.constant 1 : i32
        %swap3A_315 = arith.index_cast %swap3A_314 : i32 to index
        %swap3A_316 = arith.constant 32 : index
        %swap3A_317 = tpu.vector_load %arg12[%swap3A_315, %swap3A_316] {strides = array<i32>} : memref<16x128xf32, #tpu.memory_space<vmem>>, vector<16xf32>,
        tpu.vector_store %arg12[%swap3A_315, %swap3A_316], %gather3A_313 {strides = array<i32>} : memref<16x128xf32, #tpu.memory_space<vmem>>, vector<16xf32>,
        %add3A_318 = arith.constant 48 : i32
        %add3A_319 = vector.broadcast %add3A_318 : i32 to vector<16xi32>
        %add3A_320 = arith.addi %iota3A, %add3A_319 : vector<16xi32>
        %gather3A_321 = tpu.vector_load_idx %arg7[%add3A_320, %broadcast_in_dim3A_293] : memref<64x513xf32, #tpu.memory_space<vmem>>[vector<16xi32>, vector<16xi32>], vector<16xf32>,
        %swap3A_322 = arith.constant 1 : i32
        %swap3A_323 = arith.index_cast %swap3A_322 : i32 to index
        %swap3A_324 = arith.constant 48 : index
        %swap3A_325 = tpu.vector_load %arg12[%swap3A_323, %swap3A_324] {strides = array<i32>} : memref<16x128xf32, #tpu.memory_space<vmem>>, vector<16xf32>,
        tpu.vector_store %arg12[%swap3A_323, %swap3A_324], %gather3A_321 {strides = array<i32>} : memref<16x128xf32, #tpu.memory_space<vmem>>, vector<16xf32>,
        %slice3A_326 = vector.extract_strided_slice %shift_right_logical3A_257 {offsets = [2], sizes = [1], strides = [1]} : vector<16xi32> to vector<1xi32>
        %squeeze3A_327 = vector.extract %slice3A_326[0] : i32 from vector<1xi32>
        %broadcast_in_dim3A_328 = vector.broadcast %squeeze3A_327 : i32 to vector<16xi32>
        %add3A_329 = arith.constant 0 : i32
        %add3A_330 = vector.broadcast %add3A_329 : i32 to vector<16xi32>
        %add3A_331 = arith.addi %iota3A, %add3A_330 : vector<16xi32>
        %gather3A_332 = tpu.vector_load_idx %arg7[%add3A_331, %broadcast_in_dim3A_328] : memref<64x513xf32, #tpu.memory_space<vmem>>[vector<16xi32>, vector<16xi32>], vector<16xf32>,
        %swap3A_333 = arith.constant 2 : i32
        %swap3A_334 = arith.index_cast %swap3A_333 : i32 to index
        %swap3A_335 = arith.constant 0 : index
        %swap3A_336 = tpu.vector_load %arg12[%swap3A_334, %swap3A_335] {strides = array<i32>} : memref<16x128xf32, #tpu.memory_space<vmem>>, vector<16xf32>,
        tpu.vector_store %arg12[%swap3A_334, %swap3A_335], %gather3A_332 {strides = array<i32>} : memref<16x128xf32, #tpu.memory_space<vmem>>, vector<16xf32>,
        %add3A_337 = arith.constant 16 : i32
        %add3A_338 = vector.broadcast %add3A_337 : i32 to vector<16xi32>
        %add3A_339 = arith.addi %iota3A, %add3A_338 : vector<16xi32>
        %gather3A_340 = tpu.vector_load_idx %arg7[%add3A_339, %broadcast_in_dim3A_328] : memref<64x513xf32, #tpu.memory_space<vmem>>[vector<16xi32>, vector<16xi32>], vector<16xf32>,
        %swap3A_341 = arith.constant 2 : i32
        %swap3A_342 = arith.index_cast %swap3A_341 : i32 to index
        %swap3A_343 = arith.constant 16 : index
        %swap3A_344 = tpu.vector_load %arg12[%swap3A_342, %swap3A_343] {strides = array<i32>} : memref<16x128xf32, #tpu.memory_space<vmem>>, vector<16xf32>,
        tpu.vector_store %arg12[%swap3A_342, %swap3A_343], %gather3A_340 {strides = array<i32>} : memref<16x128xf32, #tpu.memory_space<vmem>>, vector<16xf32>,
        %add3A_345 = arith.constant 32 : i32
        %add3A_346 = vector.broadcast %add3A_345 : i32 to vector<16xi32>
        %add3A_347 = arith.addi %iota3A, %add3A_346 : vector<16xi32>
        %gather3A_348 = tpu.vector_load_idx %arg7[%add3A_347, %broadcast_in_dim3A_328] : memref<64x513xf32, #tpu.memory_space<vmem>>[vector<16xi32>, vector<16xi32>], vector<16xf32>,
        %swap3A_349 = arith.constant 2 : i32
        %swap3A_350 = arith.index_cast %swap3A_349 : i32 to index
        %swap3A_351 = arith.constant 32 : index
        %swap3A_352 = tpu.vector_load %arg12[%swap3A_350, %swap3A_351] {strides = array<i32>} : memref<16x128xf32, #tpu.memory_space<vmem>>, vector<16xf32>,
        tpu.vector_store %arg12[%swap3A_350, %swap3A_351], %gather3A_348 {strides = array<i32>} : memref<16x128xf32, #tpu.memory_space<vmem>>, vector<16xf32>,
        %add3A_353 = arith.constant 48 : i32
        %add3A_354 = vector.broadcast %add3A_353 : i32 to vector<16xi32>
        %add3A_355 = arith.addi %iota3A, %add3A_354 : vector<16xi32>
        %gather3A_356 = tpu.vector_load_idx %arg7[%add3A_355, %broadcast_in_dim3A_328] : memref<64x513xf32, #tpu.memory_space<vmem>>[vector<16xi32>, vector<16xi32>], vector<16xf32>,
        %swap3A_357 = arith.constant 2 : i32
        %swap3A_358 = arith.index_cast %swap3A_357 : i32 to index
        %swap3A_359 = arith.constant 48 : index
        %swap3A_360 = tpu.vector_load %arg12[%swap3A_358, %swap3A_359] {strides = array<i32>} : memref<16x128xf32, #tpu.memory_space<vmem>>, vector<16xf32>,
        tpu.vector_store %arg12[%swap3A_358, %swap3A_359], %gather3A_356 {strides = array<i32>} : memref<16x128xf32, #tpu.memory_space<vmem>>, vector<16xf32>,
        %slice3A_361 = vector.extract_strided_slice %shift_right_logical3A_257 {offsets = [3], sizes = [1], strides = [1]} : vector<16xi32> to vector<1xi32>
        %squeeze3A_362 = vector.extract %slice3A_361[0] : i32 from vector<1xi32>
        %broadcast_in_dim3A_363 = vector.broadcast %squeeze3A_362 : i32 to vector<16xi32>
        %add3A_364 = arith.constant 0 : i32
        %add3A_365 = vector.broadcast %add3A_364 : i32 to vector<16xi32>
        %add3A_366 = arith.addi %iota3A, %add3A_365 : vector<16xi32>
        %gather3A_367 = tpu.vector_load_idx %arg7[%add3A_366, %broadcast_in_dim3A_363] : memref<64x513xf32, #tpu.memory_space<vmem>>[vector<16xi32>, vector<16xi32>], vector<16xf32>,
        %swap3A_368 = arith.constant 3 : i32
        %swap3A_369 = arith.index_cast %swap3A_368 : i32 to index
        %swap3A_370 = arith.constant 0 : index
        %swap3A_371 = tpu.vector_load %arg12[%swap3A_369, %swap3A_370] {strides = array<i32>} : memref<16x128xf32, #tpu.memory_space<vmem>>, vector<16xf32>,
        tpu.vector_store %arg12[%swap3A_369, %swap3A_370], %gather3A_367 {strides = array<i32>} : memref<16x128xf32, #tpu.memory_space<vmem>>, vector<16xf32>,
        %add3A_372 = arith.constant 16 : i32
        %add3A_373 = vector.broadcast %add3A_372 : i32 to vector<16xi32>
        %add3A_374 = arith.addi %iota3A, %add3A_373 : vector<16xi32>
        %gather3A_375 = tpu.vector_load_idx %arg7[%add3A_374, %broadcast_in_dim3A_363] : memref<64x513xf32, #tpu.memory_space<vmem>>[vector<16xi32>, vector<16xi32>], vector<16xf32>,
        %swap3A_376 = arith.constant 3 : i32
        %swap3A_377 = arith.index_cast %swap3A_376 : i32 to index
        %swap3A_378 = arith.constant 16 : index
        %swap3A_379 = tpu.vector_load %arg12[%swap3A_377, %swap3A_378] {strides = array<i32>} : memref<16x128xf32, #tpu.memory_space<vmem>>, vector<16xf32>,
        tpu.vector_store %arg12[%swap3A_377, %swap3A_378], %gather3A_375 {strides = array<i32>} : memref<16x128xf32, #tpu.memory_space<vmem>>, vector<16xf32>,
        %add3A_380 = arith.constant 32 : i32
        %add3A_381 = vector.broadcast %add3A_380 : i32 to vector<16xi32>
        %add3A_382 = arith.addi %iota3A, %add3A_381 : vector<16xi32>
        %gather3A_383 = tpu.vector_load_idx %arg7[%add3A_382, %broadcast_in_dim3A_363] : memref<64x513xf32, #tpu.memory_space<vmem>>[vector<16xi32>, vector<16xi32>], vector<16xf32>,
        %swap3A_384 = arith.constant 3 : i32
        %swap3A_385 = arith.index_cast %swap3A_384 : i32 to index
        %swap3A_386 = arith.constant 32 : index
        %swap3A_387 = tpu.vector_load %arg12[%swap3A_385, %swap3A_386] {strides = array<i32>} : memref<16x128xf32, #tpu.memory_space<vmem>>, vector<16xf32>,
        tpu.vector_store %arg12[%swap3A_385, %swap3A_386], %gather3A_383 {strides = array<i32>} : memref<16x128xf32, #tpu.memory_space<vmem>>, vector<16xf32>,
        %add3A_388 = arith.constant 48 : i32
        %add3A_389 = vector.broadcast %add3A_388 : i32 to vector<16xi32>
        %add3A_390 = arith.addi %iota3A, %add3A_389 : vector<16xi32>
        %gather3A_391 = tpu.vector_load_idx %arg7[%add3A_390, %broadcast_in_dim3A_363] : memref<64x513xf32, #tpu.memory_space<vmem>>[vector<16xi32>, vector<16xi32>], vector<16xf32>,
        %swap3A_392 = arith.constant 3 : i32
        %swap3A_393 = arith.index_cast %swap3A_392 : i32 to index
        %swap3A_394 = arith.constant 48 : index
        %swap3A_395 = tpu.vector_load %arg12[%swap3A_393, %swap3A_394] {strides = array<i32>} : memref<16x128xf32, #tpu.memory_space<vmem>>, vector<16xf32>,
        tpu.vector_store %arg12[%swap3A_393, %swap3A_394], %gather3A_391 {strides = array<i32>} : memref<16x128xf32, #tpu.memory_space<vmem>>, vector<16xf32>,
        %slice3A_396 = vector.extract_strided_slice %shift_right_logical3A_257 {offsets = [4], sizes = [1], strides = [1]} : vector<16xi32> to vector<1xi32>
        %squeeze3A_397 = vector.extract %slice3A_396[0] : i32 from vector<1xi32>
        %broadcast_in_dim3A_398 = vector.broadcast %squeeze3A_397 : i32 to vector<16xi32>
        %add3A_399 = arith.constant 0 : i32
        %add3A_400 = vector.broadcast %add3A_399 : i32 to vector<16xi32>
        %add3A_401 = arith.addi %iota3A, %add3A_400 : vector<16xi32>
        %gather3A_402 = tpu.vector_load_idx %arg7[%add3A_401, %broadcast_in_dim3A_398] : memref<64x513xf32, #tpu.memory_space<vmem>>[vector<16xi32>, vector<16xi32>], vector<16xf32>,
        %swap3A_403 = arith.constant 4 : i32
        %swap3A_404 = arith.index_cast %swap3A_403 : i32 to index
        %swap3A_405 = arith.constant 0 : index
        %swap3A_406 = tpu.vector_load %arg12[%swap3A_404, %swap3A_405] {strides = array<i32>} : memref<16x128xf32, #tpu.memory_space<vmem>>, vector<16xf32>,
        tpu.vector_store %arg12[%swap3A_404, %swap3A_405], %gather3A_402 {strides = array<i32>} : memref<16x128xf32, #tpu.memory_space<vmem>>, vector<16xf32>,
        %add3A_407 = arith.constant 16 : i32
        %add3A_408 = vector.broadcast %add3A_407 : i32 to vector<16xi32>
        %add3A_409 = arith.addi %iota3A, %add3A_408 : vector<16xi32>
        %gather3A_410 = tpu.vector_load_idx %arg7[%add3A_409, %broadcast_in_dim3A_398] : memref<64x513xf32, #tpu.memory_space<vmem>>[vector<16xi32>, vector<16xi32>], vector<16xf32>,
        %swap3A_411 = arith.constant 4 : i32
        %swap3A_412 = arith.index_cast %swap3A_411 : i32 to index
        %swap3A_413 = arith.constant 16 : index
        %swap3A_414 = tpu.vector_load %arg12[%swap3A_412, %swap3A_413] {strides = array<i32>} : memref<16x128xf32, #tpu.memory_space<vmem>>, vector<16xf32>,
        tpu.vector_store %arg12[%swap3A_412, %swap3A_413], %gather3A_410 {strides = array<i32>} : memref<16x128xf32, #tpu.memory_space<vmem>>, vector<16xf32>,
        %add3A_415 = arith.constant 32 : i32
        %add3A_416 = vector.broadcast %add3A_415 : i32 to vector<16xi32>
        %add3A_417 = arith.addi %iota3A, %add3A_416 : vector<16xi32>
        %gather3A_418 = tpu.vector_load_idx %arg7[%add3A_417, %broadcast_in_dim3A_398] : memref<64x513xf32, #tpu.memory_space<vmem>>[vector<16xi32>, vector<16xi32>], vector<16xf32>,
        %swap3A_419 = arith.constant 4 : i32
        %swap3A_420 = arith.index_cast %swap3A_419 : i32 to index
        %swap3A_421 = arith.constant 32 : index
        %swap3A_422 = tpu.vector_load %arg12[%swap3A_420, %swap3A_421] {strides = array<i32>} : memref<16x128xf32, #tpu.memory_space<vmem>>, vector<16xf32>,
        tpu.vector_store %arg12[%swap3A_420, %swap3A_421], %gather3A_418 {strides = array<i32>} : memref<16x128xf32, #tpu.memory_space<vmem>>, vector<16xf32>,
        %add3A_423 = arith.constant 48 : i32
        %add3A_424 = vector.broadcast %add3A_423 : i32 to vector<16xi32>
        %add3A_425 = arith.addi %iota3A, %add3A_424 : vector<16xi32>
        %gather3A_426 = tpu.vector_load_idx %arg7[%add3A_425, %broadcast_in_dim3A_398] : memref<64x513xf32, #tpu.memory_space<vmem>>[vector<16xi32>, vector<16xi32>], vector<16xf32>,
        %swap3A_427 = arith.constant 4 : i32
        %swap3A_428 = arith.index_cast %swap3A_427 : i32 to index
        %swap3A_429 = arith.constant 48 : index
        %swap3A_430 = tpu.vector_load %arg12[%swap3A_428, %swap3A_429] {strides = array<i32>} : memref<16x128xf32, #tpu.memory_space<vmem>>, vector<16xf32>,
        tpu.vector_store %arg12[%swap3A_428, %swap3A_429], %gather3A_426 {strides = array<i32>} : memref<16x128xf32, #tpu.memory_space<vmem>>, vector<16xf32>,
        %slice3A_431 = vector.extract_strided_slice %shift_right_logical3A_257 {offsets = [5], sizes = [1], strides = [1]} : vector<16xi32> to vector<1xi32>
        %squeeze3A_432 = vector.extract %slice3A_431[0] : i32 from vector<1xi32>
        %broadcast_in_dim3A_433 = vector.broadcast %squeeze3A_432 : i32 to vector<16xi32>
        %add3A_434 = arith.constant 0 : i32
        %add3A_435 = vector.broadcast %add3A_434 : i32 to vector<16xi32>
        %add3A_436 = arith.addi %iota3A, %add3A_435 : vector<16xi32>
        %gather3A_437 = tpu.vector_load_idx %arg7[%add3A_436, %broadcast_in_dim3A_433] : memref<64x513xf32, #tpu.memory_space<vmem>>[vector<16xi32>, vector<16xi32>], vector<16xf32>,
        %swap3A_438 = arith.constant 5 : i32
        %swap3A_439 = arith.index_cast %swap3A_438 : i32 to index
        %swap3A_440 = arith.constant 0 : index
        %swap3A_441 = tpu.vector_load %arg12[%swap3A_439, %swap3A_440] {strides = array<i32>} : memref<16x128xf32, #tpu.memory_space<vmem>>, vector<16xf32>,
        tpu.vector_store %arg12[%swap3A_439, %swap3A_440], %gather3A_437 {strides = array<i32>} : memref<16x128xf32, #tpu.memory_space<vmem>>, vector<16xf32>,
        %add3A_442 = arith.constant 16 : i32
        %add3A_443 = vector.broadcast %add3A_442 : i32 to vector<16xi32>
        %add3A_444 = arith.addi %iota3A, %add3A_443 : vector<16xi32>
        %gather3A_445 = tpu.vector_load_idx %arg7[%add3A_444, %broadcast_in_dim3A_433] : memref<64x513xf32, #tpu.memory_space<vmem>>[vector<16xi32>, vector<16xi32>], vector<16xf32>,
        %swap3A_446 = arith.constant 5 : i32
        %swap3A_447 = arith.index_cast %swap3A_446 : i32 to index
        %swap3A_448 = arith.constant 16 : index
        %swap3A_449 = tpu.vector_load %arg12[%swap3A_447, %swap3A_448] {strides = array<i32>} : memref<16x128xf32, #tpu.memory_space<vmem>>, vector<16xf32>,
        tpu.vector_store %arg12[%swap3A_447, %swap3A_448], %gather3A_445 {strides = array<i32>} : memref<16x128xf32, #tpu.memory_space<vmem>>, vector<16xf32>,
        %add3A_450 = arith.constant 32 : i32
        %add3A_451 = vector.broadcast %add3A_450 : i32 to vector<16xi32>
        %add3A_452 = arith.addi %iota3A, %add3A_451 : vector<16xi32>
        %gather3A_453 = tpu.vector_load_idx %arg7[%add3A_452, %broadcast_in_dim3A_433] : memref<64x513xf32, #tpu.memory_space<vmem>>[vector<16xi32>, vector<16xi32>], vector<16xf32>,
        %swap3A_454 = arith.constant 5 : i32
        %swap3A_455 = arith.index_cast %swap3A_454 : i32 to index
        %swap3A_456 = arith.constant 32 : index
        %swap3A_457 = tpu.vector_load %arg12[%swap3A_455, %swap3A_456] {strides = array<i32>} : memref<16x128xf32, #tpu.memory_space<vmem>>, vector<16xf32>,
        tpu.vector_store %arg12[%swap3A_455, %swap3A_456], %gather3A_453 {strides = array<i32>} : memref<16x128xf32, #tpu.memory_space<vmem>>, vector<16xf32>,
        %add3A_458 = arith.constant 48 : i32
        %add3A_459 = vector.broadcast %add3A_458 : i32 to vector<16xi32>
        %add3A_460 = arith.addi %iota3A, %add3A_459 : vector<16xi32>
        %gather3A_461 = tpu.vector_load_idx %arg7[%add3A_460, %broadcast_in_dim3A_433] : memref<64x513xf32, #tpu.memory_space<vmem>>[vector<16xi32>, vector<16xi32>], vector<16xf32>,
        %swap3A_462 = arith.constant 5 : i32
        %swap3A_463 = arith.index_cast %swap3A_462 : i32 to index
        %swap3A_464 = arith.constant 48 : index
        %swap3A_465 = tpu.vector_load %arg12[%swap3A_463, %swap3A_464] {strides = array<i32>} : memref<16x128xf32, #tpu.memory_space<vmem>>, vector<16xf32>,
        tpu.vector_store %arg12[%swap3A_463, %swap3A_464], %gather3A_461 {strides = array<i32>} : memref<16x128xf32, #tpu.memory_space<vmem>>, vector<16xf32>,
        %slice3A_466 = vector.extract_strided_slice %shift_right_logical3A_257 {offsets = [6], sizes = [1], strides = [1]} : vector<16xi32> to vector<1xi32>
        %squeeze3A_467 = vector.extract %slice3A_466[0] : i32 from vector<1xi32>
        %broadcast_in_dim3A_468 = vector.broadcast %squeeze3A_467 : i32 to vector<16xi32>
        %add3A_469 = arith.constant 0 : i32
        %add3A_470 = vector.broadcast %add3A_469 : i32 to vector<16xi32>
        %add3A_471 = arith.addi %iota3A, %add3A_470 : vector<16xi32>
        %gather3A_472 = tpu.vector_load_idx %arg7[%add3A_471, %broadcast_in_dim3A_468] : memref<64x513xf32, #tpu.memory_space<vmem>>[vector<16xi32>, vector<16xi32>], vector<16xf32>,
        %swap3A_473 = arith.constant 6 : i32
        %swap3A_474 = arith.index_cast %swap3A_473 : i32 to index
        %swap3A_475 = arith.constant 0 : index
        %swap3A_476 = tpu.vector_load %arg12[%swap3A_474, %swap3A_475] {strides = array<i32>} : memref<16x128xf32, #tpu.memory_space<vmem>>, vector<16xf32>,
        tpu.vector_store %arg12[%swap3A_474, %swap3A_475], %gather3A_472 {strides = array<i32>} : memref<16x128xf32, #tpu.memory_space<vmem>>, vector<16xf32>,
        %add3A_477 = arith.constant 16 : i32
        %add3A_478 = vector.broadcast %add3A_477 : i32 to vector<16xi32>
        %add3A_479 = arith.addi %iota3A, %add3A_478 : vector<16xi32>
        %gather3A_480 = tpu.vector_load_idx %arg7[%add3A_479, %broadcast_in_dim3A_468] : memref<64x513xf32, #tpu.memory_space<vmem>>[vector<16xi32>, vector<16xi32>], vector<16xf32>,
        %swap3A_481 = arith.constant 6 : i32
        %swap3A_482 = arith.index_cast %swap3A_481 : i32 to index
        %swap3A_483 = arith.constant 16 : index
        %swap3A_484 = tpu.vector_load %arg12[%swap3A_482, %swap3A_483] {strides = array<i32>} : memref<16x128xf32, #tpu.memory_space<vmem>>, vector<16xf32>,
        tpu.vector_store %arg12[%swap3A_482, %swap3A_483], %gather3A_480 {strides = array<i32>} : memref<16x128xf32, #tpu.memory_space<vmem>>, vector<16xf32>,
        %add3A_485 = arith.constant 32 : i32
        %add3A_486 = vector.broadcast %add3A_485 : i32 to vector<16xi32>
        %add3A_487 = arith.addi %iota3A, %add3A_486 : vector<16xi32>
        %gather3A_488 = tpu.vector_load_idx %arg7[%add3A_487, %broadcast_in_dim3A_468] : memref<64x513xf32, #tpu.memory_space<vmem>>[vector<16xi32>, vector<16xi32>], vector<16xf32>,
        %swap3A_489 = arith.constant 6 : i32
        %swap3A_490 = arith.index_cast %swap3A_489 : i32 to index
        %swap3A_491 = arith.constant 32 : index
        %swap3A_492 = tpu.vector_load %arg12[%swap3A_490, %swap3A_491] {strides = array<i32>} : memref<16x128xf32, #tpu.memory_space<vmem>>, vector<16xf32>,
        tpu.vector_store %arg12[%swap3A_490, %swap3A_491], %gather3A_488 {strides = array<i32>} : memref<16x128xf32, #tpu.memory_space<vmem>>, vector<16xf32>,
        %add3A_493 = arith.constant 48 : i32
        %add3A_494 = vector.broadcast %add3A_493 : i32 to vector<16xi32>
        %add3A_495 = arith.addi %iota3A, %add3A_494 : vector<16xi32>
        %gather3A_496 = tpu.vector_load_idx %arg7[%add3A_495, %broadcast_in_dim3A_468] : memref<64x513xf32, #tpu.memory_space<vmem>>[vector<16xi32>, vector<16xi32>], vector<16xf32>,
        %swap3A_497 = arith.constant 6 : i32
        %swap3A_498 = arith.index_cast %swap3A_497 : i32 to index
        %swap3A_499 = arith.constant 48 : index
        %swap3A_500 = tpu.vector_load %arg12[%swap3A_498, %swap3A_499] {strides = array<i32>} : memref<16x128xf32, #tpu.memory_space<vmem>>, vector<16xf32>,
        tpu.vector_store %arg12[%swap3A_498, %swap3A_499], %gather3A_496 {strides = array<i32>} : memref<16x128xf32, #tpu.memory_space<vmem>>, vector<16xf32>,
        %slice3A_501 = vector.extract_strided_slice %shift_right_logical3A_257 {offsets = [7], sizes = [1], strides = [1]} : vector<16xi32> to vector<1xi32>
        %squeeze3A_502 = vector.extract %slice3A_501[0] : i32 from vector<1xi32>
        %broadcast_in_dim3A_503 = vector.broadcast %squeeze3A_502 : i32 to vector<16xi32>
        %add3A_504 = arith.constant 0 : i32
        %add3A_505 = vector.broadcast %add3A_504 : i32 to vector<16xi32>
        %add3A_506 = arith.addi %iota3A, %add3A_505 : vector<16xi32>
        %gather3A_507 = tpu.vector_load_idx %arg7[%add3A_506, %broadcast_in_dim3A_503] : memref<64x513xf32, #tpu.memory_space<vmem>>[vector<16xi32>, vector<16xi32>], vector<16xf32>,
        %swap3A_508 = arith.constant 7 : i32
        %swap3A_509 = arith.index_cast %swap3A_508 : i32 to index
        %swap3A_510 = arith.constant 0 : index
        %swap3A_511 = tpu.vector_load %arg12[%swap3A_509, %swap3A_510] {strides = array<i32>} : memref<16x128xf32, #tpu.memory_space<vmem>>, vector<16xf32>,
        tpu.vector_store %arg12[%swap3A_509, %swap3A_510], %gather3A_507 {strides = array<i32>} : memref<16x128xf32, #tpu.memory_space<vmem>>, vector<16xf32>,
        %add3A_512 = arith.constant 16 : i32
        %add3A_513 = vector.broadcast %add3A_512 : i32 to vector<16xi32>
        %add3A_514 = arith.addi %iota3A, %add3A_513 : vector<16xi32>
        %gather3A_515 = tpu.vector_load_idx %arg7[%add3A_514, %broadcast_in_dim3A_503] : memref<64x513xf32, #tpu.memory_space<vmem>>[vector<16xi32>, vector<16xi32>], vector<16xf32>,
        %swap3A_516 = arith.constant 7 : i32
        %swap3A_517 = arith.index_cast %swap3A_516 : i32 to index
        %swap3A_518 = arith.constant 16 : index
        %swap3A_519 = tpu.vector_load %arg12[%swap3A_517, %swap3A_518] {strides = array<i32>} : memref<16x128xf32, #tpu.memory_space<vmem>>, vector<16xf32>,
        tpu.vector_store %arg12[%swap3A_517, %swap3A_518], %gather3A_515 {strides = array<i32>} : memref<16x128xf32, #tpu.memory_space<vmem>>, vector<16xf32>,
        %add3A_520 = arith.constant 32 : i32
        %add3A_521 = vector.broadcast %add3A_520 : i32 to vector<16xi32>
        %add3A_522 = arith.addi %iota3A, %add3A_521 : vector<16xi32>
        %gather3A_523 = tpu.vector_load_idx %arg7[%add3A_522, %broadcast_in_dim3A_503] : memref<64x513xf32, #tpu.memory_space<vmem>>[vector<16xi32>, vector<16xi32>], vector<16xf32>,
        %swap3A_524 = arith.constant 7 : i32
        %swap3A_525 = arith.index_cast %swap3A_524 : i32 to index
        %swap3A_526 = arith.constant 32 : index
        %swap3A_527 = tpu.vector_load %arg12[%swap3A_525, %swap3A_526] {strides = array<i32>} : memref<16x128xf32, #tpu.memory_space<vmem>>, vector<16xf32>,
        tpu.vector_store %arg12[%swap3A_525, %swap3A_526], %gather3A_523 {strides = array<i32>} : memref<16x128xf32, #tpu.memory_space<vmem>>, vector<16xf32>,
        %add3A_528 = arith.constant 48 : i32
        %add3A_529 = vector.broadcast %add3A_528 : i32 to vector<16xi32>
        %add3A_530 = arith.addi %iota3A, %add3A_529 : vector<16xi32>
        %gather3A_531 = tpu.vector_load_idx %arg7[%add3A_530, %broadcast_in_dim3A_503] : memref<64x513xf32, #tpu.memory_space<vmem>>[vector<16xi32>, vector<16xi32>], vector<16xf32>,
        %swap3A_532 = arith.constant 7 : i32
        %swap3A_533 = arith.index_cast %swap3A_532 : i32 to index
        %swap3A_534 = arith.constant 48 : index
        %swap3A_535 = tpu.vector_load %arg12[%swap3A_533, %swap3A_534] {strides = array<i32>} : memref<16x128xf32, #tpu.memory_space<vmem>>, vector<16xf32>,
        tpu.vector_store %arg12[%swap3A_533, %swap3A_534], %gather3A_531 {strides = array<i32>} : memref<16x128xf32, #tpu.memory_space<vmem>>, vector<16xf32>,
        %slice3A_536 = vector.extract_strided_slice %shift_right_logical3A_257 {offsets = [8], sizes = [1], strides = [1]} : vector<16xi32> to vector<1xi32>
        %squeeze3A_537 = vector.extract %slice3A_536[0] : i32 from vector<1xi32>
        %broadcast_in_dim3A_538 = vector.broadcast %squeeze3A_537 : i32 to vector<16xi32>
        %add3A_539 = arith.constant 0 : i32
        %add3A_540 = vector.broadcast %add3A_539 : i32 to vector<16xi32>
        %add3A_541 = arith.addi %iota3A, %add3A_540 : vector<16xi32>
        %gather3A_542 = tpu.vector_load_idx %arg7[%add3A_541, %broadcast_in_dim3A_538] : memref<64x513xf32, #tpu.memory_space<vmem>>[vector<16xi32>, vector<16xi32>], vector<16xf32>,
        %swap3A_543 = arith.constant 8 : i32
        %swap3A_544 = arith.index_cast %swap3A_543 : i32 to index
        %swap3A_545 = arith.constant 0 : index
        %swap3A_546 = tpu.vector_load %arg12[%swap3A_544, %swap3A_545] {strides = array<i32>} : memref<16x128xf32, #tpu.memory_space<vmem>>, vector<16xf32>,
        tpu.vector_store %arg12[%swap3A_544, %swap3A_545], %gather3A_542 {strides = array<i32>} : memref<16x128xf32, #tpu.memory_space<vmem>>, vector<16xf32>,
        %add3A_547 = arith.constant 16 : i32
        %add3A_548 = vector.broadcast %add3A_547 : i32 to vector<16xi32>
        %add3A_549 = arith.addi %iota3A, %add3A_548 : vector<16xi32>
        %gather3A_550 = tpu.vector_load_idx %arg7[%add3A_549, %broadcast_in_dim3A_538] : memref<64x513xf32, #tpu.memory_space<vmem>>[vector<16xi32>, vector<16xi32>], vector<16xf32>,
        %swap3A_551 = arith.constant 8 : i32
        %swap3A_552 = arith.index_cast %swap3A_551 : i32 to index
        %swap3A_553 = arith.constant 16 : index
        %swap3A_554 = tpu.vector_load %arg12[%swap3A_552, %swap3A_553] {strides = array<i32>} : memref<16x128xf32, #tpu.memory_space<vmem>>, vector<16xf32>,
        tpu.vector_store %arg12[%swap3A_552, %swap3A_553], %gather3A_550 {strides = array<i32>} : memref<16x128xf32, #tpu.memory_space<vmem>>, vector<16xf32>,
        %add3A_555 = arith.constant 32 : i32
        %add3A_556 = vector.broadcast %add3A_555 : i32 to vector<16xi32>
        %add3A_557 = arith.addi %iota3A, %add3A_556 : vector<16xi32>
        %gather3A_558 = tpu.vector_load_idx %arg7[%add3A_557, %broadcast_in_dim3A_538] : memref<64x513xf32, #tpu.memory_space<vmem>>[vector<16xi32>, vector<16xi32>], vector<16xf32>,
        %swap3A_559 = arith.constant 8 : i32
        %swap3A_560 = arith.index_cast %swap3A_559 : i32 to index
        %swap3A_561 = arith.constant 32 : index
        %swap3A_562 = tpu.vector_load %arg12[%swap3A_560, %swap3A_561] {strides = array<i32>} : memref<16x128xf32, #tpu.memory_space<vmem>>, vector<16xf32>,
        tpu.vector_store %arg12[%swap3A_560, %swap3A_561], %gather3A_558 {strides = array<i32>} : memref<16x128xf32, #tpu.memory_space<vmem>>, vector<16xf32>,
        %add3A_563 = arith.constant 48 : i32
        %add3A_564 = vector.broadcast %add3A_563 : i32 to vector<16xi32>
        %add3A_565 = arith.addi %iota3A, %add3A_564 : vector<16xi32>
        %gather3A_566 = tpu.vector_load_idx %arg7[%add3A_565, %broadcast_in_dim3A_538] : memref<64x513xf32, #tpu.memory_space<vmem>>[vector<16xi32>, vector<16xi32>], vector<16xf32>,
        %swap3A_567 = arith.constant 8 : i32
        %swap3A_568 = arith.index_cast %swap3A_567 : i32 to index
        %swap3A_569 = arith.constant 48 : index
        %swap3A_570 = tpu.vector_load %arg12[%swap3A_568, %swap3A_569] {strides = array<i32>} : memref<16x128xf32, #tpu.memory_space<vmem>>, vector<16xf32>,
        tpu.vector_store %arg12[%swap3A_568, %swap3A_569], %gather3A_566 {strides = array<i32>} : memref<16x128xf32, #tpu.memory_space<vmem>>, vector<16xf32>,
        %slice3A_571 = vector.extract_strided_slice %shift_right_logical3A_257 {offsets = [9], sizes = [1], strides = [1]} : vector<16xi32> to vector<1xi32>
        %squeeze3A_572 = vector.extract %slice3A_571[0] : i32 from vector<1xi32>
        %broadcast_in_dim3A_573 = vector.broadcast %squeeze3A_572 : i32 to vector<16xi32>
        %add3A_574 = arith.constant 0 : i32
        %add3A_575 = vector.broadcast %add3A_574 : i32 to vector<16xi32>
        %add3A_576 = arith.addi %iota3A, %add3A_575 : vector<16xi32>
        %gather3A_577 = tpu.vector_load_idx %arg7[%add3A_576, %broadcast_in_dim3A_573] : memref<64x513xf32, #tpu.memory_space<vmem>>[vector<16xi32>, vector<16xi32>], vector<16xf32>,
        %swap3A_578 = arith.constant 9 : i32
        %swap3A_579 = arith.index_cast %swap3A_578 : i32 to index
        %swap3A_580 = arith.constant 0 : index
        %swap3A_581 = tpu.vector_load %arg12[%swap3A_579, %swap3A_580] {strides = array<i32>} : memref<16x128xf32, #tpu.memory_space<vmem>>, vector<16xf32>,
        tpu.vector_store %arg12[%swap3A_579, %swap3A_580], %gather3A_577 {strides = array<i32>} : memref<16x128xf32, #tpu.memory_space<vmem>>, vector<16xf32>,
        %add3A_582 = arith.constant 16 : i32
        %add3A_583 = vector.broadcast %add3A_582 : i32 to vector<16xi32>
        %add3A_584 = arith.addi %iota3A, %add3A_583 : vector<16xi32>
        %gather3A_585 = tpu.vector_load_idx %arg7[%add3A_584, %broadcast_in_dim3A_573] : memref<64x513xf32, #tpu.memory_space<vmem>>[vector<16xi32>, vector<16xi32>], vector<16xf32>,
        %swap3A_586 = arith.constant 9 : i32
        %swap3A_587 = arith.index_cast %swap3A_586 : i32 to index
        %swap3A_588 = arith.constant 16 : index
        %swap3A_589 = tpu.vector_load %arg12[%swap3A_587, %swap3A_588] {strides = array<i32>} : memref<16x128xf32, #tpu.memory_space<vmem>>, vector<16xf32>,
        tpu.vector_store %arg12[%swap3A_587, %swap3A_588], %gather3A_585 {strides = array<i32>} : memref<16x128xf32, #tpu.memory_space<vmem>>, vector<16xf32>,
        %add3A_590 = arith.constant 32 : i32
        %add3A_591 = vector.broadcast %add3A_590 : i32 to vector<16xi32>
        %add3A_592 = arith.addi %iota3A, %add3A_591 : vector<16xi32>
        %gather3A_593 = tpu.vector_load_idx %arg7[%add3A_592, %broadcast_in_dim3A_573] : memref<64x513xf32, #tpu.memory_space<vmem>>[vector<16xi32>, vector<16xi32>], vector<16xf32>,
        %swap3A_594 = arith.constant 9 : i32
        %swap3A_595 = arith.index_cast %swap3A_594 : i32 to index
        %swap3A_596 = arith.constant 32 : index
        %swap3A_597 = tpu.vector_load %arg12[%swap3A_595, %swap3A_596] {strides = array<i32>} : memref<16x128xf32, #tpu.memory_space<vmem>>, vector<16xf32>,
        tpu.vector_store %arg12[%swap3A_595, %swap3A_596], %gather3A_593 {strides = array<i32>} : memref<16x128xf32, #tpu.memory_space<vmem>>, vector<16xf32>,
        %add3A_598 = arith.constant 48 : i32
        %add3A_599 = vector.broadcast %add3A_598 : i32 to vector<16xi32>
        %add3A_600 = arith.addi %iota3A, %add3A_599 : vector<16xi32>
        %gather3A_601 = tpu.vector_load_idx %arg7[%add3A_600, %broadcast_in_dim3A_573] : memref<64x513xf32, #tpu.memory_space<vmem>>[vector<16xi32>, vector<16xi32>], vector<16xf32>,
        %swap3A_602 = arith.constant 9 : i32
        %swap3A_603 = arith.index_cast %swap3A_602 : i32 to index
        %swap3A_604 = arith.constant 48 : index
        %swap3A_605 = tpu.vector_load %arg12[%swap3A_603, %swap3A_604] {strides = array<i32>} : memref<16x128xf32, #tpu.memory_space<vmem>>, vector<16xf32>,
        tpu.vector_store %arg12[%swap3A_603, %swap3A_604], %gather3A_601 {strides = array<i32>} : memref<16x128xf32, #tpu.memory_space<vmem>>, vector<16xf32>,
        %slice3A_606 = vector.extract_strided_slice %shift_right_logical3A_257 {offsets = [10], sizes = [1], strides = [1]} : vector<16xi32> to vector<1xi32>
        %squeeze3A_607 = vector.extract %slice3A_606[0] : i32 from vector<1xi32>
        %broadcast_in_dim3A_608 = vector.broadcast %squeeze3A_607 : i32 to vector<16xi32>
        %add3A_609 = arith.constant 0 : i32
        %add3A_610 = vector.broadcast %add3A_609 : i32 to vector<16xi32>
        %add3A_611 = arith.addi %iota3A, %add3A_610 : vector<16xi32>
        %gather3A_612 = tpu.vector_load_idx %arg7[%add3A_611, %broadcast_in_dim3A_608] : memref<64x513xf32, #tpu.memory_space<vmem>>[vector<16xi32>, vector<16xi32>], vector<16xf32>,
        %swap3A_613 = arith.constant 10 : i32
        %swap3A_614 = arith.index_cast %swap3A_613 : i32 to index
        %swap3A_615 = arith.constant 0 : index
        %swap3A_616 = tpu.vector_load %arg12[%swap3A_614, %swap3A_615] {strides = array<i32>} : memref<16x128xf32, #tpu.memory_space<vmem>>, vector<16xf32>,
        tpu.vector_store %arg12[%swap3A_614, %swap3A_615], %gather3A_612 {strides = array<i32>} : memref<16x128xf32, #tpu.memory_space<vmem>>, vector<16xf32>,
        %add3A_617 = arith.constant 16 : i32
        %add3A_618 = vector.broadcast %add3A_617 : i32 to vector<16xi32>
        %add3A_619 = arith.addi %iota3A, %add3A_618 : vector<16xi32>
        %gather3A_620 = tpu.vector_load_idx %arg7[%add3A_619, %broadcast_in_dim3A_608] : memref<64x513xf32, #tpu.memory_space<vmem>>[vector<16xi32>, vector<16xi32>], vector<16xf32>,
        %swap3A_621 = arith.constant 10 : i32
        %swap3A_622 = arith.index_cast %swap3A_621 : i32 to index
        %swap3A_623 = arith.constant 16 : index
        %swap3A_624 = tpu.vector_load %arg12[%swap3A_622, %swap3A_623] {strides = array<i32>} : memref<16x128xf32, #tpu.memory_space<vmem>>, vector<16xf32>,
        tpu.vector_store %arg12[%swap3A_622, %swap3A_623], %gather3A_620 {strides = array<i32>} : memref<16x128xf32, #tpu.memory_space<vmem>>, vector<16xf32>,
        %add3A_625 = arith.constant 32 : i32
        %add3A_626 = vector.broadcast %add3A_625 : i32 to vector<16xi32>
        %add3A_627 = arith.addi %iota3A, %add3A_626 : vector<16xi32>
        %gather3A_628 = tpu.vector_load_idx %arg7[%add3A_627, %broadcast_in_dim3A_608] : memref<64x513xf32, #tpu.memory_space<vmem>>[vector<16xi32>, vector<16xi32>], vector<16xf32>,
        %swap3A_629 = arith.constant 10 : i32
        %swap3A_630 = arith.index_cast %swap3A_629 : i32 to index
        %swap3A_631 = arith.constant 32 : index
        %swap3A_632 = tpu.vector_load %arg12[%swap3A_630, %swap3A_631] {strides = array<i32>} : memref<16x128xf32, #tpu.memory_space<vmem>>, vector<16xf32>,
        tpu.vector_store %arg12[%swap3A_630, %swap3A_631], %gather3A_628 {strides = array<i32>} : memref<16x128xf32, #tpu.memory_space<vmem>>, vector<16xf32>,
        %add3A_633 = arith.constant 48 : i32
        %add3A_634 = vector.broadcast %add3A_633 : i32 to vector<16xi32>
        %add3A_635 = arith.addi %iota3A, %add3A_634 : vector<16xi32>
        %gather3A_636 = tpu.vector_load_idx %arg7[%add3A_635, %broadcast_in_dim3A_608] : memref<64x513xf32, #tpu.memory_space<vmem>>[vector<16xi32>, vector<16xi32>], vector<16xf32>,
        %swap3A_637 = arith.constant 10 : i32
        %swap3A_638 = arith.index_cast %swap3A_637 : i32 to index
        %swap3A_639 = arith.constant 48 : index
        %swap3A_640 = tpu.vector_load %arg12[%swap3A_638, %swap3A_639] {strides = array<i32>} : memref<16x128xf32, #tpu.memory_space<vmem>>, vector<16xf32>,
        tpu.vector_store %arg12[%swap3A_638, %swap3A_639], %gather3A_636 {strides = array<i32>} : memref<16x128xf32, #tpu.memory_space<vmem>>, vector<16xf32>,
        %slice3A_641 = vector.extract_strided_slice %shift_right_logical3A_257 {offsets = [11], sizes = [1], strides = [1]} : vector<16xi32> to vector<1xi32>
        %squeeze3A_642 = vector.extract %slice3A_641[0] : i32 from vector<1xi32>
        %broadcast_in_dim3A_643 = vector.broadcast %squeeze3A_642 : i32 to vector<16xi32>
        %add3A_644 = arith.constant 0 : i32
        %add3A_645 = vector.broadcast %add3A_644 : i32 to vector<16xi32>
        %add3A_646 = arith.addi %iota3A, %add3A_645 : vector<16xi32>
        %gather3A_647 = tpu.vector_load_idx %arg7[%add3A_646, %broadcast_in_dim3A_643] : memref<64x513xf32, #tpu.memory_space<vmem>>[vector<16xi32>, vector<16xi32>], vector<16xf32>,
        %swap3A_648 = arith.constant 11 : i32
        %swap3A_649 = arith.index_cast %swap3A_648 : i32 to index
        %swap3A_650 = arith.constant 0 : index
        %swap3A_651 = tpu.vector_load %arg12[%swap3A_649, %swap3A_650] {strides = array<i32>} : memref<16x128xf32, #tpu.memory_space<vmem>>, vector<16xf32>,
        tpu.vector_store %arg12[%swap3A_649, %swap3A_650], %gather3A_647 {strides = array<i32>} : memref<16x128xf32, #tpu.memory_space<vmem>>, vector<16xf32>,
        %add3A_652 = arith.constant 16 : i32
        %add3A_653 = vector.broadcast %add3A_652 : i32 to vector<16xi32>
        %add3A_654 = arith.addi %iota3A, %add3A_653 : vector<16xi32>
        %gather3A_655 = tpu.vector_load_idx %arg7[%add3A_654, %broadcast_in_dim3A_643] : memref<64x513xf32, #tpu.memory_space<vmem>>[vector<16xi32>, vector<16xi32>], vector<16xf32>,
        %swap3A_656 = arith.constant 11 : i32
        %swap3A_657 = arith.index_cast %swap3A_656 : i32 to index
        %swap3A_658 = arith.constant 16 : index
        %swap3A_659 = tpu.vector_load %arg12[%swap3A_657, %swap3A_658] {strides = array<i32>} : memref<16x128xf32, #tpu.memory_space<vmem>>, vector<16xf32>,
        tpu.vector_store %arg12[%swap3A_657, %swap3A_658], %gather3A_655 {strides = array<i32>} : memref<16x128xf32, #tpu.memory_space<vmem>>, vector<16xf32>,
        %add3A_660 = arith.constant 32 : i32
        %add3A_661 = vector.broadcast %add3A_660 : i32 to vector<16xi32>
        %add3A_662 = arith.addi %iota3A, %add3A_661 : vector<16xi32>
        %gather3A_663 = tpu.vector_load_idx %arg7[%add3A_662, %broadcast_in_dim3A_643] : memref<64x513xf32, #tpu.memory_space<vmem>>[vector<16xi32>, vector<16xi32>], vector<16xf32>,
        %swap3A_664 = arith.constant 11 : i32
        %swap3A_665 = arith.index_cast %swap3A_664 : i32 to index
        %swap3A_666 = arith.constant 32 : index
        %swap3A_667 = tpu.vector_load %arg12[%swap3A_665, %swap3A_666] {strides = array<i32>} : memref<16x128xf32, #tpu.memory_space<vmem>>, vector<16xf32>,
        tpu.vector_store %arg12[%swap3A_665, %swap3A_666], %gather3A_663 {strides = array<i32>} : memref<16x128xf32, #tpu.memory_space<vmem>>, vector<16xf32>,
        %add3A_668 = arith.constant 48 : i32
        %add3A_669 = vector.broadcast %add3A_668 : i32 to vector<16xi32>
        %add3A_670 = arith.addi %iota3A, %add3A_669 : vector<16xi32>
        %gather3A_671 = tpu.vector_load_idx %arg7[%add3A_670, %broadcast_in_dim3A_643] : memref<64x513xf32, #tpu.memory_space<vmem>>[vector<16xi32>, vector<16xi32>], vector<16xf32>,
        %swap3A_672 = arith.constant 11 : i32
        %swap3A_673 = arith.index_cast %swap3A_672 : i32 to index
        %swap3A_674 = arith.constant 48 : index
        %swap3A_675 = tpu.vector_load %arg12[%swap3A_673, %swap3A_674] {strides = array<i32>} : memref<16x128xf32, #tpu.memory_space<vmem>>, vector<16xf32>,
        tpu.vector_store %arg12[%swap3A_673, %swap3A_674], %gather3A_671 {strides = array<i32>} : memref<16x128xf32, #tpu.memory_space<vmem>>, vector<16xf32>,
        %slice3A_676 = vector.extract_strided_slice %shift_right_logical3A_257 {offsets = [12], sizes = [1], strides = [1]} : vector<16xi32> to vector<1xi32>
        %squeeze3A_677 = vector.extract %slice3A_676[0] : i32 from vector<1xi32>
        %broadcast_in_dim3A_678 = vector.broadcast %squeeze3A_677 : i32 to vector<16xi32>
        %add3A_679 = arith.constant 0 : i32
        %add3A_680 = vector.broadcast %add3A_679 : i32 to vector<16xi32>
        %add3A_681 = arith.addi %iota3A, %add3A_680 : vector<16xi32>
        %gather3A_682 = tpu.vector_load_idx %arg7[%add3A_681, %broadcast_in_dim3A_678] : memref<64x513xf32, #tpu.memory_space<vmem>>[vector<16xi32>, vector<16xi32>], vector<16xf32>,
        %swap3A_683 = arith.constant 12 : i32
        %swap3A_684 = arith.index_cast %swap3A_683 : i32 to index
        %swap3A_685 = arith.constant 0 : index
        %swap3A_686 = tpu.vector_load %arg12[%swap3A_684, %swap3A_685] {strides = array<i32>} : memref<16x128xf32, #tpu.memory_space<vmem>>, vector<16xf32>,
        tpu.vector_store %arg12[%swap3A_684, %swap3A_685], %gather3A_682 {strides = array<i32>} : memref<16x128xf32, #tpu.memory_space<vmem>>, vector<16xf32>,
        %add3A_687 = arith.constant 16 : i32
        %add3A_688 = vector.broadcast %add3A_687 : i32 to vector<16xi32>
        %add3A_689 = arith.addi %iota3A, %add3A_688 : vector<16xi32>
        %gather3A_690 = tpu.vector_load_idx %arg7[%add3A_689, %broadcast_in_dim3A_678] : memref<64x513xf32, #tpu.memory_space<vmem>>[vector<16xi32>, vector<16xi32>], vector<16xf32>,
        %swap3A_691 = arith.constant 12 : i32
        %swap3A_692 = arith.index_cast %swap3A_691 : i32 to index
        %swap3A_693 = arith.constant 16 : index
        %swap3A_694 = tpu.vector_load %arg12[%swap3A_692, %swap3A_693] {strides = array<i32>} : memref<16x128xf32, #tpu.memory_space<vmem>>, vector<16xf32>,
        tpu.vector_store %arg12[%swap3A_692, %swap3A_693], %gather3A_690 {strides = array<i32>} : memref<16x128xf32, #tpu.memory_space<vmem>>, vector<16xf32>,
        %add3A_695 = arith.constant 32 : i32
        %add3A_696 = vector.broadcast %add3A_695 : i32 to vector<16xi32>
        %add3A_697 = arith.addi %iota3A, %add3A_696 : vector<16xi32>
        %gather3A_698 = tpu.vector_load_idx %arg7[%add3A_697, %broadcast_in_dim3A_678] : memref<64x513xf32, #tpu.memory_space<vmem>>[vector<16xi32>, vector<16xi32>], vector<16xf32>,
        %swap3A_699 = arith.constant 12 : i32
        %swap3A_700 = arith.index_cast %swap3A_699 : i32 to index
        %swap3A_701 = arith.constant 32 : index
        %swap3A_702 = tpu.vector_load %arg12[%swap3A_700, %swap3A_701] {strides = array<i32>} : memref<16x128xf32, #tpu.memory_space<vmem>>, vector<16xf32>,
        tpu.vector_store %arg12[%swap3A_700, %swap3A_701], %gather3A_698 {strides = array<i32>} : memref<16x128xf32, #tpu.memory_space<vmem>>, vector<16xf32>,
        %add3A_703 = arith.constant 48 : i32
        %add3A_704 = vector.broadcast %add3A_703 : i32 to vector<16xi32>
        %add3A_705 = arith.addi %iota3A, %add3A_704 : vector<16xi32>
        %gather3A_706 = tpu.vector_load_idx %arg7[%add3A_705, %broadcast_in_dim3A_678] : memref<64x513xf32, #tpu.memory_space<vmem>>[vector<16xi32>, vector<16xi32>], vector<16xf32>,
        %swap3A_707 = arith.constant 12 : i32
        %swap3A_708 = arith.index_cast %swap3A_707 : i32 to index
        %swap3A_709 = arith.constant 48 : index
        %swap3A_710 = tpu.vector_load %arg12[%swap3A_708, %swap3A_709] {strides = array<i32>} : memref<16x128xf32, #tpu.memory_space<vmem>>, vector<16xf32>,
        tpu.vector_store %arg12[%swap3A_708, %swap3A_709], %gather3A_706 {strides = array<i32>} : memref<16x128xf32, #tpu.memory_space<vmem>>, vector<16xf32>,
        %slice3A_711 = vector.extract_strided_slice %shift_right_logical3A_257 {offsets = [13], sizes = [1], strides = [1]} : vector<16xi32> to vector<1xi32>
        %squeeze3A_712 = vector.extract %slice3A_711[0] : i32 from vector<1xi32>
        %broadcast_in_dim3A_713 = vector.broadcast %squeeze3A_712 : i32 to vector<16xi32>
        %add3A_714 = arith.constant 0 : i32
        %add3A_715 = vector.broadcast %add3A_714 : i32 to vector<16xi32>
        %add3A_716 = arith.addi %iota3A, %add3A_715 : vector<16xi32>
        %gather3A_717 = tpu.vector_load_idx %arg7[%add3A_716, %broadcast_in_dim3A_713] : memref<64x513xf32, #tpu.memory_space<vmem>>[vector<16xi32>, vector<16xi32>], vector<16xf32>,
        %swap3A_718 = arith.constant 13 : i32
        %swap3A_719 = arith.index_cast %swap3A_718 : i32 to index
        %swap3A_720 = arith.constant 0 : index
        %swap3A_721 = tpu.vector_load %arg12[%swap3A_719, %swap3A_720] {strides = array<i32>} : memref<16x128xf32, #tpu.memory_space<vmem>>, vector<16xf32>,
        tpu.vector_store %arg12[%swap3A_719, %swap3A_720], %gather3A_717 {strides = array<i32>} : memref<16x128xf32, #tpu.memory_space<vmem>>, vector<16xf32>,
        %add3A_722 = arith.constant 16 : i32
        %add3A_723 = vector.broadcast %add3A_722 : i32 to vector<16xi32>
        %add3A_724 = arith.addi %iota3A, %add3A_723 : vector<16xi32>
        %gather3A_725 = tpu.vector_load_idx %arg7[%add3A_724, %broadcast_in_dim3A_713] : memref<64x513xf32, #tpu.memory_space<vmem>>[vector<16xi32>, vector<16xi32>], vector<16xf32>,
        %swap3A_726 = arith.constant 13 : i32
        %swap3A_727 = arith.index_cast %swap3A_726 : i32 to index
        %swap3A_728 = arith.constant 16 : index
        %swap3A_729 = tpu.vector_load %arg12[%swap3A_727, %swap3A_728] {strides = array<i32>} : memref<16x128xf32, #tpu.memory_space<vmem>>, vector<16xf32>,
        tpu.vector_store %arg12[%swap3A_727, %swap3A_728], %gather3A_725 {strides = array<i32>} : memref<16x128xf32, #tpu.memory_space<vmem>>, vector<16xf32>,
        %add3A_730 = arith.constant 32 : i32
        %add3A_731 = vector.broadcast %add3A_730 : i32 to vector<16xi32>
        %add3A_732 = arith.addi %iota3A, %add3A_731 : vector<16xi32>
        %gather3A_733 = tpu.vector_load_idx %arg7[%add3A_732, %broadcast_in_dim3A_713] : memref<64x513xf32, #tpu.memory_space<vmem>>[vector<16xi32>, vector<16xi32>], vector<16xf32>,
        %swap3A_734 = arith.constant 13 : i32
        %swap3A_735 = arith.index_cast %swap3A_734 : i32 to index
        %swap3A_736 = arith.constant 32 : index
        %swap3A_737 = tpu.vector_load %arg12[%swap3A_735, %swap3A_736] {strides = array<i32>} : memref<16x128xf32, #tpu.memory_space<vmem>>, vector<16xf32>,
        tpu.vector_store %arg12[%swap3A_735, %swap3A_736], %gather3A_733 {strides = array<i32>} : memref<16x128xf32, #tpu.memory_space<vmem>>, vector<16xf32>,
        %add3A_738 = arith.constant 48 : i32
        %add3A_739 = vector.broadcast %add3A_738 : i32 to vector<16xi32>
        %add3A_740 = arith.addi %iota3A, %add3A_739 : vector<16xi32>
        %gather3A_741 = tpu.vector_load_idx %arg7[%add3A_740, %broadcast_in_dim3A_713] : memref<64x513xf32, #tpu.memory_space<vmem>>[vector<16xi32>, vector<16xi32>], vector<16xf32>,
        %swap3A_742 = arith.constant 13 : i32
        %swap3A_743 = arith.index_cast %swap3A_742 : i32 to index
        %swap3A_744 = arith.constant 48 : index
        %swap3A_745 = tpu.vector_load %arg12[%swap3A_743, %swap3A_744] {strides = array<i32>} : memref<16x128xf32, #tpu.memory_space<vmem>>, vector<16xf32>,
        tpu.vector_store %arg12[%swap3A_743, %swap3A_744], %gather3A_741 {strides = array<i32>} : memref<16x128xf32, #tpu.memory_space<vmem>>, vector<16xf32>,
        %slice3A_746 = vector.extract_strided_slice %shift_right_logical3A_257 {offsets = [14], sizes = [1], strides = [1]} : vector<16xi32> to vector<1xi32>
        %squeeze3A_747 = vector.extract %slice3A_746[0] : i32 from vector<1xi32>
        %broadcast_in_dim3A_748 = vector.broadcast %squeeze3A_747 : i32 to vector<16xi32>
        %add3A_749 = arith.constant 0 : i32
        %add3A_750 = vector.broadcast %add3A_749 : i32 to vector<16xi32>
        %add3A_751 = arith.addi %iota3A, %add3A_750 : vector<16xi32>
        %gather3A_752 = tpu.vector_load_idx %arg7[%add3A_751, %broadcast_in_dim3A_748] : memref<64x513xf32, #tpu.memory_space<vmem>>[vector<16xi32>, vector<16xi32>], vector<16xf32>,
        %swap3A_753 = arith.constant 14 : i32
        %swap3A_754 = arith.index_cast %swap3A_753 : i32 to index
        %swap3A_755 = arith.constant 0 : index
        %swap3A_756 = tpu.vector_load %arg12[%swap3A_754, %swap3A_755] {strides = array<i32>} : memref<16x128xf32, #tpu.memory_space<vmem>>, vector<16xf32>,
        tpu.vector_store %arg12[%swap3A_754, %swap3A_755], %gather3A_752 {strides = array<i32>} : memref<16x128xf32, #tpu.memory_space<vmem>>, vector<16xf32>,
        %add3A_757 = arith.constant 16 : i32
        %add3A_758 = vector.broadcast %add3A_757 : i32 to vector<16xi32>
        %add3A_759 = arith.addi %iota3A, %add3A_758 : vector<16xi32>
        %gather3A_760 = tpu.vector_load_idx %arg7[%add3A_759, %broadcast_in_dim3A_748] : memref<64x513xf32, #tpu.memory_space<vmem>>[vector<16xi32>, vector<16xi32>], vector<16xf32>,
        %swap3A_761 = arith.constant 14 : i32
        %swap3A_762 = arith.index_cast %swap3A_761 : i32 to index
        %swap3A_763 = arith.constant 16 : index
        %swap3A_764 = tpu.vector_load %arg12[%swap3A_762, %swap3A_763] {strides = array<i32>} : memref<16x128xf32, #tpu.memory_space<vmem>>, vector<16xf32>,
        tpu.vector_store %arg12[%swap3A_762, %swap3A_763], %gather3A_760 {strides = array<i32>} : memref<16x128xf32, #tpu.memory_space<vmem>>, vector<16xf32>,
        %add3A_765 = arith.constant 32 : i32
        %add3A_766 = vector.broadcast %add3A_765 : i32 to vector<16xi32>
        %add3A_767 = arith.addi %iota3A, %add3A_766 : vector<16xi32>
        %gather3A_768 = tpu.vector_load_idx %arg7[%add3A_767, %broadcast_in_dim3A_748] : memref<64x513xf32, #tpu.memory_space<vmem>>[vector<16xi32>, vector<16xi32>], vector<16xf32>,
        %swap3A_769 = arith.constant 14 : i32
        %swap3A_770 = arith.index_cast %swap3A_769 : i32 to index
        %swap3A_771 = arith.constant 32 : index
        %swap3A_772 = tpu.vector_load %arg12[%swap3A_770, %swap3A_771] {strides = array<i32>} : memref<16x128xf32, #tpu.memory_space<vmem>>, vector<16xf32>,
        tpu.vector_store %arg12[%swap3A_770, %swap3A_771], %gather3A_768 {strides = array<i32>} : memref<16x128xf32, #tpu.memory_space<vmem>>, vector<16xf32>,
        %add3A_773 = arith.constant 48 : i32
        %add3A_774 = vector.broadcast %add3A_773 : i32 to vector<16xi32>
        %add3A_775 = arith.addi %iota3A, %add3A_774 : vector<16xi32>
        %gather3A_776 = tpu.vector_load_idx %arg7[%add3A_775, %broadcast_in_dim3A_748] : memref<64x513xf32, #tpu.memory_space<vmem>>[vector<16xi32>, vector<16xi32>], vector<16xf32>,
        %swap3A_777 = arith.constant 14 : i32
        %swap3A_778 = arith.index_cast %swap3A_777 : i32 to index
        %swap3A_779 = arith.constant 48 : index
        %swap3A_780 = tpu.vector_load %arg12[%swap3A_778, %swap3A_779] {strides = array<i32>} : memref<16x128xf32, #tpu.memory_space<vmem>>, vector<16xf32>,
        tpu.vector_store %arg12[%swap3A_778, %swap3A_779], %gather3A_776 {strides = array<i32>} : memref<16x128xf32, #tpu.memory_space<vmem>>, vector<16xf32>,
        %slice3A_781 = vector.extract_strided_slice %shift_right_logical3A_257 {offsets = [15], sizes = [1], strides = [1]} : vector<16xi32> to vector<1xi32>
        %squeeze3A_782 = vector.extract %slice3A_781[0] : i32 from vector<1xi32>
        %broadcast_in_dim3A_783 = vector.broadcast %squeeze3A_782 : i32 to vector<16xi32>
        %add3A_784 = arith.constant 0 : i32
        %add3A_785 = vector.broadcast %add3A_784 : i32 to vector<16xi32>
        %add3A_786 = arith.addi %iota3A, %add3A_785 : vector<16xi32>
        %gather3A_787 = tpu.vector_load_idx %arg7[%add3A_786, %broadcast_in_dim3A_783] : memref<64x513xf32, #tpu.memory_space<vmem>>[vector<16xi32>, vector<16xi32>], vector<16xf32>,
        %swap3A_788 = arith.constant 15 : i32
        %swap3A_789 = arith.index_cast %swap3A_788 : i32 to index
        %swap3A_790 = arith.constant 0 : index
        %swap3A_791 = tpu.vector_load %arg12[%swap3A_789, %swap3A_790] {strides = array<i32>} : memref<16x128xf32, #tpu.memory_space<vmem>>, vector<16xf32>,
        tpu.vector_store %arg12[%swap3A_789, %swap3A_790], %gather3A_787 {strides = array<i32>} : memref<16x128xf32, #tpu.memory_space<vmem>>, vector<16xf32>,
        %add3A_792 = arith.constant 16 : i32
        %add3A_793 = vector.broadcast %add3A_792 : i32 to vector<16xi32>
        %add3A_794 = arith.addi %iota3A, %add3A_793 : vector<16xi32>
        %gather3A_795 = tpu.vector_load_idx %arg7[%add3A_794, %broadcast_in_dim3A_783] : memref<64x513xf32, #tpu.memory_space<vmem>>[vector<16xi32>, vector<16xi32>], vector<16xf32>,
        %swap3A_796 = arith.constant 15 : i32
        %swap3A_797 = arith.index_cast %swap3A_796 : i32 to index
        %swap3A_798 = arith.constant 16 : index
        %swap3A_799 = tpu.vector_load %arg12[%swap3A_797, %swap3A_798] {strides = array<i32>} : memref<16x128xf32, #tpu.memory_space<vmem>>, vector<16xf32>,
        tpu.vector_store %arg12[%swap3A_797, %swap3A_798], %gather3A_795 {strides = array<i32>} : memref<16x128xf32, #tpu.memory_space<vmem>>, vector<16xf32>,
        %add3A_800 = arith.constant 32 : i32
        %add3A_801 = vector.broadcast %add3A_800 : i32 to vector<16xi32>
        %add3A_802 = arith.addi %iota3A, %add3A_801 : vector<16xi32>
        %gather3A_803 = tpu.vector_load_idx %arg7[%add3A_802, %broadcast_in_dim3A_783] : memref<64x513xf32, #tpu.memory_space<vmem>>[vector<16xi32>, vector<16xi32>], vector<16xf32>,
        %swap3A_804 = arith.constant 15 : i32
        %swap3A_805 = arith.index_cast %swap3A_804 : i32 to index
        %swap3A_806 = arith.constant 32 : index
        %swap3A_807 = tpu.vector_load %arg12[%swap3A_805, %swap3A_806] {strides = array<i32>} : memref<16x128xf32, #tpu.memory_space<vmem>>, vector<16xf32>,
        tpu.vector_store %arg12[%swap3A_805, %swap3A_806], %gather3A_803 {strides = array<i32>} : memref<16x128xf32, #tpu.memory_space<vmem>>, vector<16xf32>,
        %add3A_808 = arith.constant 48 : i32
        %add3A_809 = vector.broadcast %add3A_808 : i32 to vector<16xi32>
        %add3A_810 = arith.addi %iota3A, %add3A_809 : vector<16xi32>
        %gather3A_811 = tpu.vector_load_idx %arg7[%add3A_810, %broadcast_in_dim3A_783] : memref<64x513xf32, #tpu.memory_space<vmem>>[vector<16xi32>, vector<16xi32>], vector<16xf32>,
        %swap3A_812 = arith.constant 15 : i32
        %swap3A_813 = arith.index_cast %swap3A_812 : i32 to index
        %swap3A_814 = arith.constant 48 : index
        %swap3A_815 = tpu.vector_load %arg12[%swap3A_813, %swap3A_814] {strides = array<i32>} : memref<16x128xf32, #tpu.memory_space<vmem>>, vector<16xf32>,
        tpu.vector_store %arg12[%swap3A_813, %swap3A_814], %gather3A_811 {strides = array<i32>} : memref<16x128xf32, #tpu.memory_space<vmem>>, vector<16xf32>,
        %mul3A_816 = arith.constant 16384 : i32
        %mul3A_817 = arith.muli %add3A, %mul3A_816 : i32
        %mul3A_818 = arith.constant 16 : i32
        %mul3A_819 = arith.muli %while3A_252, %mul3A_818 : i32
        %add3A_820 = arith.addi %mul3A_817, %mul3A_819 : i32
        "tpu.region"() ({
          %run_scoped3A_839 = tpu.sem_alloc : memref<!tpu.dma_semaphore, #tpu.memory_space<semaphore_mem>>
          %dma_start3A_840 = arith.constant 0 : i32
          %dma_start3A_841 = tpu.memref_slice %arg4[%add3A_820, %dma_start3A_840] : memref<524288x128xf32, #tpu.memory_space<hbm>> -> memref<16x128xf32, #tpu.memory_space<hbm>>
          %dma_start3A_842 = arith.constant 0 : i32
          %dma_start3A_843 = tpu.memref_slice %arg4[%add3A_820, %dma_start3A_842] : memref<524288x128xf32, #tpu.memory_space<hbm>> -> memref<16x128xf32, #tpu.memory_space<hbm>>
          tpu.enqueue_dma source(%arg12 : memref<16x128xf32, #tpu.memory_space<vmem>>) target(%dma_start3A_843 : memref<16x128xf32, #tpu.memory_space<hbm>>) target_semaphore(%run_scoped3A_839 : memref<!tpu.dma_semaphore, #tpu.memory_space<semaphore_mem>>)
          %dma_wait3A_844 = arith.constant 0 : i32
          %dma_wait3A_845 = tpu.memref_slice %arg4[%add3A_820, %dma_wait3A_844] : memref<524288x128xf32, #tpu.memory_space<hbm>> -> memref<16x128xf32, #tpu.memory_space<hbm>>
          %dma_wait3A_846 = arith.constant 0 : i32
          %dma_wait3A_847 = tpu.memref_slice %arg4[%add3A_820, %dma_wait3A_846] : memref<524288x128xf32, #tpu.memory_space<hbm>> -> memref<16x128xf32, #tpu.memory_space<hbm>>
          tpu.wait_dma2 semaphore(%run_scoped3A_839 : memref<!tpu.dma_semaphore, #tpu.memory_space<semaphore_mem>>) src(%arg12 : memref<16x128xf32, #tpu.memory_space<vmem>>) dst(%dma_wait3A_847 : memref<16x128xf32, #tpu.memory_space<hbm>>)
          tpu.yield
        }) : () -> ()
        %mul3A_821 = arith.constant 16384 : i32
        %mul3A_822 = arith.muli %add3A, %mul3A_821 : i32
        %mul3A_823 = arith.constant 16 : i32
        %mul3A_824 = arith.muli %while3A_252, %mul3A_823 : i32
        %add3A_825 = arith.addi %mul3A_822, %mul3A_824 : i32
        %add3A_826 = vector.broadcast %add3A_825 : i32 to vector<16xi32>
        %add3A_827 = arith.addi %add3A_826, %iota3A : vector<16xi32>
        %swap3A_828 = arith.constant 0 : i32
        %swap3A_829 = arith.index_cast %swap3A_828 : i32 to index
        %swap3A_830 = arith.constant 0 : index
        %swap3A_831 = tpu.vector_load %arg13[%swap3A_829, %swap3A_830] {strides = array<i32>} : memref<1x16xi32, #tpu.memory_space<vmem>>, vector<16xi32>,
        tpu.vector_store %arg13[%swap3A_829, %swap3A_830], %add3A_827 {strides = array<i32>} : memref<1x16xi32, #tpu.memory_space<vmem>>, vector<16xi32>,
        %swap3A_832 = arith.constant 0 : i32
        %swap3A_833 = arith.index_cast %swap3A_832 : i32 to index
        %swap3A_834 = arith.constant 0 : index
        %swap3A_835 = tpu.vector_load %arg14[%swap3A_833, %swap3A_834] {strides = array<i32>} : memref<1x16xi32, #tpu.memory_space<vmem>>, vector<16xi32>,
        tpu.vector_store %arg14[%swap3A_833, %swap3A_834], %and3A_259 {strides = array<i32>} : memref<1x16xi32, #tpu.memory_space<vmem>>, vector<16xi32>,
        %run_scoped3A = arith.constant 0 : i32
        %run_scoped3A_836 = arith.constant 0 : i32
        "tpu.region"() ({
          %run_scoped3A_839 = tpu.sem_alloc : memref<!tpu.dma_semaphore, #tpu.memory_space<semaphore_mem>>
          %dma_start3A_840 = arith.constant 0 : i32
          %dma_start3A_841 = tpu.memref_slice %arg13[%run_scoped3A, %dma_start3A_840] : memref<1x16xi32, #tpu.memory_space<vmem>> -> memref<1x16xi32, #tpu.memory_space<vmem>>
          %dma_start3A_842 = tpu.memref_squeeze %dma_start3A_841 : memref<1x16xi32, #tpu.memory_space<vmem>> -> memref<16xi32, #tpu.memory_space<vmem>>
          %dma_start3A_843 = arith.constant 0 : i32
          %dma_start3A_844 = tpu.memref_slice %arg14[%run_scoped3A_836, %dma_start3A_843] : memref<1x16xi32, #tpu.memory_space<vmem>> -> memref<1x16xi32, #tpu.memory_space<vmem>>
          %dma_start3A_845 = tpu.memref_squeeze %dma_start3A_844 : memref<1x16xi32, #tpu.memory_space<vmem>> -> memref<16xi32, #tpu.memory_space<vmem>>
          %dma_start3A_846 = arith.constant 0 : i32
          %dma_start3A_847 = tpu.memref_slice %arg15[%dma_start3A_846] : memref<16512xi32, #tpu.memory_space<vmem_shared>> -> memref<16512xi32, #tpu.memory_space<vmem_shared>>
          tpu.enqueue_indirect_dma source(%dma_start3A_842 : memref<16xi32, #tpu.memory_space<vmem>>) target(%dma_start3A_847 : memref<16512xi32, #tpu.memory_space<vmem_shared>>) offsets(%dma_start3A_845 : memref<16xi32, #tpu.memory_space<vmem>>) semaphore(%run_scoped3A_839 : memref<!tpu.dma_semaphore, #tpu.memory_space<semaphore_mem>>)
          %dma_wait3A_848 = arith.constant 0 : i32
          %dma_wait3A_849 = tpu.memref_slice %arg13[%run_scoped3A, %dma_wait3A_848] : memref<1x16xi32, #tpu.memory_space<vmem>> -> memref<1x16xi32, #tpu.memory_space<vmem>>
          %dma_wait3A_850 = tpu.memref_squeeze %dma_wait3A_849 : memref<1x16xi32, #tpu.memory_space<vmem>> -> memref<16xi32, #tpu.memory_space<vmem>>
          %dma_wait3A_851 = arith.constant 0 : i32
          %dma_wait3A_852 = tpu.memref_slice %arg14[%run_scoped3A_836, %dma_wait3A_851] : memref<1x16xi32, #tpu.memory_space<vmem>> -> memref<1x16xi32, #tpu.memory_space<vmem>>
          %dma_wait3A_853 = tpu.memref_squeeze %dma_wait3A_852 : memref<1x16xi32, #tpu.memory_space<vmem>> -> memref<16xi32, #tpu.memory_space<vmem>>
          %dma_wait3A_854 = arith.constant 0 : i32
          %dma_wait3A_855 = tpu.memref_slice %arg15[%dma_wait3A_854] : memref<16512xi32, #tpu.memory_space<vmem_shared>> -> memref<16512xi32, #tpu.memory_space<vmem_shared>>
          tpu.wait_indirect_dma semaphore(%run_scoped3A_839 : memref<!tpu.dma_semaphore, #tpu.memory_space<semaphore_mem>>) src(%dma_wait3A_850 : memref<16xi32, #tpu.memory_space<vmem>>) dst(%dma_wait3A_855 : memref<16512xi32, #tpu.memory_space<vmem_shared>>)
          tpu.yield
        }) : () -> ()
        %add3A_837 = arith.constant 1 : i32
        %add3A_838 = arith.addi %while3A_252, %add3A_837 : i32
        scf.yield %add3A_838 : i32
      }
      %while3A_249 = arith.constant 1 : i32
      %while3A_250 = scf.for %while3A_251 = %while3A_246 to %while3A_242 step %while3A_249 iter_args(%while3A_252 = %while3A_248) -> (i32)  : i32 {
        %mul3A_253 = arith.constant 16 : i32
        %mul3A_254 = arith.muli %while3A_251, %mul3A_253 : i32
        %get3A = arith.index_cast %mul3A_254 : i32 to index
        %get3A_255 = tpu.vector_load %arg11[%get3A] {strides = array<i32>} : memref<16400xi32, #tpu.memory_space<vmem>>, vector<16xi32>,
        %shift_right_logical3A = arith.constant 15 : i32
        %shift_right_logical3A_256 = vector.broadcast %shift_right_logical3A : i32 to vector<16xi32>
        %shift_right_logical3A_257 = arith.shrui %get3A_255, %shift_right_logical3A_256 : vector<16xi32>
        %and3A = arith.constant 32767 : i32
        %and3A_258 = vector.broadcast %and3A : i32 to vector<16xi32>
        %and3A_259 = arith.andi %get3A_255, %and3A_258 : vector<16xi32>
        %slice3A = vector.extract_strided_slice %shift_right_logical3A_257 {offsets = [0], sizes = [1], strides = [1]} : vector<16xi32> to vector<1xi32>
        %squeeze3A = vector.extract %slice3A[0] : i32 from vector<1xi32>
        %broadcast_in_dim3A_260 = vector.broadcast %squeeze3A : i32 to vector<16xi32>
        %add3A_261 = arith.constant 0 : i32
        %add3A_262 = vector.broadcast %add3A_261 : i32 to vector<16xi32>
        %add3A_263 = arith.addi %iota3A, %add3A_262 : vector<16xi32>
        %gather3A = tpu.vector_load_idx %arg7[%add3A_263, %broadcast_in_dim3A_260] : memref<64x513xf32, #tpu.memory_space<vmem>>[vector<16xi32>, vector<16xi32>], vector<16xf32>,
        %swap3A = arith.constant 0 : i32
        %swap3A_264 = arith.index_cast %swap3A : i32 to index
        %swap3A_265 = arith.constant 0 : index
        %swap3A_266 = tpu.vector_load %arg12[%swap3A_264, %swap3A_265] {strides = array<i32>} : memref<16x128xf32, #tpu.memory_space<vmem>>, vector<16xf32>,
        tpu.vector_store %arg12[%swap3A_264, %swap3A_265], %gather3A {strides = array<i32>} : memref<16x128xf32, #tpu.memory_space<vmem>>, vector<16xf32>,
        %add3A_267 = arith.constant 16 : i32
        %add3A_268 = vector.broadcast %add3A_267 : i32 to vector<16xi32>
        %add3A_269 = arith.addi %iota3A, %add3A_268 : vector<16xi32>
        %gather3A_270 = tpu.vector_load_idx %arg7[%add3A_269, %broadcast_in_dim3A_260] : memref<64x513xf32, #tpu.memory_space<vmem>>[vector<16xi32>, vector<16xi32>], vector<16xf32>,
        %swap3A_271 = arith.constant 0 : i32
        %swap3A_272 = arith.index_cast %swap3A_271 : i32 to index
        %swap3A_273 = arith.constant 16 : index
        %swap3A_274 = tpu.vector_load %arg12[%swap3A_272, %swap3A_273] {strides = array<i32>} : memref<16x128xf32, #tpu.memory_space<vmem>>, vector<16xf32>,
        tpu.vector_store %arg12[%swap3A_272, %swap3A_273], %gather3A_270 {strides = array<i32>} : memref<16x128xf32, #tpu.memory_space<vmem>>, vector<16xf32>,
        %add3A_275 = arith.constant 32 : i32
        %add3A_276 = vector.broadcast %add3A_275 : i32 to vector<16xi32>
        %add3A_277 = arith.addi %iota3A, %add3A_276 : vector<16xi32>
        %gather3A_278 = tpu.vector_load_idx %arg7[%add3A_277, %broadcast_in_dim3A_260] : memref<64x513xf32, #tpu.memory_space<vmem>>[vector<16xi32>, vector<16xi32>], vector<16xf32>,
        %swap3A_279 = arith.constant 0 : i32
        %swap3A_280 = arith.index_cast %swap3A_279 : i32 to index
        %swap3A_281 = arith.constant 32 : index
        %swap3A_282 = tpu.vector_load %arg12[%swap3A_280, %swap3A_281] {strides = array<i32>} : memref<16x128xf32, #tpu.memory_space<vmem>>, vector<16xf32>,
        tpu.vector_store %arg12[%swap3A_280, %swap3A_281], %gather3A_278 {strides = array<i32>} : memref<16x128xf32, #tpu.memory_space<vmem>>, vector<16xf32>,
        %add3A_283 = arith.constant 48 : i32
        %add3A_284 = vector.broadcast %add3A_283 : i32 to vector<16xi32>
        %add3A_285 = arith.addi %iota3A, %add3A_284 : vector<16xi32>
        %gather3A_286 = tpu.vector_load_idx %arg7[%add3A_285, %broadcast_in_dim3A_260] : memref<64x513xf32, #tpu.memory_space<vmem>>[vector<16xi32>, vector<16xi32>], vector<16xf32>,
        %swap3A_287 = arith.constant 0 : i32
        %swap3A_288 = arith.index_cast %swap3A_287 : i32 to index
        %swap3A_289 = arith.constant 48 : index
        %swap3A_290 = tpu.vector_load %arg12[%swap3A_288, %swap3A_289] {strides = array<i32>} : memref<16x128xf32, #tpu.memory_space<vmem>>, vector<16xf32>,
        tpu.vector_store %arg12[%swap3A_288, %swap3A_289], %gather3A_286 {strides = array<i32>} : memref<16x128xf32, #tpu.memory_space<vmem>>, vector<16xf32>,
        %slice3A_291 = vector.extract_strided_slice %shift_right_logical3A_257 {offsets = [1], sizes = [1], strides = [1]} : vector<16xi32> to vector<1xi32>
        %squeeze3A_292 = vector.extract %slice3A_291[0] : i32 from vector<1xi32>
        %broadcast_in_dim3A_293 = vector.broadcast %squeeze3A_292 : i32 to vector<16xi32>
        %add3A_294 = arith.constant 0 : i32
        %add3A_295 = vector.broadcast %add3A_294 : i32 to vector<16xi32>
        %add3A_296 = arith.addi %iota3A, %add3A_295 : vector<16xi32>
        %gather3A_297 = tpu.vector_load_idx %arg7[%add3A_296, %broadcast_in_dim3A_293] : memref<64x513xf32, #tpu.memory_space<vmem>>[vector<16xi32>, vector<16xi32>], vector<16xf32>,
        %swap3A_298 = arith.constant 1 : i32
        %swap3A_299 = arith.index_cast %swap3A_298 : i32 to index
        %swap3A_300 = arith.constant 0 : index
        %swap3A_301 = tpu.vector_load %arg12[%swap3A_299, %swap3A_300] {strides = array<i32>} : memref<16x128xf32, #tpu.memory_space<vmem>>, vector<16xf32>,
        tpu.vector_store %arg12[%swap3A_299, %swap3A_300], %gather3A_297 {strides = array<i32>} : memref<16x128xf32, #tpu.memory_space<vmem>>, vector<16xf32>,
        %add3A_302 = arith.constant 16 : i32
        %add3A_303 = vector.broadcast %add3A_302 : i32 to vector<16xi32>
        %add3A_304 = arith.addi %iota3A, %add3A_303 : vector<16xi32>
        %gather3A_305 = tpu.vector_load_idx %arg7[%add3A_304, %broadcast_in_dim3A_293] : memref<64x513xf32, #tpu.memory_space<vmem>>[vector<16xi32>, vector<16xi32>], vector<16xf32>,
        %swap3A_306 = arith.constant 1 : i32
        %swap3A_307 = arith.index_cast %swap3A_306 : i32 to index
        %swap3A_308 = arith.constant 16 : index
        %swap3A_309 = tpu.vector_load %arg12[%swap3A_307, %swap3A_308] {strides = array<i32>} : memref<16x128xf32, #tpu.memory_space<vmem>>, vector<16xf32>,
        tpu.vector_store %arg12[%swap3A_307, %swap3A_308], %gather3A_305 {strides = array<i32>} : memref<16x128xf32, #tpu.memory_space<vmem>>, vector<16xf32>,
        %add3A_310 = arith.constant 32 : i32
        %add3A_311 = vector.broadcast %add3A_310 : i32 to vector<16xi32>
        %add3A_312 = arith.addi %iota3A, %add3A_311 : vector<16xi32>
        %gather3A_313 = tpu.vector_load_idx %arg7[%add3A_312, %broadcast_in_dim3A_293] : memref<64x513xf32, #tpu.memory_space<vmem>>[vector<16xi32>, vector<16xi32>], vector<16xf32>,
        %swap3A_314 = arith.constant 1 : i32
        %swap3A_315 = arith.index_cast %swap3A_314 : i32 to index
        %swap3A_316 = arith.constant 32 : index
        %swap3A_317 = tpu.vector_load %arg12[%swap3A_315, %swap3A_316] {strides = array<i32>} : memref<16x128xf32, #tpu.memory_space<vmem>>, vector<16xf32>,
        tpu.vector_store %arg12[%swap3A_315, %swap3A_316], %gather3A_313 {strides = array<i32>} : memref<16x128xf32, #tpu.memory_space<vmem>>, vector<16xf32>,
        %add3A_318 = arith.constant 48 : i32
        %add3A_319 = vector.broadcast %add3A_318 : i32 to vector<16xi32>
        %add3A_320 = arith.addi %iota3A, %add3A_319 : vector<16xi32>
        %gather3A_321 = tpu.vector_load_idx %arg7[%add3A_320, %broadcast_in_dim3A_293] : memref<64x513xf32, #tpu.memory_space<vmem>>[vector<16xi32>, vector<16xi32>], vector<16xf32>,
        %swap3A_322 = arith.constant 1 : i32
        %swap3A_323 = arith.index_cast %swap3A_322 : i32 to index
        %swap3A_324 = arith.constant 48 : index
        %swap3A_325 = tpu.vector_load %arg12[%swap3A_323, %swap3A_324] {strides = array<i32>} : memref<16x128xf32, #tpu.memory_space<vmem>>, vector<16xf32>,
        tpu.vector_store %arg12[%swap3A_323, %swap3A_324], %gather3A_321 {strides = array<i32>} : memref<16x128xf32, #tpu.memory_space<vmem>>, vector<16xf32>,
        %slice3A_326 = vector.extract_strided_slice %shift_right_logical3A_257 {offsets = [2], sizes = [1], strides = [1]} : vector<16xi32> to vector<1xi32>
        %squeeze3A_327 = vector.extract %slice3A_326[0] : i32 from vector<1xi32>
        %broadcast_in_dim3A_328 = vector.broadcast %squeeze3A_327 : i32 to vector<16xi32>
        %add3A_329 = arith.constant 0 : i32
        %add3A_330 = vector.broadcast %add3A_329 : i32 to vector<16xi32>
        %add3A_331 = arith.addi %iota3A, %add3A_330 : vector<16xi32>
        %gather3A_332 = tpu.vector_load_idx %arg7[%add3A_331, %broadcast_in_dim3A_328] : memref<64x513xf32, #tpu.memory_space<vmem>>[vector<16xi32>, vector<16xi32>], vector<16xf32>,
        %swap3A_333 = arith.constant 2 : i32
        %swap3A_334 = arith.index_cast %swap3A_333 : i32 to index
        %swap3A_335 = arith.constant 0 : index
        %swap3A_336 = tpu.vector_load %arg12[%swap3A_334, %swap3A_335] {strides = array<i32>} : memref<16x128xf32, #tpu.memory_space<vmem>>, vector<16xf32>,
        tpu.vector_store %arg12[%swap3A_334, %swap3A_335], %gather3A_332 {strides = array<i32>} : memref<16x128xf32, #tpu.memory_space<vmem>>, vector<16xf32>,
        %add3A_337 = arith.constant 16 : i32
        %add3A_338 = vector.broadcast %add3A_337 : i32 to vector<16xi32>
        %add3A_339 = arith.addi %iota3A, %add3A_338 : vector<16xi32>
        %gather3A_340 = tpu.vector_load_idx %arg7[%add3A_339, %broadcast_in_dim3A_328] : memref<64x513xf32, #tpu.memory_space<vmem>>[vector<16xi32>, vector<16xi32>], vector<16xf32>,
        %swap3A_341 = arith.constant 2 : i32
        %swap3A_342 = arith.index_cast %swap3A_341 : i32 to index
        %swap3A_343 = arith.constant 16 : index
        %swap3A_344 = tpu.vector_load %arg12[%swap3A_342, %swap3A_343] {strides = array<i32>} : memref<16x128xf32, #tpu.memory_space<vmem>>, vector<16xf32>,
        tpu.vector_store %arg12[%swap3A_342, %swap3A_343], %gather3A_340 {strides = array<i32>} : memref<16x128xf32, #tpu.memory_space<vmem>>, vector<16xf32>,
        %add3A_345 = arith.constant 32 : i32
        %add3A_346 = vector.broadcast %add3A_345 : i32 to vector<16xi32>
        %add3A_347 = arith.addi %iota3A, %add3A_346 : vector<16xi32>
        %gather3A_348 = tpu.vector_load_idx %arg7[%add3A_347, %broadcast_in_dim3A_328] : memref<64x513xf32, #tpu.memory_space<vmem>>[vector<16xi32>, vector<16xi32>], vector<16xf32>,
        %swap3A_349 = arith.constant 2 : i32
        %swap3A_350 = arith.index_cast %swap3A_349 : i32 to index
        %swap3A_351 = arith.constant 32 : index
        %swap3A_352 = tpu.vector_load %arg12[%swap3A_350, %swap3A_351] {strides = array<i32>} : memref<16x128xf32, #tpu.memory_space<vmem>>, vector<16xf32>,
        tpu.vector_store %arg12[%swap3A_350, %swap3A_351], %gather3A_348 {strides = array<i32>} : memref<16x128xf32, #tpu.memory_space<vmem>>, vector<16xf32>,
        %add3A_353 = arith.constant 48 : i32
        %add3A_354 = vector.broadcast %add3A_353 : i32 to vector<16xi32>
        %add3A_355 = arith.addi %iota3A, %add3A_354 : vector<16xi32>
        %gather3A_356 = tpu.vector_load_idx %arg7[%add3A_355, %broadcast_in_dim3A_328] : memref<64x513xf32, #tpu.memory_space<vmem>>[vector<16xi32>, vector<16xi32>], vector<16xf32>,
        %swap3A_357 = arith.constant 2 : i32
        %swap3A_358 = arith.index_cast %swap3A_357 : i32 to index
        %swap3A_359 = arith.constant 48 : index
        %swap3A_360 = tpu.vector_load %arg12[%swap3A_358, %swap3A_359] {strides = array<i32>} : memref<16x128xf32, #tpu.memory_space<vmem>>, vector<16xf32>,
        tpu.vector_store %arg12[%swap3A_358, %swap3A_359], %gather3A_356 {strides = array<i32>} : memref<16x128xf32, #tpu.memory_space<vmem>>, vector<16xf32>,
        %slice3A_361 = vector.extract_strided_slice %shift_right_logical3A_257 {offsets = [3], sizes = [1], strides = [1]} : vector<16xi32> to vector<1xi32>
        %squeeze3A_362 = vector.extract %slice3A_361[0] : i32 from vector<1xi32>
        %broadcast_in_dim3A_363 = vector.broadcast %squeeze3A_362 : i32 to vector<16xi32>
        %add3A_364 = arith.constant 0 : i32
        %add3A_365 = vector.broadcast %add3A_364 : i32 to vector<16xi32>
        %add3A_366 = arith.addi %iota3A, %add3A_365 : vector<16xi32>
        %gather3A_367 = tpu.vector_load_idx %arg7[%add3A_366, %broadcast_in_dim3A_363] : memref<64x513xf32, #tpu.memory_space<vmem>>[vector<16xi32>, vector<16xi32>], vector<16xf32>,
        %swap3A_368 = arith.constant 3 : i32
        %swap3A_369 = arith.index_cast %swap3A_368 : i32 to index
        %swap3A_370 = arith.constant 0 : index
        %swap3A_371 = tpu.vector_load %arg12[%swap3A_369, %swap3A_370] {strides = array<i32>} : memref<16x128xf32, #tpu.memory_space<vmem>>, vector<16xf32>,
        tpu.vector_store %arg12[%swap3A_369, %swap3A_370], %gather3A_367 {strides = array<i32>} : memref<16x128xf32, #tpu.memory_space<vmem>>, vector<16xf32>,
        %add3A_372 = arith.constant 16 : i32
        %add3A_373 = vector.broadcast %add3A_372 : i32 to vector<16xi32>
        %add3A_374 = arith.addi %iota3A, %add3A_373 : vector<16xi32>
        %gather3A_375 = tpu.vector_load_idx %arg7[%add3A_374, %broadcast_in_dim3A_363] : memref<64x513xf32, #tpu.memory_space<vmem>>[vector<16xi32>, vector<16xi32>], vector<16xf32>,
        %swap3A_376 = arith.constant 3 : i32
        %swap3A_377 = arith.index_cast %swap3A_376 : i32 to index
        %swap3A_378 = arith.constant 16 : index
        %swap3A_379 = tpu.vector_load %arg12[%swap3A_377, %swap3A_378] {strides = array<i32>} : memref<16x128xf32, #tpu.memory_space<vmem>>, vector<16xf32>,
        tpu.vector_store %arg12[%swap3A_377, %swap3A_378], %gather3A_375 {strides = array<i32>} : memref<16x128xf32, #tpu.memory_space<vmem>>, vector<16xf32>,
        %add3A_380 = arith.constant 32 : i32
        %add3A_381 = vector.broadcast %add3A_380 : i32 to vector<16xi32>
        %add3A_382 = arith.addi %iota3A, %add3A_381 : vector<16xi32>
        %gather3A_383 = tpu.vector_load_idx %arg7[%add3A_382, %broadcast_in_dim3A_363] : memref<64x513xf32, #tpu.memory_space<vmem>>[vector<16xi32>, vector<16xi32>], vector<16xf32>,
        %swap3A_384 = arith.constant 3 : i32
        %swap3A_385 = arith.index_cast %swap3A_384 : i32 to index
        %swap3A_386 = arith.constant 32 : index
        %swap3A_387 = tpu.vector_load %arg12[%swap3A_385, %swap3A_386] {strides = array<i32>} : memref<16x128xf32, #tpu.memory_space<vmem>>, vector<16xf32>,
        tpu.vector_store %arg12[%swap3A_385, %swap3A_386], %gather3A_383 {strides = array<i32>} : memref<16x128xf32, #tpu.memory_space<vmem>>, vector<16xf32>,
        %add3A_388 = arith.constant 48 : i32
        %add3A_389 = vector.broadcast %add3A_388 : i32 to vector<16xi32>
        %add3A_390 = arith.addi %iota3A, %add3A_389 : vector<16xi32>
        %gather3A_391 = tpu.vector_load_idx %arg7[%add3A_390, %broadcast_in_dim3A_363] : memref<64x513xf32, #tpu.memory_space<vmem>>[vector<16xi32>, vector<16xi32>], vector<16xf32>,
        %swap3A_392 = arith.constant 3 : i32
        %swap3A_393 = arith.index_cast %swap3A_392 : i32 to index
        %swap3A_394 = arith.constant 48 : index
        %swap3A_395 = tpu.vector_load %arg12[%swap3A_393, %swap3A_394] {strides = array<i32>} : memref<16x128xf32, #tpu.memory_space<vmem>>, vector<16xf32>,
        tpu.vector_store %arg12[%swap3A_393, %swap3A_394], %gather3A_391 {strides = array<i32>} : memref<16x128xf32, #tpu.memory_space<vmem>>, vector<16xf32>,
        %slice3A_396 = vector.extract_strided_slice %shift_right_logical3A_257 {offsets = [4], sizes = [1], strides = [1]} : vector<16xi32> to vector<1xi32>
        %squeeze3A_397 = vector.extract %slice3A_396[0] : i32 from vector<1xi32>
        %broadcast_in_dim3A_398 = vector.broadcast %squeeze3A_397 : i32 to vector<16xi32>
        %add3A_399 = arith.constant 0 : i32
        %add3A_400 = vector.broadcast %add3A_399 : i32 to vector<16xi32>
        %add3A_401 = arith.addi %iota3A, %add3A_400 : vector<16xi32>
        %gather3A_402 = tpu.vector_load_idx %arg7[%add3A_401, %broadcast_in_dim3A_398] : memref<64x513xf32, #tpu.memory_space<vmem>>[vector<16xi32>, vector<16xi32>], vector<16xf32>,
        %swap3A_403 = arith.constant 4 : i32
        %swap3A_404 = arith.index_cast %swap3A_403 : i32 to index
        %swap3A_405 = arith.constant 0 : index
        %swap3A_406 = tpu.vector_load %arg12[%swap3A_404, %swap3A_405] {strides = array<i32>} : memref<16x128xf32, #tpu.memory_space<vmem>>, vector<16xf32>,
        tpu.vector_store %arg12[%swap3A_404, %swap3A_405], %gather3A_402 {strides = array<i32>} : memref<16x128xf32, #tpu.memory_space<vmem>>, vector<16xf32>,
        %add3A_407 = arith.constant 16 : i32
        %add3A_408 = vector.broadcast %add3A_407 : i32 to vector<16xi32>
        %add3A_409 = arith.addi %iota3A, %add3A_408 : vector<16xi32>
        %gather3A_410 = tpu.vector_load_idx %arg7[%add3A_409, %broadcast_in_dim3A_398] : memref<64x513xf32, #tpu.memory_space<vmem>>[vector<16xi32>, vector<16xi32>], vector<16xf32>,
        %swap3A_411 = arith.constant 4 : i32
        %swap3A_412 = arith.index_cast %swap3A_411 : i32 to index
        %swap3A_413 = arith.constant 16 : index
        %swap3A_414 = tpu.vector_load %arg12[%swap3A_412, %swap3A_413] {strides = array<i32>} : memref<16x128xf32, #tpu.memory_space<vmem>>, vector<16xf32>,
        tpu.vector_store %arg12[%swap3A_412, %swap3A_413], %gather3A_410 {strides = array<i32>} : memref<16x128xf32, #tpu.memory_space<vmem>>, vector<16xf32>,
        %add3A_415 = arith.constant 32 : i32
        %add3A_416 = vector.broadcast %add3A_415 : i32 to vector<16xi32>
        %add3A_417 = arith.addi %iota3A, %add3A_416 : vector<16xi32>
        %gather3A_418 = tpu.vector_load_idx %arg7[%add3A_417, %broadcast_in_dim3A_398] : memref<64x513xf32, #tpu.memory_space<vmem>>[vector<16xi32>, vector<16xi32>], vector<16xf32>,
        %swap3A_419 = arith.constant 4 : i32
        %swap3A_420 = arith.index_cast %swap3A_419 : i32 to index
        %swap3A_421 = arith.constant 32 : index
        %swap3A_422 = tpu.vector_load %arg12[%swap3A_420, %swap3A_421] {strides = array<i32>} : memref<16x128xf32, #tpu.memory_space<vmem>>, vector<16xf32>,
        tpu.vector_store %arg12[%swap3A_420, %swap3A_421], %gather3A_418 {strides = array<i32>} : memref<16x128xf32, #tpu.memory_space<vmem>>, vector<16xf32>,
        %add3A_423 = arith.constant 48 : i32
        %add3A_424 = vector.broadcast %add3A_423 : i32 to vector<16xi32>
        %add3A_425 = arith.addi %iota3A, %add3A_424 : vector<16xi32>
        %gather3A_426 = tpu.vector_load_idx %arg7[%add3A_425, %broadcast_in_dim3A_398] : memref<64x513xf32, #tpu.memory_space<vmem>>[vector<16xi32>, vector<16xi32>], vector<16xf32>,
        %swap3A_427 = arith.constant 4 : i32
        %swap3A_428 = arith.index_cast %swap3A_427 : i32 to index
        %swap3A_429 = arith.constant 48 : index
        %swap3A_430 = tpu.vector_load %arg12[%swap3A_428, %swap3A_429] {strides = array<i32>} : memref<16x128xf32, #tpu.memory_space<vmem>>, vector<16xf32>,
        tpu.vector_store %arg12[%swap3A_428, %swap3A_429], %gather3A_426 {strides = array<i32>} : memref<16x128xf32, #tpu.memory_space<vmem>>, vector<16xf32>,
        %slice3A_431 = vector.extract_strided_slice %shift_right_logical3A_257 {offsets = [5], sizes = [1], strides = [1]} : vector<16xi32> to vector<1xi32>
        %squeeze3A_432 = vector.extract %slice3A_431[0] : i32 from vector<1xi32>
        %broadcast_in_dim3A_433 = vector.broadcast %squeeze3A_432 : i32 to vector<16xi32>
        %add3A_434 = arith.constant 0 : i32
        %add3A_435 = vector.broadcast %add3A_434 : i32 to vector<16xi32>
        %add3A_436 = arith.addi %iota3A, %add3A_435 : vector<16xi32>
        %gather3A_437 = tpu.vector_load_idx %arg7[%add3A_436, %broadcast_in_dim3A_433] : memref<64x513xf32, #tpu.memory_space<vmem>>[vector<16xi32>, vector<16xi32>], vector<16xf32>,
        %swap3A_438 = arith.constant 5 : i32
        %swap3A_439 = arith.index_cast %swap3A_438 : i32 to index
        %swap3A_440 = arith.constant 0 : index
        %swap3A_441 = tpu.vector_load %arg12[%swap3A_439, %swap3A_440] {strides = array<i32>} : memref<16x128xf32, #tpu.memory_space<vmem>>, vector<16xf32>,
        tpu.vector_store %arg12[%swap3A_439, %swap3A_440], %gather3A_437 {strides = array<i32>} : memref<16x128xf32, #tpu.memory_space<vmem>>, vector<16xf32>,
        %add3A_442 = arith.constant 16 : i32
        %add3A_443 = vector.broadcast %add3A_442 : i32 to vector<16xi32>
        %add3A_444 = arith.addi %iota3A, %add3A_443 : vector<16xi32>
        %gather3A_445 = tpu.vector_load_idx %arg7[%add3A_444, %broadcast_in_dim3A_433] : memref<64x513xf32, #tpu.memory_space<vmem>>[vector<16xi32>, vector<16xi32>], vector<16xf32>,
        %swap3A_446 = arith.constant 5 : i32
        %swap3A_447 = arith.index_cast %swap3A_446 : i32 to index
        %swap3A_448 = arith.constant 16 : index
        %swap3A_449 = tpu.vector_load %arg12[%swap3A_447, %swap3A_448] {strides = array<i32>} : memref<16x128xf32, #tpu.memory_space<vmem>>, vector<16xf32>,
        tpu.vector_store %arg12[%swap3A_447, %swap3A_448], %gather3A_445 {strides = array<i32>} : memref<16x128xf32, #tpu.memory_space<vmem>>, vector<16xf32>,
        %add3A_450 = arith.constant 32 : i32
        %add3A_451 = vector.broadcast %add3A_450 : i32 to vector<16xi32>
        %add3A_452 = arith.addi %iota3A, %add3A_451 : vector<16xi32>
        %gather3A_453 = tpu.vector_load_idx %arg7[%add3A_452, %broadcast_in_dim3A_433] : memref<64x513xf32, #tpu.memory_space<vmem>>[vector<16xi32>, vector<16xi32>], vector<16xf32>,
        %swap3A_454 = arith.constant 5 : i32
        %swap3A_455 = arith.index_cast %swap3A_454 : i32 to index
        %swap3A_456 = arith.constant 32 : index
        %swap3A_457 = tpu.vector_load %arg12[%swap3A_455, %swap3A_456] {strides = array<i32>} : memref<16x128xf32, #tpu.memory_space<vmem>>, vector<16xf32>,
        tpu.vector_store %arg12[%swap3A_455, %swap3A_456], %gather3A_453 {strides = array<i32>} : memref<16x128xf32, #tpu.memory_space<vmem>>, vector<16xf32>,
        %add3A_458 = arith.constant 48 : i32
        %add3A_459 = vector.broadcast %add3A_458 : i32 to vector<16xi32>
        %add3A_460 = arith.addi %iota3A, %add3A_459 : vector<16xi32>
        %gather3A_461 = tpu.vector_load_idx %arg7[%add3A_460, %broadcast_in_dim3A_433] : memref<64x513xf32, #tpu.memory_space<vmem>>[vector<16xi32>, vector<16xi32>], vector<16xf32>,
        %swap3A_462 = arith.constant 5 : i32
        %swap3A_463 = arith.index_cast %swap3A_462 : i32 to index
        %swap3A_464 = arith.constant 48 : index
        %swap3A_465 = tpu.vector_load %arg12[%swap3A_463, %swap3A_464] {strides = array<i32>} : memref<16x128xf32, #tpu.memory_space<vmem>>, vector<16xf32>,
        tpu.vector_store %arg12[%swap3A_463, %swap3A_464], %gather3A_461 {strides = array<i32>} : memref<16x128xf32, #tpu.memory_space<vmem>>, vector<16xf32>,
        %slice3A_466 = vector.extract_strided_slice %shift_right_logical3A_257 {offsets = [6], sizes = [1], strides = [1]} : vector<16xi32> to vector<1xi32>
        %squeeze3A_467 = vector.extract %slice3A_466[0] : i32 from vector<1xi32>
        %broadcast_in_dim3A_468 = vector.broadcast %squeeze3A_467 : i32 to vector<16xi32>
        %add3A_469 = arith.constant 0 : i32
        %add3A_470 = vector.broadcast %add3A_469 : i32 to vector<16xi32>
        %add3A_471 = arith.addi %iota3A, %add3A_470 : vector<16xi32>
        %gather3A_472 = tpu.vector_load_idx %arg7[%add3A_471, %broadcast_in_dim3A_468] : memref<64x513xf32, #tpu.memory_space<vmem>>[vector<16xi32>, vector<16xi32>], vector<16xf32>,
        %swap3A_473 = arith.constant 6 : i32
        %swap3A_474 = arith.index_cast %swap3A_473 : i32 to index
        %swap3A_475 = arith.constant 0 : index
        %swap3A_476 = tpu.vector_load %arg12[%swap3A_474, %swap3A_475] {strides = array<i32>} : memref<16x128xf32, #tpu.memory_space<vmem>>, vector<16xf32>,
        tpu.vector_store %arg12[%swap3A_474, %swap3A_475], %gather3A_472 {strides = array<i32>} : memref<16x128xf32, #tpu.memory_space<vmem>>, vector<16xf32>,
        %add3A_477 = arith.constant 16 : i32
        %add3A_478 = vector.broadcast %add3A_477 : i32 to vector<16xi32>
        %add3A_479 = arith.addi %iota3A, %add3A_478 : vector<16xi32>
        %gather3A_480 = tpu.vector_load_idx %arg7[%add3A_479, %broadcast_in_dim3A_468] : memref<64x513xf32, #tpu.memory_space<vmem>>[vector<16xi32>, vector<16xi32>], vector<16xf32>,
        %swap3A_481 = arith.constant 6 : i32
        %swap3A_482 = arith.index_cast %swap3A_481 : i32 to index
        %swap3A_483 = arith.constant 16 : index
        %swap3A_484 = tpu.vector_load %arg12[%swap3A_482, %swap3A_483] {strides = array<i32>} : memref<16x128xf32, #tpu.memory_space<vmem>>, vector<16xf32>,
        tpu.vector_store %arg12[%swap3A_482, %swap3A_483], %gather3A_480 {strides = array<i32>} : memref<16x128xf32, #tpu.memory_space<vmem>>, vector<16xf32>,
        %add3A_485 = arith.constant 32 : i32
        %add3A_486 = vector.broadcast %add3A_485 : i32 to vector<16xi32>
        %add3A_487 = arith.addi %iota3A, %add3A_486 : vector<16xi32>
        %gather3A_488 = tpu.vector_load_idx %arg7[%add3A_487, %broadcast_in_dim3A_468] : memref<64x513xf32, #tpu.memory_space<vmem>>[vector<16xi32>, vector<16xi32>], vector<16xf32>,
        %swap3A_489 = arith.constant 6 : i32
        %swap3A_490 = arith.index_cast %swap3A_489 : i32 to index
        %swap3A_491 = arith.constant 32 : index
        %swap3A_492 = tpu.vector_load %arg12[%swap3A_490, %swap3A_491] {strides = array<i32>} : memref<16x128xf32, #tpu.memory_space<vmem>>, vector<16xf32>,
        tpu.vector_store %arg12[%swap3A_490, %swap3A_491], %gather3A_488 {strides = array<i32>} : memref<16x128xf32, #tpu.memory_space<vmem>>, vector<16xf32>,
        %add3A_493 = arith.constant 48 : i32
        %add3A_494 = vector.broadcast %add3A_493 : i32 to vector<16xi32>
        %add3A_495 = arith.addi %iota3A, %add3A_494 : vector<16xi32>
        %gather3A_496 = tpu.vector_load_idx %arg7[%add3A_495, %broadcast_in_dim3A_468] : memref<64x513xf32, #tpu.memory_space<vmem>>[vector<16xi32>, vector<16xi32>], vector<16xf32>,
        %swap3A_497 = arith.constant 6 : i32
        %swap3A_498 = arith.index_cast %swap3A_497 : i32 to index
        %swap3A_499 = arith.constant 48 : index
        %swap3A_500 = tpu.vector_load %arg12[%swap3A_498, %swap3A_499] {strides = array<i32>} : memref<16x128xf32, #tpu.memory_space<vmem>>, vector<16xf32>,
        tpu.vector_store %arg12[%swap3A_498, %swap3A_499], %gather3A_496 {strides = array<i32>} : memref<16x128xf32, #tpu.memory_space<vmem>>, vector<16xf32>,
        %slice3A_501 = vector.extract_strided_slice %shift_right_logical3A_257 {offsets = [7], sizes = [1], strides = [1]} : vector<16xi32> to vector<1xi32>
        %squeeze3A_502 = vector.extract %slice3A_501[0] : i32 from vector<1xi32>
        %broadcast_in_dim3A_503 = vector.broadcast %squeeze3A_502 : i32 to vector<16xi32>
        %add3A_504 = arith.constant 0 : i32
        %add3A_505 = vector.broadcast %add3A_504 : i32 to vector<16xi32>
        %add3A_506 = arith.addi %iota3A, %add3A_505 : vector<16xi32>
        %gather3A_507 = tpu.vector_load_idx %arg7[%add3A_506, %broadcast_in_dim3A_503] : memref<64x513xf32, #tpu.memory_space<vmem>>[vector<16xi32>, vector<16xi32>], vector<16xf32>,
        %swap3A_508 = arith.constant 7 : i32
        %swap3A_509 = arith.index_cast %swap3A_508 : i32 to index
        %swap3A_510 = arith.constant 0 : index
        %swap3A_511 = tpu.vector_load %arg12[%swap3A_509, %swap3A_510] {strides = array<i32>} : memref<16x128xf32, #tpu.memory_space<vmem>>, vector<16xf32>,
        tpu.vector_store %arg12[%swap3A_509, %swap3A_510], %gather3A_507 {strides = array<i32>} : memref<16x128xf32, #tpu.memory_space<vmem>>, vector<16xf32>,
        %add3A_512 = arith.constant 16 : i32
        %add3A_513 = vector.broadcast %add3A_512 : i32 to vector<16xi32>
        %add3A_514 = arith.addi %iota3A, %add3A_513 : vector<16xi32>
        %gather3A_515 = tpu.vector_load_idx %arg7[%add3A_514, %broadcast_in_dim3A_503] : memref<64x513xf32, #tpu.memory_space<vmem>>[vector<16xi32>, vector<16xi32>], vector<16xf32>,
        %swap3A_516 = arith.constant 7 : i32
        %swap3A_517 = arith.index_cast %swap3A_516 : i32 to index
        %swap3A_518 = arith.constant 16 : index
        %swap3A_519 = tpu.vector_load %arg12[%swap3A_517, %swap3A_518] {strides = array<i32>} : memref<16x128xf32, #tpu.memory_space<vmem>>, vector<16xf32>,
        tpu.vector_store %arg12[%swap3A_517, %swap3A_518], %gather3A_515 {strides = array<i32>} : memref<16x128xf32, #tpu.memory_space<vmem>>, vector<16xf32>,
        %add3A_520 = arith.constant 32 : i32
        %add3A_521 = vector.broadcast %add3A_520 : i32 to vector<16xi32>
        %add3A_522 = arith.addi %iota3A, %add3A_521 : vector<16xi32>
        %gather3A_523 = tpu.vector_load_idx %arg7[%add3A_522, %broadcast_in_dim3A_503] : memref<64x513xf32, #tpu.memory_space<vmem>>[vector<16xi32>, vector<16xi32>], vector<16xf32>,
        %swap3A_524 = arith.constant 7 : i32
        %swap3A_525 = arith.index_cast %swap3A_524 : i32 to index
        %swap3A_526 = arith.constant 32 : index
        %swap3A_527 = tpu.vector_load %arg12[%swap3A_525, %swap3A_526] {strides = array<i32>} : memref<16x128xf32, #tpu.memory_space<vmem>>, vector<16xf32>,
        tpu.vector_store %arg12[%swap3A_525, %swap3A_526], %gather3A_523 {strides = array<i32>} : memref<16x128xf32, #tpu.memory_space<vmem>>, vector<16xf32>,
        %add3A_528 = arith.constant 48 : i32
        %add3A_529 = vector.broadcast %add3A_528 : i32 to vector<16xi32>
        %add3A_530 = arith.addi %iota3A, %add3A_529 : vector<16xi32>
        %gather3A_531 = tpu.vector_load_idx %arg7[%add3A_530, %broadcast_in_dim3A_503] : memref<64x513xf32, #tpu.memory_space<vmem>>[vector<16xi32>, vector<16xi32>], vector<16xf32>,
        %swap3A_532 = arith.constant 7 : i32
        %swap3A_533 = arith.index_cast %swap3A_532 : i32 to index
        %swap3A_534 = arith.constant 48 : index
        %swap3A_535 = tpu.vector_load %arg12[%swap3A_533, %swap3A_534] {strides = array<i32>} : memref<16x128xf32, #tpu.memory_space<vmem>>, vector<16xf32>,
        tpu.vector_store %arg12[%swap3A_533, %swap3A_534], %gather3A_531 {strides = array<i32>} : memref<16x128xf32, #tpu.memory_space<vmem>>, vector<16xf32>,
        %slice3A_536 = vector.extract_strided_slice %shift_right_logical3A_257 {offsets = [8], sizes = [1], strides = [1]} : vector<16xi32> to vector<1xi32>
        %squeeze3A_537 = vector.extract %slice3A_536[0] : i32 from vector<1xi32>
        %broadcast_in_dim3A_538 = vector.broadcast %squeeze3A_537 : i32 to vector<16xi32>
        %add3A_539 = arith.constant 0 : i32
        %add3A_540 = vector.broadcast %add3A_539 : i32 to vector<16xi32>
        %add3A_541 = arith.addi %iota3A, %add3A_540 : vector<16xi32>
        %gather3A_542 = tpu.vector_load_idx %arg7[%add3A_541, %broadcast_in_dim3A_538] : memref<64x513xf32, #tpu.memory_space<vmem>>[vector<16xi32>, vector<16xi32>], vector<16xf32>,
        %swap3A_543 = arith.constant 8 : i32
        %swap3A_544 = arith.index_cast %swap3A_543 : i32 to index
        %swap3A_545 = arith.constant 0 : index
        %swap3A_546 = tpu.vector_load %arg12[%swap3A_544, %swap3A_545] {strides = array<i32>} : memref<16x128xf32, #tpu.memory_space<vmem>>, vector<16xf32>,
        tpu.vector_store %arg12[%swap3A_544, %swap3A_545], %gather3A_542 {strides = array<i32>} : memref<16x128xf32, #tpu.memory_space<vmem>>, vector<16xf32>,
        %add3A_547 = arith.constant 16 : i32
        %add3A_548 = vector.broadcast %add3A_547 : i32 to vector<16xi32>
        %add3A_549 = arith.addi %iota3A, %add3A_548 : vector<16xi32>
        %gather3A_550 = tpu.vector_load_idx %arg7[%add3A_549, %broadcast_in_dim3A_538] : memref<64x513xf32, #tpu.memory_space<vmem>>[vector<16xi32>, vector<16xi32>], vector<16xf32>,
        %swap3A_551 = arith.constant 8 : i32
        %swap3A_552 = arith.index_cast %swap3A_551 : i32 to index
        %swap3A_553 = arith.constant 16 : index
        %swap3A_554 = tpu.vector_load %arg12[%swap3A_552, %swap3A_553] {strides = array<i32>} : memref<16x128xf32, #tpu.memory_space<vmem>>, vector<16xf32>,
        tpu.vector_store %arg12[%swap3A_552, %swap3A_553], %gather3A_550 {strides = array<i32>} : memref<16x128xf32, #tpu.memory_space<vmem>>, vector<16xf32>,
        %add3A_555 = arith.constant 32 : i32
        %add3A_556 = vector.broadcast %add3A_555 : i32 to vector<16xi32>
        %add3A_557 = arith.addi %iota3A, %add3A_556 : vector<16xi32>
        %gather3A_558 = tpu.vector_load_idx %arg7[%add3A_557, %broadcast_in_dim3A_538] : memref<64x513xf32, #tpu.memory_space<vmem>>[vector<16xi32>, vector<16xi32>], vector<16xf32>,
        %swap3A_559 = arith.constant 8 : i32
        %swap3A_560 = arith.index_cast %swap3A_559 : i32 to index
        %swap3A_561 = arith.constant 32 : index
        %swap3A_562 = tpu.vector_load %arg12[%swap3A_560, %swap3A_561] {strides = array<i32>} : memref<16x128xf32, #tpu.memory_space<vmem>>, vector<16xf32>,
        tpu.vector_store %arg12[%swap3A_560, %swap3A_561], %gather3A_558 {strides = array<i32>} : memref<16x128xf32, #tpu.memory_space<vmem>>, vector<16xf32>,
        %add3A_563 = arith.constant 48 : i32
        %add3A_564 = vector.broadcast %add3A_563 : i32 to vector<16xi32>
        %add3A_565 = arith.addi %iota3A, %add3A_564 : vector<16xi32>
        %gather3A_566 = tpu.vector_load_idx %arg7[%add3A_565, %broadcast_in_dim3A_538] : memref<64x513xf32, #tpu.memory_space<vmem>>[vector<16xi32>, vector<16xi32>], vector<16xf32>,
        %swap3A_567 = arith.constant 8 : i32
        %swap3A_568 = arith.index_cast %swap3A_567 : i32 to index
        %swap3A_569 = arith.constant 48 : index
        %swap3A_570 = tpu.vector_load %arg12[%swap3A_568, %swap3A_569] {strides = array<i32>} : memref<16x128xf32, #tpu.memory_space<vmem>>, vector<16xf32>,
        tpu.vector_store %arg12[%swap3A_568, %swap3A_569], %gather3A_566 {strides = array<i32>} : memref<16x128xf32, #tpu.memory_space<vmem>>, vector<16xf32>,
        %slice3A_571 = vector.extract_strided_slice %shift_right_logical3A_257 {offsets = [9], sizes = [1], strides = [1]} : vector<16xi32> to vector<1xi32>
        %squeeze3A_572 = vector.extract %slice3A_571[0] : i32 from vector<1xi32>
        %broadcast_in_dim3A_573 = vector.broadcast %squeeze3A_572 : i32 to vector<16xi32>
        %add3A_574 = arith.constant 0 : i32
        %add3A_575 = vector.broadcast %add3A_574 : i32 to vector<16xi32>
        %add3A_576 = arith.addi %iota3A, %add3A_575 : vector<16xi32>
        %gather3A_577 = tpu.vector_load_idx %arg7[%add3A_576, %broadcast_in_dim3A_573] : memref<64x513xf32, #tpu.memory_space<vmem>>[vector<16xi32>, vector<16xi32>], vector<16xf32>,
        %swap3A_578 = arith.constant 9 : i32
        %swap3A_579 = arith.index_cast %swap3A_578 : i32 to index
        %swap3A_580 = arith.constant 0 : index
        %swap3A_581 = tpu.vector_load %arg12[%swap3A_579, %swap3A_580] {strides = array<i32>} : memref<16x128xf32, #tpu.memory_space<vmem>>, vector<16xf32>,
        tpu.vector_store %arg12[%swap3A_579, %swap3A_580], %gather3A_577 {strides = array<i32>} : memref<16x128xf32, #tpu.memory_space<vmem>>, vector<16xf32>,
        %add3A_582 = arith.constant 16 : i32
        %add3A_583 = vector.broadcast %add3A_582 : i32 to vector<16xi32>
        %add3A_584 = arith.addi %iota3A, %add3A_583 : vector<16xi32>
        %gather3A_585 = tpu.vector_load_idx %arg7[%add3A_584, %broadcast_in_dim3A_573] : memref<64x513xf32, #tpu.memory_space<vmem>>[vector<16xi32>, vector<16xi32>], vector<16xf32>,
        %swap3A_586 = arith.constant 9 : i32
        %swap3A_587 = arith.index_cast %swap3A_586 : i32 to index
        %swap3A_588 = arith.constant 16 : index
        %swap3A_589 = tpu.vector_load %arg12[%swap3A_587, %swap3A_588] {strides = array<i32>} : memref<16x128xf32, #tpu.memory_space<vmem>>, vector<16xf32>,
        tpu.vector_store %arg12[%swap3A_587, %swap3A_588], %gather3A_585 {strides = array<i32>} : memref<16x128xf32, #tpu.memory_space<vmem>>, vector<16xf32>,
        %add3A_590 = arith.constant 32 : i32
        %add3A_591 = vector.broadcast %add3A_590 : i32 to vector<16xi32>
        %add3A_592 = arith.addi %iota3A, %add3A_591 : vector<16xi32>
        %gather3A_593 = tpu.vector_load_idx %arg7[%add3A_592, %broadcast_in_dim3A_573] : memref<64x513xf32, #tpu.memory_space<vmem>>[vector<16xi32>, vector<16xi32>], vector<16xf32>,
        %swap3A_594 = arith.constant 9 : i32
        %swap3A_595 = arith.index_cast %swap3A_594 : i32 to index
        %swap3A_596 = arith.constant 32 : index
        %swap3A_597 = tpu.vector_load %arg12[%swap3A_595, %swap3A_596] {strides = array<i32>} : memref<16x128xf32, #tpu.memory_space<vmem>>, vector<16xf32>,
        tpu.vector_store %arg12[%swap3A_595, %swap3A_596], %gather3A_593 {strides = array<i32>} : memref<16x128xf32, #tpu.memory_space<vmem>>, vector<16xf32>,
        %add3A_598 = arith.constant 48 : i32
        %add3A_599 = vector.broadcast %add3A_598 : i32 to vector<16xi32>
        %add3A_600 = arith.addi %iota3A, %add3A_599 : vector<16xi32>
        %gather3A_601 = tpu.vector_load_idx %arg7[%add3A_600, %broadcast_in_dim3A_573] : memref<64x513xf32, #tpu.memory_space<vmem>>[vector<16xi32>, vector<16xi32>], vector<16xf32>,
        %swap3A_602 = arith.constant 9 : i32
        %swap3A_603 = arith.index_cast %swap3A_602 : i32 to index
        %swap3A_604 = arith.constant 48 : index
        %swap3A_605 = tpu.vector_load %arg12[%swap3A_603, %swap3A_604] {strides = array<i32>} : memref<16x128xf32, #tpu.memory_space<vmem>>, vector<16xf32>,
        tpu.vector_store %arg12[%swap3A_603, %swap3A_604], %gather3A_601 {strides = array<i32>} : memref<16x128xf32, #tpu.memory_space<vmem>>, vector<16xf32>,
        %slice3A_606 = vector.extract_strided_slice %shift_right_logical3A_257 {offsets = [10], sizes = [1], strides = [1]} : vector<16xi32> to vector<1xi32>
        %squeeze3A_607 = vector.extract %slice3A_606[0] : i32 from vector<1xi32>
        %broadcast_in_dim3A_608 = vector.broadcast %squeeze3A_607 : i32 to vector<16xi32>
        %add3A_609 = arith.constant 0 : i32
        %add3A_610 = vector.broadcast %add3A_609 : i32 to vector<16xi32>
        %add3A_611 = arith.addi %iota3A, %add3A_610 : vector<16xi32>
        %gather3A_612 = tpu.vector_load_idx %arg7[%add3A_611, %broadcast_in_dim3A_608] : memref<64x513xf32, #tpu.memory_space<vmem>>[vector<16xi32>, vector<16xi32>], vector<16xf32>,
        %swap3A_613 = arith.constant 10 : i32
        %swap3A_614 = arith.index_cast %swap3A_613 : i32 to index
        %swap3A_615 = arith.constant 0 : index
        %swap3A_616 = tpu.vector_load %arg12[%swap3A_614, %swap3A_615] {strides = array<i32>} : memref<16x128xf32, #tpu.memory_space<vmem>>, vector<16xf32>,
        tpu.vector_store %arg12[%swap3A_614, %swap3A_615], %gather3A_612 {strides = array<i32>} : memref<16x128xf32, #tpu.memory_space<vmem>>, vector<16xf32>,
        %add3A_617 = arith.constant 16 : i32
        %add3A_618 = vector.broadcast %add3A_617 : i32 to vector<16xi32>
        %add3A_619 = arith.addi %iota3A, %add3A_618 : vector<16xi32>
        %gather3A_620 = tpu.vector_load_idx %arg7[%add3A_619, %broadcast_in_dim3A_608] : memref<64x513xf32, #tpu.memory_space<vmem>>[vector<16xi32>, vector<16xi32>], vector<16xf32>,
        %swap3A_621 = arith.constant 10 : i32
        %swap3A_622 = arith.index_cast %swap3A_621 : i32 to index
        %swap3A_623 = arith.constant 16 : index
        %swap3A_624 = tpu.vector_load %arg12[%swap3A_622, %swap3A_623] {strides = array<i32>} : memref<16x128xf32, #tpu.memory_space<vmem>>, vector<16xf32>,
        tpu.vector_store %arg12[%swap3A_622, %swap3A_623], %gather3A_620 {strides = array<i32>} : memref<16x128xf32, #tpu.memory_space<vmem>>, vector<16xf32>,
        %add3A_625 = arith.constant 32 : i32
        %add3A_626 = vector.broadcast %add3A_625 : i32 to vector<16xi32>
        %add3A_627 = arith.addi %iota3A, %add3A_626 : vector<16xi32>
        %gather3A_628 = tpu.vector_load_idx %arg7[%add3A_627, %broadcast_in_dim3A_608] : memref<64x513xf32, #tpu.memory_space<vmem>>[vector<16xi32>, vector<16xi32>], vector<16xf32>,
        %swap3A_629 = arith.constant 10 : i32
        %swap3A_630 = arith.index_cast %swap3A_629 : i32 to index
        %swap3A_631 = arith.constant 32 : index
        %swap3A_632 = tpu.vector_load %arg12[%swap3A_630, %swap3A_631] {strides = array<i32>} : memref<16x128xf32, #tpu.memory_space<vmem>>, vector<16xf32>,
        tpu.vector_store %arg12[%swap3A_630, %swap3A_631], %gather3A_628 {strides = array<i32>} : memref<16x128xf32, #tpu.memory_space<vmem>>, vector<16xf32>,
        %add3A_633 = arith.constant 48 : i32
        %add3A_634 = vector.broadcast %add3A_633 : i32 to vector<16xi32>
        %add3A_635 = arith.addi %iota3A, %add3A_634 : vector<16xi32>
        %gather3A_636 = tpu.vector_load_idx %arg7[%add3A_635, %broadcast_in_dim3A_608] : memref<64x513xf32, #tpu.memory_space<vmem>>[vector<16xi32>, vector<16xi32>], vector<16xf32>,
        %swap3A_637 = arith.constant 10 : i32
        %swap3A_638 = arith.index_cast %swap3A_637 : i32 to index
        %swap3A_639 = arith.constant 48 : index
        %swap3A_640 = tpu.vector_load %arg12[%swap3A_638, %swap3A_639] {strides = array<i32>} : memref<16x128xf32, #tpu.memory_space<vmem>>, vector<16xf32>,
        tpu.vector_store %arg12[%swap3A_638, %swap3A_639], %gather3A_636 {strides = array<i32>} : memref<16x128xf32, #tpu.memory_space<vmem>>, vector<16xf32>,
        %slice3A_641 = vector.extract_strided_slice %shift_right_logical3A_257 {offsets = [11], sizes = [1], strides = [1]} : vector<16xi32> to vector<1xi32>
        %squeeze3A_642 = vector.extract %slice3A_641[0] : i32 from vector<1xi32>
        %broadcast_in_dim3A_643 = vector.broadcast %squeeze3A_642 : i32 to vector<16xi32>
        %add3A_644 = arith.constant 0 : i32
        %add3A_645 = vector.broadcast %add3A_644 : i32 to vector<16xi32>
        %add3A_646 = arith.addi %iota3A, %add3A_645 : vector<16xi32>
        %gather3A_647 = tpu.vector_load_idx %arg7[%add3A_646, %broadcast_in_dim3A_643] : memref<64x513xf32, #tpu.memory_space<vmem>>[vector<16xi32>, vector<16xi32>], vector<16xf32>,
        %swap3A_648 = arith.constant 11 : i32
        %swap3A_649 = arith.index_cast %swap3A_648 : i32 to index
        %swap3A_650 = arith.constant 0 : index
        %swap3A_651 = tpu.vector_load %arg12[%swap3A_649, %swap3A_650] {strides = array<i32>} : memref<16x128xf32, #tpu.memory_space<vmem>>, vector<16xf32>,
        tpu.vector_store %arg12[%swap3A_649, %swap3A_650], %gather3A_647 {strides = array<i32>} : memref<16x128xf32, #tpu.memory_space<vmem>>, vector<16xf32>,
        %add3A_652 = arith.constant 16 : i32
        %add3A_653 = vector.broadcast %add3A_652 : i32 to vector<16xi32>
        %add3A_654 = arith.addi %iota3A, %add3A_653 : vector<16xi32>
        %gather3A_655 = tpu.vector_load_idx %arg7[%add3A_654, %broadcast_in_dim3A_643] : memref<64x513xf32, #tpu.memory_space<vmem>>[vector<16xi32>, vector<16xi32>], vector<16xf32>,
        %swap3A_656 = arith.constant 11 : i32
        %swap3A_657 = arith.index_cast %swap3A_656 : i32 to index
        %swap3A_658 = arith.constant 16 : index
        %swap3A_659 = tpu.vector_load %arg12[%swap3A_657, %swap3A_658] {strides = array<i32>} : memref<16x128xf32, #tpu.memory_space<vmem>>, vector<16xf32>,
        tpu.vector_store %arg12[%swap3A_657, %swap3A_658], %gather3A_655 {strides = array<i32>} : memref<16x128xf32, #tpu.memory_space<vmem>>, vector<16xf32>,
        %add3A_660 = arith.constant 32 : i32
        %add3A_661 = vector.broadcast %add3A_660 : i32 to vector<16xi32>
        %add3A_662 = arith.addi %iota3A, %add3A_661 : vector<16xi32>
        %gather3A_663 = tpu.vector_load_idx %arg7[%add3A_662, %broadcast_in_dim3A_643] : memref<64x513xf32, #tpu.memory_space<vmem>>[vector<16xi32>, vector<16xi32>], vector<16xf32>,
        %swap3A_664 = arith.constant 11 : i32
        %swap3A_665 = arith.index_cast %swap3A_664 : i32 to index
        %swap3A_666 = arith.constant 32 : index
        %swap3A_667 = tpu.vector_load %arg12[%swap3A_665, %swap3A_666] {strides = array<i32>} : memref<16x128xf32, #tpu.memory_space<vmem>>, vector<16xf32>,
        tpu.vector_store %arg12[%swap3A_665, %swap3A_666], %gather3A_663 {strides = array<i32>} : memref<16x128xf32, #tpu.memory_space<vmem>>, vector<16xf32>,
        %add3A_668 = arith.constant 48 : i32
        %add3A_669 = vector.broadcast %add3A_668 : i32 to vector<16xi32>
        %add3A_670 = arith.addi %iota3A, %add3A_669 : vector<16xi32>
        %gather3A_671 = tpu.vector_load_idx %arg7[%add3A_670, %broadcast_in_dim3A_643] : memref<64x513xf32, #tpu.memory_space<vmem>>[vector<16xi32>, vector<16xi32>], vector<16xf32>,
        %swap3A_672 = arith.constant 11 : i32
        %swap3A_673 = arith.index_cast %swap3A_672 : i32 to index
        %swap3A_674 = arith.constant 48 : index
        %swap3A_675 = tpu.vector_load %arg12[%swap3A_673, %swap3A_674] {strides = array<i32>} : memref<16x128xf32, #tpu.memory_space<vmem>>, vector<16xf32>,
        tpu.vector_store %arg12[%swap3A_673, %swap3A_674], %gather3A_671 {strides = array<i32>} : memref<16x128xf32, #tpu.memory_space<vmem>>, vector<16xf32>,
        %slice3A_676 = vector.extract_strided_slice %shift_right_logical3A_257 {offsets = [12], sizes = [1], strides = [1]} : vector<16xi32> to vector<1xi32>
        %squeeze3A_677 = vector.extract %slice3A_676[0] : i32 from vector<1xi32>
        %broadcast_in_dim3A_678 = vector.broadcast %squeeze3A_677 : i32 to vector<16xi32>
        %add3A_679 = arith.constant 0 : i32
        %add3A_680 = vector.broadcast %add3A_679 : i32 to vector<16xi32>
        %add3A_681 = arith.addi %iota3A, %add3A_680 : vector<16xi32>
        %gather3A_682 = tpu.vector_load_idx %arg7[%add3A_681, %broadcast_in_dim3A_678] : memref<64x513xf32, #tpu.memory_space<vmem>>[vector<16xi32>, vector<16xi32>], vector<16xf32>,
        %swap3A_683 = arith.constant 12 : i32
        %swap3A_684 = arith.index_cast %swap3A_683 : i32 to index
        %swap3A_685 = arith.constant 0 : index
        %swap3A_686 = tpu.vector_load %arg12[%swap3A_684, %swap3A_685] {strides = array<i32>} : memref<16x128xf32, #tpu.memory_space<vmem>>, vector<16xf32>,
        tpu.vector_store %arg12[%swap3A_684, %swap3A_685], %gather3A_682 {strides = array<i32>} : memref<16x128xf32, #tpu.memory_space<vmem>>, vector<16xf32>,
        %add3A_687 = arith.constant 16 : i32
        %add3A_688 = vector.broadcast %add3A_687 : i32 to vector<16xi32>
        %add3A_689 = arith.addi %iota3A, %add3A_688 : vector<16xi32>
        %gather3A_690 = tpu.vector_load_idx %arg7[%add3A_689, %broadcast_in_dim3A_678] : memref<64x513xf32, #tpu.memory_space<vmem>>[vector<16xi32>, vector<16xi32>], vector<16xf32>,
        %swap3A_691 = arith.constant 12 : i32
        %swap3A_692 = arith.index_cast %swap3A_691 : i32 to index
        %swap3A_693 = arith.constant 16 : index
        %swap3A_694 = tpu.vector_load %arg12[%swap3A_692, %swap3A_693] {strides = array<i32>} : memref<16x128xf32, #tpu.memory_space<vmem>>, vector<16xf32>,
        tpu.vector_store %arg12[%swap3A_692, %swap3A_693], %gather3A_690 {strides = array<i32>} : memref<16x128xf32, #tpu.memory_space<vmem>>, vector<16xf32>,
        %add3A_695 = arith.constant 32 : i32
        %add3A_696 = vector.broadcast %add3A_695 : i32 to vector<16xi32>
        %add3A_697 = arith.addi %iota3A, %add3A_696 : vector<16xi32>
        %gather3A_698 = tpu.vector_load_idx %arg7[%add3A_697, %broadcast_in_dim3A_678] : memref<64x513xf32, #tpu.memory_space<vmem>>[vector<16xi32>, vector<16xi32>], vector<16xf32>,
        %swap3A_699 = arith.constant 12 : i32
        %swap3A_700 = arith.index_cast %swap3A_699 : i32 to index
        %swap3A_701 = arith.constant 32 : index
        %swap3A_702 = tpu.vector_load %arg12[%swap3A_700, %swap3A_701] {strides = array<i32>} : memref<16x128xf32, #tpu.memory_space<vmem>>, vector<16xf32>,
        tpu.vector_store %arg12[%swap3A_700, %swap3A_701], %gather3A_698 {strides = array<i32>} : memref<16x128xf32, #tpu.memory_space<vmem>>, vector<16xf32>,
        %add3A_703 = arith.constant 48 : i32
        %add3A_704 = vector.broadcast %add3A_703 : i32 to vector<16xi32>
        %add3A_705 = arith.addi %iota3A, %add3A_704 : vector<16xi32>
        %gather3A_706 = tpu.vector_load_idx %arg7[%add3A_705, %broadcast_in_dim3A_678] : memref<64x513xf32, #tpu.memory_space<vmem>>[vector<16xi32>, vector<16xi32>], vector<16xf32>,
        %swap3A_707 = arith.constant 12 : i32
        %swap3A_708 = arith.index_cast %swap3A_707 : i32 to index
        %swap3A_709 = arith.constant 48 : index
        %swap3A_710 = tpu.vector_load %arg12[%swap3A_708, %swap3A_709] {strides = array<i32>} : memref<16x128xf32, #tpu.memory_space<vmem>>, vector<16xf32>,
        tpu.vector_store %arg12[%swap3A_708, %swap3A_709], %gather3A_706 {strides = array<i32>} : memref<16x128xf32, #tpu.memory_space<vmem>>, vector<16xf32>,
        %slice3A_711 = vector.extract_strided_slice %shift_right_logical3A_257 {offsets = [13], sizes = [1], strides = [1]} : vector<16xi32> to vector<1xi32>
        %squeeze3A_712 = vector.extract %slice3A_711[0] : i32 from vector<1xi32>
        %broadcast_in_dim3A_713 = vector.broadcast %squeeze3A_712 : i32 to vector<16xi32>
        %add3A_714 = arith.constant 0 : i32
        %add3A_715 = vector.broadcast %add3A_714 : i32 to vector<16xi32>
        %add3A_716 = arith.addi %iota3A, %add3A_715 : vector<16xi32>
        %gather3A_717 = tpu.vector_load_idx %arg7[%add3A_716, %broadcast_in_dim3A_713] : memref<64x513xf32, #tpu.memory_space<vmem>>[vector<16xi32>, vector<16xi32>], vector<16xf32>,
        %swap3A_718 = arith.constant 13 : i32
        %swap3A_719 = arith.index_cast %swap3A_718 : i32 to index
        %swap3A_720 = arith.constant 0 : index
        %swap3A_721 = tpu.vector_load %arg12[%swap3A_719, %swap3A_720] {strides = array<i32>} : memref<16x128xf32, #tpu.memory_space<vmem>>, vector<16xf32>,
        tpu.vector_store %arg12[%swap3A_719, %swap3A_720], %gather3A_717 {strides = array<i32>} : memref<16x128xf32, #tpu.memory_space<vmem>>, vector<16xf32>,
        %add3A_722 = arith.constant 16 : i32
        %add3A_723 = vector.broadcast %add3A_722 : i32 to vector<16xi32>
        %add3A_724 = arith.addi %iota3A, %add3A_723 : vector<16xi32>
        %gather3A_725 = tpu.vector_load_idx %arg7[%add3A_724, %broadcast_in_dim3A_713] : memref<64x513xf32, #tpu.memory_space<vmem>>[vector<16xi32>, vector<16xi32>], vector<16xf32>,
        %swap3A_726 = arith.constant 13 : i32
        %swap3A_727 = arith.index_cast %swap3A_726 : i32 to index
        %swap3A_728 = arith.constant 16 : index
        %swap3A_729 = tpu.vector_load %arg12[%swap3A_727, %swap3A_728] {strides = array<i32>} : memref<16x128xf32, #tpu.memory_space<vmem>>, vector<16xf32>,
        tpu.vector_store %arg12[%swap3A_727, %swap3A_728], %gather3A_725 {strides = array<i32>} : memref<16x128xf32, #tpu.memory_space<vmem>>, vector<16xf32>,
        %add3A_730 = arith.constant 32 : i32
        %add3A_731 = vector.broadcast %add3A_730 : i32 to vector<16xi32>
        %add3A_732 = arith.addi %iota3A, %add3A_731 : vector<16xi32>
        %gather3A_733 = tpu.vector_load_idx %arg7[%add3A_732, %broadcast_in_dim3A_713] : memref<64x513xf32, #tpu.memory_space<vmem>>[vector<16xi32>, vector<16xi32>], vector<16xf32>,
        %swap3A_734 = arith.constant 13 : i32
        %swap3A_735 = arith.index_cast %swap3A_734 : i32 to index
        %swap3A_736 = arith.constant 32 : index
        %swap3A_737 = tpu.vector_load %arg12[%swap3A_735, %swap3A_736] {strides = array<i32>} : memref<16x128xf32, #tpu.memory_space<vmem>>, vector<16xf32>,
        tpu.vector_store %arg12[%swap3A_735, %swap3A_736], %gather3A_733 {strides = array<i32>} : memref<16x128xf32, #tpu.memory_space<vmem>>, vector<16xf32>,
        %add3A_738 = arith.constant 48 : i32
        %add3A_739 = vector.broadcast %add3A_738 : i32 to vector<16xi32>
        %add3A_740 = arith.addi %iota3A, %add3A_739 : vector<16xi32>
        %gather3A_741 = tpu.vector_load_idx %arg7[%add3A_740, %broadcast_in_dim3A_713] : memref<64x513xf32, #tpu.memory_space<vmem>>[vector<16xi32>, vector<16xi32>], vector<16xf32>,
        %swap3A_742 = arith.constant 13 : i32
        %swap3A_743 = arith.index_cast %swap3A_742 : i32 to index
        %swap3A_744 = arith.constant 48 : index
        %swap3A_745 = tpu.vector_load %arg12[%swap3A_743, %swap3A_744] {strides = array<i32>} : memref<16x128xf32, #tpu.memory_space<vmem>>, vector<16xf32>,
        tpu.vector_store %arg12[%swap3A_743, %swap3A_744], %gather3A_741 {strides = array<i32>} : memref<16x128xf32, #tpu.memory_space<vmem>>, vector<16xf32>,
        %slice3A_746 = vector.extract_strided_slice %shift_right_logical3A_257 {offsets = [14], sizes = [1], strides = [1]} : vector<16xi32> to vector<1xi32>
        %squeeze3A_747 = vector.extract %slice3A_746[0] : i32 from vector<1xi32>
        %broadcast_in_dim3A_748 = vector.broadcast %squeeze3A_747 : i32 to vector<16xi32>
        %add3A_749 = arith.constant 0 : i32
        %add3A_750 = vector.broadcast %add3A_749 : i32 to vector<16xi32>
        %add3A_751 = arith.addi %iota3A, %add3A_750 : vector<16xi32>
        %gather3A_752 = tpu.vector_load_idx %arg7[%add3A_751, %broadcast_in_dim3A_748] : memref<64x513xf32, #tpu.memory_space<vmem>>[vector<16xi32>, vector<16xi32>], vector<16xf32>,
        %swap3A_753 = arith.constant 14 : i32
        %swap3A_754 = arith.index_cast %swap3A_753 : i32 to index
        %swap3A_755 = arith.constant 0 : index
        %swap3A_756 = tpu.vector_load %arg12[%swap3A_754, %swap3A_755] {strides = array<i32>} : memref<16x128xf32, #tpu.memory_space<vmem>>, vector<16xf32>,
        tpu.vector_store %arg12[%swap3A_754, %swap3A_755], %gather3A_752 {strides = array<i32>} : memref<16x128xf32, #tpu.memory_space<vmem>>, vector<16xf32>,
        %add3A_757 = arith.constant 16 : i32
        %add3A_758 = vector.broadcast %add3A_757 : i32 to vector<16xi32>
        %add3A_759 = arith.addi %iota3A, %add3A_758 : vector<16xi32>
        %gather3A_760 = tpu.vector_load_idx %arg7[%add3A_759, %broadcast_in_dim3A_748] : memref<64x513xf32, #tpu.memory_space<vmem>>[vector<16xi32>, vector<16xi32>], vector<16xf32>,
        %swap3A_761 = arith.constant 14 : i32
        %swap3A_762 = arith.index_cast %swap3A_761 : i32 to index
        %swap3A_763 = arith.constant 16 : index
        %swap3A_764 = tpu.vector_load %arg12[%swap3A_762, %swap3A_763] {strides = array<i32>} : memref<16x128xf32, #tpu.memory_space<vmem>>, vector<16xf32>,
        tpu.vector_store %arg12[%swap3A_762, %swap3A_763], %gather3A_760 {strides = array<i32>} : memref<16x128xf32, #tpu.memory_space<vmem>>, vector<16xf32>,
        %add3A_765 = arith.constant 32 : i32
        %add3A_766 = vector.broadcast %add3A_765 : i32 to vector<16xi32>
        %add3A_767 = arith.addi %iota3A, %add3A_766 : vector<16xi32>
        %gather3A_768 = tpu.vector_load_idx %arg7[%add3A_767, %broadcast_in_dim3A_748] : memref<64x513xf32, #tpu.memory_space<vmem>>[vector<16xi32>, vector<16xi32>], vector<16xf32>,
        %swap3A_769 = arith.constant 14 : i32
        %swap3A_770 = arith.index_cast %swap3A_769 : i32 to index
        %swap3A_771 = arith.constant 32 : index
        %swap3A_772 = tpu.vector_load %arg12[%swap3A_770, %swap3A_771] {strides = array<i32>} : memref<16x128xf32, #tpu.memory_space<vmem>>, vector<16xf32>,
        tpu.vector_store %arg12[%swap3A_770, %swap3A_771], %gather3A_768 {strides = array<i32>} : memref<16x128xf32, #tpu.memory_space<vmem>>, vector<16xf32>,
        %add3A_773 = arith.constant 48 : i32
        %add3A_774 = vector.broadcast %add3A_773 : i32 to vector<16xi32>
        %add3A_775 = arith.addi %iota3A, %add3A_774 : vector<16xi32>
        %gather3A_776 = tpu.vector_load_idx %arg7[%add3A_775, %broadcast_in_dim3A_748] : memref<64x513xf32, #tpu.memory_space<vmem>>[vector<16xi32>, vector<16xi32>], vector<16xf32>,
        %swap3A_777 = arith.constant 14 : i32
        %swap3A_778 = arith.index_cast %swap3A_777 : i32 to index
        %swap3A_779 = arith.constant 48 : index
        %swap3A_780 = tpu.vector_load %arg12[%swap3A_778, %swap3A_779] {strides = array<i32>} : memref<16x128xf32, #tpu.memory_space<vmem>>, vector<16xf32>,
        tpu.vector_store %arg12[%swap3A_778, %swap3A_779], %gather3A_776 {strides = array<i32>} : memref<16x128xf32, #tpu.memory_space<vmem>>, vector<16xf32>,
        %slice3A_781 = vector.extract_strided_slice %shift_right_logical3A_257 {offsets = [15], sizes = [1], strides = [1]} : vector<16xi32> to vector<1xi32>
        %squeeze3A_782 = vector.extract %slice3A_781[0] : i32 from vector<1xi32>
        %broadcast_in_dim3A_783 = vector.broadcast %squeeze3A_782 : i32 to vector<16xi32>
        %add3A_784 = arith.constant 0 : i32
        %add3A_785 = vector.broadcast %add3A_784 : i32 to vector<16xi32>
        %add3A_786 = arith.addi %iota3A, %add3A_785 : vector<16xi32>
        %gather3A_787 = tpu.vector_load_idx %arg7[%add3A_786, %broadcast_in_dim3A_783] : memref<64x513xf32, #tpu.memory_space<vmem>>[vector<16xi32>, vector<16xi32>], vector<16xf32>,
        %swap3A_788 = arith.constant 15 : i32
        %swap3A_789 = arith.index_cast %swap3A_788 : i32 to index
        %swap3A_790 = arith.constant 0 : index
        %swap3A_791 = tpu.vector_load %arg12[%swap3A_789, %swap3A_790] {strides = array<i32>} : memref<16x128xf32, #tpu.memory_space<vmem>>, vector<16xf32>,
        tpu.vector_store %arg12[%swap3A_789, %swap3A_790], %gather3A_787 {strides = array<i32>} : memref<16x128xf32, #tpu.memory_space<vmem>>, vector<16xf32>,
        %add3A_792 = arith.constant 16 : i32
        %add3A_793 = vector.broadcast %add3A_792 : i32 to vector<16xi32>
        %add3A_794 = arith.addi %iota3A, %add3A_793 : vector<16xi32>
        %gather3A_795 = tpu.vector_load_idx %arg7[%add3A_794, %broadcast_in_dim3A_783] : memref<64x513xf32, #tpu.memory_space<vmem>>[vector<16xi32>, vector<16xi32>], vector<16xf32>,
        %swap3A_796 = arith.constant 15 : i32
        %swap3A_797 = arith.index_cast %swap3A_796 : i32 to index
        %swap3A_798 = arith.constant 16 : index
        %swap3A_799 = tpu.vector_load %arg12[%swap3A_797, %swap3A_798] {strides = array<i32>} : memref<16x128xf32, #tpu.memory_space<vmem>>, vector<16xf32>,
        tpu.vector_store %arg12[%swap3A_797, %swap3A_798], %gather3A_795 {strides = array<i32>} : memref<16x128xf32, #tpu.memory_space<vmem>>, vector<16xf32>,
        %add3A_800 = arith.constant 32 : i32
        %add3A_801 = vector.broadcast %add3A_800 : i32 to vector<16xi32>
        %add3A_802 = arith.addi %iota3A, %add3A_801 : vector<16xi32>
        %gather3A_803 = tpu.vector_load_idx %arg7[%add3A_802, %broadcast_in_dim3A_783] : memref<64x513xf32, #tpu.memory_space<vmem>>[vector<16xi32>, vector<16xi32>], vector<16xf32>,
        %swap3A_804 = arith.constant 15 : i32
        %swap3A_805 = arith.index_cast %swap3A_804 : i32 to index
        %swap3A_806 = arith.constant 32 : index
        %swap3A_807 = tpu.vector_load %arg12[%swap3A_805, %swap3A_806] {strides = array<i32>} : memref<16x128xf32, #tpu.memory_space<vmem>>, vector<16xf32>,
        tpu.vector_store %arg12[%swap3A_805, %swap3A_806], %gather3A_803 {strides = array<i32>} : memref<16x128xf32, #tpu.memory_space<vmem>>, vector<16xf32>,
        %add3A_808 = arith.constant 48 : i32
        %add3A_809 = vector.broadcast %add3A_808 : i32 to vector<16xi32>
        %add3A_810 = arith.addi %iota3A, %add3A_809 : vector<16xi32>
        %gather3A_811 = tpu.vector_load_idx %arg7[%add3A_810, %broadcast_in_dim3A_783] : memref<64x513xf32, #tpu.memory_space<vmem>>[vector<16xi32>, vector<16xi32>], vector<16xf32>,
        %swap3A_812 = arith.constant 15 : i32
        %swap3A_813 = arith.index_cast %swap3A_812 : i32 to index
        %swap3A_814 = arith.constant 48 : index
        %swap3A_815 = tpu.vector_load %arg12[%swap3A_813, %swap3A_814] {strides = array<i32>} : memref<16x128xf32, #tpu.memory_space<vmem>>, vector<16xf32>,
        tpu.vector_store %arg12[%swap3A_813, %swap3A_814], %gather3A_811 {strides = array<i32>} : memref<16x128xf32, #tpu.memory_space<vmem>>, vector<16xf32>,
        %mul3A_816 = arith.constant 16384 : i32
        %mul3A_817 = arith.muli %add3A, %mul3A_816 : i32
        %mul3A_818 = arith.constant 16 : i32
        %mul3A_819 = arith.muli %while3A_252, %mul3A_818 : i32
        %add3A_820 = arith.addi %mul3A_817, %mul3A_819 : i32
        "tpu.region"() ({
          %run_scoped3A_839 = tpu.sem_alloc : memref<!tpu.dma_semaphore, #tpu.memory_space<semaphore_mem>>
          %dma_start3A_840 = arith.constant 0 : i32
          %dma_start3A_841 = tpu.memref_slice %arg4[%add3A_820, %dma_start3A_840] : memref<524288x128xf32, #tpu.memory_space<hbm>> -> memref<16x128xf32, #tpu.memory_space<hbm>>
          %dma_start3A_842 = arith.constant 0 : i32
          %dma_start3A_843 = tpu.memref_slice %arg4[%add3A_820, %dma_start3A_842] : memref<524288x128xf32, #tpu.memory_space<hbm>> -> memref<16x128xf32, #tpu.memory_space<hbm>>
          tpu.enqueue_dma source(%arg12 : memref<16x128xf32, #tpu.memory_space<vmem>>) target(%dma_start3A_843 : memref<16x128xf32, #tpu.memory_space<hbm>>) target_semaphore(%run_scoped3A_839 : memref<!tpu.dma_semaphore, #tpu.memory_space<semaphore_mem>>)
          %dma_wait3A_844 = arith.constant 0 : i32
          %dma_wait3A_845 = tpu.memref_slice %arg4[%add3A_820, %dma_wait3A_844] : memref<524288x128xf32, #tpu.memory_space<hbm>> -> memref<16x128xf32, #tpu.memory_space<hbm>>
          %dma_wait3A_846 = arith.constant 0 : i32
          %dma_wait3A_847 = tpu.memref_slice %arg4[%add3A_820, %dma_wait3A_846] : memref<524288x128xf32, #tpu.memory_space<hbm>> -> memref<16x128xf32, #tpu.memory_space<hbm>>
          tpu.wait_dma2 semaphore(%run_scoped3A_839 : memref<!tpu.dma_semaphore, #tpu.memory_space<semaphore_mem>>) src(%arg12 : memref<16x128xf32, #tpu.memory_space<vmem>>) dst(%dma_wait3A_847 : memref<16x128xf32, #tpu.memory_space<hbm>>)
          tpu.yield
        }) : () -> ()
        %mul3A_821 = arith.constant 16384 : i32
        %mul3A_822 = arith.muli %add3A, %mul3A_821 : i32
        %mul3A_823 = arith.constant 16 : i32
        %mul3A_824 = arith.muli %while3A_252, %mul3A_823 : i32
        %add3A_825 = arith.addi %mul3A_822, %mul3A_824 : i32
        %add3A_826 = vector.broadcast %add3A_825 : i32 to vector<16xi32>
        %add3A_827 = arith.addi %add3A_826, %iota3A : vector<16xi32>
        %swap3A_828 = arith.constant 0 : i32
        %swap3A_829 = arith.index_cast %swap3A_828 : i32 to index
        %swap3A_830 = arith.constant 0 : index
        %swap3A_831 = tpu.vector_load %arg13[%swap3A_829, %swap3A_830] {strides = array<i32>} : memref<1x16xi32, #tpu.memory_space<vmem>>, vector<16xi32>,
        tpu.vector_store %arg13[%swap3A_829, %swap3A_830], %add3A_827 {strides = array<i32>} : memref<1x16xi32, #tpu.memory_space<vmem>>, vector<16xi32>,
        %swap3A_832 = arith.constant 0 : i32
        %swap3A_833 = arith.index_cast %swap3A_832 : i32 to index
        %swap3A_834 = arith.constant 0 : index
        %swap3A_835 = tpu.vector_load %arg14[%swap3A_833, %swap3A_834] {strides = array<i32>} : memref<1x16xi32, #tpu.memory_space<vmem>>, vector<16xi32>,
        tpu.vector_store %arg14[%swap3A_833, %swap3A_834], %and3A_259 {strides = array<i32>} : memref<1x16xi32, #tpu.memory_space<vmem>>, vector<16xi32>,
        %run_scoped3A = arith.constant 0 : i32
        %run_scoped3A_836 = arith.constant 0 : i32
        "tpu.region"() ({
          %run_scoped3A_839 = tpu.sem_alloc : memref<!tpu.dma_semaphore, #tpu.memory_space<semaphore_mem>>
          %dma_start3A_840 = arith.constant 0 : i32
          %dma_start3A_841 = tpu.memref_slice %arg13[%run_scoped3A, %dma_start3A_840] : memref<1x16xi32, #tpu.memory_space<vmem>> -> memref<1x16xi32, #tpu.memory_space<vmem>>
          %dma_start3A_842 = tpu.memref_squeeze %dma_start3A_841 : memref<1x16xi32, #tpu.memory_space<vmem>> -> memref<16xi32, #tpu.memory_space<vmem>>
          %dma_start3A_843 = arith.constant 0 : i32
          %dma_start3A_844 = tpu.memref_slice %arg14[%run_scoped3A_836, %dma_start3A_843] : memref<1x16xi32, #tpu.memory_space<vmem>> -> memref<1x16xi32, #tpu.memory_space<vmem>>
          %dma_start3A_845 = tpu.memref_squeeze %dma_start3A_844 : memref<1x16xi32, #tpu.memory_space<vmem>> -> memref<16xi32, #tpu.memory_space<vmem>>
          %dma_start3A_846 = arith.constant 0 : i32
          %dma_start3A_847 = tpu.memref_slice %arg15[%dma_start3A_846] : memref<16512xi32, #tpu.memory_space<vmem_shared>> -> memref<16512xi32, #tpu.memory_space<vmem_shared>>
          tpu.enqueue_indirect_dma source(%dma_start3A_842 : memref<16xi32, #tpu.memory_space<vmem>>) target(%dma_start3A_847 : memref<16512xi32, #tpu.memory_space<vmem_shared>>) offsets(%dma_start3A_845 : memref<16xi32, #tpu.memory_space<vmem>>) semaphore(%run_scoped3A_839 : memref<!tpu.dma_semaphore, #tpu.memory_space<semaphore_mem>>)
          %dma_wait3A_848 = arith.constant 0 : i32
          %dma_wait3A_849 = tpu.memref_slice %arg13[%run_scoped3A, %dma_wait3A_848] : memref<1x16xi32, #tpu.memory_space<vmem>> -> memref<1x16xi32, #tpu.memory_space<vmem>>
          %dma_wait3A_850 = tpu.memref_squeeze %dma_wait3A_849 : memref<1x16xi32, #tpu.memory_space<vmem>> -> memref<16xi32, #tpu.memory_space<vmem>>
          %dma_wait3A_851 = arith.constant 0 : i32
          %dma_wait3A_852 = tpu.memref_slice %arg14[%run_scoped3A_836, %dma_wait3A_851] : memref<1x16xi32, #tpu.memory_space<vmem>> -> memref<1x16xi32, #tpu.memory_space<vmem>>
          %dma_wait3A_853 = tpu.memref_squeeze %dma_wait3A_852 : memref<1x16xi32, #tpu.memory_space<vmem>> -> memref<16xi32, #tpu.memory_space<vmem>>
          %dma_wait3A_854 = arith.constant 0 : i32
          %dma_wait3A_855 = tpu.memref_slice %arg15[%dma_wait3A_854] : memref<16512xi32, #tpu.memory_space<vmem_shared>> -> memref<16512xi32, #tpu.memory_space<vmem_shared>>
          tpu.wait_indirect_dma semaphore(%run_scoped3A_839 : memref<!tpu.dma_semaphore, #tpu.memory_space<semaphore_mem>>) src(%dma_wait3A_850 : memref<16xi32, #tpu.memory_space<vmem>>) dst(%dma_wait3A_855 : memref<16512xi32, #tpu.memory_space<vmem_shared>>)
          tpu.yield
        }) : () -> ()
        %add3A_837 = arith.constant 1 : i32
        %add3A_838 = arith.addi %while3A_252, %add3A_837 : i32
        scf.yield %add3A_838 : i32
      }
      scf.yield %while3A_250 : i32
    }
    %while3A_43 = arith.constant 1 : i32
    %while3A_44 = scf.for %while3A_54 = %while3A_40 to %while3A_36 step %while3A_43 iter_args(%while3A_55 = %while3A_42) -> (i32)  : i32 {
      %mul3A_56 = arith.constant 512 : i32
      %mul3A_57 = arith.muli %while3A_54, %mul3A_56 : i32
      %sub3A_58 = arith.constant 512 : i32
      %sub3A_59 = arith.subi %mul3A_9, %sub3A_58 : i32
      %min3A_60 = arith.minsi %mul3A_57, %sub3A_59 : i32
      %add3A_61 = arith.addi %mul3A_7, %min3A_60 : i32
      %dma_start3A = arith.constant 0 : i32
      %dma_start3A_62 = arith.constant 0 : i32
      %dma_start3A_63 = tpu.memref_slice %arg7[%dma_start3A, %dma_start3A_62] : memref<64x513xf32, #tpu.memory_space<vmem>> -> memref<8x512xf32, #tpu.memory_space<vmem>>
      %dma_start3A_64 = arith.constant 0 : i32
      %dma_start3A_65 = tpu.memref_slice %arg3[%dma_start3A_64, %add3A_61] : memref<64x1000000xf32, #tpu.memory_space<hbm>> -> memref<8x512xf32, #tpu.memory_space<hbm>>
      %dma_start3A_66 = arith.constant 0 : i32
      %dma_start3A_67 = arith.constant 0 : i32
      %dma_start3A_68 = tpu.memref_slice %arg7[%dma_start3A_66, %dma_start3A_67] : memref<64x513xf32, #tpu.memory_space<vmem>> -> memref<8x512xf32, #tpu.memory_space<vmem>>
      %dma_start3A_69 = arith.constant 0 : i32
      %dma_start3A_70 = tpu.memref_slice %arg3[%dma_start3A_69, %add3A_61] : memref<64x1000000xf32, #tpu.memory_space<hbm>> -> memref<8x512xf32, #tpu.memory_space<hbm>>
      tpu.enqueue_dma source(%dma_start3A_70 : memref<8x512xf32, #tpu.memory_space<hbm>>) target(%dma_start3A_68 : memref<8x512xf32, #tpu.memory_space<vmem>>) target_semaphore(%arg17 : memref<!tpu.dma_semaphore, #tpu.memory_space<semaphore_mem>>)
      %dma_start3A_71 = arith.constant 8 : i32
      %dma_start3A_72 = arith.constant 0 : i32
      %dma_start3A_73 = tpu.memref_slice %arg7[%dma_start3A_71, %dma_start3A_72] : memref<64x513xf32, #tpu.memory_space<vmem>> -> memref<8x512xf32, #tpu.memory_space<vmem>>
      %dma_start3A_74 = arith.constant 8 : i32
      %dma_start3A_75 = tpu.memref_slice %arg3[%dma_start3A_74, %add3A_61] : memref<64x1000000xf32, #tpu.memory_space<hbm>> -> memref<8x512xf32, #tpu.memory_space<hbm>>
      %dma_start3A_76 = arith.constant 8 : i32
      %dma_start3A_77 = arith.constant 0 : i32
      %dma_start3A_78 = tpu.memref_slice %arg7[%dma_start3A_76, %dma_start3A_77] : memref<64x513xf32, #tpu.memory_space<vmem>> -> memref<8x512xf32, #tpu.memory_space<vmem>>
      %dma_start3A_79 = arith.constant 8 : i32
      %dma_start3A_80 = tpu.memref_slice %arg3[%dma_start3A_79, %add3A_61] : memref<64x1000000xf32, #tpu.memory_space<hbm>> -> memref<8x512xf32, #tpu.memory_space<hbm>>
      tpu.enqueue_dma source(%dma_start3A_80 : memref<8x512xf32, #tpu.memory_space<hbm>>) target(%dma_start3A_78 : memref<8x512xf32, #tpu.memory_space<vmem>>) target_semaphore(%arg17 : memref<!tpu.dma_semaphore, #tpu.memory_space<semaphore_mem>>)
      %dma_start3A_81 = arith.constant 16 : i32
      %dma_start3A_82 = arith.constant 0 : i32
      %dma_start3A_83 = tpu.memref_slice %arg7[%dma_start3A_81, %dma_start3A_82] : memref<64x513xf32, #tpu.memory_space<vmem>> -> memref<8x512xf32, #tpu.memory_space<vmem>>
      %dma_start3A_84 = arith.constant 16 : i32
      %dma_start3A_85 = tpu.memref_slice %arg3[%dma_start3A_84, %add3A_61] : memref<64x1000000xf32, #tpu.memory_space<hbm>> -> memref<8x512xf32, #tpu.memory_space<hbm>>
      %dma_start3A_86 = arith.constant 16 : i32
      %dma_start3A_87 = arith.constant 0 : i32
      %dma_start3A_88 = tpu.memref_slice %arg7[%dma_start3A_86, %dma_start3A_87] : memref<64x513xf32, #tpu.memory_space<vmem>> -> memref<8x512xf32, #tpu.memory_space<vmem>>
      %dma_start3A_89 = arith.constant 16 : i32
      %dma_start3A_90 = tpu.memref_slice %arg3[%dma_start3A_89, %add3A_61] : memref<64x1000000xf32, #tpu.memory_space<hbm>> -> memref<8x512xf32, #tpu.memory_space<hbm>>
      tpu.enqueue_dma source(%dma_start3A_90 : memref<8x512xf32, #tpu.memory_space<hbm>>) target(%dma_start3A_88 : memref<8x512xf32, #tpu.memory_space<vmem>>) target_semaphore(%arg17 : memref<!tpu.dma_semaphore, #tpu.memory_space<semaphore_mem>>)
      %dma_start3A_91 = arith.constant 24 : i32
      %dma_start3A_92 = arith.constant 0 : i32
      %dma_start3A_93 = tpu.memref_slice %arg7[%dma_start3A_91, %dma_start3A_92] : memref<64x513xf32, #tpu.memory_space<vmem>> -> memref<8x512xf32, #tpu.memory_space<vmem>>
      %dma_start3A_94 = arith.constant 24 : i32
      %dma_start3A_95 = tpu.memref_slice %arg3[%dma_start3A_94, %add3A_61] : memref<64x1000000xf32, #tpu.memory_space<hbm>> -> memref<8x512xf32, #tpu.memory_space<hbm>>
      %dma_start3A_96 = arith.constant 24 : i32
      %dma_start3A_97 = arith.constant 0 : i32
      %dma_start3A_98 = tpu.memref_slice %arg7[%dma_start3A_96, %dma_start3A_97] : memref<64x513xf32, #tpu.memory_space<vmem>> -> memref<8x512xf32, #tpu.memory_space<vmem>>
      %dma_start3A_99 = arith.constant 24 : i32
      %dma_start3A_100 = tpu.memref_slice %arg3[%dma_start3A_99, %add3A_61] : memref<64x1000000xf32, #tpu.memory_space<hbm>> -> memref<8x512xf32, #tpu.memory_space<hbm>>
      tpu.enqueue_dma source(%dma_start3A_100 : memref<8x512xf32, #tpu.memory_space<hbm>>) target(%dma_start3A_98 : memref<8x512xf32, #tpu.memory_space<vmem>>) target_semaphore(%arg17 : memref<!tpu.dma_semaphore, #tpu.memory_space<semaphore_mem>>)
      %dma_start3A_101 = arith.constant 32 : i32
      %dma_start3A_102 = arith.constant 0 : i32
      %dma_start3A_103 = tpu.memref_slice %arg7[%dma_start3A_101, %dma_start3A_102] : memref<64x513xf32, #tpu.memory_space<vmem>> -> memref<8x512xf32, #tpu.memory_space<vmem>>
      %dma_start3A_104 = arith.constant 32 : i32
      %dma_start3A_105 = tpu.memref_slice %arg3[%dma_start3A_104, %add3A_61] : memref<64x1000000xf32, #tpu.memory_space<hbm>> -> memref<8x512xf32, #tpu.memory_space<hbm>>
      %dma_start3A_106 = arith.constant 32 : i32
      %dma_start3A_107 = arith.constant 0 : i32
      %dma_start3A_108 = tpu.memref_slice %arg7[%dma_start3A_106, %dma_start3A_107] : memref<64x513xf32, #tpu.memory_space<vmem>> -> memref<8x512xf32, #tpu.memory_space<vmem>>
      %dma_start3A_109 = arith.constant 32 : i32
      %dma_start3A_110 = tpu.memref_slice %arg3[%dma_start3A_109, %add3A_61] : memref<64x1000000xf32, #tpu.memory_space<hbm>> -> memref<8x512xf32, #tpu.memory_space<hbm>>
      tpu.enqueue_dma source(%dma_start3A_110 : memref<8x512xf32, #tpu.memory_space<hbm>>) target(%dma_start3A_108 : memref<8x512xf32, #tpu.memory_space<vmem>>) target_semaphore(%arg17 : memref<!tpu.dma_semaphore, #tpu.memory_space<semaphore_mem>>)
      %dma_start3A_111 = arith.constant 40 : i32
      %dma_start3A_112 = arith.constant 0 : i32
      %dma_start3A_113 = tpu.memref_slice %arg7[%dma_start3A_111, %dma_start3A_112] : memref<64x513xf32, #tpu.memory_space<vmem>> -> memref<8x512xf32, #tpu.memory_space<vmem>>
      %dma_start3A_114 = arith.constant 40 : i32
      %dma_start3A_115 = tpu.memref_slice %arg3[%dma_start3A_114, %add3A_61] : memref<64x1000000xf32, #tpu.memory_space<hbm>> -> memref<8x512xf32, #tpu.memory_space<hbm>>
      %dma_start3A_116 = arith.constant 40 : i32
      %dma_start3A_117 = arith.constant 0 : i32
      %dma_start3A_118 = tpu.memref_slice %arg7[%dma_start3A_116, %dma_start3A_117] : memref<64x513xf32, #tpu.memory_space<vmem>> -> memref<8x512xf32, #tpu.memory_space<vmem>>
      %dma_start3A_119 = arith.constant 40 : i32
      %dma_start3A_120 = tpu.memref_slice %arg3[%dma_start3A_119, %add3A_61] : memref<64x1000000xf32, #tpu.memory_space<hbm>> -> memref<8x512xf32, #tpu.memory_space<hbm>>
      tpu.enqueue_dma source(%dma_start3A_120 : memref<8x512xf32, #tpu.memory_space<hbm>>) target(%dma_start3A_118 : memref<8x512xf32, #tpu.memory_space<vmem>>) target_semaphore(%arg17 : memref<!tpu.dma_semaphore, #tpu.memory_space<semaphore_mem>>)
      %dma_start3A_121 = arith.constant 48 : i32
      %dma_start3A_122 = arith.constant 0 : i32
      %dma_start3A_123 = tpu.memref_slice %arg7[%dma_start3A_121, %dma_start3A_122] : memref<64x513xf32, #tpu.memory_space<vmem>> -> memref<8x512xf32, #tpu.memory_space<vmem>>
      %dma_start3A_124 = arith.constant 48 : i32
      %dma_start3A_125 = tpu.memref_slice %arg3[%dma_start3A_124, %add3A_61] : memref<64x1000000xf32, #tpu.memory_space<hbm>> -> memref<8x512xf32, #tpu.memory_space<hbm>>
      %dma_start3A_126 = arith.constant 48 : i32
      %dma_start3A_127 = arith.constant 0 : i32
      %dma_start3A_128 = tpu.memref_slice %arg7[%dma_start3A_126, %dma_start3A_127] : memref<64x513xf32, #tpu.memory_space<vmem>> -> memref<8x512xf32, #tpu.memory_space<vmem>>
      %dma_start3A_129 = arith.constant 48 : i32
      %dma_start3A_130 = tpu.memref_slice %arg3[%dma_start3A_129, %add3A_61] : memref<64x1000000xf32, #tpu.memory_space<hbm>> -> memref<8x512xf32, #tpu.memory_space<hbm>>
      tpu.enqueue_dma source(%dma_start3A_130 : memref<8x512xf32, #tpu.memory_space<hbm>>) target(%dma_start3A_128 : memref<8x512xf32, #tpu.memory_space<vmem>>) target_semaphore(%arg17 : memref<!tpu.dma_semaphore, #tpu.memory_space<semaphore_mem>>)
      %dma_start3A_131 = arith.constant 56 : i32
      %dma_start3A_132 = arith.constant 0 : i32
      %dma_start3A_133 = tpu.memref_slice %arg7[%dma_start3A_131, %dma_start3A_132] : memref<64x513xf32, #tpu.memory_space<vmem>> -> memref<8x512xf32, #tpu.memory_space<vmem>>
      %dma_start3A_134 = arith.constant 56 : i32
      %dma_start3A_135 = tpu.memref_slice %arg3[%dma_start3A_134, %add3A_61] : memref<64x1000000xf32, #tpu.memory_space<hbm>> -> memref<8x512xf32, #tpu.memory_space<hbm>>
      %dma_start3A_136 = arith.constant 56 : i32
      %dma_start3A_137 = arith.constant 0 : i32
      %dma_start3A_138 = tpu.memref_slice %arg7[%dma_start3A_136, %dma_start3A_137] : memref<64x513xf32, #tpu.memory_space<vmem>> -> memref<8x512xf32, #tpu.memory_space<vmem>>
      %dma_start3A_139 = arith.constant 56 : i32
      %dma_start3A_140 = tpu.memref_slice %arg3[%dma_start3A_139, %add3A_61] : memref<64x1000000xf32, #tpu.memory_space<hbm>> -> memref<8x512xf32, #tpu.memory_space<hbm>>
      tpu.enqueue_dma source(%dma_start3A_140 : memref<8x512xf32, #tpu.memory_space<hbm>>) target(%dma_start3A_138 : memref<8x512xf32, #tpu.memory_space<vmem>>) target_semaphore(%arg17 : memref<!tpu.dma_semaphore, #tpu.memory_space<semaphore_mem>>)
      %while3A_141 = arith.constant 0 : i32
      %while3A_142 = arith.constant 0 : i32
      %while3A_143 = arith.subi %div3A_27, %while3A_141 : i32
      %while3A_144 = arith.addi %while3A_141, %while3A_143 : i32
      %while3A_145 = arith.constant 1 : i32
      %while3A_146 = arith.divsi %while3A_143, %while3A_145 : i32
      %while3A_147 = arith.muli %while3A_146, %while3A_145 : i32
      %while3A_148 = arith.addi %while3A_141, %while3A_147 : i32
      %while3A_149 = arith.constant 1 : i32
      %while3A_150 = scf.for %while3A_251 = %while3A_141 to %while3A_148 step %while3A_149 iter_args(%while3A_252 = %while3A_142) -> (i32)  : i32 {
        %mul3A_253 = arith.constant 16 : i32
        %mul3A_254 = arith.muli %while3A_251, %mul3A_253 : i32
        %get3A = arith.index_cast %mul3A_254 : i32 to index
        %get3A_255 = tpu.vector_load %arg9[%get3A] {strides = array<i32>} : memref<16384xi32, #tpu.memory_space<vmem>>, vector<16xi32>,
        %mul3A_256 = arith.constant 16 : i32
        %mul3A_257 = arith.muli %while3A_251, %mul3A_256 : i32
        %get3A_258 = arith.index_cast %mul3A_257 : i32 to index
        %get3A_259 = tpu.vector_load %arg10[%get3A_258] {strides = array<i32>} : memref<16384xi32, #tpu.memory_space<vmem>>, vector<16xi32>,
        %ge3A = vector.broadcast %add3A_61 : i32 to vector<16xi32>
        %ge3A_260 = arith.cmpi sge, %get3A_255, %ge3A : vector<16xi32>
        %add3A_261 = arith.constant 512 : i32
        %add3A_262 = arith.addi %add3A_61, %add3A_261 : i32
        %lt3A = vector.broadcast %add3A_262 : i32 to vector<16xi32>
        %lt3A_263 = arith.cmpi slt, %get3A_255, %lt3A : vector<16xi32>
        %and3A = arith.andi %ge3A_260, %lt3A_263 : vector<16xi1>
        %convert_element_type3A_264 = arith.extui %and3A : vector<16xi1> to vector<16xi32>
        %broadcast_in_dim3A_265 = arith.constant true
        %broadcast_in_dim3A_266 = vector.broadcast %broadcast_in_dim3A_265 : i1 to vector<16xi1>
        %masked_cumsum3A = tpu.scan <sum>, %convert_element_type3A_264 masked %broadcast_in_dim3A_266 : vector<16xi32>, vector<16xi1> -> vector<16xi32>
        %add3A_267 = vector.broadcast %while3A_252 : i32 to vector<16xi32>
        %add3A_268 = arith.addi %add3A_267, %masked_cumsum3A : vector<16xi32>
        %sub3A_269 = arith.constant 1 : i32
        %sub3A_270 = vector.broadcast %sub3A_269 : i32 to vector<16xi32>
        %sub3A_271 = arith.subi %add3A_268, %sub3A_270 : vector<16xi32>
        %sub3A_272 = vector.broadcast %add3A_61 : i32 to vector<16xi32>
        %sub3A_273 = arith.subi %get3A_255, %sub3A_272 : vector<16xi32>
        %shift_left3A = arith.constant 15 : i32
        %shift_left3A_274 = vector.broadcast %shift_left3A : i32 to vector<16xi32>
        %shift_left3A_275 = arith.shli %sub3A_273, %shift_left3A_274 : vector<16xi32>
        %or3A = arith.ori %shift_left3A_275, %get3A_259 : vector<16xi32>
        tpu.vector_store_idx %arg11[%sub3A_271], %or3A masked %and3A : memref<16400xi32, #tpu.memory_space<vmem>>[vector<16xi32>], vector<16xi32>, vector<16xi1>
        %slice3A = vector.extract_strided_slice %masked_cumsum3A {offsets = [15], sizes = [1], strides = [1]} : vector<16xi32> to vector<1xi32>
        %squeeze3A = vector.extract %slice3A[0] : i32 from vector<1xi32>
        %add3A_276 = arith.addi %while3A_252, %squeeze3A : i32
        scf.yield %add3A_276 : i32
      }
      %while3A_151 = arith.constant 1 : i32
      %while3A_152 = scf.for %while3A_251 = %while3A_148 to %while3A_144 step %while3A_151 iter_args(%while3A_252 = %while3A_150) -> (i32)  : i32 {
        %mul3A_253 = arith.constant 16 : i32
        %mul3A_254 = arith.muli %while3A_251, %mul3A_253 : i32
        %get3A = arith.index_cast %mul3A_254 : i32 to index
        %get3A_255 = tpu.vector_load %arg9[%get3A] {strides = array<i32>} : memref<16384xi32, #tpu.memory_space<vmem>>, vector<16xi32>,
        %mul3A_256 = arith.constant 16 : i32
        %mul3A_257 = arith.muli %while3A_251, %mul3A_256 : i32
        %get3A_258 = arith.index_cast %mul3A_257 : i32 to index
        %get3A_259 = tpu.vector_load %arg10[%get3A_258] {strides = array<i32>} : memref<16384xi32, #tpu.memory_space<vmem>>, vector<16xi32>,
        %ge3A = vector.broadcast %add3A_61 : i32 to vector<16xi32>
        %ge3A_260 = arith.cmpi sge, %get3A_255, %ge3A : vector<16xi32>
        %add3A_261 = arith.constant 512 : i32
        %add3A_262 = arith.addi %add3A_61, %add3A_261 : i32
        %lt3A = vector.broadcast %add3A_262 : i32 to vector<16xi32>
        %lt3A_263 = arith.cmpi slt, %get3A_255, %lt3A : vector<16xi32>
        %and3A = arith.andi %ge3A_260, %lt3A_263 : vector<16xi1>
        %convert_element_type3A_264 = arith.extui %and3A : vector<16xi1> to vector<16xi32>
        %broadcast_in_dim3A_265 = arith.constant true
        %broadcast_in_dim3A_266 = vector.broadcast %broadcast_in_dim3A_265 : i1 to vector<16xi1>
        %masked_cumsum3A = tpu.scan <sum>, %convert_element_type3A_264 masked %broadcast_in_dim3A_266 : vector<16xi32>, vector<16xi1> -> vector<16xi32>
        %add3A_267 = vector.broadcast %while3A_252 : i32 to vector<16xi32>
        %add3A_268 = arith.addi %add3A_267, %masked_cumsum3A : vector<16xi32>
        %sub3A_269 = arith.constant 1 : i32
        %sub3A_270 = vector.broadcast %sub3A_269 : i32 to vector<16xi32>
        %sub3A_271 = arith.subi %add3A_268, %sub3A_270 : vector<16xi32>
        %sub3A_272 = vector.broadcast %add3A_61 : i32 to vector<16xi32>
        %sub3A_273 = arith.subi %get3A_255, %sub3A_272 : vector<16xi32>
        %shift_left3A = arith.constant 15 : i32
        %shift_left3A_274 = vector.broadcast %shift_left3A : i32 to vector<16xi32>
        %shift_left3A_275 = arith.shli %sub3A_273, %shift_left3A_274 : vector<16xi32>
        %or3A = arith.ori %shift_left3A_275, %get3A_259 : vector<16xi32>
        tpu.vector_store_idx %arg11[%sub3A_271], %or3A masked %and3A : memref<16400xi32, #tpu.memory_space<vmem>>[vector<16xi32>], vector<16xi32>, vector<16xi1>
        %slice3A = vector.extract_strided_slice %masked_cumsum3A {offsets = [15], sizes = [1], strides = [1]} : vector<16xi32> to vector<1xi32>
        %squeeze3A = vector.extract %slice3A[0] : i32 from vector<1xi32>
        %add3A_276 = arith.addi %while3A_252, %squeeze3A : i32
        scf.yield %add3A_276 : i32
      }
      %add3A_153 = vector.broadcast %while3A_152 : i32 to vector<16xi32>
      %add3A_154 = arith.addi %add3A_153, %iota3A : vector<16xi32>
      tpu.vector_store_idx %arg11[%add3A_154], %broadcast_in_dim3A_15 : memref<16400xi32, #tpu.memory_space<vmem>>[vector<16xi32>], vector<16xi32>,
      %add3A_155 = arith.constant 16 : i32
      %add3A_156 = arith.addi %while3A_152, %add3A_155 : i32
      %sub3A_157 = arith.constant 1 : i32
      %sub3A_158 = arith.subi %add3A_156, %sub3A_157 : i32
      %div3A_159 = arith.constant 16 : i32
      %div3A_160 = arith.divsi %sub3A_158, %div3A_159 : i32
      %dma_wait3A = arith.constant 0 : i32
      %dma_wait3A_161 = arith.constant 0 : i32
      %dma_wait3A_162 = tpu.memref_slice %arg7[%dma_wait3A, %dma_wait3A_161] : memref<64x513xf32, #tpu.memory_space<vmem>> -> memref<8x512xf32, #tpu.memory_space<vmem>>
      %dma_wait3A_163 = arith.constant 0 : i32
      %dma_wait3A_164 = tpu.memref_slice %arg3[%dma_wait3A_163, %add3A_61] : memref<64x1000000xf32, #tpu.memory_space<hbm>> -> memref<8x512xf32, #tpu.memory_space<hbm>>
      %dma_wait3A_165 = arith.constant 0 : i32
      %dma_wait3A_166 = arith.constant 0 : i32
      %dma_wait3A_167 = tpu.memref_slice %arg7[%dma_wait3A_165, %dma_wait3A_166] : memref<64x513xf32, #tpu.memory_space<vmem>> -> memref<8x512xf32, #tpu.memory_space<vmem>>
      %dma_wait3A_168 = arith.constant 0 : i32
      %dma_wait3A_169 = tpu.memref_slice %arg3[%dma_wait3A_168, %add3A_61] : memref<64x1000000xf32, #tpu.memory_space<hbm>> -> memref<8x512xf32, #tpu.memory_space<hbm>>
      tpu.wait_dma2 semaphore(%arg17 : memref<!tpu.dma_semaphore, #tpu.memory_space<semaphore_mem>>) src(%dma_wait3A_169 : memref<8x512xf32, #tpu.memory_space<hbm>>) dst(%dma_wait3A_167 : memref<8x512xf32, #tpu.memory_space<vmem>>)
      %dma_wait3A_170 = arith.constant 8 : i32
      %dma_wait3A_171 = arith.constant 0 : i32
      %dma_wait3A_172 = tpu.memref_slice %arg7[%dma_wait3A_170, %dma_wait3A_171] : memref<64x513xf32, #tpu.memory_space<vmem>> -> memref<8x512xf32, #tpu.memory_space<vmem>>
      %dma_wait3A_173 = arith.constant 8 : i32
      %dma_wait3A_174 = tpu.memref_slice %arg3[%dma_wait3A_173, %add3A_61] : memref<64x1000000xf32, #tpu.memory_space<hbm>> -> memref<8x512xf32, #tpu.memory_space<hbm>>
      %dma_wait3A_175 = arith.constant 8 : i32
      %dma_wait3A_176 = arith.constant 0 : i32
      %dma_wait3A_177 = tpu.memref_slice %arg7[%dma_wait3A_175, %dma_wait3A_176] : memref<64x513xf32, #tpu.memory_space<vmem>> -> memref<8x512xf32, #tpu.memory_space<vmem>>
      %dma_wait3A_178 = arith.constant 8 : i32
      %dma_wait3A_179 = tpu.memref_slice %arg3[%dma_wait3A_178, %add3A_61] : memref<64x1000000xf32, #tpu.memory_space<hbm>> -> memref<8x512xf32, #tpu.memory_space<hbm>>
      tpu.wait_dma2 semaphore(%arg17 : memref<!tpu.dma_semaphore, #tpu.memory_space<semaphore_mem>>) src(%dma_wait3A_179 : memref<8x512xf32, #tpu.memory_space<hbm>>) dst(%dma_wait3A_177 : memref<8x512xf32, #tpu.memory_space<vmem>>)
      %dma_wait3A_180 = arith.constant 16 : i32
      %dma_wait3A_181 = arith.constant 0 : i32
      %dma_wait3A_182 = tpu.memref_slice %arg7[%dma_wait3A_180, %dma_wait3A_181] : memref<64x513xf32, #tpu.memory_space<vmem>> -> memref<8x512xf32, #tpu.memory_space<vmem>>
      %dma_wait3A_183 = arith.constant 16 : i32
      %dma_wait3A_184 = tpu.memref_slice %arg3[%dma_wait3A_183, %add3A_61] : memref<64x1000000xf32, #tpu.memory_space<hbm>> -> memref<8x512xf32, #tpu.memory_space<hbm>>
      %dma_wait3A_185 = arith.constant 16 : i32
      %dma_wait3A_186 = arith.constant 0 : i32
      %dma_wait3A_187 = tpu.memref_slice %arg7[%dma_wait3A_185, %dma_wait3A_186] : memref<64x513xf32, #tpu.memory_space<vmem>> -> memref<8x512xf32, #tpu.memory_space<vmem>>
      %dma_wait3A_188 = arith.constant 16 : i32
      %dma_wait3A_189 = tpu.memref_slice %arg3[%dma_wait3A_188, %add3A_61] : memref<64x1000000xf32, #tpu.memory_space<hbm>> -> memref<8x512xf32, #tpu.memory_space<hbm>>
      tpu.wait_dma2 semaphore(%arg17 : memref<!tpu.dma_semaphore, #tpu.memory_space<semaphore_mem>>) src(%dma_wait3A_189 : memref<8x512xf32, #tpu.memory_space<hbm>>) dst(%dma_wait3A_187 : memref<8x512xf32, #tpu.memory_space<vmem>>)
      %dma_wait3A_190 = arith.constant 24 : i32
      %dma_wait3A_191 = arith.constant 0 : i32
      %dma_wait3A_192 = tpu.memref_slice %arg7[%dma_wait3A_190, %dma_wait3A_191] : memref<64x513xf32, #tpu.memory_space<vmem>> -> memref<8x512xf32, #tpu.memory_space<vmem>>
      %dma_wait3A_193 = arith.constant 24 : i32
      %dma_wait3A_194 = tpu.memref_slice %arg3[%dma_wait3A_193, %add3A_61] : memref<64x1000000xf32, #tpu.memory_space<hbm>> -> memref<8x512xf32, #tpu.memory_space<hbm>>
      %dma_wait3A_195 = arith.constant 24 : i32
      %dma_wait3A_196 = arith.constant 0 : i32
      %dma_wait3A_197 = tpu.memref_slice %arg7[%dma_wait3A_195, %dma_wait3A_196] : memref<64x513xf32, #tpu.memory_space<vmem>> -> memref<8x512xf32, #tpu.memory_space<vmem>>
      %dma_wait3A_198 = arith.constant 24 : i32
      %dma_wait3A_199 = tpu.memref_slice %arg3[%dma_wait3A_198, %add3A_61] : memref<64x1000000xf32, #tpu.memory_space<hbm>> -> memref<8x512xf32, #tpu.memory_space<hbm>>
      tpu.wait_dma2 semaphore(%arg17 : memref<!tpu.dma_semaphore, #tpu.memory_space<semaphore_mem>>) src(%dma_wait3A_199 : memref<8x512xf32, #tpu.memory_space<hbm>>) dst(%dma_wait3A_197 : memref<8x512xf32, #tpu.memory_space<vmem>>)
      %dma_wait3A_200 = arith.constant 32 : i32
      %dma_wait3A_201 = arith.constant 0 : i32
      %dma_wait3A_202 = tpu.memref_slice %arg7[%dma_wait3A_200, %dma_wait3A_201] : memref<64x513xf32, #tpu.memory_space<vmem>> -> memref<8x512xf32, #tpu.memory_space<vmem>>
      %dma_wait3A_203 = arith.constant 32 : i32
      %dma_wait3A_204 = tpu.memref_slice %arg3[%dma_wait3A_203, %add3A_61] : memref<64x1000000xf32, #tpu.memory_space<hbm>> -> memref<8x512xf32, #tpu.memory_space<hbm>>
      %dma_wait3A_205 = arith.constant 32 : i32
      %dma_wait3A_206 = arith.constant 0 : i32
      %dma_wait3A_207 = tpu.memref_slice %arg7[%dma_wait3A_205, %dma_wait3A_206] : memref<64x513xf32, #tpu.memory_space<vmem>> -> memref<8x512xf32, #tpu.memory_space<vmem>>
      %dma_wait3A_208 = arith.constant 32 : i32
      %dma_wait3A_209 = tpu.memref_slice %arg3[%dma_wait3A_208, %add3A_61] : memref<64x1000000xf32, #tpu.memory_space<hbm>> -> memref<8x512xf32, #tpu.memory_space<hbm>>
      tpu.wait_dma2 semaphore(%arg17 : memref<!tpu.dma_semaphore, #tpu.memory_space<semaphore_mem>>) src(%dma_wait3A_209 : memref<8x512xf32, #tpu.memory_space<hbm>>) dst(%dma_wait3A_207 : memref<8x512xf32, #tpu.memory_space<vmem>>)
      %dma_wait3A_210 = arith.constant 40 : i32
      %dma_wait3A_211 = arith.constant 0 : i32
      %dma_wait3A_212 = tpu.memref_slice %arg7[%dma_wait3A_210, %dma_wait3A_211] : memref<64x513xf32, #tpu.memory_space<vmem>> -> memref<8x512xf32, #tpu.memory_space<vmem>>
      %dma_wait3A_213 = arith.constant 40 : i32
      %dma_wait3A_214 = tpu.memref_slice %arg3[%dma_wait3A_213, %add3A_61] : memref<64x1000000xf32, #tpu.memory_space<hbm>> -> memref<8x512xf32, #tpu.memory_space<hbm>>
      %dma_wait3A_215 = arith.constant 40 : i32
      %dma_wait3A_216 = arith.constant 0 : i32
      %dma_wait3A_217 = tpu.memref_slice %arg7[%dma_wait3A_215, %dma_wait3A_216] : memref<64x513xf32, #tpu.memory_space<vmem>> -> memref<8x512xf32, #tpu.memory_space<vmem>>
      %dma_wait3A_218 = arith.constant 40 : i32
      %dma_wait3A_219 = tpu.memref_slice %arg3[%dma_wait3A_218, %add3A_61] : memref<64x1000000xf32, #tpu.memory_space<hbm>> -> memref<8x512xf32, #tpu.memory_space<hbm>>
      tpu.wait_dma2 semaphore(%arg17 : memref<!tpu.dma_semaphore, #tpu.memory_space<semaphore_mem>>) src(%dma_wait3A_219 : memref<8x512xf32, #tpu.memory_space<hbm>>) dst(%dma_wait3A_217 : memref<8x512xf32, #tpu.memory_space<vmem>>)
      %dma_wait3A_220 = arith.constant 48 : i32
      %dma_wait3A_221 = arith.constant 0 : i32
      %dma_wait3A_222 = tpu.memref_slice %arg7[%dma_wait3A_220, %dma_wait3A_221] : memref<64x513xf32, #tpu.memory_space<vmem>> -> memref<8x512xf32, #tpu.memory_space<vmem>>
      %dma_wait3A_223 = arith.constant 48 : i32
      %dma_wait3A_224 = tpu.memref_slice %arg3[%dma_wait3A_223, %add3A_61] : memref<64x1000000xf32, #tpu.memory_space<hbm>> -> memref<8x512xf32, #tpu.memory_space<hbm>>
      %dma_wait3A_225 = arith.constant 48 : i32
      %dma_wait3A_226 = arith.constant 0 : i32
      %dma_wait3A_227 = tpu.memref_slice %arg7[%dma_wait3A_225, %dma_wait3A_226] : memref<64x513xf32, #tpu.memory_space<vmem>> -> memref<8x512xf32, #tpu.memory_space<vmem>>
      %dma_wait3A_228 = arith.constant 48 : i32
      %dma_wait3A_229 = tpu.memref_slice %arg3[%dma_wait3A_228, %add3A_61] : memref<64x1000000xf32, #tpu.memory_space<hbm>> -> memref<8x512xf32, #tpu.memory_space<hbm>>
      tpu.wait_dma2 semaphore(%arg17 : memref<!tpu.dma_semaphore, #tpu.memory_space<semaphore_mem>>) src(%dma_wait3A_229 : memref<8x512xf32, #tpu.memory_space<hbm>>) dst(%dma_wait3A_227 : memref<8x512xf32, #tpu.memory_space<vmem>>)
      %dma_wait3A_230 = arith.constant 56 : i32
      %dma_wait3A_231 = arith.constant 0 : i32
      %dma_wait3A_232 = tpu.memref_slice %arg7[%dma_wait3A_230, %dma_wait3A_231] : memref<64x513xf32, #tpu.memory_space<vmem>> -> memref<8x512xf32, #tpu.memory_space<vmem>>
      %dma_wait3A_233 = arith.constant 56 : i32
      %dma_wait3A_234 = tpu.memref_slice %arg3[%dma_wait3A_233, %add3A_61] : memref<64x1000000xf32, #tpu.memory_space<hbm>> -> memref<8x512xf32, #tpu.memory_space<hbm>>
      %dma_wait3A_235 = arith.constant 56 : i32
      %dma_wait3A_236 = arith.constant 0 : i32
      %dma_wait3A_237 = tpu.memref_slice %arg7[%dma_wait3A_235, %dma_wait3A_236] : memref<64x513xf32, #tpu.memory_space<vmem>> -> memref<8x512xf32, #tpu.memory_space<vmem>>
      %dma_wait3A_238 = arith.constant 56 : i32
      %dma_wait3A_239 = tpu.memref_slice %arg3[%dma_wait3A_238, %add3A_61] : memref<64x1000000xf32, #tpu.memory_space<hbm>> -> memref<8x512xf32, #tpu.memory_space<hbm>>
      tpu.wait_dma2 semaphore(%arg17 : memref<!tpu.dma_semaphore, #tpu.memory_space<semaphore_mem>>) src(%dma_wait3A_239 : memref<8x512xf32, #tpu.memory_space<hbm>>) dst(%dma_wait3A_237 : memref<8x512xf32, #tpu.memory_space<vmem>>)
      %while3A_240 = arith.constant 0 : i32
      %while3A_241 = arith.subi %div3A_160, %while3A_240 : i32
      %while3A_242 = arith.addi %while3A_240, %while3A_241 : i32
      %while3A_243 = arith.constant 1 : i32
      %while3A_244 = arith.divsi %while3A_241, %while3A_243 : i32
      %while3A_245 = arith.muli %while3A_244, %while3A_243 : i32
      %while3A_246 = arith.addi %while3A_240, %while3A_245 : i32
      %while3A_247 = arith.constant 1 : i32
      %while3A_248 = scf.for %while3A_251 = %while3A_240 to %while3A_246 step %while3A_247 iter_args(%while3A_252 = %while3A_55) -> (i32)  : i32 {
        %mul3A_253 = arith.constant 16 : i32
        %mul3A_254 = arith.muli %while3A_251, %mul3A_253 : i32
        %get3A = arith.index_cast %mul3A_254 : i32 to index
        %get3A_255 = tpu.vector_load %arg11[%get3A] {strides = array<i32>} : memref<16400xi32, #tpu.memory_space<vmem>>, vector<16xi32>,
        %shift_right_logical3A = arith.constant 15 : i32
        %shift_right_logical3A_256 = vector.broadcast %shift_right_logical3A : i32 to vector<16xi32>
        %shift_right_logical3A_257 = arith.shrui %get3A_255, %shift_right_logical3A_256 : vector<16xi32>
        %and3A = arith.constant 32767 : i32
        %and3A_258 = vector.broadcast %and3A : i32 to vector<16xi32>
        %and3A_259 = arith.andi %get3A_255, %and3A_258 : vector<16xi32>
        %slice3A = vector.extract_strided_slice %shift_right_logical3A_257 {offsets = [0], sizes = [1], strides = [1]} : vector<16xi32> to vector<1xi32>
        %squeeze3A = vector.extract %slice3A[0] : i32 from vector<1xi32>
        %broadcast_in_dim3A_260 = vector.broadcast %squeeze3A : i32 to vector<16xi32>
        %add3A_261 = arith.constant 0 : i32
        %add3A_262 = vector.broadcast %add3A_261 : i32 to vector<16xi32>
        %add3A_263 = arith.addi %iota3A, %add3A_262 : vector<16xi32>
        %gather3A = tpu.vector_load_idx %arg7[%add3A_263, %broadcast_in_dim3A_260] : memref<64x513xf32, #tpu.memory_space<vmem>>[vector<16xi32>, vector<16xi32>], vector<16xf32>,
        %swap3A = arith.constant 0 : i32
        %swap3A_264 = arith.index_cast %swap3A : i32 to index
        %swap3A_265 = arith.constant 0 : index
        %swap3A_266 = tpu.vector_load %arg12[%swap3A_264, %swap3A_265] {strides = array<i32>} : memref<16x128xf32, #tpu.memory_space<vmem>>, vector<16xf32>,
        tpu.vector_store %arg12[%swap3A_264, %swap3A_265], %gather3A {strides = array<i32>} : memref<16x128xf32, #tpu.memory_space<vmem>>, vector<16xf32>,
        %add3A_267 = arith.constant 16 : i32
        %add3A_268 = vector.broadcast %add3A_267 : i32 to vector<16xi32>
        %add3A_269 = arith.addi %iota3A, %add3A_268 : vector<16xi32>
        %gather3A_270 = tpu.vector_load_idx %arg7[%add3A_269, %broadcast_in_dim3A_260] : memref<64x513xf32, #tpu.memory_space<vmem>>[vector<16xi32>, vector<16xi32>], vector<16xf32>,
        %swap3A_271 = arith.constant 0 : i32
        %swap3A_272 = arith.index_cast %swap3A_271 : i32 to index
        %swap3A_273 = arith.constant 16 : index
        %swap3A_274 = tpu.vector_load %arg12[%swap3A_272, %swap3A_273] {strides = array<i32>} : memref<16x128xf32, #tpu.memory_space<vmem>>, vector<16xf32>,
        tpu.vector_store %arg12[%swap3A_272, %swap3A_273], %gather3A_270 {strides = array<i32>} : memref<16x128xf32, #tpu.memory_space<vmem>>, vector<16xf32>,
        %add3A_275 = arith.constant 32 : i32
        %add3A_276 = vector.broadcast %add3A_275 : i32 to vector<16xi32>
        %add3A_277 = arith.addi %iota3A, %add3A_276 : vector<16xi32>
        %gather3A_278 = tpu.vector_load_idx %arg7[%add3A_277, %broadcast_in_dim3A_260] : memref<64x513xf32, #tpu.memory_space<vmem>>[vector<16xi32>, vector<16xi32>], vector<16xf32>,
        %swap3A_279 = arith.constant 0 : i32
        %swap3A_280 = arith.index_cast %swap3A_279 : i32 to index
        %swap3A_281 = arith.constant 32 : index
        %swap3A_282 = tpu.vector_load %arg12[%swap3A_280, %swap3A_281] {strides = array<i32>} : memref<16x128xf32, #tpu.memory_space<vmem>>, vector<16xf32>,
        tpu.vector_store %arg12[%swap3A_280, %swap3A_281], %gather3A_278 {strides = array<i32>} : memref<16x128xf32, #tpu.memory_space<vmem>>, vector<16xf32>,
        %add3A_283 = arith.constant 48 : i32
        %add3A_284 = vector.broadcast %add3A_283 : i32 to vector<16xi32>
        %add3A_285 = arith.addi %iota3A, %add3A_284 : vector<16xi32>
        %gather3A_286 = tpu.vector_load_idx %arg7[%add3A_285, %broadcast_in_dim3A_260] : memref<64x513xf32, #tpu.memory_space<vmem>>[vector<16xi32>, vector<16xi32>], vector<16xf32>,
        %swap3A_287 = arith.constant 0 : i32
        %swap3A_288 = arith.index_cast %swap3A_287 : i32 to index
        %swap3A_289 = arith.constant 48 : index
        %swap3A_290 = tpu.vector_load %arg12[%swap3A_288, %swap3A_289] {strides = array<i32>} : memref<16x128xf32, #tpu.memory_space<vmem>>, vector<16xf32>,
        tpu.vector_store %arg12[%swap3A_288, %swap3A_289], %gather3A_286 {strides = array<i32>} : memref<16x128xf32, #tpu.memory_space<vmem>>, vector<16xf32>,
        %slice3A_291 = vector.extract_strided_slice %shift_right_logical3A_257 {offsets = [1], sizes = [1], strides = [1]} : vector<16xi32> to vector<1xi32>
        %squeeze3A_292 = vector.extract %slice3A_291[0] : i32 from vector<1xi32>
        %broadcast_in_dim3A_293 = vector.broadcast %squeeze3A_292 : i32 to vector<16xi32>
        %add3A_294 = arith.constant 0 : i32
        %add3A_295 = vector.broadcast %add3A_294 : i32 to vector<16xi32>
        %add3A_296 = arith.addi %iota3A, %add3A_295 : vector<16xi32>
        %gather3A_297 = tpu.vector_load_idx %arg7[%add3A_296, %broadcast_in_dim3A_293] : memref<64x513xf32, #tpu.memory_space<vmem>>[vector<16xi32>, vector<16xi32>], vector<16xf32>,
        %swap3A_298 = arith.constant 1 : i32
        %swap3A_299 = arith.index_cast %swap3A_298 : i32 to index
        %swap3A_300 = arith.constant 0 : index
        %swap3A_301 = tpu.vector_load %arg12[%swap3A_299, %swap3A_300] {strides = array<i32>} : memref<16x128xf32, #tpu.memory_space<vmem>>, vector<16xf32>,
        tpu.vector_store %arg12[%swap3A_299, %swap3A_300], %gather3A_297 {strides = array<i32>} : memref<16x128xf32, #tpu.memory_space<vmem>>, vector<16xf32>,
        %add3A_302 = arith.constant 16 : i32
        %add3A_303 = vector.broadcast %add3A_302 : i32 to vector<16xi32>
        %add3A_304 = arith.addi %iota3A, %add3A_303 : vector<16xi32>
        %gather3A_305 = tpu.vector_load_idx %arg7[%add3A_304, %broadcast_in_dim3A_293] : memref<64x513xf32, #tpu.memory_space<vmem>>[vector<16xi32>, vector<16xi32>], vector<16xf32>,
        %swap3A_306 = arith.constant 1 : i32
        %swap3A_307 = arith.index_cast %swap3A_306 : i32 to index
        %swap3A_308 = arith.constant 16 : index
        %swap3A_309 = tpu.vector_load %arg12[%swap3A_307, %swap3A_308] {strides = array<i32>} : memref<16x128xf32, #tpu.memory_space<vmem>>, vector<16xf32>,
        tpu.vector_store %arg12[%swap3A_307, %swap3A_308], %gather3A_305 {strides = array<i32>} : memref<16x128xf32, #tpu.memory_space<vmem>>, vector<16xf32>,
        %add3A_310 = arith.constant 32 : i32
        %add3A_311 = vector.broadcast %add3A_310 : i32 to vector<16xi32>
        %add3A_312 = arith.addi %iota3A, %add3A_311 : vector<16xi32>
        %gather3A_313 = tpu.vector_load_idx %arg7[%add3A_312, %broadcast_in_dim3A_293] : memref<64x513xf32, #tpu.memory_space<vmem>>[vector<16xi32>, vector<16xi32>], vector<16xf32>,
        %swap3A_314 = arith.constant 1 : i32
        %swap3A_315 = arith.index_cast %swap3A_314 : i32 to index
        %swap3A_316 = arith.constant 32 : index
        %swap3A_317 = tpu.vector_load %arg12[%swap3A_315, %swap3A_316] {strides = array<i32>} : memref<16x128xf32, #tpu.memory_space<vmem>>, vector<16xf32>,
        tpu.vector_store %arg12[%swap3A_315, %swap3A_316], %gather3A_313 {strides = array<i32>} : memref<16x128xf32, #tpu.memory_space<vmem>>, vector<16xf32>,
        %add3A_318 = arith.constant 48 : i32
        %add3A_319 = vector.broadcast %add3A_318 : i32 to vector<16xi32>
        %add3A_320 = arith.addi %iota3A, %add3A_319 : vector<16xi32>
        %gather3A_321 = tpu.vector_load_idx %arg7[%add3A_320, %broadcast_in_dim3A_293] : memref<64x513xf32, #tpu.memory_space<vmem>>[vector<16xi32>, vector<16xi32>], vector<16xf32>,
        %swap3A_322 = arith.constant 1 : i32
        %swap3A_323 = arith.index_cast %swap3A_322 : i32 to index
        %swap3A_324 = arith.constant 48 : index
        %swap3A_325 = tpu.vector_load %arg12[%swap3A_323, %swap3A_324] {strides = array<i32>} : memref<16x128xf32, #tpu.memory_space<vmem>>, vector<16xf32>,
        tpu.vector_store %arg12[%swap3A_323, %swap3A_324], %gather3A_321 {strides = array<i32>} : memref<16x128xf32, #tpu.memory_space<vmem>>, vector<16xf32>,
        %slice3A_326 = vector.extract_strided_slice %shift_right_logical3A_257 {offsets = [2], sizes = [1], strides = [1]} : vector<16xi32> to vector<1xi32>
        %squeeze3A_327 = vector.extract %slice3A_326[0] : i32 from vector<1xi32>
        %broadcast_in_dim3A_328 = vector.broadcast %squeeze3A_327 : i32 to vector<16xi32>
        %add3A_329 = arith.constant 0 : i32
        %add3A_330 = vector.broadcast %add3A_329 : i32 to vector<16xi32>
        %add3A_331 = arith.addi %iota3A, %add3A_330 : vector<16xi32>
        %gather3A_332 = tpu.vector_load_idx %arg7[%add3A_331, %broadcast_in_dim3A_328] : memref<64x513xf32, #tpu.memory_space<vmem>>[vector<16xi32>, vector<16xi32>], vector<16xf32>,
        %swap3A_333 = arith.constant 2 : i32
        %swap3A_334 = arith.index_cast %swap3A_333 : i32 to index
        %swap3A_335 = arith.constant 0 : index
        %swap3A_336 = tpu.vector_load %arg12[%swap3A_334, %swap3A_335] {strides = array<i32>} : memref<16x128xf32, #tpu.memory_space<vmem>>, vector<16xf32>,
        tpu.vector_store %arg12[%swap3A_334, %swap3A_335], %gather3A_332 {strides = array<i32>} : memref<16x128xf32, #tpu.memory_space<vmem>>, vector<16xf32>,
        %add3A_337 = arith.constant 16 : i32
        %add3A_338 = vector.broadcast %add3A_337 : i32 to vector<16xi32>
        %add3A_339 = arith.addi %iota3A, %add3A_338 : vector<16xi32>
        %gather3A_340 = tpu.vector_load_idx %arg7[%add3A_339, %broadcast_in_dim3A_328] : memref<64x513xf32, #tpu.memory_space<vmem>>[vector<16xi32>, vector<16xi32>], vector<16xf32>,
        %swap3A_341 = arith.constant 2 : i32
        %swap3A_342 = arith.index_cast %swap3A_341 : i32 to index
        %swap3A_343 = arith.constant 16 : index
        %swap3A_344 = tpu.vector_load %arg12[%swap3A_342, %swap3A_343] {strides = array<i32>} : memref<16x128xf32, #tpu.memory_space<vmem>>, vector<16xf32>,
        tpu.vector_store %arg12[%swap3A_342, %swap3A_343], %gather3A_340 {strides = array<i32>} : memref<16x128xf32, #tpu.memory_space<vmem>>, vector<16xf32>,
        %add3A_345 = arith.constant 32 : i32
        %add3A_346 = vector.broadcast %add3A_345 : i32 to vector<16xi32>
        %add3A_347 = arith.addi %iota3A, %add3A_346 : vector<16xi32>
        %gather3A_348 = tpu.vector_load_idx %arg7[%add3A_347, %broadcast_in_dim3A_328] : memref<64x513xf32, #tpu.memory_space<vmem>>[vector<16xi32>, vector<16xi32>], vector<16xf32>,
        %swap3A_349 = arith.constant 2 : i32
        %swap3A_350 = arith.index_cast %swap3A_349 : i32 to index
        %swap3A_351 = arith.constant 32 : index
        %swap3A_352 = tpu.vector_load %arg12[%swap3A_350, %swap3A_351] {strides = array<i32>} : memref<16x128xf32, #tpu.memory_space<vmem>>, vector<16xf32>,
        tpu.vector_store %arg12[%swap3A_350, %swap3A_351], %gather3A_348 {strides = array<i32>} : memref<16x128xf32, #tpu.memory_space<vmem>>, vector<16xf32>,
        %add3A_353 = arith.constant 48 : i32
        %add3A_354 = vector.broadcast %add3A_353 : i32 to vector<16xi32>
        %add3A_355 = arith.addi %iota3A, %add3A_354 : vector<16xi32>
        %gather3A_356 = tpu.vector_load_idx %arg7[%add3A_355, %broadcast_in_dim3A_328] : memref<64x513xf32, #tpu.memory_space<vmem>>[vector<16xi32>, vector<16xi32>], vector<16xf32>,
        %swap3A_357 = arith.constant 2 : i32
        %swap3A_358 = arith.index_cast %swap3A_357 : i32 to index
        %swap3A_359 = arith.constant 48 : index
        %swap3A_360 = tpu.vector_load %arg12[%swap3A_358, %swap3A_359] {strides = array<i32>} : memref<16x128xf32, #tpu.memory_space<vmem>>, vector<16xf32>,
        tpu.vector_store %arg12[%swap3A_358, %swap3A_359], %gather3A_356 {strides = array<i32>} : memref<16x128xf32, #tpu.memory_space<vmem>>, vector<16xf32>,
        %slice3A_361 = vector.extract_strided_slice %shift_right_logical3A_257 {offsets = [3], sizes = [1], strides = [1]} : vector<16xi32> to vector<1xi32>
        %squeeze3A_362 = vector.extract %slice3A_361[0] : i32 from vector<1xi32>
        %broadcast_in_dim3A_363 = vector.broadcast %squeeze3A_362 : i32 to vector<16xi32>
        %add3A_364 = arith.constant 0 : i32
        %add3A_365 = vector.broadcast %add3A_364 : i32 to vector<16xi32>
        %add3A_366 = arith.addi %iota3A, %add3A_365 : vector<16xi32>
        %gather3A_367 = tpu.vector_load_idx %arg7[%add3A_366, %broadcast_in_dim3A_363] : memref<64x513xf32, #tpu.memory_space<vmem>>[vector<16xi32>, vector<16xi32>], vector<16xf32>,
        %swap3A_368 = arith.constant 3 : i32
        %swap3A_369 = arith.index_cast %swap3A_368 : i32 to index
        %swap3A_370 = arith.constant 0 : index
        %swap3A_371 = tpu.vector_load %arg12[%swap3A_369, %swap3A_370] {strides = array<i32>} : memref<16x128xf32, #tpu.memory_space<vmem>>, vector<16xf32>,
        tpu.vector_store %arg12[%swap3A_369, %swap3A_370], %gather3A_367 {strides = array<i32>} : memref<16x128xf32, #tpu.memory_space<vmem>>, vector<16xf32>,
        %add3A_372 = arith.constant 16 : i32
        %add3A_373 = vector.broadcast %add3A_372 : i32 to vector<16xi32>
        %add3A_374 = arith.addi %iota3A, %add3A_373 : vector<16xi32>
        %gather3A_375 = tpu.vector_load_idx %arg7[%add3A_374, %broadcast_in_dim3A_363] : memref<64x513xf32, #tpu.memory_space<vmem>>[vector<16xi32>, vector<16xi32>], vector<16xf32>,
        %swap3A_376 = arith.constant 3 : i32
        %swap3A_377 = arith.index_cast %swap3A_376 : i32 to index
        %swap3A_378 = arith.constant 16 : index
        %swap3A_379 = tpu.vector_load %arg12[%swap3A_377, %swap3A_378] {strides = array<i32>} : memref<16x128xf32, #tpu.memory_space<vmem>>, vector<16xf32>,
        tpu.vector_store %arg12[%swap3A_377, %swap3A_378], %gather3A_375 {strides = array<i32>} : memref<16x128xf32, #tpu.memory_space<vmem>>, vector<16xf32>,
        %add3A_380 = arith.constant 32 : i32
        %add3A_381 = vector.broadcast %add3A_380 : i32 to vector<16xi32>
        %add3A_382 = arith.addi %iota3A, %add3A_381 : vector<16xi32>
        %gather3A_383 = tpu.vector_load_idx %arg7[%add3A_382, %broadcast_in_dim3A_363] : memref<64x513xf32, #tpu.memory_space<vmem>>[vector<16xi32>, vector<16xi32>], vector<16xf32>,
        %swap3A_384 = arith.constant 3 : i32
        %swap3A_385 = arith.index_cast %swap3A_384 : i32 to index
        %swap3A_386 = arith.constant 32 : index
        %swap3A_387 = tpu.vector_load %arg12[%swap3A_385, %swap3A_386] {strides = array<i32>} : memref<16x128xf32, #tpu.memory_space<vmem>>, vector<16xf32>,
        tpu.vector_store %arg12[%swap3A_385, %swap3A_386], %gather3A_383 {strides = array<i32>} : memref<16x128xf32, #tpu.memory_space<vmem>>, vector<16xf32>,
        %add3A_388 = arith.constant 48 : i32
        %add3A_389 = vector.broadcast %add3A_388 : i32 to vector<16xi32>
        %add3A_390 = arith.addi %iota3A, %add3A_389 : vector<16xi32>
        %gather3A_391 = tpu.vector_load_idx %arg7[%add3A_390, %broadcast_in_dim3A_363] : memref<64x513xf32, #tpu.memory_space<vmem>>[vector<16xi32>, vector<16xi32>], vector<16xf32>,
        %swap3A_392 = arith.constant 3 : i32
        %swap3A_393 = arith.index_cast %swap3A_392 : i32 to index
        %swap3A_394 = arith.constant 48 : index
        %swap3A_395 = tpu.vector_load %arg12[%swap3A_393, %swap3A_394] {strides = array<i32>} : memref<16x128xf32, #tpu.memory_space<vmem>>, vector<16xf32>,
        tpu.vector_store %arg12[%swap3A_393, %swap3A_394], %gather3A_391 {strides = array<i32>} : memref<16x128xf32, #tpu.memory_space<vmem>>, vector<16xf32>,
        %slice3A_396 = vector.extract_strided_slice %shift_right_logical3A_257 {offsets = [4], sizes = [1], strides = [1]} : vector<16xi32> to vector<1xi32>
        %squeeze3A_397 = vector.extract %slice3A_396[0] : i32 from vector<1xi32>
        %broadcast_in_dim3A_398 = vector.broadcast %squeeze3A_397 : i32 to vector<16xi32>
        %add3A_399 = arith.constant 0 : i32
        %add3A_400 = vector.broadcast %add3A_399 : i32 to vector<16xi32>
        %add3A_401 = arith.addi %iota3A, %add3A_400 : vector<16xi32>
        %gather3A_402 = tpu.vector_load_idx %arg7[%add3A_401, %broadcast_in_dim3A_398] : memref<64x513xf32, #tpu.memory_space<vmem>>[vector<16xi32>, vector<16xi32>], vector<16xf32>,
        %swap3A_403 = arith.constant 4 : i32
        %swap3A_404 = arith.index_cast %swap3A_403 : i32 to index
        %swap3A_405 = arith.constant 0 : index
        %swap3A_406 = tpu.vector_load %arg12[%swap3A_404, %swap3A_405] {strides = array<i32>} : memref<16x128xf32, #tpu.memory_space<vmem>>, vector<16xf32>,
        tpu.vector_store %arg12[%swap3A_404, %swap3A_405], %gather3A_402 {strides = array<i32>} : memref<16x128xf32, #tpu.memory_space<vmem>>, vector<16xf32>,
        %add3A_407 = arith.constant 16 : i32
        %add3A_408 = vector.broadcast %add3A_407 : i32 to vector<16xi32>
        %add3A_409 = arith.addi %iota3A, %add3A_408 : vector<16xi32>
        %gather3A_410 = tpu.vector_load_idx %arg7[%add3A_409, %broadcast_in_dim3A_398] : memref<64x513xf32, #tpu.memory_space<vmem>>[vector<16xi32>, vector<16xi32>], vector<16xf32>,
        %swap3A_411 = arith.constant 4 : i32
        %swap3A_412 = arith.index_cast %swap3A_411 : i32 to index
        %swap3A_413 = arith.constant 16 : index
        %swap3A_414 = tpu.vector_load %arg12[%swap3A_412, %swap3A_413] {strides = array<i32>} : memref<16x128xf32, #tpu.memory_space<vmem>>, vector<16xf32>,
        tpu.vector_store %arg12[%swap3A_412, %swap3A_413], %gather3A_410 {strides = array<i32>} : memref<16x128xf32, #tpu.memory_space<vmem>>, vector<16xf32>,
        %add3A_415 = arith.constant 32 : i32
        %add3A_416 = vector.broadcast %add3A_415 : i32 to vector<16xi32>
        %add3A_417 = arith.addi %iota3A, %add3A_416 : vector<16xi32>
        %gather3A_418 = tpu.vector_load_idx %arg7[%add3A_417, %broadcast_in_dim3A_398] : memref<64x513xf32, #tpu.memory_space<vmem>>[vector<16xi32>, vector<16xi32>], vector<16xf32>,
        %swap3A_419 = arith.constant 4 : i32
        %swap3A_420 = arith.index_cast %swap3A_419 : i32 to index
        %swap3A_421 = arith.constant 32 : index
        %swap3A_422 = tpu.vector_load %arg12[%swap3A_420, %swap3A_421] {strides = array<i32>} : memref<16x128xf32, #tpu.memory_space<vmem>>, vector<16xf32>,
        tpu.vector_store %arg12[%swap3A_420, %swap3A_421], %gather3A_418 {strides = array<i32>} : memref<16x128xf32, #tpu.memory_space<vmem>>, vector<16xf32>,
        %add3A_423 = arith.constant 48 : i32
        %add3A_424 = vector.broadcast %add3A_423 : i32 to vector<16xi32>
        %add3A_425 = arith.addi %iota3A, %add3A_424 : vector<16xi32>
        %gather3A_426 = tpu.vector_load_idx %arg7[%add3A_425, %broadcast_in_dim3A_398] : memref<64x513xf32, #tpu.memory_space<vmem>>[vector<16xi32>, vector<16xi32>], vector<16xf32>,
        %swap3A_427 = arith.constant 4 : i32
        %swap3A_428 = arith.index_cast %swap3A_427 : i32 to index
        %swap3A_429 = arith.constant 48 : index
        %swap3A_430 = tpu.vector_load %arg12[%swap3A_428, %swap3A_429] {strides = array<i32>} : memref<16x128xf32, #tpu.memory_space<vmem>>, vector<16xf32>,
        tpu.vector_store %arg12[%swap3A_428, %swap3A_429], %gather3A_426 {strides = array<i32>} : memref<16x128xf32, #tpu.memory_space<vmem>>, vector<16xf32>,
        %slice3A_431 = vector.extract_strided_slice %shift_right_logical3A_257 {offsets = [5], sizes = [1], strides = [1]} : vector<16xi32> to vector<1xi32>
        %squeeze3A_432 = vector.extract %slice3A_431[0] : i32 from vector<1xi32>
        %broadcast_in_dim3A_433 = vector.broadcast %squeeze3A_432 : i32 to vector<16xi32>
        %add3A_434 = arith.constant 0 : i32
        %add3A_435 = vector.broadcast %add3A_434 : i32 to vector<16xi32>
        %add3A_436 = arith.addi %iota3A, %add3A_435 : vector<16xi32>
        %gather3A_437 = tpu.vector_load_idx %arg7[%add3A_436, %broadcast_in_dim3A_433] : memref<64x513xf32, #tpu.memory_space<vmem>>[vector<16xi32>, vector<16xi32>], vector<16xf32>,
        %swap3A_438 = arith.constant 5 : i32
        %swap3A_439 = arith.index_cast %swap3A_438 : i32 to index
        %swap3A_440 = arith.constant 0 : index
        %swap3A_441 = tpu.vector_load %arg12[%swap3A_439, %swap3A_440] {strides = array<i32>} : memref<16x128xf32, #tpu.memory_space<vmem>>, vector<16xf32>,
        tpu.vector_store %arg12[%swap3A_439, %swap3A_440], %gather3A_437 {strides = array<i32>} : memref<16x128xf32, #tpu.memory_space<vmem>>, vector<16xf32>,
        %add3A_442 = arith.constant 16 : i32
        %add3A_443 = vector.broadcast %add3A_442 : i32 to vector<16xi32>
        %add3A_444 = arith.addi %iota3A, %add3A_443 : vector<16xi32>
        %gather3A_445 = tpu.vector_load_idx %arg7[%add3A_444, %broadcast_in_dim3A_433] : memref<64x513xf32, #tpu.memory_space<vmem>>[vector<16xi32>, vector<16xi32>], vector<16xf32>,
        %swap3A_446 = arith.constant 5 : i32
        %swap3A_447 = arith.index_cast %swap3A_446 : i32 to index
        %swap3A_448 = arith.constant 16 : index
        %swap3A_449 = tpu.vector_load %arg12[%swap3A_447, %swap3A_448] {strides = array<i32>} : memref<16x128xf32, #tpu.memory_space<vmem>>, vector<16xf32>,
        tpu.vector_store %arg12[%swap3A_447, %swap3A_448], %gather3A_445 {strides = array<i32>} : memref<16x128xf32, #tpu.memory_space<vmem>>, vector<16xf32>,
        %add3A_450 = arith.constant 32 : i32
        %add3A_451 = vector.broadcast %add3A_450 : i32 to vector<16xi32>
        %add3A_452 = arith.addi %iota3A, %add3A_451 : vector<16xi32>
        %gather3A_453 = tpu.vector_load_idx %arg7[%add3A_452, %broadcast_in_dim3A_433] : memref<64x513xf32, #tpu.memory_space<vmem>>[vector<16xi32>, vector<16xi32>], vector<16xf32>,
        %swap3A_454 = arith.constant 5 : i32
        %swap3A_455 = arith.index_cast %swap3A_454 : i32 to index
        %swap3A_456 = arith.constant 32 : index
        %swap3A_457 = tpu.vector_load %arg12[%swap3A_455, %swap3A_456] {strides = array<i32>} : memref<16x128xf32, #tpu.memory_space<vmem>>, vector<16xf32>,
        tpu.vector_store %arg12[%swap3A_455, %swap3A_456], %gather3A_453 {strides = array<i32>} : memref<16x128xf32, #tpu.memory_space<vmem>>, vector<16xf32>,
        %add3A_458 = arith.constant 48 : i32
        %add3A_459 = vector.broadcast %add3A_458 : i32 to vector<16xi32>
        %add3A_460 = arith.addi %iota3A, %add3A_459 : vector<16xi32>
        %gather3A_461 = tpu.vector_load_idx %arg7[%add3A_460, %broadcast_in_dim3A_433] : memref<64x513xf32, #tpu.memory_space<vmem>>[vector<16xi32>, vector<16xi32>], vector<16xf32>,
        %swap3A_462 = arith.constant 5 : i32
        %swap3A_463 = arith.index_cast %swap3A_462 : i32 to index
        %swap3A_464 = arith.constant 48 : index
        %swap3A_465 = tpu.vector_load %arg12[%swap3A_463, %swap3A_464] {strides = array<i32>} : memref<16x128xf32, #tpu.memory_space<vmem>>, vector<16xf32>,
        tpu.vector_store %arg12[%swap3A_463, %swap3A_464], %gather3A_461 {strides = array<i32>} : memref<16x128xf32, #tpu.memory_space<vmem>>, vector<16xf32>,
        %slice3A_466 = vector.extract_strided_slice %shift_right_logical3A_257 {offsets = [6], sizes = [1], strides = [1]} : vector<16xi32> to vector<1xi32>
        %squeeze3A_467 = vector.extract %slice3A_466[0] : i32 from vector<1xi32>
        %broadcast_in_dim3A_468 = vector.broadcast %squeeze3A_467 : i32 to vector<16xi32>
        %add3A_469 = arith.constant 0 : i32
        %add3A_470 = vector.broadcast %add3A_469 : i32 to vector<16xi32>
        %add3A_471 = arith.addi %iota3A, %add3A_470 : vector<16xi32>
        %gather3A_472 = tpu.vector_load_idx %arg7[%add3A_471, %broadcast_in_dim3A_468] : memref<64x513xf32, #tpu.memory_space<vmem>>[vector<16xi32>, vector<16xi32>], vector<16xf32>,
        %swap3A_473 = arith.constant 6 : i32
        %swap3A_474 = arith.index_cast %swap3A_473 : i32 to index
        %swap3A_475 = arith.constant 0 : index
        %swap3A_476 = tpu.vector_load %arg12[%swap3A_474, %swap3A_475] {strides = array<i32>} : memref<16x128xf32, #tpu.memory_space<vmem>>, vector<16xf32>,
        tpu.vector_store %arg12[%swap3A_474, %swap3A_475], %gather3A_472 {strides = array<i32>} : memref<16x128xf32, #tpu.memory_space<vmem>>, vector<16xf32>,
        %add3A_477 = arith.constant 16 : i32
        %add3A_478 = vector.broadcast %add3A_477 : i32 to vector<16xi32>
        %add3A_479 = arith.addi %iota3A, %add3A_478 : vector<16xi32>
        %gather3A_480 = tpu.vector_load_idx %arg7[%add3A_479, %broadcast_in_dim3A_468] : memref<64x513xf32, #tpu.memory_space<vmem>>[vector<16xi32>, vector<16xi32>], vector<16xf32>,
        %swap3A_481 = arith.constant 6 : i32
        %swap3A_482 = arith.index_cast %swap3A_481 : i32 to index
        %swap3A_483 = arith.constant 16 : index
        %swap3A_484 = tpu.vector_load %arg12[%swap3A_482, %swap3A_483] {strides = array<i32>} : memref<16x128xf32, #tpu.memory_space<vmem>>, vector<16xf32>,
        tpu.vector_store %arg12[%swap3A_482, %swap3A_483], %gather3A_480 {strides = array<i32>} : memref<16x128xf32, #tpu.memory_space<vmem>>, vector<16xf32>,
        %add3A_485 = arith.constant 32 : i32
        %add3A_486 = vector.broadcast %add3A_485 : i32 to vector<16xi32>
        %add3A_487 = arith.addi %iota3A, %add3A_486 : vector<16xi32>
        %gather3A_488 = tpu.vector_load_idx %arg7[%add3A_487, %broadcast_in_dim3A_468] : memref<64x513xf32, #tpu.memory_space<vmem>>[vector<16xi32>, vector<16xi32>], vector<16xf32>,
        %swap3A_489 = arith.constant 6 : i32
        %swap3A_490 = arith.index_cast %swap3A_489 : i32 to index
        %swap3A_491 = arith.constant 32 : index
        %swap3A_492 = tpu.vector_load %arg12[%swap3A_490, %swap3A_491] {strides = array<i32>} : memref<16x128xf32, #tpu.memory_space<vmem>>, vector<16xf32>,
        tpu.vector_store %arg12[%swap3A_490, %swap3A_491], %gather3A_488 {strides = array<i32>} : memref<16x128xf32, #tpu.memory_space<vmem>>, vector<16xf32>,
        %add3A_493 = arith.constant 48 : i32
        %add3A_494 = vector.broadcast %add3A_493 : i32 to vector<16xi32>
        %add3A_495 = arith.addi %iota3A, %add3A_494 : vector<16xi32>
        %gather3A_496 = tpu.vector_load_idx %arg7[%add3A_495, %broadcast_in_dim3A_468] : memref<64x513xf32, #tpu.memory_space<vmem>>[vector<16xi32>, vector<16xi32>], vector<16xf32>,
        %swap3A_497 = arith.constant 6 : i32
        %swap3A_498 = arith.index_cast %swap3A_497 : i32 to index
        %swap3A_499 = arith.constant 48 : index
        %swap3A_500 = tpu.vector_load %arg12[%swap3A_498, %swap3A_499] {strides = array<i32>} : memref<16x128xf32, #tpu.memory_space<vmem>>, vector<16xf32>,
        tpu.vector_store %arg12[%swap3A_498, %swap3A_499], %gather3A_496 {strides = array<i32>} : memref<16x128xf32, #tpu.memory_space<vmem>>, vector<16xf32>,
        %slice3A_501 = vector.extract_strided_slice %shift_right_logical3A_257 {offsets = [7], sizes = [1], strides = [1]} : vector<16xi32> to vector<1xi32>
        %squeeze3A_502 = vector.extract %slice3A_501[0] : i32 from vector<1xi32>
        %broadcast_in_dim3A_503 = vector.broadcast %squeeze3A_502 : i32 to vector<16xi32>
        %add3A_504 = arith.constant 0 : i32
        %add3A_505 = vector.broadcast %add3A_504 : i32 to vector<16xi32>
        %add3A_506 = arith.addi %iota3A, %add3A_505 : vector<16xi32>
        %gather3A_507 = tpu.vector_load_idx %arg7[%add3A_506, %broadcast_in_dim3A_503] : memref<64x513xf32, #tpu.memory_space<vmem>>[vector<16xi32>, vector<16xi32>], vector<16xf32>,
        %swap3A_508 = arith.constant 7 : i32
        %swap3A_509 = arith.index_cast %swap3A_508 : i32 to index
        %swap3A_510 = arith.constant 0 : index
        %swap3A_511 = tpu.vector_load %arg12[%swap3A_509, %swap3A_510] {strides = array<i32>} : memref<16x128xf32, #tpu.memory_space<vmem>>, vector<16xf32>,
        tpu.vector_store %arg12[%swap3A_509, %swap3A_510], %gather3A_507 {strides = array<i32>} : memref<16x128xf32, #tpu.memory_space<vmem>>, vector<16xf32>,
        %add3A_512 = arith.constant 16 : i32
        %add3A_513 = vector.broadcast %add3A_512 : i32 to vector<16xi32>
        %add3A_514 = arith.addi %iota3A, %add3A_513 : vector<16xi32>
        %gather3A_515 = tpu.vector_load_idx %arg7[%add3A_514, %broadcast_in_dim3A_503] : memref<64x513xf32, #tpu.memory_space<vmem>>[vector<16xi32>, vector<16xi32>], vector<16xf32>,
        %swap3A_516 = arith.constant 7 : i32
        %swap3A_517 = arith.index_cast %swap3A_516 : i32 to index
        %swap3A_518 = arith.constant 16 : index
        %swap3A_519 = tpu.vector_load %arg12[%swap3A_517, %swap3A_518] {strides = array<i32>} : memref<16x128xf32, #tpu.memory_space<vmem>>, vector<16xf32>,
        tpu.vector_store %arg12[%swap3A_517, %swap3A_518], %gather3A_515 {strides = array<i32>} : memref<16x128xf32, #tpu.memory_space<vmem>>, vector<16xf32>,
        %add3A_520 = arith.constant 32 : i32
        %add3A_521 = vector.broadcast %add3A_520 : i32 to vector<16xi32>
        %add3A_522 = arith.addi %iota3A, %add3A_521 : vector<16xi32>
        %gather3A_523 = tpu.vector_load_idx %arg7[%add3A_522, %broadcast_in_dim3A_503] : memref<64x513xf32, #tpu.memory_space<vmem>>[vector<16xi32>, vector<16xi32>], vector<16xf32>,
        %swap3A_524 = arith.constant 7 : i32
        %swap3A_525 = arith.index_cast %swap3A_524 : i32 to index
        %swap3A_526 = arith.constant 32 : index
        %swap3A_527 = tpu.vector_load %arg12[%swap3A_525, %swap3A_526] {strides = array<i32>} : memref<16x128xf32, #tpu.memory_space<vmem>>, vector<16xf32>,
        tpu.vector_store %arg12[%swap3A_525, %swap3A_526], %gather3A_523 {strides = array<i32>} : memref<16x128xf32, #tpu.memory_space<vmem>>, vector<16xf32>,
        %add3A_528 = arith.constant 48 : i32
        %add3A_529 = vector.broadcast %add3A_528 : i32 to vector<16xi32>
        %add3A_530 = arith.addi %iota3A, %add3A_529 : vector<16xi32>
        %gather3A_531 = tpu.vector_load_idx %arg7[%add3A_530, %broadcast_in_dim3A_503] : memref<64x513xf32, #tpu.memory_space<vmem>>[vector<16xi32>, vector<16xi32>], vector<16xf32>,
        %swap3A_532 = arith.constant 7 : i32
        %swap3A_533 = arith.index_cast %swap3A_532 : i32 to index
        %swap3A_534 = arith.constant 48 : index
        %swap3A_535 = tpu.vector_load %arg12[%swap3A_533, %swap3A_534] {strides = array<i32>} : memref<16x128xf32, #tpu.memory_space<vmem>>, vector<16xf32>,
        tpu.vector_store %arg12[%swap3A_533, %swap3A_534], %gather3A_531 {strides = array<i32>} : memref<16x128xf32, #tpu.memory_space<vmem>>, vector<16xf32>,
        %slice3A_536 = vector.extract_strided_slice %shift_right_logical3A_257 {offsets = [8], sizes = [1], strides = [1]} : vector<16xi32> to vector<1xi32>
        %squeeze3A_537 = vector.extract %slice3A_536[0] : i32 from vector<1xi32>
        %broadcast_in_dim3A_538 = vector.broadcast %squeeze3A_537 : i32 to vector<16xi32>
        %add3A_539 = arith.constant 0 : i32
        %add3A_540 = vector.broadcast %add3A_539 : i32 to vector<16xi32>
        %add3A_541 = arith.addi %iota3A, %add3A_540 : vector<16xi32>
        %gather3A_542 = tpu.vector_load_idx %arg7[%add3A_541, %broadcast_in_dim3A_538] : memref<64x513xf32, #tpu.memory_space<vmem>>[vector<16xi32>, vector<16xi32>], vector<16xf32>,
        %swap3A_543 = arith.constant 8 : i32
        %swap3A_544 = arith.index_cast %swap3A_543 : i32 to index
        %swap3A_545 = arith.constant 0 : index
        %swap3A_546 = tpu.vector_load %arg12[%swap3A_544, %swap3A_545] {strides = array<i32>} : memref<16x128xf32, #tpu.memory_space<vmem>>, vector<16xf32>,
        tpu.vector_store %arg12[%swap3A_544, %swap3A_545], %gather3A_542 {strides = array<i32>} : memref<16x128xf32, #tpu.memory_space<vmem>>, vector<16xf32>,
        %add3A_547 = arith.constant 16 : i32
        %add3A_548 = vector.broadcast %add3A_547 : i32 to vector<16xi32>
        %add3A_549 = arith.addi %iota3A, %add3A_548 : vector<16xi32>
        %gather3A_550 = tpu.vector_load_idx %arg7[%add3A_549, %broadcast_in_dim3A_538] : memref<64x513xf32, #tpu.memory_space<vmem>>[vector<16xi32>, vector<16xi32>], vector<16xf32>,
        %swap3A_551 = arith.constant 8 : i32
        %swap3A_552 = arith.index_cast %swap3A_551 : i32 to index
        %swap3A_553 = arith.constant 16 : index
        %swap3A_554 = tpu.vector_load %arg12[%swap3A_552, %swap3A_553] {strides = array<i32>} : memref<16x128xf32, #tpu.memory_space<vmem>>, vector<16xf32>,
        tpu.vector_store %arg12[%swap3A_552, %swap3A_553], %gather3A_550 {strides = array<i32>} : memref<16x128xf32, #tpu.memory_space<vmem>>, vector<16xf32>,
        %add3A_555 = arith.constant 32 : i32
        %add3A_556 = vector.broadcast %add3A_555 : i32 to vector<16xi32>
        %add3A_557 = arith.addi %iota3A, %add3A_556 : vector<16xi32>
        %gather3A_558 = tpu.vector_load_idx %arg7[%add3A_557, %broadcast_in_dim3A_538] : memref<64x513xf32, #tpu.memory_space<vmem>>[vector<16xi32>, vector<16xi32>], vector<16xf32>,
        %swap3A_559 = arith.constant 8 : i32
        %swap3A_560 = arith.index_cast %swap3A_559 : i32 to index
        %swap3A_561 = arith.constant 32 : index
        %swap3A_562 = tpu.vector_load %arg12[%swap3A_560, %swap3A_561] {strides = array<i32>} : memref<16x128xf32, #tpu.memory_space<vmem>>, vector<16xf32>,
        tpu.vector_store %arg12[%swap3A_560, %swap3A_561], %gather3A_558 {strides = array<i32>} : memref<16x128xf32, #tpu.memory_space<vmem>>, vector<16xf32>,
        %add3A_563 = arith.constant 48 : i32
        %add3A_564 = vector.broadcast %add3A_563 : i32 to vector<16xi32>
        %add3A_565 = arith.addi %iota3A, %add3A_564 : vector<16xi32>
        %gather3A_566 = tpu.vector_load_idx %arg7[%add3A_565, %broadcast_in_dim3A_538] : memref<64x513xf32, #tpu.memory_space<vmem>>[vector<16xi32>, vector<16xi32>], vector<16xf32>,
        %swap3A_567 = arith.constant 8 : i32
        %swap3A_568 = arith.index_cast %swap3A_567 : i32 to index
        %swap3A_569 = arith.constant 48 : index
        %swap3A_570 = tpu.vector_load %arg12[%swap3A_568, %swap3A_569] {strides = array<i32>} : memref<16x128xf32, #tpu.memory_space<vmem>>, vector<16xf32>,
        tpu.vector_store %arg12[%swap3A_568, %swap3A_569], %gather3A_566 {strides = array<i32>} : memref<16x128xf32, #tpu.memory_space<vmem>>, vector<16xf32>,
        %slice3A_571 = vector.extract_strided_slice %shift_right_logical3A_257 {offsets = [9], sizes = [1], strides = [1]} : vector<16xi32> to vector<1xi32>
        %squeeze3A_572 = vector.extract %slice3A_571[0] : i32 from vector<1xi32>
        %broadcast_in_dim3A_573 = vector.broadcast %squeeze3A_572 : i32 to vector<16xi32>
        %add3A_574 = arith.constant 0 : i32
        %add3A_575 = vector.broadcast %add3A_574 : i32 to vector<16xi32>
        %add3A_576 = arith.addi %iota3A, %add3A_575 : vector<16xi32>
        %gather3A_577 = tpu.vector_load_idx %arg7[%add3A_576, %broadcast_in_dim3A_573] : memref<64x513xf32, #tpu.memory_space<vmem>>[vector<16xi32>, vector<16xi32>], vector<16xf32>,
        %swap3A_578 = arith.constant 9 : i32
        %swap3A_579 = arith.index_cast %swap3A_578 : i32 to index
        %swap3A_580 = arith.constant 0 : index
        %swap3A_581 = tpu.vector_load %arg12[%swap3A_579, %swap3A_580] {strides = array<i32>} : memref<16x128xf32, #tpu.memory_space<vmem>>, vector<16xf32>,
        tpu.vector_store %arg12[%swap3A_579, %swap3A_580], %gather3A_577 {strides = array<i32>} : memref<16x128xf32, #tpu.memory_space<vmem>>, vector<16xf32>,
        %add3A_582 = arith.constant 16 : i32
        %add3A_583 = vector.broadcast %add3A_582 : i32 to vector<16xi32>
        %add3A_584 = arith.addi %iota3A, %add3A_583 : vector<16xi32>
        %gather3A_585 = tpu.vector_load_idx %arg7[%add3A_584, %broadcast_in_dim3A_573] : memref<64x513xf32, #tpu.memory_space<vmem>>[vector<16xi32>, vector<16xi32>], vector<16xf32>,
        %swap3A_586 = arith.constant 9 : i32
        %swap3A_587 = arith.index_cast %swap3A_586 : i32 to index
        %swap3A_588 = arith.constant 16 : index
        %swap3A_589 = tpu.vector_load %arg12[%swap3A_587, %swap3A_588] {strides = array<i32>} : memref<16x128xf32, #tpu.memory_space<vmem>>, vector<16xf32>,
        tpu.vector_store %arg12[%swap3A_587, %swap3A_588], %gather3A_585 {strides = array<i32>} : memref<16x128xf32, #tpu.memory_space<vmem>>, vector<16xf32>,
        %add3A_590 = arith.constant 32 : i32
        %add3A_591 = vector.broadcast %add3A_590 : i32 to vector<16xi32>
        %add3A_592 = arith.addi %iota3A, %add3A_591 : vector<16xi32>
        %gather3A_593 = tpu.vector_load_idx %arg7[%add3A_592, %broadcast_in_dim3A_573] : memref<64x513xf32, #tpu.memory_space<vmem>>[vector<16xi32>, vector<16xi32>], vector<16xf32>,
        %swap3A_594 = arith.constant 9 : i32
        %swap3A_595 = arith.index_cast %swap3A_594 : i32 to index
        %swap3A_596 = arith.constant 32 : index
        %swap3A_597 = tpu.vector_load %arg12[%swap3A_595, %swap3A_596] {strides = array<i32>} : memref<16x128xf32, #tpu.memory_space<vmem>>, vector<16xf32>,
        tpu.vector_store %arg12[%swap3A_595, %swap3A_596], %gather3A_593 {strides = array<i32>} : memref<16x128xf32, #tpu.memory_space<vmem>>, vector<16xf32>,
        %add3A_598 = arith.constant 48 : i32
        %add3A_599 = vector.broadcast %add3A_598 : i32 to vector<16xi32>
        %add3A_600 = arith.addi %iota3A, %add3A_599 : vector<16xi32>
        %gather3A_601 = tpu.vector_load_idx %arg7[%add3A_600, %broadcast_in_dim3A_573] : memref<64x513xf32, #tpu.memory_space<vmem>>[vector<16xi32>, vector<16xi32>], vector<16xf32>,
        %swap3A_602 = arith.constant 9 : i32
        %swap3A_603 = arith.index_cast %swap3A_602 : i32 to index
        %swap3A_604 = arith.constant 48 : index
        %swap3A_605 = tpu.vector_load %arg12[%swap3A_603, %swap3A_604] {strides = array<i32>} : memref<16x128xf32, #tpu.memory_space<vmem>>, vector<16xf32>,
        tpu.vector_store %arg12[%swap3A_603, %swap3A_604], %gather3A_601 {strides = array<i32>} : memref<16x128xf32, #tpu.memory_space<vmem>>, vector<16xf32>,
        %slice3A_606 = vector.extract_strided_slice %shift_right_logical3A_257 {offsets = [10], sizes = [1], strides = [1]} : vector<16xi32> to vector<1xi32>
        %squeeze3A_607 = vector.extract %slice3A_606[0] : i32 from vector<1xi32>
        %broadcast_in_dim3A_608 = vector.broadcast %squeeze3A_607 : i32 to vector<16xi32>
        %add3A_609 = arith.constant 0 : i32
        %add3A_610 = vector.broadcast %add3A_609 : i32 to vector<16xi32>
        %add3A_611 = arith.addi %iota3A, %add3A_610 : vector<16xi32>
        %gather3A_612 = tpu.vector_load_idx %arg7[%add3A_611, %broadcast_in_dim3A_608] : memref<64x513xf32, #tpu.memory_space<vmem>>[vector<16xi32>, vector<16xi32>], vector<16xf32>,
        %swap3A_613 = arith.constant 10 : i32
        %swap3A_614 = arith.index_cast %swap3A_613 : i32 to index
        %swap3A_615 = arith.constant 0 : index
        %swap3A_616 = tpu.vector_load %arg12[%swap3A_614, %swap3A_615] {strides = array<i32>} : memref<16x128xf32, #tpu.memory_space<vmem>>, vector<16xf32>,
        tpu.vector_store %arg12[%swap3A_614, %swap3A_615], %gather3A_612 {strides = array<i32>} : memref<16x128xf32, #tpu.memory_space<vmem>>, vector<16xf32>,
        %add3A_617 = arith.constant 16 : i32
        %add3A_618 = vector.broadcast %add3A_617 : i32 to vector<16xi32>
        %add3A_619 = arith.addi %iota3A, %add3A_618 : vector<16xi32>
        %gather3A_620 = tpu.vector_load_idx %arg7[%add3A_619, %broadcast_in_dim3A_608] : memref<64x513xf32, #tpu.memory_space<vmem>>[vector<16xi32>, vector<16xi32>], vector<16xf32>,
        %swap3A_621 = arith.constant 10 : i32
        %swap3A_622 = arith.index_cast %swap3A_621 : i32 to index
        %swap3A_623 = arith.constant 16 : index
        %swap3A_624 = tpu.vector_load %arg12[%swap3A_622, %swap3A_623] {strides = array<i32>} : memref<16x128xf32, #tpu.memory_space<vmem>>, vector<16xf32>,
        tpu.vector_store %arg12[%swap3A_622, %swap3A_623], %gather3A_620 {strides = array<i32>} : memref<16x128xf32, #tpu.memory_space<vmem>>, vector<16xf32>,
        %add3A_625 = arith.constant 32 : i32
        %add3A_626 = vector.broadcast %add3A_625 : i32 to vector<16xi32>
        %add3A_627 = arith.addi %iota3A, %add3A_626 : vector<16xi32>
        %gather3A_628 = tpu.vector_load_idx %arg7[%add3A_627, %broadcast_in_dim3A_608] : memref<64x513xf32, #tpu.memory_space<vmem>>[vector<16xi32>, vector<16xi32>], vector<16xf32>,
        %swap3A_629 = arith.constant 10 : i32
        %swap3A_630 = arith.index_cast %swap3A_629 : i32 to index
        %swap3A_631 = arith.constant 32 : index
        %swap3A_632 = tpu.vector_load %arg12[%swap3A_630, %swap3A_631] {strides = array<i32>} : memref<16x128xf32, #tpu.memory_space<vmem>>, vector<16xf32>,
        tpu.vector_store %arg12[%swap3A_630, %swap3A_631], %gather3A_628 {strides = array<i32>} : memref<16x128xf32, #tpu.memory_space<vmem>>, vector<16xf32>,
        %add3A_633 = arith.constant 48 : i32
        %add3A_634 = vector.broadcast %add3A_633 : i32 to vector<16xi32>
        %add3A_635 = arith.addi %iota3A, %add3A_634 : vector<16xi32>
        %gather3A_636 = tpu.vector_load_idx %arg7[%add3A_635, %broadcast_in_dim3A_608] : memref<64x513xf32, #tpu.memory_space<vmem>>[vector<16xi32>, vector<16xi32>], vector<16xf32>,
        %swap3A_637 = arith.constant 10 : i32
        %swap3A_638 = arith.index_cast %swap3A_637 : i32 to index
        %swap3A_639 = arith.constant 48 : index
        %swap3A_640 = tpu.vector_load %arg12[%swap3A_638, %swap3A_639] {strides = array<i32>} : memref<16x128xf32, #tpu.memory_space<vmem>>, vector<16xf32>,
        tpu.vector_store %arg12[%swap3A_638, %swap3A_639], %gather3A_636 {strides = array<i32>} : memref<16x128xf32, #tpu.memory_space<vmem>>, vector<16xf32>,
        %slice3A_641 = vector.extract_strided_slice %shift_right_logical3A_257 {offsets = [11], sizes = [1], strides = [1]} : vector<16xi32> to vector<1xi32>
        %squeeze3A_642 = vector.extract %slice3A_641[0] : i32 from vector<1xi32>
        %broadcast_in_dim3A_643 = vector.broadcast %squeeze3A_642 : i32 to vector<16xi32>
        %add3A_644 = arith.constant 0 : i32
        %add3A_645 = vector.broadcast %add3A_644 : i32 to vector<16xi32>
        %add3A_646 = arith.addi %iota3A, %add3A_645 : vector<16xi32>
        %gather3A_647 = tpu.vector_load_idx %arg7[%add3A_646, %broadcast_in_dim3A_643] : memref<64x513xf32, #tpu.memory_space<vmem>>[vector<16xi32>, vector<16xi32>], vector<16xf32>,
        %swap3A_648 = arith.constant 11 : i32
        %swap3A_649 = arith.index_cast %swap3A_648 : i32 to index
        %swap3A_650 = arith.constant 0 : index
        %swap3A_651 = tpu.vector_load %arg12[%swap3A_649, %swap3A_650] {strides = array<i32>} : memref<16x128xf32, #tpu.memory_space<vmem>>, vector<16xf32>,
        tpu.vector_store %arg12[%swap3A_649, %swap3A_650], %gather3A_647 {strides = array<i32>} : memref<16x128xf32, #tpu.memory_space<vmem>>, vector<16xf32>,
        %add3A_652 = arith.constant 16 : i32
        %add3A_653 = vector.broadcast %add3A_652 : i32 to vector<16xi32>
        %add3A_654 = arith.addi %iota3A, %add3A_653 : vector<16xi32>
        %gather3A_655 = tpu.vector_load_idx %arg7[%add3A_654, %broadcast_in_dim3A_643] : memref<64x513xf32, #tpu.memory_space<vmem>>[vector<16xi32>, vector<16xi32>], vector<16xf32>,
        %swap3A_656 = arith.constant 11 : i32
        %swap3A_657 = arith.index_cast %swap3A_656 : i32 to index
        %swap3A_658 = arith.constant 16 : index
        %swap3A_659 = tpu.vector_load %arg12[%swap3A_657, %swap3A_658] {strides = array<i32>} : memref<16x128xf32, #tpu.memory_space<vmem>>, vector<16xf32>,
        tpu.vector_store %arg12[%swap3A_657, %swap3A_658], %gather3A_655 {strides = array<i32>} : memref<16x128xf32, #tpu.memory_space<vmem>>, vector<16xf32>,
        %add3A_660 = arith.constant 32 : i32
        %add3A_661 = vector.broadcast %add3A_660 : i32 to vector<16xi32>
        %add3A_662 = arith.addi %iota3A, %add3A_661 : vector<16xi32>
        %gather3A_663 = tpu.vector_load_idx %arg7[%add3A_662, %broadcast_in_dim3A_643] : memref<64x513xf32, #tpu.memory_space<vmem>>[vector<16xi32>, vector<16xi32>], vector<16xf32>,
        %swap3A_664 = arith.constant 11 : i32
        %swap3A_665 = arith.index_cast %swap3A_664 : i32 to index
        %swap3A_666 = arith.constant 32 : index
        %swap3A_667 = tpu.vector_load %arg12[%swap3A_665, %swap3A_666] {strides = array<i32>} : memref<16x128xf32, #tpu.memory_space<vmem>>, vector<16xf32>,
        tpu.vector_store %arg12[%swap3A_665, %swap3A_666], %gather3A_663 {strides = array<i32>} : memref<16x128xf32, #tpu.memory_space<vmem>>, vector<16xf32>,
        %add3A_668 = arith.constant 48 : i32
        %add3A_669 = vector.broadcast %add3A_668 : i32 to vector<16xi32>
        %add3A_670 = arith.addi %iota3A, %add3A_669 : vector<16xi32>
        %gather3A_671 = tpu.vector_load_idx %arg7[%add3A_670, %broadcast_in_dim3A_643] : memref<64x513xf32, #tpu.memory_space<vmem>>[vector<16xi32>, vector<16xi32>], vector<16xf32>,
        %swap3A_672 = arith.constant 11 : i32
        %swap3A_673 = arith.index_cast %swap3A_672 : i32 to index
        %swap3A_674 = arith.constant 48 : index
        %swap3A_675 = tpu.vector_load %arg12[%swap3A_673, %swap3A_674] {strides = array<i32>} : memref<16x128xf32, #tpu.memory_space<vmem>>, vector<16xf32>,
        tpu.vector_store %arg12[%swap3A_673, %swap3A_674], %gather3A_671 {strides = array<i32>} : memref<16x128xf32, #tpu.memory_space<vmem>>, vector<16xf32>,
        %slice3A_676 = vector.extract_strided_slice %shift_right_logical3A_257 {offsets = [12], sizes = [1], strides = [1]} : vector<16xi32> to vector<1xi32>
        %squeeze3A_677 = vector.extract %slice3A_676[0] : i32 from vector<1xi32>
        %broadcast_in_dim3A_678 = vector.broadcast %squeeze3A_677 : i32 to vector<16xi32>
        %add3A_679 = arith.constant 0 : i32
        %add3A_680 = vector.broadcast %add3A_679 : i32 to vector<16xi32>
        %add3A_681 = arith.addi %iota3A, %add3A_680 : vector<16xi32>
        %gather3A_682 = tpu.vector_load_idx %arg7[%add3A_681, %broadcast_in_dim3A_678] : memref<64x513xf32, #tpu.memory_space<vmem>>[vector<16xi32>, vector<16xi32>], vector<16xf32>,
        %swap3A_683 = arith.constant 12 : i32
        %swap3A_684 = arith.index_cast %swap3A_683 : i32 to index
        %swap3A_685 = arith.constant 0 : index
        %swap3A_686 = tpu.vector_load %arg12[%swap3A_684, %swap3A_685] {strides = array<i32>} : memref<16x128xf32, #tpu.memory_space<vmem>>, vector<16xf32>,
        tpu.vector_store %arg12[%swap3A_684, %swap3A_685], %gather3A_682 {strides = array<i32>} : memref<16x128xf32, #tpu.memory_space<vmem>>, vector<16xf32>,
        %add3A_687 = arith.constant 16 : i32
        %add3A_688 = vector.broadcast %add3A_687 : i32 to vector<16xi32>
        %add3A_689 = arith.addi %iota3A, %add3A_688 : vector<16xi32>
        %gather3A_690 = tpu.vector_load_idx %arg7[%add3A_689, %broadcast_in_dim3A_678] : memref<64x513xf32, #tpu.memory_space<vmem>>[vector<16xi32>, vector<16xi32>], vector<16xf32>,
        %swap3A_691 = arith.constant 12 : i32
        %swap3A_692 = arith.index_cast %swap3A_691 : i32 to index
        %swap3A_693 = arith.constant 16 : index
        %swap3A_694 = tpu.vector_load %arg12[%swap3A_692, %swap3A_693] {strides = array<i32>} : memref<16x128xf32, #tpu.memory_space<vmem>>, vector<16xf32>,
        tpu.vector_store %arg12[%swap3A_692, %swap3A_693], %gather3A_690 {strides = array<i32>} : memref<16x128xf32, #tpu.memory_space<vmem>>, vector<16xf32>,
        %add3A_695 = arith.constant 32 : i32
        %add3A_696 = vector.broadcast %add3A_695 : i32 to vector<16xi32>
        %add3A_697 = arith.addi %iota3A, %add3A_696 : vector<16xi32>
        %gather3A_698 = tpu.vector_load_idx %arg7[%add3A_697, %broadcast_in_dim3A_678] : memref<64x513xf32, #tpu.memory_space<vmem>>[vector<16xi32>, vector<16xi32>], vector<16xf32>,
        %swap3A_699 = arith.constant 12 : i32
        %swap3A_700 = arith.index_cast %swap3A_699 : i32 to index
        %swap3A_701 = arith.constant 32 : index
        %swap3A_702 = tpu.vector_load %arg12[%swap3A_700, %swap3A_701] {strides = array<i32>} : memref<16x128xf32, #tpu.memory_space<vmem>>, vector<16xf32>,
        tpu.vector_store %arg12[%swap3A_700, %swap3A_701], %gather3A_698 {strides = array<i32>} : memref<16x128xf32, #tpu.memory_space<vmem>>, vector<16xf32>,
        %add3A_703 = arith.constant 48 : i32
        %add3A_704 = vector.broadcast %add3A_703 : i32 to vector<16xi32>
        %add3A_705 = arith.addi %iota3A, %add3A_704 : vector<16xi32>
        %gather3A_706 = tpu.vector_load_idx %arg7[%add3A_705, %broadcast_in_dim3A_678] : memref<64x513xf32, #tpu.memory_space<vmem>>[vector<16xi32>, vector<16xi32>], vector<16xf32>,
        %swap3A_707 = arith.constant 12 : i32
        %swap3A_708 = arith.index_cast %swap3A_707 : i32 to index
        %swap3A_709 = arith.constant 48 : index
        %swap3A_710 = tpu.vector_load %arg12[%swap3A_708, %swap3A_709] {strides = array<i32>} : memref<16x128xf32, #tpu.memory_space<vmem>>, vector<16xf32>,
        tpu.vector_store %arg12[%swap3A_708, %swap3A_709], %gather3A_706 {strides = array<i32>} : memref<16x128xf32, #tpu.memory_space<vmem>>, vector<16xf32>,
        %slice3A_711 = vector.extract_strided_slice %shift_right_logical3A_257 {offsets = [13], sizes = [1], strides = [1]} : vector<16xi32> to vector<1xi32>
        %squeeze3A_712 = vector.extract %slice3A_711[0] : i32 from vector<1xi32>
        %broadcast_in_dim3A_713 = vector.broadcast %squeeze3A_712 : i32 to vector<16xi32>
        %add3A_714 = arith.constant 0 : i32
        %add3A_715 = vector.broadcast %add3A_714 : i32 to vector<16xi32>
        %add3A_716 = arith.addi %iota3A, %add3A_715 : vector<16xi32>
        %gather3A_717 = tpu.vector_load_idx %arg7[%add3A_716, %broadcast_in_dim3A_713] : memref<64x513xf32, #tpu.memory_space<vmem>>[vector<16xi32>, vector<16xi32>], vector<16xf32>,
        %swap3A_718 = arith.constant 13 : i32
        %swap3A_719 = arith.index_cast %swap3A_718 : i32 to index
        %swap3A_720 = arith.constant 0 : index
        %swap3A_721 = tpu.vector_load %arg12[%swap3A_719, %swap3A_720] {strides = array<i32>} : memref<16x128xf32, #tpu.memory_space<vmem>>, vector<16xf32>,
        tpu.vector_store %arg12[%swap3A_719, %swap3A_720], %gather3A_717 {strides = array<i32>} : memref<16x128xf32, #tpu.memory_space<vmem>>, vector<16xf32>,
        %add3A_722 = arith.constant 16 : i32
        %add3A_723 = vector.broadcast %add3A_722 : i32 to vector<16xi32>
        %add3A_724 = arith.addi %iota3A, %add3A_723 : vector<16xi32>
        %gather3A_725 = tpu.vector_load_idx %arg7[%add3A_724, %broadcast_in_dim3A_713] : memref<64x513xf32, #tpu.memory_space<vmem>>[vector<16xi32>, vector<16xi32>], vector<16xf32>,
        %swap3A_726 = arith.constant 13 : i32
        %swap3A_727 = arith.index_cast %swap3A_726 : i32 to index
        %swap3A_728 = arith.constant 16 : index
        %swap3A_729 = tpu.vector_load %arg12[%swap3A_727, %swap3A_728] {strides = array<i32>} : memref<16x128xf32, #tpu.memory_space<vmem>>, vector<16xf32>,
        tpu.vector_store %arg12[%swap3A_727, %swap3A_728], %gather3A_725 {strides = array<i32>} : memref<16x128xf32, #tpu.memory_space<vmem>>, vector<16xf32>,
        %add3A_730 = arith.constant 32 : i32
        %add3A_731 = vector.broadcast %add3A_730 : i32 to vector<16xi32>
        %add3A_732 = arith.addi %iota3A, %add3A_731 : vector<16xi32>
        %gather3A_733 = tpu.vector_load_idx %arg7[%add3A_732, %broadcast_in_dim3A_713] : memref<64x513xf32, #tpu.memory_space<vmem>>[vector<16xi32>, vector<16xi32>], vector<16xf32>,
        %swap3A_734 = arith.constant 13 : i32
        %swap3A_735 = arith.index_cast %swap3A_734 : i32 to index
        %swap3A_736 = arith.constant 32 : index
        %swap3A_737 = tpu.vector_load %arg12[%swap3A_735, %swap3A_736] {strides = array<i32>} : memref<16x128xf32, #tpu.memory_space<vmem>>, vector<16xf32>,
        tpu.vector_store %arg12[%swap3A_735, %swap3A_736], %gather3A_733 {strides = array<i32>} : memref<16x128xf32, #tpu.memory_space<vmem>>, vector<16xf32>,
        %add3A_738 = arith.constant 48 : i32
        %add3A_739 = vector.broadcast %add3A_738 : i32 to vector<16xi32>
        %add3A_740 = arith.addi %iota3A, %add3A_739 : vector<16xi32>
        %gather3A_741 = tpu.vector_load_idx %arg7[%add3A_740, %broadcast_in_dim3A_713] : memref<64x513xf32, #tpu.memory_space<vmem>>[vector<16xi32>, vector<16xi32>], vector<16xf32>,
        %swap3A_742 = arith.constant 13 : i32
        %swap3A_743 = arith.index_cast %swap3A_742 : i32 to index
        %swap3A_744 = arith.constant 48 : index
        %swap3A_745 = tpu.vector_load %arg12[%swap3A_743, %swap3A_744] {strides = array<i32>} : memref<16x128xf32, #tpu.memory_space<vmem>>, vector<16xf32>,
        tpu.vector_store %arg12[%swap3A_743, %swap3A_744], %gather3A_741 {strides = array<i32>} : memref<16x128xf32, #tpu.memory_space<vmem>>, vector<16xf32>,
        %slice3A_746 = vector.extract_strided_slice %shift_right_logical3A_257 {offsets = [14], sizes = [1], strides = [1]} : vector<16xi32> to vector<1xi32>
        %squeeze3A_747 = vector.extract %slice3A_746[0] : i32 from vector<1xi32>
        %broadcast_in_dim3A_748 = vector.broadcast %squeeze3A_747 : i32 to vector<16xi32>
        %add3A_749 = arith.constant 0 : i32
        %add3A_750 = vector.broadcast %add3A_749 : i32 to vector<16xi32>
        %add3A_751 = arith.addi %iota3A, %add3A_750 : vector<16xi32>
        %gather3A_752 = tpu.vector_load_idx %arg7[%add3A_751, %broadcast_in_dim3A_748] : memref<64x513xf32, #tpu.memory_space<vmem>>[vector<16xi32>, vector<16xi32>], vector<16xf32>,
        %swap3A_753 = arith.constant 14 : i32
        %swap3A_754 = arith.index_cast %swap3A_753 : i32 to index
        %swap3A_755 = arith.constant 0 : index
        %swap3A_756 = tpu.vector_load %arg12[%swap3A_754, %swap3A_755] {strides = array<i32>} : memref<16x128xf32, #tpu.memory_space<vmem>>, vector<16xf32>,
        tpu.vector_store %arg12[%swap3A_754, %swap3A_755], %gather3A_752 {strides = array<i32>} : memref<16x128xf32, #tpu.memory_space<vmem>>, vector<16xf32>,
        %add3A_757 = arith.constant 16 : i32
        %add3A_758 = vector.broadcast %add3A_757 : i32 to vector<16xi32>
        %add3A_759 = arith.addi %iota3A, %add3A_758 : vector<16xi32>
        %gather3A_760 = tpu.vector_load_idx %arg7[%add3A_759, %broadcast_in_dim3A_748] : memref<64x513xf32, #tpu.memory_space<vmem>>[vector<16xi32>, vector<16xi32>], vector<16xf32>,
        %swap3A_761 = arith.constant 14 : i32
        %swap3A_762 = arith.index_cast %swap3A_761 : i32 to index
        %swap3A_763 = arith.constant 16 : index
        %swap3A_764 = tpu.vector_load %arg12[%swap3A_762, %swap3A_763] {strides = array<i32>} : memref<16x128xf32, #tpu.memory_space<vmem>>, vector<16xf32>,
        tpu.vector_store %arg12[%swap3A_762, %swap3A_763], %gather3A_760 {strides = array<i32>} : memref<16x128xf32, #tpu.memory_space<vmem>>, vector<16xf32>,
        %add3A_765 = arith.constant 32 : i32
        %add3A_766 = vector.broadcast %add3A_765 : i32 to vector<16xi32>
        %add3A_767 = arith.addi %iota3A, %add3A_766 : vector<16xi32>
        %gather3A_768 = tpu.vector_load_idx %arg7[%add3A_767, %broadcast_in_dim3A_748] : memref<64x513xf32, #tpu.memory_space<vmem>>[vector<16xi32>, vector<16xi32>], vector<16xf32>,
        %swap3A_769 = arith.constant 14 : i32
        %swap3A_770 = arith.index_cast %swap3A_769 : i32 to index
        %swap3A_771 = arith.constant 32 : index
        %swap3A_772 = tpu.vector_load %arg12[%swap3A_770, %swap3A_771] {strides = array<i32>} : memref<16x128xf32, #tpu.memory_space<vmem>>, vector<16xf32>,
        tpu.vector_store %arg12[%swap3A_770, %swap3A_771], %gather3A_768 {strides = array<i32>} : memref<16x128xf32, #tpu.memory_space<vmem>>, vector<16xf32>,
        %add3A_773 = arith.constant 48 : i32
        %add3A_774 = vector.broadcast %add3A_773 : i32 to vector<16xi32>
        %add3A_775 = arith.addi %iota3A, %add3A_774 : vector<16xi32>
        %gather3A_776 = tpu.vector_load_idx %arg7[%add3A_775, %broadcast_in_dim3A_748] : memref<64x513xf32, #tpu.memory_space<vmem>>[vector<16xi32>, vector<16xi32>], vector<16xf32>,
        %swap3A_777 = arith.constant 14 : i32
        %swap3A_778 = arith.index_cast %swap3A_777 : i32 to index
        %swap3A_779 = arith.constant 48 : index
        %swap3A_780 = tpu.vector_load %arg12[%swap3A_778, %swap3A_779] {strides = array<i32>} : memref<16x128xf32, #tpu.memory_space<vmem>>, vector<16xf32>,
        tpu.vector_store %arg12[%swap3A_778, %swap3A_779], %gather3A_776 {strides = array<i32>} : memref<16x128xf32, #tpu.memory_space<vmem>>, vector<16xf32>,
        %slice3A_781 = vector.extract_strided_slice %shift_right_logical3A_257 {offsets = [15], sizes = [1], strides = [1]} : vector<16xi32> to vector<1xi32>
        %squeeze3A_782 = vector.extract %slice3A_781[0] : i32 from vector<1xi32>
        %broadcast_in_dim3A_783 = vector.broadcast %squeeze3A_782 : i32 to vector<16xi32>
        %add3A_784 = arith.constant 0 : i32
        %add3A_785 = vector.broadcast %add3A_784 : i32 to vector<16xi32>
        %add3A_786 = arith.addi %iota3A, %add3A_785 : vector<16xi32>
        %gather3A_787 = tpu.vector_load_idx %arg7[%add3A_786, %broadcast_in_dim3A_783] : memref<64x513xf32, #tpu.memory_space<vmem>>[vector<16xi32>, vector<16xi32>], vector<16xf32>,
        %swap3A_788 = arith.constant 15 : i32
        %swap3A_789 = arith.index_cast %swap3A_788 : i32 to index
        %swap3A_790 = arith.constant 0 : index
        %swap3A_791 = tpu.vector_load %arg12[%swap3A_789, %swap3A_790] {strides = array<i32>} : memref<16x128xf32, #tpu.memory_space<vmem>>, vector<16xf32>,
        tpu.vector_store %arg12[%swap3A_789, %swap3A_790], %gather3A_787 {strides = array<i32>} : memref<16x128xf32, #tpu.memory_space<vmem>>, vector<16xf32>,
        %add3A_792 = arith.constant 16 : i32
        %add3A_793 = vector.broadcast %add3A_792 : i32 to vector<16xi32>
        %add3A_794 = arith.addi %iota3A, %add3A_793 : vector<16xi32>
        %gather3A_795 = tpu.vector_load_idx %arg7[%add3A_794, %broadcast_in_dim3A_783] : memref<64x513xf32, #tpu.memory_space<vmem>>[vector<16xi32>, vector<16xi32>], vector<16xf32>,
        %swap3A_796 = arith.constant 15 : i32
        %swap3A_797 = arith.index_cast %swap3A_796 : i32 to index
        %swap3A_798 = arith.constant 16 : index
        %swap3A_799 = tpu.vector_load %arg12[%swap3A_797, %swap3A_798] {strides = array<i32>} : memref<16x128xf32, #tpu.memory_space<vmem>>, vector<16xf32>,
        tpu.vector_store %arg12[%swap3A_797, %swap3A_798], %gather3A_795 {strides = array<i32>} : memref<16x128xf32, #tpu.memory_space<vmem>>, vector<16xf32>,
        %add3A_800 = arith.constant 32 : i32
        %add3A_801 = vector.broadcast %add3A_800 : i32 to vector<16xi32>
        %add3A_802 = arith.addi %iota3A, %add3A_801 : vector<16xi32>
        %gather3A_803 = tpu.vector_load_idx %arg7[%add3A_802, %broadcast_in_dim3A_783] : memref<64x513xf32, #tpu.memory_space<vmem>>[vector<16xi32>, vector<16xi32>], vector<16xf32>,
        %swap3A_804 = arith.constant 15 : i32
        %swap3A_805 = arith.index_cast %swap3A_804 : i32 to index
        %swap3A_806 = arith.constant 32 : index
        %swap3A_807 = tpu.vector_load %arg12[%swap3A_805, %swap3A_806] {strides = array<i32>} : memref<16x128xf32, #tpu.memory_space<vmem>>, vector<16xf32>,
        tpu.vector_store %arg12[%swap3A_805, %swap3A_806], %gather3A_803 {strides = array<i32>} : memref<16x128xf32, #tpu.memory_space<vmem>>, vector<16xf32>,
        %add3A_808 = arith.constant 48 : i32
        %add3A_809 = vector.broadcast %add3A_808 : i32 to vector<16xi32>
        %add3A_810 = arith.addi %iota3A, %add3A_809 : vector<16xi32>
        %gather3A_811 = tpu.vector_load_idx %arg7[%add3A_810, %broadcast_in_dim3A_783] : memref<64x513xf32, #tpu.memory_space<vmem>>[vector<16xi32>, vector<16xi32>], vector<16xf32>,
        %swap3A_812 = arith.constant 15 : i32
        %swap3A_813 = arith.index_cast %swap3A_812 : i32 to index
        %swap3A_814 = arith.constant 48 : index
        %swap3A_815 = tpu.vector_load %arg12[%swap3A_813, %swap3A_814] {strides = array<i32>} : memref<16x128xf32, #tpu.memory_space<vmem>>, vector<16xf32>,
        tpu.vector_store %arg12[%swap3A_813, %swap3A_814], %gather3A_811 {strides = array<i32>} : memref<16x128xf32, #tpu.memory_space<vmem>>, vector<16xf32>,
        %mul3A_816 = arith.constant 16384 : i32
        %mul3A_817 = arith.muli %add3A, %mul3A_816 : i32
        %mul3A_818 = arith.constant 16 : i32
        %mul3A_819 = arith.muli %while3A_252, %mul3A_818 : i32
        %add3A_820 = arith.addi %mul3A_817, %mul3A_819 : i32
        "tpu.region"() ({
          %run_scoped3A_839 = tpu.sem_alloc : memref<!tpu.dma_semaphore, #tpu.memory_space<semaphore_mem>>
          %dma_start3A_840 = arith.constant 0 : i32
          %dma_start3A_841 = tpu.memref_slice %arg4[%add3A_820, %dma_start3A_840] : memref<524288x128xf32, #tpu.memory_space<hbm>> -> memref<16x128xf32, #tpu.memory_space<hbm>>
          %dma_start3A_842 = arith.constant 0 : i32
          %dma_start3A_843 = tpu.memref_slice %arg4[%add3A_820, %dma_start3A_842] : memref<524288x128xf32, #tpu.memory_space<hbm>> -> memref<16x128xf32, #tpu.memory_space<hbm>>
          tpu.enqueue_dma source(%arg12 : memref<16x128xf32, #tpu.memory_space<vmem>>) target(%dma_start3A_843 : memref<16x128xf32, #tpu.memory_space<hbm>>) target_semaphore(%run_scoped3A_839 : memref<!tpu.dma_semaphore, #tpu.memory_space<semaphore_mem>>)
          %dma_wait3A_844 = arith.constant 0 : i32
          %dma_wait3A_845 = tpu.memref_slice %arg4[%add3A_820, %dma_wait3A_844] : memref<524288x128xf32, #tpu.memory_space<hbm>> -> memref<16x128xf32, #tpu.memory_space<hbm>>
          %dma_wait3A_846 = arith.constant 0 : i32
          %dma_wait3A_847 = tpu.memref_slice %arg4[%add3A_820, %dma_wait3A_846] : memref<524288x128xf32, #tpu.memory_space<hbm>> -> memref<16x128xf32, #tpu.memory_space<hbm>>
          tpu.wait_dma2 semaphore(%run_scoped3A_839 : memref<!tpu.dma_semaphore, #tpu.memory_space<semaphore_mem>>) src(%arg12 : memref<16x128xf32, #tpu.memory_space<vmem>>) dst(%dma_wait3A_847 : memref<16x128xf32, #tpu.memory_space<hbm>>)
          tpu.yield
        }) : () -> ()
        %mul3A_821 = arith.constant 16384 : i32
        %mul3A_822 = arith.muli %add3A, %mul3A_821 : i32
        %mul3A_823 = arith.constant 16 : i32
        %mul3A_824 = arith.muli %while3A_252, %mul3A_823 : i32
        %add3A_825 = arith.addi %mul3A_822, %mul3A_824 : i32
        %add3A_826 = vector.broadcast %add3A_825 : i32 to vector<16xi32>
        %add3A_827 = arith.addi %add3A_826, %iota3A : vector<16xi32>
        %swap3A_828 = arith.constant 0 : i32
        %swap3A_829 = arith.index_cast %swap3A_828 : i32 to index
        %swap3A_830 = arith.constant 0 : index
        %swap3A_831 = tpu.vector_load %arg13[%swap3A_829, %swap3A_830] {strides = array<i32>} : memref<1x16xi32, #tpu.memory_space<vmem>>, vector<16xi32>,
        tpu.vector_store %arg13[%swap3A_829, %swap3A_830], %add3A_827 {strides = array<i32>} : memref<1x16xi32, #tpu.memory_space<vmem>>, vector<16xi32>,
        %swap3A_832 = arith.constant 0 : i32
        %swap3A_833 = arith.index_cast %swap3A_832 : i32 to index
        %swap3A_834 = arith.constant 0 : index
        %swap3A_835 = tpu.vector_load %arg14[%swap3A_833, %swap3A_834] {strides = array<i32>} : memref<1x16xi32, #tpu.memory_space<vmem>>, vector<16xi32>,
        tpu.vector_store %arg14[%swap3A_833, %swap3A_834], %and3A_259 {strides = array<i32>} : memref<1x16xi32, #tpu.memory_space<vmem>>, vector<16xi32>,
        %run_scoped3A = arith.constant 0 : i32
        %run_scoped3A_836 = arith.constant 0 : i32
        "tpu.region"() ({
          %run_scoped3A_839 = tpu.sem_alloc : memref<!tpu.dma_semaphore, #tpu.memory_space<semaphore_mem>>
          %dma_start3A_840 = arith.constant 0 : i32
          %dma_start3A_841 = tpu.memref_slice %arg13[%run_scoped3A, %dma_start3A_840] : memref<1x16xi32, #tpu.memory_space<vmem>> -> memref<1x16xi32, #tpu.memory_space<vmem>>
          %dma_start3A_842 = tpu.memref_squeeze %dma_start3A_841 : memref<1x16xi32, #tpu.memory_space<vmem>> -> memref<16xi32, #tpu.memory_space<vmem>>
          %dma_start3A_843 = arith.constant 0 : i32
          %dma_start3A_844 = tpu.memref_slice %arg14[%run_scoped3A_836, %dma_start3A_843] : memref<1x16xi32, #tpu.memory_space<vmem>> -> memref<1x16xi32, #tpu.memory_space<vmem>>
          %dma_start3A_845 = tpu.memref_squeeze %dma_start3A_844 : memref<1x16xi32, #tpu.memory_space<vmem>> -> memref<16xi32, #tpu.memory_space<vmem>>
          %dma_start3A_846 = arith.constant 0 : i32
          %dma_start3A_847 = tpu.memref_slice %arg15[%dma_start3A_846] : memref<16512xi32, #tpu.memory_space<vmem_shared>> -> memref<16512xi32, #tpu.memory_space<vmem_shared>>
          tpu.enqueue_indirect_dma source(%dma_start3A_842 : memref<16xi32, #tpu.memory_space<vmem>>) target(%dma_start3A_847 : memref<16512xi32, #tpu.memory_space<vmem_shared>>) offsets(%dma_start3A_845 : memref<16xi32, #tpu.memory_space<vmem>>) semaphore(%run_scoped3A_839 : memref<!tpu.dma_semaphore, #tpu.memory_space<semaphore_mem>>)
          %dma_wait3A_848 = arith.constant 0 : i32
          %dma_wait3A_849 = tpu.memref_slice %arg13[%run_scoped3A, %dma_wait3A_848] : memref<1x16xi32, #tpu.memory_space<vmem>> -> memref<1x16xi32, #tpu.memory_space<vmem>>
          %dma_wait3A_850 = tpu.memref_squeeze %dma_wait3A_849 : memref<1x16xi32, #tpu.memory_space<vmem>> -> memref<16xi32, #tpu.memory_space<vmem>>
          %dma_wait3A_851 = arith.constant 0 : i32
          %dma_wait3A_852 = tpu.memref_slice %arg14[%run_scoped3A_836, %dma_wait3A_851] : memref<1x16xi32, #tpu.memory_space<vmem>> -> memref<1x16xi32, #tpu.memory_space<vmem>>
          %dma_wait3A_853 = tpu.memref_squeeze %dma_wait3A_852 : memref<1x16xi32, #tpu.memory_space<vmem>> -> memref<16xi32, #tpu.memory_space<vmem>>
          %dma_wait3A_854 = arith.constant 0 : i32
          %dma_wait3A_855 = tpu.memref_slice %arg15[%dma_wait3A_854] : memref<16512xi32, #tpu.memory_space<vmem_shared>> -> memref<16512xi32, #tpu.memory_space<vmem_shared>>
          tpu.wait_indirect_dma semaphore(%run_scoped3A_839 : memref<!tpu.dma_semaphore, #tpu.memory_space<semaphore_mem>>) src(%dma_wait3A_850 : memref<16xi32, #tpu.memory_space<vmem>>) dst(%dma_wait3A_855 : memref<16512xi32, #tpu.memory_space<vmem_shared>>)
          tpu.yield
        }) : () -> ()
        %add3A_837 = arith.constant 1 : i32
        %add3A_838 = arith.addi %while3A_252, %add3A_837 : i32
        scf.yield %add3A_838 : i32
      }
      %while3A_249 = arith.constant 1 : i32
      %while3A_250 = scf.for %while3A_251 = %while3A_246 to %while3A_242 step %while3A_249 iter_args(%while3A_252 = %while3A_248) -> (i32)  : i32 {
        %mul3A_253 = arith.constant 16 : i32
        %mul3A_254 = arith.muli %while3A_251, %mul3A_253 : i32
        %get3A = arith.index_cast %mul3A_254 : i32 to index
        %get3A_255 = tpu.vector_load %arg11[%get3A] {strides = array<i32>} : memref<16400xi32, #tpu.memory_space<vmem>>, vector<16xi32>,
        %shift_right_logical3A = arith.constant 15 : i32
        %shift_right_logical3A_256 = vector.broadcast %shift_right_logical3A : i32 to vector<16xi32>
        %shift_right_logical3A_257 = arith.shrui %get3A_255, %shift_right_logical3A_256 : vector<16xi32>
        %and3A = arith.constant 32767 : i32
        %and3A_258 = vector.broadcast %and3A : i32 to vector<16xi32>
        %and3A_259 = arith.andi %get3A_255, %and3A_258 : vector<16xi32>
        %slice3A = vector.extract_strided_slice %shift_right_logical3A_257 {offsets = [0], sizes = [1], strides = [1]} : vector<16xi32> to vector<1xi32>
        %squeeze3A = vector.extract %slice3A[0] : i32 from vector<1xi32>
        %broadcast_in_dim3A_260 = vector.broadcast %squeeze3A : i32 to vector<16xi32>
        %add3A_261 = arith.constant 0 : i32
        %add3A_262 = vector.broadcast %add3A_261 : i32 to vector<16xi32>
        %add3A_263 = arith.addi %iota3A, %add3A_262 : vector<16xi32>
        %gather3A = tpu.vector_load_idx %arg7[%add3A_263, %broadcast_in_dim3A_260] : memref<64x513xf32, #tpu.memory_space<vmem>>[vector<16xi32>, vector<16xi32>], vector<16xf32>,
        %swap3A = arith.constant 0 : i32
        %swap3A_264 = arith.index_cast %swap3A : i32 to index
        %swap3A_265 = arith.constant 0 : index
        %swap3A_266 = tpu.vector_load %arg12[%swap3A_264, %swap3A_265] {strides = array<i32>} : memref<16x128xf32, #tpu.memory_space<vmem>>, vector<16xf32>,
        tpu.vector_store %arg12[%swap3A_264, %swap3A_265], %gather3A {strides = array<i32>} : memref<16x128xf32, #tpu.memory_space<vmem>>, vector<16xf32>,
        %add3A_267 = arith.constant 16 : i32
        %add3A_268 = vector.broadcast %add3A_267 : i32 to vector<16xi32>
        %add3A_269 = arith.addi %iota3A, %add3A_268 : vector<16xi32>
        %gather3A_270 = tpu.vector_load_idx %arg7[%add3A_269, %broadcast_in_dim3A_260] : memref<64x513xf32, #tpu.memory_space<vmem>>[vector<16xi32>, vector<16xi32>], vector<16xf32>,
        %swap3A_271 = arith.constant 0 : i32
        %swap3A_272 = arith.index_cast %swap3A_271 : i32 to index
        %swap3A_273 = arith.constant 16 : index
        %swap3A_274 = tpu.vector_load %arg12[%swap3A_272, %swap3A_273] {strides = array<i32>} : memref<16x128xf32, #tpu.memory_space<vmem>>, vector<16xf32>,
        tpu.vector_store %arg12[%swap3A_272, %swap3A_273], %gather3A_270 {strides = array<i32>} : memref<16x128xf32, #tpu.memory_space<vmem>>, vector<16xf32>,
        %add3A_275 = arith.constant 32 : i32
        %add3A_276 = vector.broadcast %add3A_275 : i32 to vector<16xi32>
        %add3A_277 = arith.addi %iota3A, %add3A_276 : vector<16xi32>
        %gather3A_278 = tpu.vector_load_idx %arg7[%add3A_277, %broadcast_in_dim3A_260] : memref<64x513xf32, #tpu.memory_space<vmem>>[vector<16xi32>, vector<16xi32>], vector<16xf32>,
        %swap3A_279 = arith.constant 0 : i32
        %swap3A_280 = arith.index_cast %swap3A_279 : i32 to index
        %swap3A_281 = arith.constant 32 : index
        %swap3A_282 = tpu.vector_load %arg12[%swap3A_280, %swap3A_281] {strides = array<i32>} : memref<16x128xf32, #tpu.memory_space<vmem>>, vector<16xf32>,
        tpu.vector_store %arg12[%swap3A_280, %swap3A_281], %gather3A_278 {strides = array<i32>} : memref<16x128xf32, #tpu.memory_space<vmem>>, vector<16xf32>,
        %add3A_283 = arith.constant 48 : i32
        %add3A_284 = vector.broadcast %add3A_283 : i32 to vector<16xi32>
        %add3A_285 = arith.addi %iota3A, %add3A_284 : vector<16xi32>
        %gather3A_286 = tpu.vector_load_idx %arg7[%add3A_285, %broadcast_in_dim3A_260] : memref<64x513xf32, #tpu.memory_space<vmem>>[vector<16xi32>, vector<16xi32>], vector<16xf32>,
        %swap3A_287 = arith.constant 0 : i32
        %swap3A_288 = arith.index_cast %swap3A_287 : i32 to index
        %swap3A_289 = arith.constant 48 : index
        %swap3A_290 = tpu.vector_load %arg12[%swap3A_288, %swap3A_289] {strides = array<i32>} : memref<16x128xf32, #tpu.memory_space<vmem>>, vector<16xf32>,
        tpu.vector_store %arg12[%swap3A_288, %swap3A_289], %gather3A_286 {strides = array<i32>} : memref<16x128xf32, #tpu.memory_space<vmem>>, vector<16xf32>,
        %slice3A_291 = vector.extract_strided_slice %shift_right_logical3A_257 {offsets = [1], sizes = [1], strides = [1]} : vector<16xi32> to vector<1xi32>
        %squeeze3A_292 = vector.extract %slice3A_291[0] : i32 from vector<1xi32>
        %broadcast_in_dim3A_293 = vector.broadcast %squeeze3A_292 : i32 to vector<16xi32>
        %add3A_294 = arith.constant 0 : i32
        %add3A_295 = vector.broadcast %add3A_294 : i32 to vector<16xi32>
        %add3A_296 = arith.addi %iota3A, %add3A_295 : vector<16xi32>
        %gather3A_297 = tpu.vector_load_idx %arg7[%add3A_296, %broadcast_in_dim3A_293] : memref<64x513xf32, #tpu.memory_space<vmem>>[vector<16xi32>, vector<16xi32>], vector<16xf32>,
        %swap3A_298 = arith.constant 1 : i32
        %swap3A_299 = arith.index_cast %swap3A_298 : i32 to index
        %swap3A_300 = arith.constant 0 : index
        %swap3A_301 = tpu.vector_load %arg12[%swap3A_299, %swap3A_300] {strides = array<i32>} : memref<16x128xf32, #tpu.memory_space<vmem>>, vector<16xf32>,
        tpu.vector_store %arg12[%swap3A_299, %swap3A_300], %gather3A_297 {strides = array<i32>} : memref<16x128xf32, #tpu.memory_space<vmem>>, vector<16xf32>,
        %add3A_302 = arith.constant 16 : i32
        %add3A_303 = vector.broadcast %add3A_302 : i32 to vector<16xi32>
        %add3A_304 = arith.addi %iota3A, %add3A_303 : vector<16xi32>
        %gather3A_305 = tpu.vector_load_idx %arg7[%add3A_304, %broadcast_in_dim3A_293] : memref<64x513xf32, #tpu.memory_space<vmem>>[vector<16xi32>, vector<16xi32>], vector<16xf32>,
        %swap3A_306 = arith.constant 1 : i32
        %swap3A_307 = arith.index_cast %swap3A_306 : i32 to index
        %swap3A_308 = arith.constant 16 : index
        %swap3A_309 = tpu.vector_load %arg12[%swap3A_307, %swap3A_308] {strides = array<i32>} : memref<16x128xf32, #tpu.memory_space<vmem>>, vector<16xf32>,
        tpu.vector_store %arg12[%swap3A_307, %swap3A_308], %gather3A_305 {strides = array<i32>} : memref<16x128xf32, #tpu.memory_space<vmem>>, vector<16xf32>,
        %add3A_310 = arith.constant 32 : i32
        %add3A_311 = vector.broadcast %add3A_310 : i32 to vector<16xi32>
        %add3A_312 = arith.addi %iota3A, %add3A_311 : vector<16xi32>
        %gather3A_313 = tpu.vector_load_idx %arg7[%add3A_312, %broadcast_in_dim3A_293] : memref<64x513xf32, #tpu.memory_space<vmem>>[vector<16xi32>, vector<16xi32>], vector<16xf32>,
        %swap3A_314 = arith.constant 1 : i32
        %swap3A_315 = arith.index_cast %swap3A_314 : i32 to index
        %swap3A_316 = arith.constant 32 : index
        %swap3A_317 = tpu.vector_load %arg12[%swap3A_315, %swap3A_316] {strides = array<i32>} : memref<16x128xf32, #tpu.memory_space<vmem>>, vector<16xf32>,
        tpu.vector_store %arg12[%swap3A_315, %swap3A_316], %gather3A_313 {strides = array<i32>} : memref<16x128xf32, #tpu.memory_space<vmem>>, vector<16xf32>,
        %add3A_318 = arith.constant 48 : i32
        %add3A_319 = vector.broadcast %add3A_318 : i32 to vector<16xi32>
        %add3A_320 = arith.addi %iota3A, %add3A_319 : vector<16xi32>
        %gather3A_321 = tpu.vector_load_idx %arg7[%add3A_320, %broadcast_in_dim3A_293] : memref<64x513xf32, #tpu.memory_space<vmem>>[vector<16xi32>, vector<16xi32>], vector<16xf32>,
        %swap3A_322 = arith.constant 1 : i32
        %swap3A_323 = arith.index_cast %swap3A_322 : i32 to index
        %swap3A_324 = arith.constant 48 : index
        %swap3A_325 = tpu.vector_load %arg12[%swap3A_323, %swap3A_324] {strides = array<i32>} : memref<16x128xf32, #tpu.memory_space<vmem>>, vector<16xf32>,
        tpu.vector_store %arg12[%swap3A_323, %swap3A_324], %gather3A_321 {strides = array<i32>} : memref<16x128xf32, #tpu.memory_space<vmem>>, vector<16xf32>,
        %slice3A_326 = vector.extract_strided_slice %shift_right_logical3A_257 {offsets = [2], sizes = [1], strides = [1]} : vector<16xi32> to vector<1xi32>
        %squeeze3A_327 = vector.extract %slice3A_326[0] : i32 from vector<1xi32>
        %broadcast_in_dim3A_328 = vector.broadcast %squeeze3A_327 : i32 to vector<16xi32>
        %add3A_329 = arith.constant 0 : i32
        %add3A_330 = vector.broadcast %add3A_329 : i32 to vector<16xi32>
        %add3A_331 = arith.addi %iota3A, %add3A_330 : vector<16xi32>
        %gather3A_332 = tpu.vector_load_idx %arg7[%add3A_331, %broadcast_in_dim3A_328] : memref<64x513xf32, #tpu.memory_space<vmem>>[vector<16xi32>, vector<16xi32>], vector<16xf32>,
        %swap3A_333 = arith.constant 2 : i32
        %swap3A_334 = arith.index_cast %swap3A_333 : i32 to index
        %swap3A_335 = arith.constant 0 : index
        %swap3A_336 = tpu.vector_load %arg12[%swap3A_334, %swap3A_335] {strides = array<i32>} : memref<16x128xf32, #tpu.memory_space<vmem>>, vector<16xf32>,
        tpu.vector_store %arg12[%swap3A_334, %swap3A_335], %gather3A_332 {strides = array<i32>} : memref<16x128xf32, #tpu.memory_space<vmem>>, vector<16xf32>,
        %add3A_337 = arith.constant 16 : i32
        %add3A_338 = vector.broadcast %add3A_337 : i32 to vector<16xi32>
        %add3A_339 = arith.addi %iota3A, %add3A_338 : vector<16xi32>
        %gather3A_340 = tpu.vector_load_idx %arg7[%add3A_339, %broadcast_in_dim3A_328] : memref<64x513xf32, #tpu.memory_space<vmem>>[vector<16xi32>, vector<16xi32>], vector<16xf32>,
        %swap3A_341 = arith.constant 2 : i32
        %swap3A_342 = arith.index_cast %swap3A_341 : i32 to index
        %swap3A_343 = arith.constant 16 : index
        %swap3A_344 = tpu.vector_load %arg12[%swap3A_342, %swap3A_343] {strides = array<i32>} : memref<16x128xf32, #tpu.memory_space<vmem>>, vector<16xf32>,
        tpu.vector_store %arg12[%swap3A_342, %swap3A_343], %gather3A_340 {strides = array<i32>} : memref<16x128xf32, #tpu.memory_space<vmem>>, vector<16xf32>,
        %add3A_345 = arith.constant 32 : i32
        %add3A_346 = vector.broadcast %add3A_345 : i32 to vector<16xi32>
        %add3A_347 = arith.addi %iota3A, %add3A_346 : vector<16xi32>
        %gather3A_348 = tpu.vector_load_idx %arg7[%add3A_347, %broadcast_in_dim3A_328] : memref<64x513xf32, #tpu.memory_space<vmem>>[vector<16xi32>, vector<16xi32>], vector<16xf32>,
        %swap3A_349 = arith.constant 2 : i32
        %swap3A_350 = arith.index_cast %swap3A_349 : i32 to index
        %swap3A_351 = arith.constant 32 : index
        %swap3A_352 = tpu.vector_load %arg12[%swap3A_350, %swap3A_351] {strides = array<i32>} : memref<16x128xf32, #tpu.memory_space<vmem>>, vector<16xf32>,
        tpu.vector_store %arg12[%swap3A_350, %swap3A_351], %gather3A_348 {strides = array<i32>} : memref<16x128xf32, #tpu.memory_space<vmem>>, vector<16xf32>,
        %add3A_353 = arith.constant 48 : i32
        %add3A_354 = vector.broadcast %add3A_353 : i32 to vector<16xi32>
        %add3A_355 = arith.addi %iota3A, %add3A_354 : vector<16xi32>
        %gather3A_356 = tpu.vector_load_idx %arg7[%add3A_355, %broadcast_in_dim3A_328] : memref<64x513xf32, #tpu.memory_space<vmem>>[vector<16xi32>, vector<16xi32>], vector<16xf32>,
        %swap3A_357 = arith.constant 2 : i32
        %swap3A_358 = arith.index_cast %swap3A_357 : i32 to index
        %swap3A_359 = arith.constant 48 : index
        %swap3A_360 = tpu.vector_load %arg12[%swap3A_358, %swap3A_359] {strides = array<i32>} : memref<16x128xf32, #tpu.memory_space<vmem>>, vector<16xf32>,
        tpu.vector_store %arg12[%swap3A_358, %swap3A_359], %gather3A_356 {strides = array<i32>} : memref<16x128xf32, #tpu.memory_space<vmem>>, vector<16xf32>,
        %slice3A_361 = vector.extract_strided_slice %shift_right_logical3A_257 {offsets = [3], sizes = [1], strides = [1]} : vector<16xi32> to vector<1xi32>
        %squeeze3A_362 = vector.extract %slice3A_361[0] : i32 from vector<1xi32>
        %broadcast_in_dim3A_363 = vector.broadcast %squeeze3A_362 : i32 to vector<16xi32>
        %add3A_364 = arith.constant 0 : i32
        %add3A_365 = vector.broadcast %add3A_364 : i32 to vector<16xi32>
        %add3A_366 = arith.addi %iota3A, %add3A_365 : vector<16xi32>
        %gather3A_367 = tpu.vector_load_idx %arg7[%add3A_366, %broadcast_in_dim3A_363] : memref<64x513xf32, #tpu.memory_space<vmem>>[vector<16xi32>, vector<16xi32>], vector<16xf32>,
        %swap3A_368 = arith.constant 3 : i32
        %swap3A_369 = arith.index_cast %swap3A_368 : i32 to index
        %swap3A_370 = arith.constant 0 : index
        %swap3A_371 = tpu.vector_load %arg12[%swap3A_369, %swap3A_370] {strides = array<i32>} : memref<16x128xf32, #tpu.memory_space<vmem>>, vector<16xf32>,
        tpu.vector_store %arg12[%swap3A_369, %swap3A_370], %gather3A_367 {strides = array<i32>} : memref<16x128xf32, #tpu.memory_space<vmem>>, vector<16xf32>,
        %add3A_372 = arith.constant 16 : i32
        %add3A_373 = vector.broadcast %add3A_372 : i32 to vector<16xi32>
        %add3A_374 = arith.addi %iota3A, %add3A_373 : vector<16xi32>
        %gather3A_375 = tpu.vector_load_idx %arg7[%add3A_374, %broadcast_in_dim3A_363] : memref<64x513xf32, #tpu.memory_space<vmem>>[vector<16xi32>, vector<16xi32>], vector<16xf32>,
        %swap3A_376 = arith.constant 3 : i32
        %swap3A_377 = arith.index_cast %swap3A_376 : i32 to index
        %swap3A_378 = arith.constant 16 : index
        %swap3A_379 = tpu.vector_load %arg12[%swap3A_377, %swap3A_378] {strides = array<i32>} : memref<16x128xf32, #tpu.memory_space<vmem>>, vector<16xf32>,
        tpu.vector_store %arg12[%swap3A_377, %swap3A_378], %gather3A_375 {strides = array<i32>} : memref<16x128xf32, #tpu.memory_space<vmem>>, vector<16xf32>,
        %add3A_380 = arith.constant 32 : i32
        %add3A_381 = vector.broadcast %add3A_380 : i32 to vector<16xi32>
        %add3A_382 = arith.addi %iota3A, %add3A_381 : vector<16xi32>
        %gather3A_383 = tpu.vector_load_idx %arg7[%add3A_382, %broadcast_in_dim3A_363] : memref<64x513xf32, #tpu.memory_space<vmem>>[vector<16xi32>, vector<16xi32>], vector<16xf32>,
        %swap3A_384 = arith.constant 3 : i32
        %swap3A_385 = arith.index_cast %swap3A_384 : i32 to index
        %swap3A_386 = arith.constant 32 : index
        %swap3A_387 = tpu.vector_load %arg12[%swap3A_385, %swap3A_386] {strides = array<i32>} : memref<16x128xf32, #tpu.memory_space<vmem>>, vector<16xf32>,
        tpu.vector_store %arg12[%swap3A_385, %swap3A_386], %gather3A_383 {strides = array<i32>} : memref<16x128xf32, #tpu.memory_space<vmem>>, vector<16xf32>,
        %add3A_388 = arith.constant 48 : i32
        %add3A_389 = vector.broadcast %add3A_388 : i32 to vector<16xi32>
        %add3A_390 = arith.addi %iota3A, %add3A_389 : vector<16xi32>
        %gather3A_391 = tpu.vector_load_idx %arg7[%add3A_390, %broadcast_in_dim3A_363] : memref<64x513xf32, #tpu.memory_space<vmem>>[vector<16xi32>, vector<16xi32>], vector<16xf32>,
        %swap3A_392 = arith.constant 3 : i32
        %swap3A_393 = arith.index_cast %swap3A_392 : i32 to index
        %swap3A_394 = arith.constant 48 : index
        %swap3A_395 = tpu.vector_load %arg12[%swap3A_393, %swap3A_394] {strides = array<i32>} : memref<16x128xf32, #tpu.memory_space<vmem>>, vector<16xf32>,
        tpu.vector_store %arg12[%swap3A_393, %swap3A_394], %gather3A_391 {strides = array<i32>} : memref<16x128xf32, #tpu.memory_space<vmem>>, vector<16xf32>,
        %slice3A_396 = vector.extract_strided_slice %shift_right_logical3A_257 {offsets = [4], sizes = [1], strides = [1]} : vector<16xi32> to vector<1xi32>
        %squeeze3A_397 = vector.extract %slice3A_396[0] : i32 from vector<1xi32>
        %broadcast_in_dim3A_398 = vector.broadcast %squeeze3A_397 : i32 to vector<16xi32>
        %add3A_399 = arith.constant 0 : i32
        %add3A_400 = vector.broadcast %add3A_399 : i32 to vector<16xi32>
        %add3A_401 = arith.addi %iota3A, %add3A_400 : vector<16xi32>
        %gather3A_402 = tpu.vector_load_idx %arg7[%add3A_401, %broadcast_in_dim3A_398] : memref<64x513xf32, #tpu.memory_space<vmem>>[vector<16xi32>, vector<16xi32>], vector<16xf32>,
        %swap3A_403 = arith.constant 4 : i32
        %swap3A_404 = arith.index_cast %swap3A_403 : i32 to index
        %swap3A_405 = arith.constant 0 : index
        %swap3A_406 = tpu.vector_load %arg12[%swap3A_404, %swap3A_405] {strides = array<i32>} : memref<16x128xf32, #tpu.memory_space<vmem>>, vector<16xf32>,
        tpu.vector_store %arg12[%swap3A_404, %swap3A_405], %gather3A_402 {strides = array<i32>} : memref<16x128xf32, #tpu.memory_space<vmem>>, vector<16xf32>,
        %add3A_407 = arith.constant 16 : i32
        %add3A_408 = vector.broadcast %add3A_407 : i32 to vector<16xi32>
        %add3A_409 = arith.addi %iota3A, %add3A_408 : vector<16xi32>
        %gather3A_410 = tpu.vector_load_idx %arg7[%add3A_409, %broadcast_in_dim3A_398] : memref<64x513xf32, #tpu.memory_space<vmem>>[vector<16xi32>, vector<16xi32>], vector<16xf32>,
        %swap3A_411 = arith.constant 4 : i32
        %swap3A_412 = arith.index_cast %swap3A_411 : i32 to index
        %swap3A_413 = arith.constant 16 : index
        %swap3A_414 = tpu.vector_load %arg12[%swap3A_412, %swap3A_413] {strides = array<i32>} : memref<16x128xf32, #tpu.memory_space<vmem>>, vector<16xf32>,
        tpu.vector_store %arg12[%swap3A_412, %swap3A_413], %gather3A_410 {strides = array<i32>} : memref<16x128xf32, #tpu.memory_space<vmem>>, vector<16xf32>,
        %add3A_415 = arith.constant 32 : i32
        %add3A_416 = vector.broadcast %add3A_415 : i32 to vector<16xi32>
        %add3A_417 = arith.addi %iota3A, %add3A_416 : vector<16xi32>
        %gather3A_418 = tpu.vector_load_idx %arg7[%add3A_417, %broadcast_in_dim3A_398] : memref<64x513xf32, #tpu.memory_space<vmem>>[vector<16xi32>, vector<16xi32>], vector<16xf32>,
        %swap3A_419 = arith.constant 4 : i32
        %swap3A_420 = arith.index_cast %swap3A_419 : i32 to index
        %swap3A_421 = arith.constant 32 : index
        %swap3A_422 = tpu.vector_load %arg12[%swap3A_420, %swap3A_421] {strides = array<i32>} : memref<16x128xf32, #tpu.memory_space<vmem>>, vector<16xf32>,
        tpu.vector_store %arg12[%swap3A_420, %swap3A_421], %gather3A_418 {strides = array<i32>} : memref<16x128xf32, #tpu.memory_space<vmem>>, vector<16xf32>,
        %add3A_423 = arith.constant 48 : i32
        %add3A_424 = vector.broadcast %add3A_423 : i32 to vector<16xi32>
        %add3A_425 = arith.addi %iota3A, %add3A_424 : vector<16xi32>
        %gather3A_426 = tpu.vector_load_idx %arg7[%add3A_425, %broadcast_in_dim3A_398] : memref<64x513xf32, #tpu.memory_space<vmem>>[vector<16xi32>, vector<16xi32>], vector<16xf32>,
        %swap3A_427 = arith.constant 4 : i32
        %swap3A_428 = arith.index_cast %swap3A_427 : i32 to index
        %swap3A_429 = arith.constant 48 : index
        %swap3A_430 = tpu.vector_load %arg12[%swap3A_428, %swap3A_429] {strides = array<i32>} : memref<16x128xf32, #tpu.memory_space<vmem>>, vector<16xf32>,
        tpu.vector_store %arg12[%swap3A_428, %swap3A_429], %gather3A_426 {strides = array<i32>} : memref<16x128xf32, #tpu.memory_space<vmem>>, vector<16xf32>,
        %slice3A_431 = vector.extract_strided_slice %shift_right_logical3A_257 {offsets = [5], sizes = [1], strides = [1]} : vector<16xi32> to vector<1xi32>
        %squeeze3A_432 = vector.extract %slice3A_431[0] : i32 from vector<1xi32>
        %broadcast_in_dim3A_433 = vector.broadcast %squeeze3A_432 : i32 to vector<16xi32>
        %add3A_434 = arith.constant 0 : i32
        %add3A_435 = vector.broadcast %add3A_434 : i32 to vector<16xi32>
        %add3A_436 = arith.addi %iota3A, %add3A_435 : vector<16xi32>
        %gather3A_437 = tpu.vector_load_idx %arg7[%add3A_436, %broadcast_in_dim3A_433] : memref<64x513xf32, #tpu.memory_space<vmem>>[vector<16xi32>, vector<16xi32>], vector<16xf32>,
        %swap3A_438 = arith.constant 5 : i32
        %swap3A_439 = arith.index_cast %swap3A_438 : i32 to index
        %swap3A_440 = arith.constant 0 : index
        %swap3A_441 = tpu.vector_load %arg12[%swap3A_439, %swap3A_440] {strides = array<i32>} : memref<16x128xf32, #tpu.memory_space<vmem>>, vector<16xf32>,
        tpu.vector_store %arg12[%swap3A_439, %swap3A_440], %gather3A_437 {strides = array<i32>} : memref<16x128xf32, #tpu.memory_space<vmem>>, vector<16xf32>,
        %add3A_442 = arith.constant 16 : i32
        %add3A_443 = vector.broadcast %add3A_442 : i32 to vector<16xi32>
        %add3A_444 = arith.addi %iota3A, %add3A_443 : vector<16xi32>
        %gather3A_445 = tpu.vector_load_idx %arg7[%add3A_444, %broadcast_in_dim3A_433] : memref<64x513xf32, #tpu.memory_space<vmem>>[vector<16xi32>, vector<16xi32>], vector<16xf32>,
        %swap3A_446 = arith.constant 5 : i32
        %swap3A_447 = arith.index_cast %swap3A_446 : i32 to index
        %swap3A_448 = arith.constant 16 : index
        %swap3A_449 = tpu.vector_load %arg12[%swap3A_447, %swap3A_448] {strides = array<i32>} : memref<16x128xf32, #tpu.memory_space<vmem>>, vector<16xf32>,
        tpu.vector_store %arg12[%swap3A_447, %swap3A_448], %gather3A_445 {strides = array<i32>} : memref<16x128xf32, #tpu.memory_space<vmem>>, vector<16xf32>,
        %add3A_450 = arith.constant 32 : i32
        %add3A_451 = vector.broadcast %add3A_450 : i32 to vector<16xi32>
        %add3A_452 = arith.addi %iota3A, %add3A_451 : vector<16xi32>
        %gather3A_453 = tpu.vector_load_idx %arg7[%add3A_452, %broadcast_in_dim3A_433] : memref<64x513xf32, #tpu.memory_space<vmem>>[vector<16xi32>, vector<16xi32>], vector<16xf32>,
        %swap3A_454 = arith.constant 5 : i32
        %swap3A_455 = arith.index_cast %swap3A_454 : i32 to index
        %swap3A_456 = arith.constant 32 : index
        %swap3A_457 = tpu.vector_load %arg12[%swap3A_455, %swap3A_456] {strides = array<i32>} : memref<16x128xf32, #tpu.memory_space<vmem>>, vector<16xf32>,
        tpu.vector_store %arg12[%swap3A_455, %swap3A_456], %gather3A_453 {strides = array<i32>} : memref<16x128xf32, #tpu.memory_space<vmem>>, vector<16xf32>,
        %add3A_458 = arith.constant 48 : i32
        %add3A_459 = vector.broadcast %add3A_458 : i32 to vector<16xi32>
        %add3A_460 = arith.addi %iota3A, %add3A_459 : vector<16xi32>
        %gather3A_461 = tpu.vector_load_idx %arg7[%add3A_460, %broadcast_in_dim3A_433] : memref<64x513xf32, #tpu.memory_space<vmem>>[vector<16xi32>, vector<16xi32>], vector<16xf32>,
        %swap3A_462 = arith.constant 5 : i32
        %swap3A_463 = arith.index_cast %swap3A_462 : i32 to index
        %swap3A_464 = arith.constant 48 : index
        %swap3A_465 = tpu.vector_load %arg12[%swap3A_463, %swap3A_464] {strides = array<i32>} : memref<16x128xf32, #tpu.memory_space<vmem>>, vector<16xf32>,
        tpu.vector_store %arg12[%swap3A_463, %swap3A_464], %gather3A_461 {strides = array<i32>} : memref<16x128xf32, #tpu.memory_space<vmem>>, vector<16xf32>,
        %slice3A_466 = vector.extract_strided_slice %shift_right_logical3A_257 {offsets = [6], sizes = [1], strides = [1]} : vector<16xi32> to vector<1xi32>
        %squeeze3A_467 = vector.extract %slice3A_466[0] : i32 from vector<1xi32>
        %broadcast_in_dim3A_468 = vector.broadcast %squeeze3A_467 : i32 to vector<16xi32>
        %add3A_469 = arith.constant 0 : i32
        %add3A_470 = vector.broadcast %add3A_469 : i32 to vector<16xi32>
        %add3A_471 = arith.addi %iota3A, %add3A_470 : vector<16xi32>
        %gather3A_472 = tpu.vector_load_idx %arg7[%add3A_471, %broadcast_in_dim3A_468] : memref<64x513xf32, #tpu.memory_space<vmem>>[vector<16xi32>, vector<16xi32>], vector<16xf32>,
        %swap3A_473 = arith.constant 6 : i32
        %swap3A_474 = arith.index_cast %swap3A_473 : i32 to index
        %swap3A_475 = arith.constant 0 : index
        %swap3A_476 = tpu.vector_load %arg12[%swap3A_474, %swap3A_475] {strides = array<i32>} : memref<16x128xf32, #tpu.memory_space<vmem>>, vector<16xf32>,
        tpu.vector_store %arg12[%swap3A_474, %swap3A_475], %gather3A_472 {strides = array<i32>} : memref<16x128xf32, #tpu.memory_space<vmem>>, vector<16xf32>,
        %add3A_477 = arith.constant 16 : i32
        %add3A_478 = vector.broadcast %add3A_477 : i32 to vector<16xi32>
        %add3A_479 = arith.addi %iota3A, %add3A_478 : vector<16xi32>
        %gather3A_480 = tpu.vector_load_idx %arg7[%add3A_479, %broadcast_in_dim3A_468] : memref<64x513xf32, #tpu.memory_space<vmem>>[vector<16xi32>, vector<16xi32>], vector<16xf32>,
        %swap3A_481 = arith.constant 6 : i32
        %swap3A_482 = arith.index_cast %swap3A_481 : i32 to index
        %swap3A_483 = arith.constant 16 : index
        %swap3A_484 = tpu.vector_load %arg12[%swap3A_482, %swap3A_483] {strides = array<i32>} : memref<16x128xf32, #tpu.memory_space<vmem>>, vector<16xf32>,
        tpu.vector_store %arg12[%swap3A_482, %swap3A_483], %gather3A_480 {strides = array<i32>} : memref<16x128xf32, #tpu.memory_space<vmem>>, vector<16xf32>,
        %add3A_485 = arith.constant 32 : i32
        %add3A_486 = vector.broadcast %add3A_485 : i32 to vector<16xi32>
        %add3A_487 = arith.addi %iota3A, %add3A_486 : vector<16xi32>
        %gather3A_488 = tpu.vector_load_idx %arg7[%add3A_487, %broadcast_in_dim3A_468] : memref<64x513xf32, #tpu.memory_space<vmem>>[vector<16xi32>, vector<16xi32>], vector<16xf32>,
        %swap3A_489 = arith.constant 6 : i32
        %swap3A_490 = arith.index_cast %swap3A_489 : i32 to index
        %swap3A_491 = arith.constant 32 : index
        %swap3A_492 = tpu.vector_load %arg12[%swap3A_490, %swap3A_491] {strides = array<i32>} : memref<16x128xf32, #tpu.memory_space<vmem>>, vector<16xf32>,
        tpu.vector_store %arg12[%swap3A_490, %swap3A_491], %gather3A_488 {strides = array<i32>} : memref<16x128xf32, #tpu.memory_space<vmem>>, vector<16xf32>,
        %add3A_493 = arith.constant 48 : i32
        %add3A_494 = vector.broadcast %add3A_493 : i32 to vector<16xi32>
        %add3A_495 = arith.addi %iota3A, %add3A_494 : vector<16xi32>
        %gather3A_496 = tpu.vector_load_idx %arg7[%add3A_495, %broadcast_in_dim3A_468] : memref<64x513xf32, #tpu.memory_space<vmem>>[vector<16xi32>, vector<16xi32>], vector<16xf32>,
        %swap3A_497 = arith.constant 6 : i32
        %swap3A_498 = arith.index_cast %swap3A_497 : i32 to index
        %swap3A_499 = arith.constant 48 : index
        %swap3A_500 = tpu.vector_load %arg12[%swap3A_498, %swap3A_499] {strides = array<i32>} : memref<16x128xf32, #tpu.memory_space<vmem>>, vector<16xf32>,
        tpu.vector_store %arg12[%swap3A_498, %swap3A_499], %gather3A_496 {strides = array<i32>} : memref<16x128xf32, #tpu.memory_space<vmem>>, vector<16xf32>,
        %slice3A_501 = vector.extract_strided_slice %shift_right_logical3A_257 {offsets = [7], sizes = [1], strides = [1]} : vector<16xi32> to vector<1xi32>
        %squeeze3A_502 = vector.extract %slice3A_501[0] : i32 from vector<1xi32>
        %broadcast_in_dim3A_503 = vector.broadcast %squeeze3A_502 : i32 to vector<16xi32>
        %add3A_504 = arith.constant 0 : i32
        %add3A_505 = vector.broadcast %add3A_504 : i32 to vector<16xi32>
        %add3A_506 = arith.addi %iota3A, %add3A_505 : vector<16xi32>
        %gather3A_507 = tpu.vector_load_idx %arg7[%add3A_506, %broadcast_in_dim3A_503] : memref<64x513xf32, #tpu.memory_space<vmem>>[vector<16xi32>, vector<16xi32>], vector<16xf32>,
        %swap3A_508 = arith.constant 7 : i32
        %swap3A_509 = arith.index_cast %swap3A_508 : i32 to index
        %swap3A_510 = arith.constant 0 : index
        %swap3A_511 = tpu.vector_load %arg12[%swap3A_509, %swap3A_510] {strides = array<i32>} : memref<16x128xf32, #tpu.memory_space<vmem>>, vector<16xf32>,
        tpu.vector_store %arg12[%swap3A_509, %swap3A_510], %gather3A_507 {strides = array<i32>} : memref<16x128xf32, #tpu.memory_space<vmem>>, vector<16xf32>,
        %add3A_512 = arith.constant 16 : i32
        %add3A_513 = vector.broadcast %add3A_512 : i32 to vector<16xi32>
        %add3A_514 = arith.addi %iota3A, %add3A_513 : vector<16xi32>
        %gather3A_515 = tpu.vector_load_idx %arg7[%add3A_514, %broadcast_in_dim3A_503] : memref<64x513xf32, #tpu.memory_space<vmem>>[vector<16xi32>, vector<16xi32>], vector<16xf32>,
        %swap3A_516 = arith.constant 7 : i32
        %swap3A_517 = arith.index_cast %swap3A_516 : i32 to index
        %swap3A_518 = arith.constant 16 : index
        %swap3A_519 = tpu.vector_load %arg12[%swap3A_517, %swap3A_518] {strides = array<i32>} : memref<16x128xf32, #tpu.memory_space<vmem>>, vector<16xf32>,
        tpu.vector_store %arg12[%swap3A_517, %swap3A_518], %gather3A_515 {strides = array<i32>} : memref<16x128xf32, #tpu.memory_space<vmem>>, vector<16xf32>,
        %add3A_520 = arith.constant 32 : i32
        %add3A_521 = vector.broadcast %add3A_520 : i32 to vector<16xi32>
        %add3A_522 = arith.addi %iota3A, %add3A_521 : vector<16xi32>
        %gather3A_523 = tpu.vector_load_idx %arg7[%add3A_522, %broadcast_in_dim3A_503] : memref<64x513xf32, #tpu.memory_space<vmem>>[vector<16xi32>, vector<16xi32>], vector<16xf32>,
        %swap3A_524 = arith.constant 7 : i32
        %swap3A_525 = arith.index_cast %swap3A_524 : i32 to index
        %swap3A_526 = arith.constant 32 : index
        %swap3A_527 = tpu.vector_load %arg12[%swap3A_525, %swap3A_526] {strides = array<i32>} : memref<16x128xf32, #tpu.memory_space<vmem>>, vector<16xf32>,
        tpu.vector_store %arg12[%swap3A_525, %swap3A_526], %gather3A_523 {strides = array<i32>} : memref<16x128xf32, #tpu.memory_space<vmem>>, vector<16xf32>,
        %add3A_528 = arith.constant 48 : i32
        %add3A_529 = vector.broadcast %add3A_528 : i32 to vector<16xi32>
        %add3A_530 = arith.addi %iota3A, %add3A_529 : vector<16xi32>
        %gather3A_531 = tpu.vector_load_idx %arg7[%add3A_530, %broadcast_in_dim3A_503] : memref<64x513xf32, #tpu.memory_space<vmem>>[vector<16xi32>, vector<16xi32>], vector<16xf32>,
        %swap3A_532 = arith.constant 7 : i32
        %swap3A_533 = arith.index_cast %swap3A_532 : i32 to index
        %swap3A_534 = arith.constant 48 : index
        %swap3A_535 = tpu.vector_load %arg12[%swap3A_533, %swap3A_534] {strides = array<i32>} : memref<16x128xf32, #tpu.memory_space<vmem>>, vector<16xf32>,
        tpu.vector_store %arg12[%swap3A_533, %swap3A_534], %gather3A_531 {strides = array<i32>} : memref<16x128xf32, #tpu.memory_space<vmem>>, vector<16xf32>,
        %slice3A_536 = vector.extract_strided_slice %shift_right_logical3A_257 {offsets = [8], sizes = [1], strides = [1]} : vector<16xi32> to vector<1xi32>
        %squeeze3A_537 = vector.extract %slice3A_536[0] : i32 from vector<1xi32>
        %broadcast_in_dim3A_538 = vector.broadcast %squeeze3A_537 : i32 to vector<16xi32>
        %add3A_539 = arith.constant 0 : i32
        %add3A_540 = vector.broadcast %add3A_539 : i32 to vector<16xi32>
        %add3A_541 = arith.addi %iota3A, %add3A_540 : vector<16xi32>
        %gather3A_542 = tpu.vector_load_idx %arg7[%add3A_541, %broadcast_in_dim3A_538] : memref<64x513xf32, #tpu.memory_space<vmem>>[vector<16xi32>, vector<16xi32>], vector<16xf32>,
        %swap3A_543 = arith.constant 8 : i32
        %swap3A_544 = arith.index_cast %swap3A_543 : i32 to index
        %swap3A_545 = arith.constant 0 : index
        %swap3A_546 = tpu.vector_load %arg12[%swap3A_544, %swap3A_545] {strides = array<i32>} : memref<16x128xf32, #tpu.memory_space<vmem>>, vector<16xf32>,
        tpu.vector_store %arg12[%swap3A_544, %swap3A_545], %gather3A_542 {strides = array<i32>} : memref<16x128xf32, #tpu.memory_space<vmem>>, vector<16xf32>,
        %add3A_547 = arith.constant 16 : i32
        %add3A_548 = vector.broadcast %add3A_547 : i32 to vector<16xi32>
        %add3A_549 = arith.addi %iota3A, %add3A_548 : vector<16xi32>
        %gather3A_550 = tpu.vector_load_idx %arg7[%add3A_549, %broadcast_in_dim3A_538] : memref<64x513xf32, #tpu.memory_space<vmem>>[vector<16xi32>, vector<16xi32>], vector<16xf32>,
        %swap3A_551 = arith.constant 8 : i32
        %swap3A_552 = arith.index_cast %swap3A_551 : i32 to index
        %swap3A_553 = arith.constant 16 : index
        %swap3A_554 = tpu.vector_load %arg12[%swap3A_552, %swap3A_553] {strides = array<i32>} : memref<16x128xf32, #tpu.memory_space<vmem>>, vector<16xf32>,
        tpu.vector_store %arg12[%swap3A_552, %swap3A_553], %gather3A_550 {strides = array<i32>} : memref<16x128xf32, #tpu.memory_space<vmem>>, vector<16xf32>,
        %add3A_555 = arith.constant 32 : i32
        %add3A_556 = vector.broadcast %add3A_555 : i32 to vector<16xi32>
        %add3A_557 = arith.addi %iota3A, %add3A_556 : vector<16xi32>
        %gather3A_558 = tpu.vector_load_idx %arg7[%add3A_557, %broadcast_in_dim3A_538] : memref<64x513xf32, #tpu.memory_space<vmem>>[vector<16xi32>, vector<16xi32>], vector<16xf32>,
        %swap3A_559 = arith.constant 8 : i32
        %swap3A_560 = arith.index_cast %swap3A_559 : i32 to index
        %swap3A_561 = arith.constant 32 : index
        %swap3A_562 = tpu.vector_load %arg12[%swap3A_560, %swap3A_561] {strides = array<i32>} : memref<16x128xf32, #tpu.memory_space<vmem>>, vector<16xf32>,
        tpu.vector_store %arg12[%swap3A_560, %swap3A_561], %gather3A_558 {strides = array<i32>} : memref<16x128xf32, #tpu.memory_space<vmem>>, vector<16xf32>,
        %add3A_563 = arith.constant 48 : i32
        %add3A_564 = vector.broadcast %add3A_563 : i32 to vector<16xi32>
        %add3A_565 = arith.addi %iota3A, %add3A_564 : vector<16xi32>
        %gather3A_566 = tpu.vector_load_idx %arg7[%add3A_565, %broadcast_in_dim3A_538] : memref<64x513xf32, #tpu.memory_space<vmem>>[vector<16xi32>, vector<16xi32>], vector<16xf32>,
        %swap3A_567 = arith.constant 8 : i32
        %swap3A_568 = arith.index_cast %swap3A_567 : i32 to index
        %swap3A_569 = arith.constant 48 : index
        %swap3A_570 = tpu.vector_load %arg12[%swap3A_568, %swap3A_569] {strides = array<i32>} : memref<16x128xf32, #tpu.memory_space<vmem>>, vector<16xf32>,
        tpu.vector_store %arg12[%swap3A_568, %swap3A_569], %gather3A_566 {strides = array<i32>} : memref<16x128xf32, #tpu.memory_space<vmem>>, vector<16xf32>,
        %slice3A_571 = vector.extract_strided_slice %shift_right_logical3A_257 {offsets = [9], sizes = [1], strides = [1]} : vector<16xi32> to vector<1xi32>
        %squeeze3A_572 = vector.extract %slice3A_571[0] : i32 from vector<1xi32>
        %broadcast_in_dim3A_573 = vector.broadcast %squeeze3A_572 : i32 to vector<16xi32>
        %add3A_574 = arith.constant 0 : i32
        %add3A_575 = vector.broadcast %add3A_574 : i32 to vector<16xi32>
        %add3A_576 = arith.addi %iota3A, %add3A_575 : vector<16xi32>
        %gather3A_577 = tpu.vector_load_idx %arg7[%add3A_576, %broadcast_in_dim3A_573] : memref<64x513xf32, #tpu.memory_space<vmem>>[vector<16xi32>, vector<16xi32>], vector<16xf32>,
        %swap3A_578 = arith.constant 9 : i32
        %swap3A_579 = arith.index_cast %swap3A_578 : i32 to index
        %swap3A_580 = arith.constant 0 : index
        %swap3A_581 = tpu.vector_load %arg12[%swap3A_579, %swap3A_580] {strides = array<i32>} : memref<16x128xf32, #tpu.memory_space<vmem>>, vector<16xf32>,
        tpu.vector_store %arg12[%swap3A_579, %swap3A_580], %gather3A_577 {strides = array<i32>} : memref<16x128xf32, #tpu.memory_space<vmem>>, vector<16xf32>,
        %add3A_582 = arith.constant 16 : i32
        %add3A_583 = vector.broadcast %add3A_582 : i32 to vector<16xi32>
        %add3A_584 = arith.addi %iota3A, %add3A_583 : vector<16xi32>
        %gather3A_585 = tpu.vector_load_idx %arg7[%add3A_584, %broadcast_in_dim3A_573] : memref<64x513xf32, #tpu.memory_space<vmem>>[vector<16xi32>, vector<16xi32>], vector<16xf32>,
        %swap3A_586 = arith.constant 9 : i32
        %swap3A_587 = arith.index_cast %swap3A_586 : i32 to index
        %swap3A_588 = arith.constant 16 : index
        %swap3A_589 = tpu.vector_load %arg12[%swap3A_587, %swap3A_588] {strides = array<i32>} : memref<16x128xf32, #tpu.memory_space<vmem>>, vector<16xf32>,
        tpu.vector_store %arg12[%swap3A_587, %swap3A_588], %gather3A_585 {strides = array<i32>} : memref<16x128xf32, #tpu.memory_space<vmem>>, vector<16xf32>,
        %add3A_590 = arith.constant 32 : i32
        %add3A_591 = vector.broadcast %add3A_590 : i32 to vector<16xi32>
        %add3A_592 = arith.addi %iota3A, %add3A_591 : vector<16xi32>
        %gather3A_593 = tpu.vector_load_idx %arg7[%add3A_592, %broadcast_in_dim3A_573] : memref<64x513xf32, #tpu.memory_space<vmem>>[vector<16xi32>, vector<16xi32>], vector<16xf32>,
        %swap3A_594 = arith.constant 9 : i32
        %swap3A_595 = arith.index_cast %swap3A_594 : i32 to index
        %swap3A_596 = arith.constant 32 : index
        %swap3A_597 = tpu.vector_load %arg12[%swap3A_595, %swap3A_596] {strides = array<i32>} : memref<16x128xf32, #tpu.memory_space<vmem>>, vector<16xf32>,
        tpu.vector_store %arg12[%swap3A_595, %swap3A_596], %gather3A_593 {strides = array<i32>} : memref<16x128xf32, #tpu.memory_space<vmem>>, vector<16xf32>,
        %add3A_598 = arith.constant 48 : i32
        %add3A_599 = vector.broadcast %add3A_598 : i32 to vector<16xi32>
        %add3A_600 = arith.addi %iota3A, %add3A_599 : vector<16xi32>
        %gather3A_601 = tpu.vector_load_idx %arg7[%add3A_600, %broadcast_in_dim3A_573] : memref<64x513xf32, #tpu.memory_space<vmem>>[vector<16xi32>, vector<16xi32>], vector<16xf32>,
        %swap3A_602 = arith.constant 9 : i32
        %swap3A_603 = arith.index_cast %swap3A_602 : i32 to index
        %swap3A_604 = arith.constant 48 : index
        %swap3A_605 = tpu.vector_load %arg12[%swap3A_603, %swap3A_604] {strides = array<i32>} : memref<16x128xf32, #tpu.memory_space<vmem>>, vector<16xf32>,
        tpu.vector_store %arg12[%swap3A_603, %swap3A_604], %gather3A_601 {strides = array<i32>} : memref<16x128xf32, #tpu.memory_space<vmem>>, vector<16xf32>,
        %slice3A_606 = vector.extract_strided_slice %shift_right_logical3A_257 {offsets = [10], sizes = [1], strides = [1]} : vector<16xi32> to vector<1xi32>
        %squeeze3A_607 = vector.extract %slice3A_606[0] : i32 from vector<1xi32>
        %broadcast_in_dim3A_608 = vector.broadcast %squeeze3A_607 : i32 to vector<16xi32>
        %add3A_609 = arith.constant 0 : i32
        %add3A_610 = vector.broadcast %add3A_609 : i32 to vector<16xi32>
        %add3A_611 = arith.addi %iota3A, %add3A_610 : vector<16xi32>
        %gather3A_612 = tpu.vector_load_idx %arg7[%add3A_611, %broadcast_in_dim3A_608] : memref<64x513xf32, #tpu.memory_space<vmem>>[vector<16xi32>, vector<16xi32>], vector<16xf32>,
        %swap3A_613 = arith.constant 10 : i32
        %swap3A_614 = arith.index_cast %swap3A_613 : i32 to index
        %swap3A_615 = arith.constant 0 : index
        %swap3A_616 = tpu.vector_load %arg12[%swap3A_614, %swap3A_615] {strides = array<i32>} : memref<16x128xf32, #tpu.memory_space<vmem>>, vector<16xf32>,
        tpu.vector_store %arg12[%swap3A_614, %swap3A_615], %gather3A_612 {strides = array<i32>} : memref<16x128xf32, #tpu.memory_space<vmem>>, vector<16xf32>,
        %add3A_617 = arith.constant 16 : i32
        %add3A_618 = vector.broadcast %add3A_617 : i32 to vector<16xi32>
        %add3A_619 = arith.addi %iota3A, %add3A_618 : vector<16xi32>
        %gather3A_620 = tpu.vector_load_idx %arg7[%add3A_619, %broadcast_in_dim3A_608] : memref<64x513xf32, #tpu.memory_space<vmem>>[vector<16xi32>, vector<16xi32>], vector<16xf32>,
        %swap3A_621 = arith.constant 10 : i32
        %swap3A_622 = arith.index_cast %swap3A_621 : i32 to index
        %swap3A_623 = arith.constant 16 : index
        %swap3A_624 = tpu.vector_load %arg12[%swap3A_622, %swap3A_623] {strides = array<i32>} : memref<16x128xf32, #tpu.memory_space<vmem>>, vector<16xf32>,
        tpu.vector_store %arg12[%swap3A_622, %swap3A_623], %gather3A_620 {strides = array<i32>} : memref<16x128xf32, #tpu.memory_space<vmem>>, vector<16xf32>,
        %add3A_625 = arith.constant 32 : i32
        %add3A_626 = vector.broadcast %add3A_625 : i32 to vector<16xi32>
        %add3A_627 = arith.addi %iota3A, %add3A_626 : vector<16xi32>
        %gather3A_628 = tpu.vector_load_idx %arg7[%add3A_627, %broadcast_in_dim3A_608] : memref<64x513xf32, #tpu.memory_space<vmem>>[vector<16xi32>, vector<16xi32>], vector<16xf32>,
        %swap3A_629 = arith.constant 10 : i32
        %swap3A_630 = arith.index_cast %swap3A_629 : i32 to index
        %swap3A_631 = arith.constant 32 : index
        %swap3A_632 = tpu.vector_load %arg12[%swap3A_630, %swap3A_631] {strides = array<i32>} : memref<16x128xf32, #tpu.memory_space<vmem>>, vector<16xf32>,
        tpu.vector_store %arg12[%swap3A_630, %swap3A_631], %gather3A_628 {strides = array<i32>} : memref<16x128xf32, #tpu.memory_space<vmem>>, vector<16xf32>,
        %add3A_633 = arith.constant 48 : i32
        %add3A_634 = vector.broadcast %add3A_633 : i32 to vector<16xi32>
        %add3A_635 = arith.addi %iota3A, %add3A_634 : vector<16xi32>
        %gather3A_636 = tpu.vector_load_idx %arg7[%add3A_635, %broadcast_in_dim3A_608] : memref<64x513xf32, #tpu.memory_space<vmem>>[vector<16xi32>, vector<16xi32>], vector<16xf32>,
        %swap3A_637 = arith.constant 10 : i32
        %swap3A_638 = arith.index_cast %swap3A_637 : i32 to index
        %swap3A_639 = arith.constant 48 : index
        %swap3A_640 = tpu.vector_load %arg12[%swap3A_638, %swap3A_639] {strides = array<i32>} : memref<16x128xf32, #tpu.memory_space<vmem>>, vector<16xf32>,
        tpu.vector_store %arg12[%swap3A_638, %swap3A_639], %gather3A_636 {strides = array<i32>} : memref<16x128xf32, #tpu.memory_space<vmem>>, vector<16xf32>,
        %slice3A_641 = vector.extract_strided_slice %shift_right_logical3A_257 {offsets = [11], sizes = [1], strides = [1]} : vector<16xi32> to vector<1xi32>
        %squeeze3A_642 = vector.extract %slice3A_641[0] : i32 from vector<1xi32>
        %broadcast_in_dim3A_643 = vector.broadcast %squeeze3A_642 : i32 to vector<16xi32>
        %add3A_644 = arith.constant 0 : i32
        %add3A_645 = vector.broadcast %add3A_644 : i32 to vector<16xi32>
        %add3A_646 = arith.addi %iota3A, %add3A_645 : vector<16xi32>
        %gather3A_647 = tpu.vector_load_idx %arg7[%add3A_646, %broadcast_in_dim3A_643] : memref<64x513xf32, #tpu.memory_space<vmem>>[vector<16xi32>, vector<16xi32>], vector<16xf32>,
        %swap3A_648 = arith.constant 11 : i32
        %swap3A_649 = arith.index_cast %swap3A_648 : i32 to index
        %swap3A_650 = arith.constant 0 : index
        %swap3A_651 = tpu.vector_load %arg12[%swap3A_649, %swap3A_650] {strides = array<i32>} : memref<16x128xf32, #tpu.memory_space<vmem>>, vector<16xf32>,
        tpu.vector_store %arg12[%swap3A_649, %swap3A_650], %gather3A_647 {strides = array<i32>} : memref<16x128xf32, #tpu.memory_space<vmem>>, vector<16xf32>,
        %add3A_652 = arith.constant 16 : i32
        %add3A_653 = vector.broadcast %add3A_652 : i32 to vector<16xi32>
        %add3A_654 = arith.addi %iota3A, %add3A_653 : vector<16xi32>
        %gather3A_655 = tpu.vector_load_idx %arg7[%add3A_654, %broadcast_in_dim3A_643] : memref<64x513xf32, #tpu.memory_space<vmem>>[vector<16xi32>, vector<16xi32>], vector<16xf32>,
        %swap3A_656 = arith.constant 11 : i32
        %swap3A_657 = arith.index_cast %swap3A_656 : i32 to index
        %swap3A_658 = arith.constant 16 : index
        %swap3A_659 = tpu.vector_load %arg12[%swap3A_657, %swap3A_658] {strides = array<i32>} : memref<16x128xf32, #tpu.memory_space<vmem>>, vector<16xf32>,
        tpu.vector_store %arg12[%swap3A_657, %swap3A_658], %gather3A_655 {strides = array<i32>} : memref<16x128xf32, #tpu.memory_space<vmem>>, vector<16xf32>,
        %add3A_660 = arith.constant 32 : i32
        %add3A_661 = vector.broadcast %add3A_660 : i32 to vector<16xi32>
        %add3A_662 = arith.addi %iota3A, %add3A_661 : vector<16xi32>
        %gather3A_663 = tpu.vector_load_idx %arg7[%add3A_662, %broadcast_in_dim3A_643] : memref<64x513xf32, #tpu.memory_space<vmem>>[vector<16xi32>, vector<16xi32>], vector<16xf32>,
        %swap3A_664 = arith.constant 11 : i32
        %swap3A_665 = arith.index_cast %swap3A_664 : i32 to index
        %swap3A_666 = arith.constant 32 : index
        %swap3A_667 = tpu.vector_load %arg12[%swap3A_665, %swap3A_666] {strides = array<i32>} : memref<16x128xf32, #tpu.memory_space<vmem>>, vector<16xf32>,
        tpu.vector_store %arg12[%swap3A_665, %swap3A_666], %gather3A_663 {strides = array<i32>} : memref<16x128xf32, #tpu.memory_space<vmem>>, vector<16xf32>,
        %add3A_668 = arith.constant 48 : i32
        %add3A_669 = vector.broadcast %add3A_668 : i32 to vector<16xi32>
        %add3A_670 = arith.addi %iota3A, %add3A_669 : vector<16xi32>
        %gather3A_671 = tpu.vector_load_idx %arg7[%add3A_670, %broadcast_in_dim3A_643] : memref<64x513xf32, #tpu.memory_space<vmem>>[vector<16xi32>, vector<16xi32>], vector<16xf32>,
        %swap3A_672 = arith.constant 11 : i32
        %swap3A_673 = arith.index_cast %swap3A_672 : i32 to index
        %swap3A_674 = arith.constant 48 : index
        %swap3A_675 = tpu.vector_load %arg12[%swap3A_673, %swap3A_674] {strides = array<i32>} : memref<16x128xf32, #tpu.memory_space<vmem>>, vector<16xf32>,
        tpu.vector_store %arg12[%swap3A_673, %swap3A_674], %gather3A_671 {strides = array<i32>} : memref<16x128xf32, #tpu.memory_space<vmem>>, vector<16xf32>,
        %slice3A_676 = vector.extract_strided_slice %shift_right_logical3A_257 {offsets = [12], sizes = [1], strides = [1]} : vector<16xi32> to vector<1xi32>
        %squeeze3A_677 = vector.extract %slice3A_676[0] : i32 from vector<1xi32>
        %broadcast_in_dim3A_678 = vector.broadcast %squeeze3A_677 : i32 to vector<16xi32>
        %add3A_679 = arith.constant 0 : i32
        %add3A_680 = vector.broadcast %add3A_679 : i32 to vector<16xi32>
        %add3A_681 = arith.addi %iota3A, %add3A_680 : vector<16xi32>
        %gather3A_682 = tpu.vector_load_idx %arg7[%add3A_681, %broadcast_in_dim3A_678] : memref<64x513xf32, #tpu.memory_space<vmem>>[vector<16xi32>, vector<16xi32>], vector<16xf32>,
        %swap3A_683 = arith.constant 12 : i32
        %swap3A_684 = arith.index_cast %swap3A_683 : i32 to index
        %swap3A_685 = arith.constant 0 : index
        %swap3A_686 = tpu.vector_load %arg12[%swap3A_684, %swap3A_685] {strides = array<i32>} : memref<16x128xf32, #tpu.memory_space<vmem>>, vector<16xf32>,
        tpu.vector_store %arg12[%swap3A_684, %swap3A_685], %gather3A_682 {strides = array<i32>} : memref<16x128xf32, #tpu.memory_space<vmem>>, vector<16xf32>,
        %add3A_687 = arith.constant 16 : i32
        %add3A_688 = vector.broadcast %add3A_687 : i32 to vector<16xi32>
        %add3A_689 = arith.addi %iota3A, %add3A_688 : vector<16xi32>
        %gather3A_690 = tpu.vector_load_idx %arg7[%add3A_689, %broadcast_in_dim3A_678] : memref<64x513xf32, #tpu.memory_space<vmem>>[vector<16xi32>, vector<16xi32>], vector<16xf32>,
        %swap3A_691 = arith.constant 12 : i32
        %swap3A_692 = arith.index_cast %swap3A_691 : i32 to index
        %swap3A_693 = arith.constant 16 : index
        %swap3A_694 = tpu.vector_load %arg12[%swap3A_692, %swap3A_693] {strides = array<i32>} : memref<16x128xf32, #tpu.memory_space<vmem>>, vector<16xf32>,
        tpu.vector_store %arg12[%swap3A_692, %swap3A_693], %gather3A_690 {strides = array<i32>} : memref<16x128xf32, #tpu.memory_space<vmem>>, vector<16xf32>,
        %add3A_695 = arith.constant 32 : i32
        %add3A_696 = vector.broadcast %add3A_695 : i32 to vector<16xi32>
        %add3A_697 = arith.addi %iota3A, %add3A_696 : vector<16xi32>
        %gather3A_698 = tpu.vector_load_idx %arg7[%add3A_697, %broadcast_in_dim3A_678] : memref<64x513xf32, #tpu.memory_space<vmem>>[vector<16xi32>, vector<16xi32>], vector<16xf32>,
        %swap3A_699 = arith.constant 12 : i32
        %swap3A_700 = arith.index_cast %swap3A_699 : i32 to index
        %swap3A_701 = arith.constant 32 : index
        %swap3A_702 = tpu.vector_load %arg12[%swap3A_700, %swap3A_701] {strides = array<i32>} : memref<16x128xf32, #tpu.memory_space<vmem>>, vector<16xf32>,
        tpu.vector_store %arg12[%swap3A_700, %swap3A_701], %gather3A_698 {strides = array<i32>} : memref<16x128xf32, #tpu.memory_space<vmem>>, vector<16xf32>,
        %add3A_703 = arith.constant 48 : i32
        %add3A_704 = vector.broadcast %add3A_703 : i32 to vector<16xi32>
        %add3A_705 = arith.addi %iota3A, %add3A_704 : vector<16xi32>
        %gather3A_706 = tpu.vector_load_idx %arg7[%add3A_705, %broadcast_in_dim3A_678] : memref<64x513xf32, #tpu.memory_space<vmem>>[vector<16xi32>, vector<16xi32>], vector<16xf32>,
        %swap3A_707 = arith.constant 12 : i32
        %swap3A_708 = arith.index_cast %swap3A_707 : i32 to index
        %swap3A_709 = arith.constant 48 : index
        %swap3A_710 = tpu.vector_load %arg12[%swap3A_708, %swap3A_709] {strides = array<i32>} : memref<16x128xf32, #tpu.memory_space<vmem>>, vector<16xf32>,
        tpu.vector_store %arg12[%swap3A_708, %swap3A_709], %gather3A_706 {strides = array<i32>} : memref<16x128xf32, #tpu.memory_space<vmem>>, vector<16xf32>,
        %slice3A_711 = vector.extract_strided_slice %shift_right_logical3A_257 {offsets = [13], sizes = [1], strides = [1]} : vector<16xi32> to vector<1xi32>
        %squeeze3A_712 = vector.extract %slice3A_711[0] : i32 from vector<1xi32>
        %broadcast_in_dim3A_713 = vector.broadcast %squeeze3A_712 : i32 to vector<16xi32>
        %add3A_714 = arith.constant 0 : i32
        %add3A_715 = vector.broadcast %add3A_714 : i32 to vector<16xi32>
        %add3A_716 = arith.addi %iota3A, %add3A_715 : vector<16xi32>
        %gather3A_717 = tpu.vector_load_idx %arg7[%add3A_716, %broadcast_in_dim3A_713] : memref<64x513xf32, #tpu.memory_space<vmem>>[vector<16xi32>, vector<16xi32>], vector<16xf32>,
        %swap3A_718 = arith.constant 13 : i32
        %swap3A_719 = arith.index_cast %swap3A_718 : i32 to index
        %swap3A_720 = arith.constant 0 : index
        %swap3A_721 = tpu.vector_load %arg12[%swap3A_719, %swap3A_720] {strides = array<i32>} : memref<16x128xf32, #tpu.memory_space<vmem>>, vector<16xf32>,
        tpu.vector_store %arg12[%swap3A_719, %swap3A_720], %gather3A_717 {strides = array<i32>} : memref<16x128xf32, #tpu.memory_space<vmem>>, vector<16xf32>,
        %add3A_722 = arith.constant 16 : i32
        %add3A_723 = vector.broadcast %add3A_722 : i32 to vector<16xi32>
        %add3A_724 = arith.addi %iota3A, %add3A_723 : vector<16xi32>
        %gather3A_725 = tpu.vector_load_idx %arg7[%add3A_724, %broadcast_in_dim3A_713] : memref<64x513xf32, #tpu.memory_space<vmem>>[vector<16xi32>, vector<16xi32>], vector<16xf32>,
        %swap3A_726 = arith.constant 13 : i32
        %swap3A_727 = arith.index_cast %swap3A_726 : i32 to index
        %swap3A_728 = arith.constant 16 : index
        %swap3A_729 = tpu.vector_load %arg12[%swap3A_727, %swap3A_728] {strides = array<i32>} : memref<16x128xf32, #tpu.memory_space<vmem>>, vector<16xf32>,
        tpu.vector_store %arg12[%swap3A_727, %swap3A_728], %gather3A_725 {strides = array<i32>} : memref<16x128xf32, #tpu.memory_space<vmem>>, vector<16xf32>,
        %add3A_730 = arith.constant 32 : i32
        %add3A_731 = vector.broadcast %add3A_730 : i32 to vector<16xi32>
        %add3A_732 = arith.addi %iota3A, %add3A_731 : vector<16xi32>
        %gather3A_733 = tpu.vector_load_idx %arg7[%add3A_732, %broadcast_in_dim3A_713] : memref<64x513xf32, #tpu.memory_space<vmem>>[vector<16xi32>, vector<16xi32>], vector<16xf32>,
        %swap3A_734 = arith.constant 13 : i32
        %swap3A_735 = arith.index_cast %swap3A_734 : i32 to index
        %swap3A_736 = arith.constant 32 : index
        %swap3A_737 = tpu.vector_load %arg12[%swap3A_735, %swap3A_736] {strides = array<i32>} : memref<16x128xf32, #tpu.memory_space<vmem>>, vector<16xf32>,
        tpu.vector_store %arg12[%swap3A_735, %swap3A_736], %gather3A_733 {strides = array<i32>} : memref<16x128xf32, #tpu.memory_space<vmem>>, vector<16xf32>,
        %add3A_738 = arith.constant 48 : i32
        %add3A_739 = vector.broadcast %add3A_738 : i32 to vector<16xi32>
        %add3A_740 = arith.addi %iota3A, %add3A_739 : vector<16xi32>
        %gather3A_741 = tpu.vector_load_idx %arg7[%add3A_740, %broadcast_in_dim3A_713] : memref<64x513xf32, #tpu.memory_space<vmem>>[vector<16xi32>, vector<16xi32>], vector<16xf32>,
        %swap3A_742 = arith.constant 13 : i32
        %swap3A_743 = arith.index_cast %swap3A_742 : i32 to index
        %swap3A_744 = arith.constant 48 : index
        %swap3A_745 = tpu.vector_load %arg12[%swap3A_743, %swap3A_744] {strides = array<i32>} : memref<16x128xf32, #tpu.memory_space<vmem>>, vector<16xf32>,
        tpu.vector_store %arg12[%swap3A_743, %swap3A_744], %gather3A_741 {strides = array<i32>} : memref<16x128xf32, #tpu.memory_space<vmem>>, vector<16xf32>,
        %slice3A_746 = vector.extract_strided_slice %shift_right_logical3A_257 {offsets = [14], sizes = [1], strides = [1]} : vector<16xi32> to vector<1xi32>
        %squeeze3A_747 = vector.extract %slice3A_746[0] : i32 from vector<1xi32>
        %broadcast_in_dim3A_748 = vector.broadcast %squeeze3A_747 : i32 to vector<16xi32>
        %add3A_749 = arith.constant 0 : i32
        %add3A_750 = vector.broadcast %add3A_749 : i32 to vector<16xi32>
        %add3A_751 = arith.addi %iota3A, %add3A_750 : vector<16xi32>
        %gather3A_752 = tpu.vector_load_idx %arg7[%add3A_751, %broadcast_in_dim3A_748] : memref<64x513xf32, #tpu.memory_space<vmem>>[vector<16xi32>, vector<16xi32>], vector<16xf32>,
        %swap3A_753 = arith.constant 14 : i32
        %swap3A_754 = arith.index_cast %swap3A_753 : i32 to index
        %swap3A_755 = arith.constant 0 : index
        %swap3A_756 = tpu.vector_load %arg12[%swap3A_754, %swap3A_755] {strides = array<i32>} : memref<16x128xf32, #tpu.memory_space<vmem>>, vector<16xf32>,
        tpu.vector_store %arg12[%swap3A_754, %swap3A_755], %gather3A_752 {strides = array<i32>} : memref<16x128xf32, #tpu.memory_space<vmem>>, vector<16xf32>,
        %add3A_757 = arith.constant 16 : i32
        %add3A_758 = vector.broadcast %add3A_757 : i32 to vector<16xi32>
        %add3A_759 = arith.addi %iota3A, %add3A_758 : vector<16xi32>
        %gather3A_760 = tpu.vector_load_idx %arg7[%add3A_759, %broadcast_in_dim3A_748] : memref<64x513xf32, #tpu.memory_space<vmem>>[vector<16xi32>, vector<16xi32>], vector<16xf32>,
        %swap3A_761 = arith.constant 14 : i32
        %swap3A_762 = arith.index_cast %swap3A_761 : i32 to index
        %swap3A_763 = arith.constant 16 : index
        %swap3A_764 = tpu.vector_load %arg12[%swap3A_762, %swap3A_763] {strides = array<i32>} : memref<16x128xf32, #tpu.memory_space<vmem>>, vector<16xf32>,
        tpu.vector_store %arg12[%swap3A_762, %swap3A_763], %gather3A_760 {strides = array<i32>} : memref<16x128xf32, #tpu.memory_space<vmem>>, vector<16xf32>,
        %add3A_765 = arith.constant 32 : i32
        %add3A_766 = vector.broadcast %add3A_765 : i32 to vector<16xi32>
        %add3A_767 = arith.addi %iota3A, %add3A_766 : vector<16xi32>
        %gather3A_768 = tpu.vector_load_idx %arg7[%add3A_767, %broadcast_in_dim3A_748] : memref<64x513xf32, #tpu.memory_space<vmem>>[vector<16xi32>, vector<16xi32>], vector<16xf32>,
        %swap3A_769 = arith.constant 14 : i32
        %swap3A_770 = arith.index_cast %swap3A_769 : i32 to index
        %swap3A_771 = arith.constant 32 : index
        %swap3A_772 = tpu.vector_load %arg12[%swap3A_770, %swap3A_771] {strides = array<i32>} : memref<16x128xf32, #tpu.memory_space<vmem>>, vector<16xf32>,
        tpu.vector_store %arg12[%swap3A_770, %swap3A_771], %gather3A_768 {strides = array<i32>} : memref<16x128xf32, #tpu.memory_space<vmem>>, vector<16xf32>,
        %add3A_773 = arith.constant 48 : i32
        %add3A_774 = vector.broadcast %add3A_773 : i32 to vector<16xi32>
        %add3A_775 = arith.addi %iota3A, %add3A_774 : vector<16xi32>
        %gather3A_776 = tpu.vector_load_idx %arg7[%add3A_775, %broadcast_in_dim3A_748] : memref<64x513xf32, #tpu.memory_space<vmem>>[vector<16xi32>, vector<16xi32>], vector<16xf32>,
        %swap3A_777 = arith.constant 14 : i32
        %swap3A_778 = arith.index_cast %swap3A_777 : i32 to index
        %swap3A_779 = arith.constant 48 : index
        %swap3A_780 = tpu.vector_load %arg12[%swap3A_778, %swap3A_779] {strides = array<i32>} : memref<16x128xf32, #tpu.memory_space<vmem>>, vector<16xf32>,
        tpu.vector_store %arg12[%swap3A_778, %swap3A_779], %gather3A_776 {strides = array<i32>} : memref<16x128xf32, #tpu.memory_space<vmem>>, vector<16xf32>,
        %slice3A_781 = vector.extract_strided_slice %shift_right_logical3A_257 {offsets = [15], sizes = [1], strides = [1]} : vector<16xi32> to vector<1xi32>
        %squeeze3A_782 = vector.extract %slice3A_781[0] : i32 from vector<1xi32>
        %broadcast_in_dim3A_783 = vector.broadcast %squeeze3A_782 : i32 to vector<16xi32>
        %add3A_784 = arith.constant 0 : i32
        %add3A_785 = vector.broadcast %add3A_784 : i32 to vector<16xi32>
        %add3A_786 = arith.addi %iota3A, %add3A_785 : vector<16xi32>
        %gather3A_787 = tpu.vector_load_idx %arg7[%add3A_786, %broadcast_in_dim3A_783] : memref<64x513xf32, #tpu.memory_space<vmem>>[vector<16xi32>, vector<16xi32>], vector<16xf32>,
        %swap3A_788 = arith.constant 15 : i32
        %swap3A_789 = arith.index_cast %swap3A_788 : i32 to index
        %swap3A_790 = arith.constant 0 : index
        %swap3A_791 = tpu.vector_load %arg12[%swap3A_789, %swap3A_790] {strides = array<i32>} : memref<16x128xf32, #tpu.memory_space<vmem>>, vector<16xf32>,
        tpu.vector_store %arg12[%swap3A_789, %swap3A_790], %gather3A_787 {strides = array<i32>} : memref<16x128xf32, #tpu.memory_space<vmem>>, vector<16xf32>,
        %add3A_792 = arith.constant 16 : i32
        %add3A_793 = vector.broadcast %add3A_792 : i32 to vector<16xi32>
        %add3A_794 = arith.addi %iota3A, %add3A_793 : vector<16xi32>
        %gather3A_795 = tpu.vector_load_idx %arg7[%add3A_794, %broadcast_in_dim3A_783] : memref<64x513xf32, #tpu.memory_space<vmem>>[vector<16xi32>, vector<16xi32>], vector<16xf32>,
        %swap3A_796 = arith.constant 15 : i32
        %swap3A_797 = arith.index_cast %swap3A_796 : i32 to index
        %swap3A_798 = arith.constant 16 : index
        %swap3A_799 = tpu.vector_load %arg12[%swap3A_797, %swap3A_798] {strides = array<i32>} : memref<16x128xf32, #tpu.memory_space<vmem>>, vector<16xf32>,
        tpu.vector_store %arg12[%swap3A_797, %swap3A_798], %gather3A_795 {strides = array<i32>} : memref<16x128xf32, #tpu.memory_space<vmem>>, vector<16xf32>,
        %add3A_800 = arith.constant 32 : i32
        %add3A_801 = vector.broadcast %add3A_800 : i32 to vector<16xi32>
        %add3A_802 = arith.addi %iota3A, %add3A_801 : vector<16xi32>
        %gather3A_803 = tpu.vector_load_idx %arg7[%add3A_802, %broadcast_in_dim3A_783] : memref<64x513xf32, #tpu.memory_space<vmem>>[vector<16xi32>, vector<16xi32>], vector<16xf32>,
        %swap3A_804 = arith.constant 15 : i32
        %swap3A_805 = arith.index_cast %swap3A_804 : i32 to index
        %swap3A_806 = arith.constant 32 : index
        %swap3A_807 = tpu.vector_load %arg12[%swap3A_805, %swap3A_806] {strides = array<i32>} : memref<16x128xf32, #tpu.memory_space<vmem>>, vector<16xf32>,
        tpu.vector_store %arg12[%swap3A_805, %swap3A_806], %gather3A_803 {strides = array<i32>} : memref<16x128xf32, #tpu.memory_space<vmem>>, vector<16xf32>,
        %add3A_808 = arith.constant 48 : i32
        %add3A_809 = vector.broadcast %add3A_808 : i32 to vector<16xi32>
        %add3A_810 = arith.addi %iota3A, %add3A_809 : vector<16xi32>
        %gather3A_811 = tpu.vector_load_idx %arg7[%add3A_810, %broadcast_in_dim3A_783] : memref<64x513xf32, #tpu.memory_space<vmem>>[vector<16xi32>, vector<16xi32>], vector<16xf32>,
        %swap3A_812 = arith.constant 15 : i32
        %swap3A_813 = arith.index_cast %swap3A_812 : i32 to index
        %swap3A_814 = arith.constant 48 : index
        %swap3A_815 = tpu.vector_load %arg12[%swap3A_813, %swap3A_814] {strides = array<i32>} : memref<16x128xf32, #tpu.memory_space<vmem>>, vector<16xf32>,
        tpu.vector_store %arg12[%swap3A_813, %swap3A_814], %gather3A_811 {strides = array<i32>} : memref<16x128xf32, #tpu.memory_space<vmem>>, vector<16xf32>,
        %mul3A_816 = arith.constant 16384 : i32
        %mul3A_817 = arith.muli %add3A, %mul3A_816 : i32
        %mul3A_818 = arith.constant 16 : i32
        %mul3A_819 = arith.muli %while3A_252, %mul3A_818 : i32
        %add3A_820 = arith.addi %mul3A_817, %mul3A_819 : i32
        "tpu.region"() ({
          %run_scoped3A_839 = tpu.sem_alloc : memref<!tpu.dma_semaphore, #tpu.memory_space<semaphore_mem>>
          %dma_start3A_840 = arith.constant 0 : i32
          %dma_start3A_841 = tpu.memref_slice %arg4[%add3A_820, %dma_start3A_840] : memref<524288x128xf32, #tpu.memory_space<hbm>> -> memref<16x128xf32, #tpu.memory_space<hbm>>
          %dma_start3A_842 = arith.constant 0 : i32
          %dma_start3A_843 = tpu.memref_slice %arg4[%add3A_820, %dma_start3A_842] : memref<524288x128xf32, #tpu.memory_space<hbm>> -> memref<16x128xf32, #tpu.memory_space<hbm>>
          tpu.enqueue_dma source(%arg12 : memref<16x128xf32, #tpu.memory_space<vmem>>) target(%dma_start3A_843 : memref<16x128xf32, #tpu.memory_space<hbm>>) target_semaphore(%run_scoped3A_839 : memref<!tpu.dma_semaphore, #tpu.memory_space<semaphore_mem>>)
          %dma_wait3A_844 = arith.constant 0 : i32
          %dma_wait3A_845 = tpu.memref_slice %arg4[%add3A_820, %dma_wait3A_844] : memref<524288x128xf32, #tpu.memory_space<hbm>> -> memref<16x128xf32, #tpu.memory_space<hbm>>
          %dma_wait3A_846 = arith.constant 0 : i32
          %dma_wait3A_847 = tpu.memref_slice %arg4[%add3A_820, %dma_wait3A_846] : memref<524288x128xf32, #tpu.memory_space<hbm>> -> memref<16x128xf32, #tpu.memory_space<hbm>>
          tpu.wait_dma2 semaphore(%run_scoped3A_839 : memref<!tpu.dma_semaphore, #tpu.memory_space<semaphore_mem>>) src(%arg12 : memref<16x128xf32, #tpu.memory_space<vmem>>) dst(%dma_wait3A_847 : memref<16x128xf32, #tpu.memory_space<hbm>>)
          tpu.yield
        }) : () -> ()
        %mul3A_821 = arith.constant 16384 : i32
        %mul3A_822 = arith.muli %add3A, %mul3A_821 : i32
        %mul3A_823 = arith.constant 16 : i32
        %mul3A_824 = arith.muli %while3A_252, %mul3A_823 : i32
        %add3A_825 = arith.addi %mul3A_822, %mul3A_824 : i32
        %add3A_826 = vector.broadcast %add3A_825 : i32 to vector<16xi32>
        %add3A_827 = arith.addi %add3A_826, %iota3A : vector<16xi32>
        %swap3A_828 = arith.constant 0 : i32
        %swap3A_829 = arith.index_cast %swap3A_828 : i32 to index
        %swap3A_830 = arith.constant 0 : index
        %swap3A_831 = tpu.vector_load %arg13[%swap3A_829, %swap3A_830] {strides = array<i32>} : memref<1x16xi32, #tpu.memory_space<vmem>>, vector<16xi32>,
        tpu.vector_store %arg13[%swap3A_829, %swap3A_830], %add3A_827 {strides = array<i32>} : memref<1x16xi32, #tpu.memory_space<vmem>>, vector<16xi32>,
        %swap3A_832 = arith.constant 0 : i32
        %swap3A_833 = arith.index_cast %swap3A_832 : i32 to index
        %swap3A_834 = arith.constant 0 : index
        %swap3A_835 = tpu.vector_load %arg14[%swap3A_833, %swap3A_834] {strides = array<i32>} : memref<1x16xi32, #tpu.memory_space<vmem>>, vector<16xi32>,
        tpu.vector_store %arg14[%swap3A_833, %swap3A_834], %and3A_259 {strides = array<i32>} : memref<1x16xi32, #tpu.memory_space<vmem>>, vector<16xi32>,
        %run_scoped3A = arith.constant 0 : i32
        %run_scoped3A_836 = arith.constant 0 : i32
        "tpu.region"() ({
          %run_scoped3A_839 = tpu.sem_alloc : memref<!tpu.dma_semaphore, #tpu.memory_space<semaphore_mem>>
          %dma_start3A_840 = arith.constant 0 : i32
          %dma_start3A_841 = tpu.memref_slice %arg13[%run_scoped3A, %dma_start3A_840] : memref<1x16xi32, #tpu.memory_space<vmem>> -> memref<1x16xi32, #tpu.memory_space<vmem>>
          %dma_start3A_842 = tpu.memref_squeeze %dma_start3A_841 : memref<1x16xi32, #tpu.memory_space<vmem>> -> memref<16xi32, #tpu.memory_space<vmem>>
          %dma_start3A_843 = arith.constant 0 : i32
          %dma_start3A_844 = tpu.memref_slice %arg14[%run_scoped3A_836, %dma_start3A_843] : memref<1x16xi32, #tpu.memory_space<vmem>> -> memref<1x16xi32, #tpu.memory_space<vmem>>
          %dma_start3A_845 = tpu.memref_squeeze %dma_start3A_844 : memref<1x16xi32, #tpu.memory_space<vmem>> -> memref<16xi32, #tpu.memory_space<vmem>>
          %dma_start3A_846 = arith.constant 0 : i32
          %dma_start3A_847 = tpu.memref_slice %arg15[%dma_start3A_846] : memref<16512xi32, #tpu.memory_space<vmem_shared>> -> memref<16512xi32, #tpu.memory_space<vmem_shared>>
          tpu.enqueue_indirect_dma source(%dma_start3A_842 : memref<16xi32, #tpu.memory_space<vmem>>) target(%dma_start3A_847 : memref<16512xi32, #tpu.memory_space<vmem_shared>>) offsets(%dma_start3A_845 : memref<16xi32, #tpu.memory_space<vmem>>) semaphore(%run_scoped3A_839 : memref<!tpu.dma_semaphore, #tpu.memory_space<semaphore_mem>>)
          %dma_wait3A_848 = arith.constant 0 : i32
          %dma_wait3A_849 = tpu.memref_slice %arg13[%run_scoped3A, %dma_wait3A_848] : memref<1x16xi32, #tpu.memory_space<vmem>> -> memref<1x16xi32, #tpu.memory_space<vmem>>
          %dma_wait3A_850 = tpu.memref_squeeze %dma_wait3A_849 : memref<1x16xi32, #tpu.memory_space<vmem>> -> memref<16xi32, #tpu.memory_space<vmem>>
          %dma_wait3A_851 = arith.constant 0 : i32
          %dma_wait3A_852 = tpu.memref_slice %arg14[%run_scoped3A_836, %dma_wait3A_851] : memref<1x16xi32, #tpu.memory_space<vmem>> -> memref<1x16xi32, #tpu.memory_space<vmem>>
          %dma_wait3A_853 = tpu.memref_squeeze %dma_wait3A_852 : memref<1x16xi32, #tpu.memory_space<vmem>> -> memref<16xi32, #tpu.memory_space<vmem>>
          %dma_wait3A_854 = arith.constant 0 : i32
          %dma_wait3A_855 = tpu.memref_slice %arg15[%dma_wait3A_854] : memref<16512xi32, #tpu.memory_space<vmem_shared>> -> memref<16512xi32, #tpu.memory_space<vmem_shared>>
          tpu.wait_indirect_dma semaphore(%run_scoped3A_839 : memref<!tpu.dma_semaphore, #tpu.memory_space<semaphore_mem>>) src(%dma_wait3A_850 : memref<16xi32, #tpu.memory_space<vmem>>) dst(%dma_wait3A_855 : memref<16512xi32, #tpu.memory_space<vmem_shared>>)
          tpu.yield
        }) : () -> ()
        %add3A_837 = arith.constant 1 : i32
        %add3A_838 = arith.addi %while3A_252, %add3A_837 : i32
        scf.yield %add3A_838 : i32
      }
      scf.yield %while3A_250 : i32
    }
    %barrier3A = arith.constant 0 : index
    tpu.barrier barrier_id(%barrier3A)
    %mul3A_45 = arith.constant 1032 : i32
    %mul3A_46 = arith.muli %arg1, %mul3A_45 : i32
    "tpu.region"() ({
      %run_scoped3A = tpu.sem_alloc : memref<!tpu.dma_semaphore, #tpu.memory_space<semaphore_mem>>
      %dma_start3A = tpu.memref_slice %arg15[%mul3A_46] : memref<16512xi32, #tpu.memory_space<vmem_shared>> -> memref<1032xi32, #tpu.memory_space<vmem_shared>>
      %dma_start3A_54 = tpu.memref_slice %arg15[%mul3A_46] : memref<16512xi32, #tpu.memory_space<vmem_shared>> -> memref<1032xi32, #tpu.memory_space<vmem_shared>>
      tpu.enqueue_dma source(%dma_start3A_54 : memref<1032xi32, #tpu.memory_space<vmem_shared>>) target(%arg16 : memref<1032xi32, #tpu.memory_space<vmem>>) target_semaphore(%run_scoped3A : memref<!tpu.dma_semaphore, #tpu.memory_space<semaphore_mem>>)
      %dma_wait3A = tpu.memref_slice %arg15[%mul3A_46] : memref<16512xi32, #tpu.memory_space<vmem_shared>> -> memref<1032xi32, #tpu.memory_space<vmem_shared>>
      %dma_wait3A_55 = tpu.memref_slice %arg15[%mul3A_46] : memref<16512xi32, #tpu.memory_space<vmem_shared>> -> memref<1032xi32, #tpu.memory_space<vmem_shared>>
      tpu.wait_dma2 semaphore(%run_scoped3A : memref<!tpu.dma_semaphore, #tpu.memory_space<semaphore_mem>>) src(%dma_wait3A_55 : memref<1032xi32, #tpu.memory_space<vmem_shared>>) dst(%arg16 : memref<1032xi32, #tpu.memory_space<vmem>>)
      tpu.yield
    }) : () -> ()
    %eq3A = arith.constant 0 : i32
    %eq3A_47 = arith.cmpi eq, %arg0, %eq3A : i32
    %convert_element_type3A = arith.extui %eq3A_47 : i1 to i32
    %cond3A = arith.constant 0 : i32
    %cond3A_48 = arith.cmpi ne, %convert_element_type3A, %cond3A : i32
    scf.if %cond3A_48 {
      %mul3A_54 = arith.constant 1032 : i32
      %mul3A_55 = arith.muli %arg1, %mul3A_54 : i32
      "tpu.region"() ({
        %run_scoped3A = tpu.sem_alloc : memref<!tpu.dma_semaphore, #tpu.memory_space<semaphore_mem>>
        %dma_start3A = tpu.memref_slice %arg5[%mul3A_55] : memref<16512xi32, #tpu.memory_space<hbm>> -> memref<1032xi32, #tpu.memory_space<hbm>>
        %dma_start3A_56 = tpu.memref_slice %arg5[%mul3A_55] : memref<16512xi32, #tpu.memory_space<hbm>> -> memref<1032xi32, #tpu.memory_space<hbm>>
        tpu.enqueue_dma source(%arg16 : memref<1032xi32, #tpu.memory_space<vmem>>) target(%dma_start3A_56 : memref<1032xi32, #tpu.memory_space<hbm>>) target_semaphore(%run_scoped3A : memref<!tpu.dma_semaphore, #tpu.memory_space<semaphore_mem>>)
        %dma_wait3A = tpu.memref_slice %arg5[%mul3A_55] : memref<16512xi32, #tpu.memory_space<hbm>> -> memref<1032xi32, #tpu.memory_space<hbm>>
        %dma_wait3A_57 = tpu.memref_slice %arg5[%mul3A_55] : memref<16512xi32, #tpu.memory_space<hbm>> -> memref<1032xi32, #tpu.memory_space<hbm>>
        tpu.wait_dma2 semaphore(%run_scoped3A : memref<!tpu.dma_semaphore, #tpu.memory_space<semaphore_mem>>) src(%arg16 : memref<1032xi32, #tpu.memory_space<vmem>>) dst(%dma_wait3A_57 : memref<1032xi32, #tpu.memory_space<hbm>>)
        tpu.yield
      }) : () -> ()
    } else {
    }
    %eq3A_49 = arith.constant 1 : i32
    %eq3A_50 = arith.cmpi eq, %arg0, %eq3A_49 : i32
    %convert_element_type3A_51 = arith.extui %eq3A_50 : i1 to i32
    %cond3A_52 = arith.constant 0 : i32
    %cond3A_53 = arith.cmpi ne, %convert_element_type3A_51, %cond3A_52 : i32
    scf.if %cond3A_53 {
      %mul3A_54 = arith.constant 1032 : i32
      %mul3A_55 = arith.muli %arg1, %mul3A_54 : i32
      "tpu.region"() ({
        %run_scoped3A = tpu.sem_alloc : memref<!tpu.dma_semaphore, #tpu.memory_space<semaphore_mem>>
        %dma_start3A = tpu.memref_slice %arg6[%mul3A_55] : memref<16512xi32, #tpu.memory_space<hbm>> -> memref<1032xi32, #tpu.memory_space<hbm>>
        %dma_start3A_56 = tpu.memref_slice %arg6[%mul3A_55] : memref<16512xi32, #tpu.memory_space<hbm>> -> memref<1032xi32, #tpu.memory_space<hbm>>
        tpu.enqueue_dma source(%arg16 : memref<1032xi32, #tpu.memory_space<vmem>>) target(%dma_start3A_56 : memref<1032xi32, #tpu.memory_space<hbm>>) target_semaphore(%run_scoped3A : memref<!tpu.dma_semaphore, #tpu.memory_space<semaphore_mem>>)
        %dma_wait3A = tpu.memref_slice %arg6[%mul3A_55] : memref<16512xi32, #tpu.memory_space<hbm>> -> memref<1032xi32, #tpu.memory_space<hbm>>
        %dma_wait3A_57 = tpu.memref_slice %arg6[%mul3A_55] : memref<16512xi32, #tpu.memory_space<hbm>> -> memref<1032xi32, #tpu.memory_space<hbm>>
        tpu.wait_dma2 semaphore(%run_scoped3A : memref<!tpu.dma_semaphore, #tpu.memory_space<semaphore_mem>>) src(%arg16 : memref<1032xi32, #tpu.memory_space<vmem>>) dst(%dma_wait3A_57 : memref<1032xi32, #tpu.memory_space<hbm>>)
        tpu.yield
      }) : () -> ()
    } else {
    }
    return
  }
}

#map = affine_map<(d0, d1) -> (0, 0)>
#map1 = affine_map<(d0, d1) -> (0)>
module attributes {stable_mosaic.version = 14 : i64} {
  func.func @k2(%arg0: i32, %arg1: i32, %arg2: memref<524288x128xf32, #tpu.memory_space<hbm>>, %arg3: memref<16512xi32, #tpu.memory_space<hbm>>, %arg4: memref<16512xi32, #tpu.memory_space<hbm>>, %arg5: memref<16384x128xf32, #tpu.memory_space<hbm>>, %arg6: memref<16384x128xf32, #tpu.memory_space<hbm>>, %arg7: memref<128xi32, #tpu.memory_space<vmem>>, %arg8: memref<1x128xi32, #tpu.memory_space<vmem>>, %arg9: memref<2x128x128xf32, #tpu.memory_space<vmem>>, %arg10: memref<!tpu.dma_semaphore, #tpu.memory_space<semaphore_mem>>) attributes {dimension_semantics = [#tpu.dimension_semantics<core_parallel>, #tpu.dimension_semantics<subcore_parallel>], iteration_bounds = array<i64: 2, 16>, scalar_prefetch = 0 : i64, scratch_operands = 4 : i64, tpu.core_type = #tpu.core_type<sc_vector_subcore>, window_params = [{transform_indices = #map}, {transform_indices = #map1}, {transform_indices = #map1}, {transform_indices = #map}, {transform_indices = #map}]} {
    %eq3A = arith.constant 0 : i32
    %eq3A_0 = arith.cmpi eq, %arg0, %eq3A : i32
    %convert_element_type3A = arith.extui %eq3A_0 : i1 to i32
    %cond3A = arith.constant 0 : i32
    %cond3A_1 = arith.cmpi ne, %convert_element_type3A, %cond3A : i32
    scf.if %cond3A_1 {
      %scan3A = arith.constant 0 : i32
      %scan3A_7 = arith.constant 0 : i32
      %scan3A_8 = arith.constant 8 : i32
      %scan3A_9 = arith.addi %scan3A_7, %scan3A_8 : i32
      %scan3A_10 = arith.constant 1 : i32
      scf.for %scan3A_12 = %scan3A_7 to %scan3A_9 step %scan3A_10  : i32 {
        %rem3A = arith.constant 2 : i32
        %rem3A_13 = arith.remsi %scan3A_12, %rem3A : i32
        %mul3A = arith.constant 1024 : i32
        %mul3A_14 = arith.muli %arg1, %mul3A : i32
        %mul3A_15 = arith.constant 128 : i32
        %mul3A_16 = arith.muli %scan3A_12, %mul3A_15 : i32
        %add3A = arith.addi %mul3A_14, %mul3A_16 : i32
        "tpu.region"() ({
          %run_scoped3A = tpu.sem_alloc : memref<!tpu.dma_semaphore, #tpu.memory_space<semaphore_mem>>
          %dma_start3A_128 = tpu.memref_slice %arg3[%add3A] : memref<16512xi32, #tpu.memory_space<hbm>> -> memref<128xi32, #tpu.memory_space<hbm>>
          %dma_start3A_129 = tpu.memref_slice %arg3[%add3A] : memref<16512xi32, #tpu.memory_space<hbm>> -> memref<128xi32, #tpu.memory_space<hbm>>
          tpu.enqueue_dma source(%dma_start3A_129 : memref<128xi32, #tpu.memory_space<hbm>>) target(%arg7 : memref<128xi32, #tpu.memory_space<vmem>>) target_semaphore(%run_scoped3A : memref<!tpu.dma_semaphore, #tpu.memory_space<semaphore_mem>>)
          %dma_wait3A_130 = tpu.memref_slice %arg3[%add3A] : memref<16512xi32, #tpu.memory_space<hbm>> -> memref<128xi32, #tpu.memory_space<hbm>>
          %dma_wait3A_131 = tpu.memref_slice %arg3[%add3A] : memref<16512xi32, #tpu.memory_space<hbm>> -> memref<128xi32, #tpu.memory_space<hbm>>
          tpu.wait_dma2 semaphore(%run_scoped3A : memref<!tpu.dma_semaphore, #tpu.memory_space<semaphore_mem>>) src(%dma_wait3A_131 : memref<128xi32, #tpu.memory_space<hbm>>) dst(%arg7 : memref<128xi32, #tpu.memory_space<vmem>>)
          tpu.yield
        }) : () -> ()
        %get3A = arith.constant 0 : index
        %get3A_17 = tpu.vector_load %arg7[%get3A] {strides = array<i32>} : memref<128xi32, #tpu.memory_space<vmem>>, vector<16xi32>,
        %jit3A = arith.constant 0 : i32
        %jit3A_18 = arith.constant 524287 : i32
        %max3A = vector.broadcast %jit3A : i32 to vector<16xi32>
        %max3A_19 = arith.maxsi %max3A, %get3A_17 : vector<16xi32>
        %min3A = vector.broadcast %jit3A_18 : i32 to vector<16xi32>
        %min3A_20 = arith.minsi %min3A, %max3A_19 : vector<16xi32>
        %swap3A = arith.constant 0 : i32
        %swap3A_21 = arith.index_cast %swap3A : i32 to index
        %swap3A_22 = arith.constant 0 : index
        %swap3A_23 = tpu.vector_load %arg8[%swap3A_21, %swap3A_22] {strides = array<i32>} : memref<1x128xi32, #tpu.memory_space<vmem>>, vector<16xi32>,
        tpu.vector_store %arg8[%swap3A_21, %swap3A_22], %min3A_20 {strides = array<i32>} : memref<1x128xi32, #tpu.memory_space<vmem>>, vector<16xi32>,
        %get3A_24 = arith.constant 16 : index
        %get3A_25 = tpu.vector_load %arg7[%get3A_24] {strides = array<i32>} : memref<128xi32, #tpu.memory_space<vmem>>, vector<16xi32>,
        %jit3A_26 = arith.constant 0 : i32
        %jit3A_27 = arith.constant 524287 : i32
        %max3A_28 = vector.broadcast %jit3A_26 : i32 to vector<16xi32>
        %max3A_29 = arith.maxsi %max3A_28, %get3A_25 : vector<16xi32>
        %min3A_30 = vector.broadcast %jit3A_27 : i32 to vector<16xi32>
        %min3A_31 = arith.minsi %min3A_30, %max3A_29 : vector<16xi32>
        %swap3A_32 = arith.constant 0 : i32
        %swap3A_33 = arith.index_cast %swap3A_32 : i32 to index
        %swap3A_34 = arith.constant 16 : index
        %swap3A_35 = tpu.vector_load %arg8[%swap3A_33, %swap3A_34] {strides = array<i32>} : memref<1x128xi32, #tpu.memory_space<vmem>>, vector<16xi32>,
        tpu.vector_store %arg8[%swap3A_33, %swap3A_34], %min3A_31 {strides = array<i32>} : memref<1x128xi32, #tpu.memory_space<vmem>>, vector<16xi32>,
        %get3A_36 = arith.constant 32 : index
        %get3A_37 = tpu.vector_load %arg7[%get3A_36] {strides = array<i32>} : memref<128xi32, #tpu.memory_space<vmem>>, vector<16xi32>,
        %jit3A_38 = arith.constant 0 : i32
        %jit3A_39 = arith.constant 524287 : i32
        %max3A_40 = vector.broadcast %jit3A_38 : i32 to vector<16xi32>
        %max3A_41 = arith.maxsi %max3A_40, %get3A_37 : vector<16xi32>
        %min3A_42 = vector.broadcast %jit3A_39 : i32 to vector<16xi32>
        %min3A_43 = arith.minsi %min3A_42, %max3A_41 : vector<16xi32>
        %swap3A_44 = arith.constant 0 : i32
        %swap3A_45 = arith.index_cast %swap3A_44 : i32 to index
        %swap3A_46 = arith.constant 32 : index
        %swap3A_47 = tpu.vector_load %arg8[%swap3A_45, %swap3A_46] {strides = array<i32>} : memref<1x128xi32, #tpu.memory_space<vmem>>, vector<16xi32>,
        tpu.vector_store %arg8[%swap3A_45, %swap3A_46], %min3A_43 {strides = array<i32>} : memref<1x128xi32, #tpu.memory_space<vmem>>, vector<16xi32>,
        %get3A_48 = arith.constant 48 : index
        %get3A_49 = tpu.vector_load %arg7[%get3A_48] {strides = array<i32>} : memref<128xi32, #tpu.memory_space<vmem>>, vector<16xi32>,
        %jit3A_50 = arith.constant 0 : i32
        %jit3A_51 = arith.constant 524287 : i32
        %max3A_52 = vector.broadcast %jit3A_50 : i32 to vector<16xi32>
        %max3A_53 = arith.maxsi %max3A_52, %get3A_49 : vector<16xi32>
        %min3A_54 = vector.broadcast %jit3A_51 : i32 to vector<16xi32>
        %min3A_55 = arith.minsi %min3A_54, %max3A_53 : vector<16xi32>
        %swap3A_56 = arith.constant 0 : i32
        %swap3A_57 = arith.index_cast %swap3A_56 : i32 to index
        %swap3A_58 = arith.constant 48 : index
        %swap3A_59 = tpu.vector_load %arg8[%swap3A_57, %swap3A_58] {strides = array<i32>} : memref<1x128xi32, #tpu.memory_space<vmem>>, vector<16xi32>,
        tpu.vector_store %arg8[%swap3A_57, %swap3A_58], %min3A_55 {strides = array<i32>} : memref<1x128xi32, #tpu.memory_space<vmem>>, vector<16xi32>,
        %get3A_60 = arith.constant 64 : index
        %get3A_61 = tpu.vector_load %arg7[%get3A_60] {strides = array<i32>} : memref<128xi32, #tpu.memory_space<vmem>>, vector<16xi32>,
        %jit3A_62 = arith.constant 0 : i32
        %jit3A_63 = arith.constant 524287 : i32
        %max3A_64 = vector.broadcast %jit3A_62 : i32 to vector<16xi32>
        %max3A_65 = arith.maxsi %max3A_64, %get3A_61 : vector<16xi32>
        %min3A_66 = vector.broadcast %jit3A_63 : i32 to vector<16xi32>
        %min3A_67 = arith.minsi %min3A_66, %max3A_65 : vector<16xi32>
        %swap3A_68 = arith.constant 0 : i32
        %swap3A_69 = arith.index_cast %swap3A_68 : i32 to index
        %swap3A_70 = arith.constant 64 : index
        %swap3A_71 = tpu.vector_load %arg8[%swap3A_69, %swap3A_70] {strides = array<i32>} : memref<1x128xi32, #tpu.memory_space<vmem>>, vector<16xi32>,
        tpu.vector_store %arg8[%swap3A_69, %swap3A_70], %min3A_67 {strides = array<i32>} : memref<1x128xi32, #tpu.memory_space<vmem>>, vector<16xi32>,
        %get3A_72 = arith.constant 80 : index
        %get3A_73 = tpu.vector_load %arg7[%get3A_72] {strides = array<i32>} : memref<128xi32, #tpu.memory_space<vmem>>, vector<16xi32>,
        %jit3A_74 = arith.constant 0 : i32
        %jit3A_75 = arith.constant 524287 : i32
        %max3A_76 = vector.broadcast %jit3A_74 : i32 to vector<16xi32>
        %max3A_77 = arith.maxsi %max3A_76, %get3A_73 : vector<16xi32>
        %min3A_78 = vector.broadcast %jit3A_75 : i32 to vector<16xi32>
        %min3A_79 = arith.minsi %min3A_78, %max3A_77 : vector<16xi32>
        %swap3A_80 = arith.constant 0 : i32
        %swap3A_81 = arith.index_cast %swap3A_80 : i32 to index
        %swap3A_82 = arith.constant 80 : index
        %swap3A_83 = tpu.vector_load %arg8[%swap3A_81, %swap3A_82] {strides = array<i32>} : memref<1x128xi32, #tpu.memory_space<vmem>>, vector<16xi32>,
        tpu.vector_store %arg8[%swap3A_81, %swap3A_82], %min3A_79 {strides = array<i32>} : memref<1x128xi32, #tpu.memory_space<vmem>>, vector<16xi32>,
        %get3A_84 = arith.constant 96 : index
        %get3A_85 = tpu.vector_load %arg7[%get3A_84] {strides = array<i32>} : memref<128xi32, #tpu.memory_space<vmem>>, vector<16xi32>,
        %jit3A_86 = arith.constant 0 : i32
        %jit3A_87 = arith.constant 524287 : i32
        %max3A_88 = vector.broadcast %jit3A_86 : i32 to vector<16xi32>
        %max3A_89 = arith.maxsi %max3A_88, %get3A_85 : vector<16xi32>
        %min3A_90 = vector.broadcast %jit3A_87 : i32 to vector<16xi32>
        %min3A_91 = arith.minsi %min3A_90, %max3A_89 : vector<16xi32>
        %swap3A_92 = arith.constant 0 : i32
        %swap3A_93 = arith.index_cast %swap3A_92 : i32 to index
        %swap3A_94 = arith.constant 96 : index
        %swap3A_95 = tpu.vector_load %arg8[%swap3A_93, %swap3A_94] {strides = array<i32>} : memref<1x128xi32, #tpu.memory_space<vmem>>, vector<16xi32>,
        tpu.vector_store %arg8[%swap3A_93, %swap3A_94], %min3A_91 {strides = array<i32>} : memref<1x128xi32, #tpu.memory_space<vmem>>, vector<16xi32>,
        %get3A_96 = arith.constant 112 : index
        %get3A_97 = tpu.vector_load %arg7[%get3A_96] {strides = array<i32>} : memref<128xi32, #tpu.memory_space<vmem>>, vector<16xi32>,
        %jit3A_98 = arith.constant 0 : i32
        %jit3A_99 = arith.constant 524287 : i32
        %max3A_100 = vector.broadcast %jit3A_98 : i32 to vector<16xi32>
        %max3A_101 = arith.maxsi %max3A_100, %get3A_97 : vector<16xi32>
        %min3A_102 = vector.broadcast %jit3A_99 : i32 to vector<16xi32>
        %min3A_103 = arith.minsi %min3A_102, %max3A_101 : vector<16xi32>
        %swap3A_104 = arith.constant 0 : i32
        %swap3A_105 = arith.index_cast %swap3A_104 : i32 to index
        %swap3A_106 = arith.constant 112 : index
        %swap3A_107 = tpu.vector_load %arg8[%swap3A_105, %swap3A_106] {strides = array<i32>} : memref<1x128xi32, #tpu.memory_space<vmem>>, vector<16xi32>,
        tpu.vector_store %arg8[%swap3A_105, %swap3A_106], %min3A_103 {strides = array<i32>} : memref<1x128xi32, #tpu.memory_space<vmem>>, vector<16xi32>,
        %dma_start3A = arith.constant 0 : i32
        %dma_start3A_108 = arith.constant 0 : i32
        %dma_start3A_109 = arith.constant 0 : i32
        %dma_start3A_110 = tpu.memref_slice %arg9[%rem3A_13, %dma_start3A_108, %dma_start3A_109] : memref<2x128x128xf32, #tpu.memory_space<vmem>> -> memref<1x128x128xf32, #tpu.memory_space<vmem>>
        %dma_start3A_111 = tpu.memref_squeeze %dma_start3A_110 : memref<1x128x128xf32, #tpu.memory_space<vmem>> -> memref<128x128xf32, #tpu.memory_space<vmem>>
        %dma_start3A_112 = arith.constant 0 : i32
        %dma_start3A_113 = tpu.memref_slice %arg8[%dma_start3A, %dma_start3A_112] : memref<1x128xi32, #tpu.memory_space<vmem>> -> memref<1x128xi32, #tpu.memory_space<vmem>>
        %dma_start3A_114 = tpu.memref_squeeze %dma_start3A_113 : memref<1x128xi32, #tpu.memory_space<vmem>> -> memref<128xi32, #tpu.memory_space<vmem>>
        %dma_start3A_115 = arith.constant 0 : i32
        %dma_start3A_116 = arith.constant 0 : i32
        %dma_start3A_117 = tpu.memref_slice %arg2[%dma_start3A_115, %dma_start3A_116] : memref<524288x128xf32, #tpu.memory_space<hbm>> -> memref<524288x128xf32, #tpu.memory_space<hbm>>
        tpu.enqueue_indirect_dma source(%dma_start3A_117 : memref<524288x128xf32, #tpu.memory_space<hbm>>) target(%dma_start3A_111 : memref<128x128xf32, #tpu.memory_space<vmem>>) offsets(%dma_start3A_114 : memref<128xi32, #tpu.memory_space<vmem>>) semaphore(%arg10 : memref<!tpu.dma_semaphore, #tpu.memory_space<semaphore_mem>>)
        %dma_wait3A = arith.constant 0 : i32
        %dma_wait3A_118 = arith.constant 0 : i32
        %dma_wait3A_119 = arith.constant 0 : i32
        %dma_wait3A_120 = tpu.memref_slice %arg9[%rem3A_13, %dma_wait3A_118, %dma_wait3A_119] : memref<2x128x128xf32, #tpu.memory_space<vmem>> -> memref<1x128x128xf32, #tpu.memory_space<vmem>>
        %dma_wait3A_121 = tpu.memref_squeeze %dma_wait3A_120 : memref<1x128x128xf32, #tpu.memory_space<vmem>> -> memref<128x128xf32, #tpu.memory_space<vmem>>
        %dma_wait3A_122 = arith.constant 0 : i32
        %dma_wait3A_123 = tpu.memref_slice %arg8[%dma_wait3A, %dma_wait3A_122] : memref<1x128xi32, #tpu.memory_space<vmem>> -> memref<1x128xi32, #tpu.memory_space<vmem>>
        %dma_wait3A_124 = tpu.memref_squeeze %dma_wait3A_123 : memref<1x128xi32, #tpu.memory_space<vmem>> -> memref<128xi32, #tpu.memory_space<vmem>>
        %dma_wait3A_125 = arith.constant 0 : i32
        %dma_wait3A_126 = arith.constant 0 : i32
        %dma_wait3A_127 = tpu.memref_slice %arg2[%dma_wait3A_125, %dma_wait3A_126] : memref<524288x128xf32, #tpu.memory_space<hbm>> -> memref<524288x128xf32, #tpu.memory_space<hbm>>
        tpu.wait_indirect_dma semaphore(%arg10 : memref<!tpu.dma_semaphore, #tpu.memory_space<semaphore_mem>>) src(%dma_wait3A_127 : memref<524288x128xf32, #tpu.memory_space<hbm>>) dst(%dma_wait3A_121 : memref<128x128xf32, #tpu.memory_space<vmem>>)
        "tpu.region"() ({
          %run_scoped3A = tpu.sem_alloc : memref<!tpu.dma_semaphore, #tpu.memory_space<semaphore_mem>>
          %dma_start3A_128 = arith.constant 0 : i32
          %dma_start3A_129 = arith.constant 0 : i32
          %dma_start3A_130 = tpu.memref_slice %arg9[%rem3A_13, %dma_start3A_128, %dma_start3A_129] : memref<2x128x128xf32, #tpu.memory_space<vmem>> -> memref<1x128x128xf32, #tpu.memory_space<vmem>>
          %dma_start3A_131 = tpu.memref_squeeze %dma_start3A_130 : memref<1x128x128xf32, #tpu.memory_space<vmem>> -> memref<128x128xf32, #tpu.memory_space<vmem>>
          %dma_start3A_132 = arith.constant 0 : i32
          %dma_start3A_133 = tpu.memref_slice %arg5[%add3A, %dma_start3A_132] : memref<16384x128xf32, #tpu.memory_space<hbm>> -> memref<128x128xf32, #tpu.memory_space<hbm>>
          %dma_start3A_134 = arith.constant 0 : i32
          %dma_start3A_135 = tpu.memref_slice %arg5[%add3A, %dma_start3A_134] : memref<16384x128xf32, #tpu.memory_space<hbm>> -> memref<128x128xf32, #tpu.memory_space<hbm>>
          %dma_start3A_136 = arith.constant 0 : i32
          %dma_start3A_137 = arith.constant 0 : i32
          %dma_start3A_138 = tpu.memref_slice %arg9[%rem3A_13, %dma_start3A_136, %dma_start3A_137] : memref<2x128x128xf32, #tpu.memory_space<vmem>> -> memref<1x128x128xf32, #tpu.memory_space<vmem>>
          %dma_start3A_139 = tpu.memref_squeeze %dma_start3A_138 : memref<1x128x128xf32, #tpu.memory_space<vmem>> -> memref<128x128xf32, #tpu.memory_space<vmem>>
          tpu.enqueue_dma source(%dma_start3A_139 : memref<128x128xf32, #tpu.memory_space<vmem>>) target(%dma_start3A_135 : memref<128x128xf32, #tpu.memory_space<hbm>>) target_semaphore(%run_scoped3A : memref<!tpu.dma_semaphore, #tpu.memory_space<semaphore_mem>>)
          %dma_wait3A_140 = arith.constant 0 : i32
          %dma_wait3A_141 = arith.constant 0 : i32
          %dma_wait3A_142 = tpu.memref_slice %arg9[%rem3A_13, %dma_wait3A_140, %dma_wait3A_141] : memref<2x128x128xf32, #tpu.memory_space<vmem>> -> memref<1x128x128xf32, #tpu.memory_space<vmem>>
          %dma_wait3A_143 = tpu.memref_squeeze %dma_wait3A_142 : memref<1x128x128xf32, #tpu.memory_space<vmem>> -> memref<128x128xf32, #tpu.memory_space<vmem>>
          %dma_wait3A_144 = arith.constant 0 : i32
          %dma_wait3A_145 = tpu.memref_slice %arg5[%add3A, %dma_wait3A_144] : memref<16384x128xf32, #tpu.memory_space<hbm>> -> memref<128x128xf32, #tpu.memory_space<hbm>>
          %dma_wait3A_146 = arith.constant 0 : i32
          %dma_wait3A_147 = tpu.memref_slice %arg5[%add3A, %dma_wait3A_146] : memref<16384x128xf32, #tpu.memory_space<hbm>> -> memref<128x128xf32, #tpu.memory_space<hbm>>
          %dma_wait3A_148 = arith.constant 0 : i32
          %dma_wait3A_149 = arith.constant 0 : i32
          %dma_wait3A_150 = tpu.memref_slice %arg9[%rem3A_13, %dma_wait3A_148, %dma_wait3A_149] : memref<2x128x128xf32, #tpu.memory_space<vmem>> -> memref<1x128x128xf32, #tpu.memory_space<vmem>>
          %dma_wait3A_151 = tpu.memref_squeeze %dma_wait3A_150 : memref<1x128x128xf32, #tpu.memory_space<vmem>> -> memref<128x128xf32, #tpu.memory_space<vmem>>
          tpu.wait_dma2 semaphore(%run_scoped3A : memref<!tpu.dma_semaphore, #tpu.memory_space<semaphore_mem>>) src(%dma_wait3A_151 : memref<128x128xf32, #tpu.memory_space<vmem>>) dst(%dma_wait3A_147 : memref<128x128xf32, #tpu.memory_space<hbm>>)
          tpu.yield
        }) : () -> ()
      }
      %scan3A_11 = arith.constant 8 : i32
    } else {
    }
    %eq3A_2 = arith.constant 1 : i32
    %eq3A_3 = arith.cmpi eq, %arg0, %eq3A_2 : i32
    %convert_element_type3A_4 = arith.extui %eq3A_3 : i1 to i32
    %cond3A_5 = arith.constant 0 : i32
    %cond3A_6 = arith.cmpi ne, %convert_element_type3A_4, %cond3A_5 : i32
    scf.if %cond3A_6 {
      %scan3A = arith.constant 0 : i32
      %scan3A_7 = arith.constant 0 : i32
      %scan3A_8 = arith.constant 8 : i32
      %scan3A_9 = arith.addi %scan3A_7, %scan3A_8 : i32
      %scan3A_10 = arith.constant 1 : i32
      scf.for %scan3A_12 = %scan3A_7 to %scan3A_9 step %scan3A_10  : i32 {
        %rem3A = arith.constant 2 : i32
        %rem3A_13 = arith.remsi %scan3A_12, %rem3A : i32
        %mul3A = arith.constant 1024 : i32
        %mul3A_14 = arith.muli %arg1, %mul3A : i32
        %mul3A_15 = arith.constant 128 : i32
        %mul3A_16 = arith.muli %scan3A_12, %mul3A_15 : i32
        %add3A = arith.addi %mul3A_14, %mul3A_16 : i32
        "tpu.region"() ({
          %run_scoped3A = tpu.sem_alloc : memref<!tpu.dma_semaphore, #tpu.memory_space<semaphore_mem>>
          %dma_start3A_128 = tpu.memref_slice %arg4[%add3A] : memref<16512xi32, #tpu.memory_space<hbm>> -> memref<128xi32, #tpu.memory_space<hbm>>
          %dma_start3A_129 = tpu.memref_slice %arg4[%add3A] : memref<16512xi32, #tpu.memory_space<hbm>> -> memref<128xi32, #tpu.memory_space<hbm>>
          tpu.enqueue_dma source(%dma_start3A_129 : memref<128xi32, #tpu.memory_space<hbm>>) target(%arg7 : memref<128xi32, #tpu.memory_space<vmem>>) target_semaphore(%run_scoped3A : memref<!tpu.dma_semaphore, #tpu.memory_space<semaphore_mem>>)
          %dma_wait3A_130 = tpu.memref_slice %arg4[%add3A] : memref<16512xi32, #tpu.memory_space<hbm>> -> memref<128xi32, #tpu.memory_space<hbm>>
          %dma_wait3A_131 = tpu.memref_slice %arg4[%add3A] : memref<16512xi32, #tpu.memory_space<hbm>> -> memref<128xi32, #tpu.memory_space<hbm>>
          tpu.wait_dma2 semaphore(%run_scoped3A : memref<!tpu.dma_semaphore, #tpu.memory_space<semaphore_mem>>) src(%dma_wait3A_131 : memref<128xi32, #tpu.memory_space<hbm>>) dst(%arg7 : memref<128xi32, #tpu.memory_space<vmem>>)
          tpu.yield
        }) : () -> ()
        %get3A = arith.constant 0 : index
        %get3A_17 = tpu.vector_load %arg7[%get3A] {strides = array<i32>} : memref<128xi32, #tpu.memory_space<vmem>>, vector<16xi32>,
        %jit3A = arith.constant 0 : i32
        %jit3A_18 = arith.constant 524287 : i32
        %max3A = vector.broadcast %jit3A : i32 to vector<16xi32>
        %max3A_19 = arith.maxsi %max3A, %get3A_17 : vector<16xi32>
        %min3A = vector.broadcast %jit3A_18 : i32 to vector<16xi32>
        %min3A_20 = arith.minsi %min3A, %max3A_19 : vector<16xi32>
        %swap3A = arith.constant 0 : i32
        %swap3A_21 = arith.index_cast %swap3A : i32 to index
        %swap3A_22 = arith.constant 0 : index
        %swap3A_23 = tpu.vector_load %arg8[%swap3A_21, %swap3A_22] {strides = array<i32>} : memref<1x128xi32, #tpu.memory_space<vmem>>, vector<16xi32>,
        tpu.vector_store %arg8[%swap3A_21, %swap3A_22], %min3A_20 {strides = array<i32>} : memref<1x128xi32, #tpu.memory_space<vmem>>, vector<16xi32>,
        %get3A_24 = arith.constant 16 : index
        %get3A_25 = tpu.vector_load %arg7[%get3A_24] {strides = array<i32>} : memref<128xi32, #tpu.memory_space<vmem>>, vector<16xi32>,
        %jit3A_26 = arith.constant 0 : i32
        %jit3A_27 = arith.constant 524287 : i32
        %max3A_28 = vector.broadcast %jit3A_26 : i32 to vector<16xi32>
        %max3A_29 = arith.maxsi %max3A_28, %get3A_25 : vector<16xi32>
        %min3A_30 = vector.broadcast %jit3A_27 : i32 to vector<16xi32>
        %min3A_31 = arith.minsi %min3A_30, %max3A_29 : vector<16xi32>
        %swap3A_32 = arith.constant 0 : i32
        %swap3A_33 = arith.index_cast %swap3A_32 : i32 to index
        %swap3A_34 = arith.constant 16 : index
        %swap3A_35 = tpu.vector_load %arg8[%swap3A_33, %swap3A_34] {strides = array<i32>} : memref<1x128xi32, #tpu.memory_space<vmem>>, vector<16xi32>,
        tpu.vector_store %arg8[%swap3A_33, %swap3A_34], %min3A_31 {strides = array<i32>} : memref<1x128xi32, #tpu.memory_space<vmem>>, vector<16xi32>,
        %get3A_36 = arith.constant 32 : index
        %get3A_37 = tpu.vector_load %arg7[%get3A_36] {strides = array<i32>} : memref<128xi32, #tpu.memory_space<vmem>>, vector<16xi32>,
        %jit3A_38 = arith.constant 0 : i32
        %jit3A_39 = arith.constant 524287 : i32
        %max3A_40 = vector.broadcast %jit3A_38 : i32 to vector<16xi32>
        %max3A_41 = arith.maxsi %max3A_40, %get3A_37 : vector<16xi32>
        %min3A_42 = vector.broadcast %jit3A_39 : i32 to vector<16xi32>
        %min3A_43 = arith.minsi %min3A_42, %max3A_41 : vector<16xi32>
        %swap3A_44 = arith.constant 0 : i32
        %swap3A_45 = arith.index_cast %swap3A_44 : i32 to index
        %swap3A_46 = arith.constant 32 : index
        %swap3A_47 = tpu.vector_load %arg8[%swap3A_45, %swap3A_46] {strides = array<i32>} : memref<1x128xi32, #tpu.memory_space<vmem>>, vector<16xi32>,
        tpu.vector_store %arg8[%swap3A_45, %swap3A_46], %min3A_43 {strides = array<i32>} : memref<1x128xi32, #tpu.memory_space<vmem>>, vector<16xi32>,
        %get3A_48 = arith.constant 48 : index
        %get3A_49 = tpu.vector_load %arg7[%get3A_48] {strides = array<i32>} : memref<128xi32, #tpu.memory_space<vmem>>, vector<16xi32>,
        %jit3A_50 = arith.constant 0 : i32
        %jit3A_51 = arith.constant 524287 : i32
        %max3A_52 = vector.broadcast %jit3A_50 : i32 to vector<16xi32>
        %max3A_53 = arith.maxsi %max3A_52, %get3A_49 : vector<16xi32>
        %min3A_54 = vector.broadcast %jit3A_51 : i32 to vector<16xi32>
        %min3A_55 = arith.minsi %min3A_54, %max3A_53 : vector<16xi32>
        %swap3A_56 = arith.constant 0 : i32
        %swap3A_57 = arith.index_cast %swap3A_56 : i32 to index
        %swap3A_58 = arith.constant 48 : index
        %swap3A_59 = tpu.vector_load %arg8[%swap3A_57, %swap3A_58] {strides = array<i32>} : memref<1x128xi32, #tpu.memory_space<vmem>>, vector<16xi32>,
        tpu.vector_store %arg8[%swap3A_57, %swap3A_58], %min3A_55 {strides = array<i32>} : memref<1x128xi32, #tpu.memory_space<vmem>>, vector<16xi32>,
        %get3A_60 = arith.constant 64 : index
        %get3A_61 = tpu.vector_load %arg7[%get3A_60] {strides = array<i32>} : memref<128xi32, #tpu.memory_space<vmem>>, vector<16xi32>,
        %jit3A_62 = arith.constant 0 : i32
        %jit3A_63 = arith.constant 524287 : i32
        %max3A_64 = vector.broadcast %jit3A_62 : i32 to vector<16xi32>
        %max3A_65 = arith.maxsi %max3A_64, %get3A_61 : vector<16xi32>
        %min3A_66 = vector.broadcast %jit3A_63 : i32 to vector<16xi32>
        %min3A_67 = arith.minsi %min3A_66, %max3A_65 : vector<16xi32>
        %swap3A_68 = arith.constant 0 : i32
        %swap3A_69 = arith.index_cast %swap3A_68 : i32 to index
        %swap3A_70 = arith.constant 64 : index
        %swap3A_71 = tpu.vector_load %arg8[%swap3A_69, %swap3A_70] {strides = array<i32>} : memref<1x128xi32, #tpu.memory_space<vmem>>, vector<16xi32>,
        tpu.vector_store %arg8[%swap3A_69, %swap3A_70], %min3A_67 {strides = array<i32>} : memref<1x128xi32, #tpu.memory_space<vmem>>, vector<16xi32>,
        %get3A_72 = arith.constant 80 : index
        %get3A_73 = tpu.vector_load %arg7[%get3A_72] {strides = array<i32>} : memref<128xi32, #tpu.memory_space<vmem>>, vector<16xi32>,
        %jit3A_74 = arith.constant 0 : i32
        %jit3A_75 = arith.constant 524287 : i32
        %max3A_76 = vector.broadcast %jit3A_74 : i32 to vector<16xi32>
        %max3A_77 = arith.maxsi %max3A_76, %get3A_73 : vector<16xi32>
        %min3A_78 = vector.broadcast %jit3A_75 : i32 to vector<16xi32>
        %min3A_79 = arith.minsi %min3A_78, %max3A_77 : vector<16xi32>
        %swap3A_80 = arith.constant 0 : i32
        %swap3A_81 = arith.index_cast %swap3A_80 : i32 to index
        %swap3A_82 = arith.constant 80 : index
        %swap3A_83 = tpu.vector_load %arg8[%swap3A_81, %swap3A_82] {strides = array<i32>} : memref<1x128xi32, #tpu.memory_space<vmem>>, vector<16xi32>,
        tpu.vector_store %arg8[%swap3A_81, %swap3A_82], %min3A_79 {strides = array<i32>} : memref<1x128xi32, #tpu.memory_space<vmem>>, vector<16xi32>,
        %get3A_84 = arith.constant 96 : index
        %get3A_85 = tpu.vector_load %arg7[%get3A_84] {strides = array<i32>} : memref<128xi32, #tpu.memory_space<vmem>>, vector<16xi32>,
        %jit3A_86 = arith.constant 0 : i32
        %jit3A_87 = arith.constant 524287 : i32
        %max3A_88 = vector.broadcast %jit3A_86 : i32 to vector<16xi32>
        %max3A_89 = arith.maxsi %max3A_88, %get3A_85 : vector<16xi32>
        %min3A_90 = vector.broadcast %jit3A_87 : i32 to vector<16xi32>
        %min3A_91 = arith.minsi %min3A_90, %max3A_89 : vector<16xi32>
        %swap3A_92 = arith.constant 0 : i32
        %swap3A_93 = arith.index_cast %swap3A_92 : i32 to index
        %swap3A_94 = arith.constant 96 : index
        %swap3A_95 = tpu.vector_load %arg8[%swap3A_93, %swap3A_94] {strides = array<i32>} : memref<1x128xi32, #tpu.memory_space<vmem>>, vector<16xi32>,
        tpu.vector_store %arg8[%swap3A_93, %swap3A_94], %min3A_91 {strides = array<i32>} : memref<1x128xi32, #tpu.memory_space<vmem>>, vector<16xi32>,
        %get3A_96 = arith.constant 112 : index
        %get3A_97 = tpu.vector_load %arg7[%get3A_96] {strides = array<i32>} : memref<128xi32, #tpu.memory_space<vmem>>, vector<16xi32>,
        %jit3A_98 = arith.constant 0 : i32
        %jit3A_99 = arith.constant 524287 : i32
        %max3A_100 = vector.broadcast %jit3A_98 : i32 to vector<16xi32>
        %max3A_101 = arith.maxsi %max3A_100, %get3A_97 : vector<16xi32>
        %min3A_102 = vector.broadcast %jit3A_99 : i32 to vector<16xi32>
        %min3A_103 = arith.minsi %min3A_102, %max3A_101 : vector<16xi32>
        %swap3A_104 = arith.constant 0 : i32
        %swap3A_105 = arith.index_cast %swap3A_104 : i32 to index
        %swap3A_106 = arith.constant 112 : index
        %swap3A_107 = tpu.vector_load %arg8[%swap3A_105, %swap3A_106] {strides = array<i32>} : memref<1x128xi32, #tpu.memory_space<vmem>>, vector<16xi32>,
        tpu.vector_store %arg8[%swap3A_105, %swap3A_106], %min3A_103 {strides = array<i32>} : memref<1x128xi32, #tpu.memory_space<vmem>>, vector<16xi32>,
        %dma_start3A = arith.constant 0 : i32
        %dma_start3A_108 = arith.constant 0 : i32
        %dma_start3A_109 = arith.constant 0 : i32
        %dma_start3A_110 = tpu.memref_slice %arg9[%rem3A_13, %dma_start3A_108, %dma_start3A_109] : memref<2x128x128xf32, #tpu.memory_space<vmem>> -> memref<1x128x128xf32, #tpu.memory_space<vmem>>
        %dma_start3A_111 = tpu.memref_squeeze %dma_start3A_110 : memref<1x128x128xf32, #tpu.memory_space<vmem>> -> memref<128x128xf32, #tpu.memory_space<vmem>>
        %dma_start3A_112 = arith.constant 0 : i32
        %dma_start3A_113 = tpu.memref_slice %arg8[%dma_start3A, %dma_start3A_112] : memref<1x128xi32, #tpu.memory_space<vmem>> -> memref<1x128xi32, #tpu.memory_space<vmem>>
        %dma_start3A_114 = tpu.memref_squeeze %dma_start3A_113 : memref<1x128xi32, #tpu.memory_space<vmem>> -> memref<128xi32, #tpu.memory_space<vmem>>
        %dma_start3A_115 = arith.constant 0 : i32
        %dma_start3A_116 = arith.constant 0 : i32
        %dma_start3A_117 = tpu.memref_slice %arg2[%dma_start3A_115, %dma_start3A_116] : memref<524288x128xf32, #tpu.memory_space<hbm>> -> memref<524288x128xf32, #tpu.memory_space<hbm>>
        tpu.enqueue_indirect_dma source(%dma_start3A_117 : memref<524288x128xf32, #tpu.memory_space<hbm>>) target(%dma_start3A_111 : memref<128x128xf32, #tpu.memory_space<vmem>>) offsets(%dma_start3A_114 : memref<128xi32, #tpu.memory_space<vmem>>) semaphore(%arg10 : memref<!tpu.dma_semaphore, #tpu.memory_space<semaphore_mem>>)
        %dma_wait3A = arith.constant 0 : i32
        %dma_wait3A_118 = arith.constant 0 : i32
        %dma_wait3A_119 = arith.constant 0 : i32
        %dma_wait3A_120 = tpu.memref_slice %arg9[%rem3A_13, %dma_wait3A_118, %dma_wait3A_119] : memref<2x128x128xf32, #tpu.memory_space<vmem>> -> memref<1x128x128xf32, #tpu.memory_space<vmem>>
        %dma_wait3A_121 = tpu.memref_squeeze %dma_wait3A_120 : memref<1x128x128xf32, #tpu.memory_space<vmem>> -> memref<128x128xf32, #tpu.memory_space<vmem>>
        %dma_wait3A_122 = arith.constant 0 : i32
        %dma_wait3A_123 = tpu.memref_slice %arg8[%dma_wait3A, %dma_wait3A_122] : memref<1x128xi32, #tpu.memory_space<vmem>> -> memref<1x128xi32, #tpu.memory_space<vmem>>
        %dma_wait3A_124 = tpu.memref_squeeze %dma_wait3A_123 : memref<1x128xi32, #tpu.memory_space<vmem>> -> memref<128xi32, #tpu.memory_space<vmem>>
        %dma_wait3A_125 = arith.constant 0 : i32
        %dma_wait3A_126 = arith.constant 0 : i32
        %dma_wait3A_127 = tpu.memref_slice %arg2[%dma_wait3A_125, %dma_wait3A_126] : memref<524288x128xf32, #tpu.memory_space<hbm>> -> memref<524288x128xf32, #tpu.memory_space<hbm>>
        tpu.wait_indirect_dma semaphore(%arg10 : memref<!tpu.dma_semaphore, #tpu.memory_space<semaphore_mem>>) src(%dma_wait3A_127 : memref<524288x128xf32, #tpu.memory_space<hbm>>) dst(%dma_wait3A_121 : memref<128x128xf32, #tpu.memory_space<vmem>>)
        "tpu.region"() ({
          %run_scoped3A = tpu.sem_alloc : memref<!tpu.dma_semaphore, #tpu.memory_space<semaphore_mem>>
          %dma_start3A_128 = arith.constant 0 : i32
          %dma_start3A_129 = arith.constant 0 : i32
          %dma_start3A_130 = tpu.memref_slice %arg9[%rem3A_13, %dma_start3A_128, %dma_start3A_129] : memref<2x128x128xf32, #tpu.memory_space<vmem>> -> memref<1x128x128xf32, #tpu.memory_space<vmem>>
          %dma_start3A_131 = tpu.memref_squeeze %dma_start3A_130 : memref<1x128x128xf32, #tpu.memory_space<vmem>> -> memref<128x128xf32, #tpu.memory_space<vmem>>
          %dma_start3A_132 = arith.constant 0 : i32
          %dma_start3A_133 = tpu.memref_slice %arg6[%add3A, %dma_start3A_132] : memref<16384x128xf32, #tpu.memory_space<hbm>> -> memref<128x128xf32, #tpu.memory_space<hbm>>
          %dma_start3A_134 = arith.constant 0 : i32
          %dma_start3A_135 = tpu.memref_slice %arg6[%add3A, %dma_start3A_134] : memref<16384x128xf32, #tpu.memory_space<hbm>> -> memref<128x128xf32, #tpu.memory_space<hbm>>
          %dma_start3A_136 = arith.constant 0 : i32
          %dma_start3A_137 = arith.constant 0 : i32
          %dma_start3A_138 = tpu.memref_slice %arg9[%rem3A_13, %dma_start3A_136, %dma_start3A_137] : memref<2x128x128xf32, #tpu.memory_space<vmem>> -> memref<1x128x128xf32, #tpu.memory_space<vmem>>
          %dma_start3A_139 = tpu.memref_squeeze %dma_start3A_138 : memref<1x128x128xf32, #tpu.memory_space<vmem>> -> memref<128x128xf32, #tpu.memory_space<vmem>>
          tpu.enqueue_dma source(%dma_start3A_139 : memref<128x128xf32, #tpu.memory_space<vmem>>) target(%dma_start3A_135 : memref<128x128xf32, #tpu.memory_space<hbm>>) target_semaphore(%run_scoped3A : memref<!tpu.dma_semaphore, #tpu.memory_space<semaphore_mem>>)
          %dma_wait3A_140 = arith.constant 0 : i32
          %dma_wait3A_141 = arith.constant 0 : i32
          %dma_wait3A_142 = tpu.memref_slice %arg9[%rem3A_13, %dma_wait3A_140, %dma_wait3A_141] : memref<2x128x128xf32, #tpu.memory_space<vmem>> -> memref<1x128x128xf32, #tpu.memory_space<vmem>>
          %dma_wait3A_143 = tpu.memref_squeeze %dma_wait3A_142 : memref<1x128x128xf32, #tpu.memory_space<vmem>> -> memref<128x128xf32, #tpu.memory_space<vmem>>
          %dma_wait3A_144 = arith.constant 0 : i32
          %dma_wait3A_145 = tpu.memref_slice %arg6[%add3A, %dma_wait3A_144] : memref<16384x128xf32, #tpu.memory_space<hbm>> -> memref<128x128xf32, #tpu.memory_space<hbm>>
          %dma_wait3A_146 = arith.constant 0 : i32
          %dma_wait3A_147 = tpu.memref_slice %arg6[%add3A, %dma_wait3A_146] : memref<16384x128xf32, #tpu.memory_space<hbm>> -> memref<128x128xf32, #tpu.memory_space<hbm>>
          %dma_wait3A_148 = arith.constant 0 : i32
          %dma_wait3A_149 = arith.constant 0 : i32
          %dma_wait3A_150 = tpu.memref_slice %arg9[%rem3A_13, %dma_wait3A_148, %dma_wait3A_149] : memref<2x128x128xf32, #tpu.memory_space<vmem>> -> memref<1x128x128xf32, #tpu.memory_space<vmem>>
          %dma_wait3A_151 = tpu.memref_squeeze %dma_wait3A_150 : memref<1x128x128xf32, #tpu.memory_space<vmem>> -> memref<128x128xf32, #tpu.memory_space<vmem>>
          tpu.wait_dma2 semaphore(%run_scoped3A : memref<!tpu.dma_semaphore, #tpu.memory_space<semaphore_mem>>) src(%dma_wait3A_151 : memref<128x128xf32, #tpu.memory_space<vmem>>) dst(%dma_wait3A_147 : memref<128x128xf32, #tpu.memory_space<hbm>>)
          tpu.yield
        }) : () -> ()
      }
      %scan3A_11 = arith.constant 8 : i32
    } else {
    }
    return
  }
}

</mosaic_0001>

<sc_bundles>
// kernel: _scan_gather.4.cloned.1.call-start
scs
__scs_entry_jumppad:
0x0: {  	(pc) =	sbr.rel $0x88, $3  }
0x1: {  	(tag) =	ssettag $0x0;
	lr =	simm.s32 $0x1  }
0x2: {  	[smem:$0x3F9F] =	sst lr;
	_ =	strace $0xD0000000  }
0x3: {  	_ = 	snop  }
0x4: {  	_ = 	snop  }
0x5: {  	_ = 	snop  }
0x6: {  	_ = 	snop  }
0x7: {  	_ = 	snop  }
__scs_overlays_trampoline_lowered:
0x8: {  	[smem:$0x3FAE] =	sst s0  }
0x9: {  	[smem:$0x3FAF] =	sst s1  }
0xa: {  	[smem:$0x3FB0] =	sst s2  }
0xb: {  	[smem:$0x3FB1] =	sst s3  }
0xc: {  	[smem:$0x3FB2] =	sst s4  }
0xd: {  	[smem:$0x3FB3] =	sst s5  }
0xe: {  	[smem:$0x3FB4] =	sst s6  }
0xf: {  	[smem:$0x3FB5] =	sst s7  }
0x10: {  	[smem:$0x3FB6] =	sst s8  }
0x11: {  	[smem:$0x3FB7] =	sst s9;
	s0 =	simm.s32 @!p0 $0x0  }
0x12: {  	s1 =	sld [smem:$0x3F9D];
	s0 =	simm.s32 @p0 $0x1  }
0x13: {  	[smem:$0x3FB8] =	sst s0;
	s0 =	simm.s32 @!p1 $0x0  }
0x14: {  	s2 =	sld [smem:$0x3F9C];
	s0 =	simm.s32 @p1 $0x1  }
0x15: {  	[smem:$0x3FB9] =	sst s0;
	s0 =	simm.s32 @!p2 $0x0  }
0x16: {  	s3 =	sld [smem:$0x3FDB];
	s0 =	simm.s32 @p2 $0x1  }
0x17: {  	s4 =	simm.s32 $0x1BF5;
	[smem:$0x3FBB] =	sst s0  }
0x18: {  	s0 =	sld [smem:$0x3F9E];
	_ =	swait.ge [sflag:s4], $0x0  }
0x19: {  	s7 =	sld [smem:$0x3F9F]  }
0x1a: {  	s8 =	sadd.s32 $0xFFFFE003, lr  }
0x1b: {  	s9 =	sadd.s32 $0xFFFFFEF7, lr;
	s5 =	simm.s32 $0xFFFFFFFF;
	p2 =	slt.u32 s8, $0xFFFFF086  }
0x1c: {  	p1 =	slt.u32 s9, $0xF7A;
	s5 =	simm.s32 @!p2 $0x0  }
0x1d: {  	s5 =	simm.s32 @p1 $0x1;
	p0 =	seq.s32 s7, s2  }
0x1e: {  	s7 =	smul.u32 @!p0 $0xF7A, s2;
	p2 =	seq.s32 @!p0 s5, $0x0  }
0x1f: {  	s9 =	smul.u32 $0xF7A, s1;
	s8 =	simm.s32 @!p0 $0x1BF5;
	p2 =	por !p2, p0  }
0x20: {  	[sflag:s8] =	ssyncset.s32 @!p0 $0xFFFFF086;
	s6 =	sadd.s32 @!p0 s3, s7;
	s7 =	simm.s32 @!p0 $0x108  }
0x21: {  	s3 =	sadd.s32 s3, s9;
	s6 =	sadd.s32 @!p0 $0x88, s6;
	s7 =	simm.s32 @p2 $0x1082  }
0x22: {  	[simem:s7], [sflag:s8] =	dma.local @!p0 [hbm:s6], $0xF7A  }
0x23: {  	s9 =	sor.u32 $0xD0000000, s2;
	s6 =	simm.s32 $0x108;
	_ =	swait.ge @!p0 [sflag:s8], $0x0  }
0x24: {  	s3 =	sadd.s32 $0x88, s3;
	s6 =	simm.s32 @!p1 $0x1082;
	[sflag:s4] =	ssyncset.s32 $0xFFFFF086  }
0x25: {  	[simem:s6], [sflag:s4] =	dma.local [hbm:s3], $0xF7A  }
0x26: {  	[smem:$0x3F9F] =	sst s1;
	(tag) =	ssettag s2;
	_ =	strace s9  }
0x27: {  	s1 =	sld [smem:$0x3FAF]  }
0x28: {  	s2 =	sld [smem:$0x3FB0]  }
0x29: {  	s4 =	sld [smem:$0x3FB2]  }
0x2a: {  	p0 =	seq.s32 s5, $0x0;
	s5 =	sld [smem:$0x3FB3]  }
0x2b: {  	s6 =	sld [smem:$0x3FB4]  }
0x2c: {  	s7 =	sld [smem:$0x3FB5]  }
0x2d: {  	s3 =	simm.s32 $0x108;
	s8 =	sld [smem:$0x3FB6]  }
0x2e: {  	s3 =	simm.s32 @!p0 $0x1082;
	s9 =	sld [smem:$0x3FB7]  }
0x2f: {  	lr =	sadd.s32 s0, s3;
	s0 =	sld [smem:$0x3FAE]  }
0x30: {  	s3 =	sld [smem:$0x3FB1]  }
0x31: {  	[smem:$0x3FBA] =	sst s10  }
0x32: {  	s10 =	sld [smem:$0x3FB8];
	_ =	sdelay $0x3  }
0x33: {  	p0 =	seq.s32 s10, $0x1;
	s10 =	sld [smem:$0x3FBA];
	_ =	sdelay $0x3  }
0x34: {  	[smem:$0x3FBA] =	sst s10  }
0x35: {  	s10 =	sld [smem:$0x3FB9];
	_ =	sdelay $0x3  }
0x36: {  	p1 =	seq.s32 s10, $0x1;
	s10 =	sld [smem:$0x3FBA];
	_ =	sdelay $0x3  }
0x37: {  	[smem:$0x3FBA] =	sst s10  }
0x38: {  	s10 =	sld [smem:$0x3FBB]  }
0x39: {  	_ = 	snop;
	(pc) =	sbr.ind lr, $3  }
0x3a: {  	_ = 	snop  }
0x3b: {  	_ = 	snop  }
0x3c: {  	p2 =	seq.s32 s10, $0x1;
	s10 =	sld [smem:$0x3FBA]  }
0x3d: {  	_ =	shalt  }
0x3e: {  	_ =	shalt  }
0x3f: {  	_ =	shalt  }
0x40: {  	_ =	shalt  }
0x41: {  	_ =	shalt  }
0x42: {  	_ =	shalt  }
0x43: {  	_ =	shalt  }
0x44: {  	_ =	shalt  }
0x45: {  	_ =	shalt  }
0x46: {  	_ =	shalt  }
0x47: {  	_ =	shalt  }
0x48: {  	_ =	shalt  }
0x49: {  	_ =	shalt  }
0x4a: {  	_ =	shalt  }
0x4b: {  	_ =	shalt  }
0x4c: {  	_ =	shalt  }
0x4d: {  	_ =	shalt  }
0x4e: {  	_ =	shalt  }
0x4f: {  	_ =	shalt  }
0x50: {  	_ =	shalt  }
0x51: {  	_ =	shalt  }
0x52: {  	_ =	shalt  }
0x53: {  	_ =	shalt  }
0x54: {  	_ =	shalt  }
0x55: {  	_ =	shalt  }
0x56: {  	_ =	shalt  }
0x57: {  	_ =	shalt  }
0x58: {  	_ =	shalt  }
0x59: {  	_ =	shalt  }
0x5a: {  	_ =	shalt  }
0x5b: {  	_ =	shalt  }
0x5c: {  	_ =	shalt  }
0x5d: {  	_ =	shalt  }
0x5e: {  	_ =	shalt  }
0x5f: {  	_ =	shalt  }
0x60: {  	_ =	shalt  }
0x61: {  	_ =	shalt  }
0x62: {  	_ =	shalt  }
0x63: {  	_ =	shalt  }
0x64: {  	_ =	shalt  }
0x65: {  	_ =	shalt  }
0x66: {  	_ =	shalt  }
0x67: {  	_ =	shalt  }
0x68: {  	_ =	shalt  }
0x69: {  	_ =	shalt  }
0x6a: {  	_ =	shalt  }
0x6b: {  	_ =	shalt  }
0x6c: {  	_ =	shalt  }
0x6d: {  	_ =	shalt  }
0x6e: {  	_ =	shalt  }
0x6f: {  	_ =	shalt  }
0x70: {  	_ =	shalt  }
0x71: {  	_ =	shalt  }
0x72: {  	_ =	shalt  }
0x73: {  	_ =	shalt  }
0x74: {  	_ =	shalt  }
0x75: {  	_ =	shalt  }
0x76: {  	_ =	shalt  }
0x77: {  	_ =	shalt  }
0x78: {  	_ =	shalt  }
0x79: {  	_ =	shalt  }
0x7a: {  	_ =	shalt  }
0x7b: {  	_ =	shalt  }
0x7c: {  	_ =	shalt  }
0x7d: {  	_ =	shalt  }
0x7e: {  	_ =	shalt  }
0x7f: {  	_ =	shalt  }
0x80: {  	_ =	shalt  }
0x81: {  	_ =	shalt  }
0x82: {  	_ =	shalt  }
0x83: {  	_ =	shalt  }
0x84: {  	_ =	shalt  }
0x85: {  	_ =	shalt  }
0x86: {  	_ =	shalt  }
0x87: {  	_ =	shalt  }
.Lfunc_end0:
.L_simem_size_0:
called_computation_lowered:
.L_overlay_start_0:
0x88: {  	s2 =	sld [smem:$0x3FD9]  }
0x89: {  	s3 =	sld [smem:$0x3FFE];
	_ =	sdelay $0x1  }
0x8a: {  	s1 =	srdreg.scid  }
0x8b: {  	s0 =	sand.u32 $0x1, s1  }
0x8c: {  	s17 =	sshll.u32 s0, $0xA;
	s2 =	sadd.s32 s3, s2  }
0x8d: {  	s2 =	sadd.s32 s2, s17  }
0x8e: {  	[smem:$0x3FC6] =	sst s2  }
0x8f: {  	_ = 	snop  }
0x90: {  	s2 =	sld [smem:$0x3FC9]  }
0x91: {  	s18 =	sld [smem:$0x3FC8]  }
0x92: {  	s4 =	sld [smem:$0x3FD0];
	(tm) =	ssettm $0x1  }
0x93: {  	s5 =	sld [smem:$0x3FFB];
	_ =	sdelay $0x3  }
0x94: {  	_ =	strace s5  }
0x95: {  	s5 =	sld [smem:$0x3FFC];
	_ =	sdelay $0x3  }
0x96: {  	_ =	strace s5  }
0x97: {  	s5 =	sld [smem:$0x3FFD];
	_ =	sdelay $0x3  }
0x98: {  	_ =	strace s5  }
0x99: {  	_ =	strace $0x8FFFFFFF  }
0x9a: {  	s19 =	sld [smem:$0x3FDB];
	_ =	sdelay $0x1  }
0x9b: {  	s6 =	simm.s32 $_scs_section_size  }
0x9c: {  	s7 =	simm.s32 $_size__tile_overlayer_lowered;
	s8 =	simm.s32 $_tile_overlayer_lowered  }
0x9d: {  	s22 =	simm.s32 $0x1BFF;
	s21 =	sshll.u32 s8, $0x1;
	s5 =	sadd.s32 s6, s19  }
0x9e: {  	s9 =	simm.s32 $0x0;
	s20 =	sshll.u32 s7, $0x1;
	s7 =	sadd.s32 s21, s5  }
0x9f: {  	[timem:s9], [sflag:s22] =	dma.local [hbm:s7], s20  }
0xa0: {  	_ =	swait.ge [sflag:s22], s20  }
0xa1: {  	s6 =	ssub.s32 $0x0, s20;
	[sflag:s22] =	ssyncset.done $0x0  }
0xa2: {  	[sflag:s22] =	ssyncadd.s32 s6;
	_ =	sdelay $0x1  }
0xa3: {  	s23 =	simm.s32 $0x1B8B  }
0xa4: {  	_ =	swait.ge [sflag:s23], $0x1  }
0xa5: {  	[sflag:s23] =	ssyncset.done $0x0  }
0xa6: {  	s25 =	simm.s32 $0x1B8E;
	s24 =	sld [smem:$0x3FFE];
	[sflag:s23] =	ssyncadd.s32 $0xFFFFFFFF  }
0xa7: {  	s26 =	simm.s32 $execute0_lowered;
	[smem:$0x3FD2] =	sst s25  }
0xa8: {  	s7 =	sshll.u32 s26, $0x1;
	_ =	strace $0x80000046;
	[dreg:$0x1] =	wrdreg $0xFFFFFFFF  }
0xa9: {  	s28 =	simm.s32 $_size_execute0_lowered;
	s5 =	sadd.s32 s5, s7;
	[dreg:$0x0] =	wrdreg $0x0  }
0xaa: {  	s7 =	sshll.u32 s28, $0x1;
	[dreg:$0x2] =	wrdreg s5  }
0xab: {  	[dreg:$0x3] =	wrdreg s7  }
0xac: {  	[dreg:$0x4] =	wrdreg $0xC0  }
0xad: {  	_ =	task [dreg:s9], $0x5FFFF  }
0xae: {  	[dreg:$0x1] =	wrdreg $0xFFFFFFFF  }
0xaf: {  	[dreg:$0x0] =	wrdreg $0x60  }
0xb0: {  	[dreg:$0x2] =	wrdreg s2  }
0xb1: {  	[dreg:$0x3] =	wrdreg s18  }
0xb2: {  	[dreg:$0x4] =	wrdreg s24  }
0xb3: {  	[dreg:$0x5] =	wrdreg s4  }
0xb4: {  	[dreg:$0x6] =	wrdreg $0x1A9800  }
0xb5: {  	[dreg:$0x7] =	wrdreg $0x9  }
0xb6: {  	_ =	task.clear_ibuf [dreg:s9], $0x8FFFF;
	_ =	strace $0x90000046  }
0xb7: {  	s29 =	simm.s32 $0x9;
	_ =	strace $0x80000048  }
0xb8: {  	_ =	swait.ge [sflag:s29], $0x1  }
0xb9: {  	[sflag:s29] =	ssyncadd.s32 $0xFFFFFFFF  }
0xba: {  	_ =	strace $0x90000048  }
0xbb: {  	_ =	sfence  }
0xbc: {  	s30 =	sld [smem:$0x0];
	_ =	sdelay $0x2  }
0xbd: {  	s31 =	sshll.u32 s1, $0xD;
	s1 =	sshrl.u32 s1, $0x2  }
0xbe: {  	s3 =	sand.u32 $0x4000, s31;
	s1 =	sadd.s32 s1, s30  }
0xbf: {  	s0 =	sor.u32 s3, s0;
	s1 =	sshll.u32 s1, $0x11  }
0xc0: {  	s0 =	sor.u32 s1, s0  }
0xc1: {  	s0 =	sadd.s32 $0x8F2B, s0  }
0xc2: {  	[sflag:s0] =	ssyncadd.remote.s32 $0x1  }
0xc3: {  	_ =	sfence.sel $0xFFFF  }
0xc4: {  	[dreg:$0x0] =	wrdreg $0xFFFFFFFF;
	(pc) =	sbr.abs _section_cstart, $3  }
0xc5: {  	[dreg:$0x1] =	wrdreg $0xFFFFFFFF  }
0xc6: {  	_ =	task.clear_ibuf [dreg:s9], $0x2FFFF;
	_ =	strace $0x9FFFFFFF  }
0xc7: {  	(tm) =	ssettm $0x7FFFFFFF  }
tec
execute0_lowered:
.L_overlay_start_1:
0x0: {  	(tag) =	ssettag $0x1  }
0x1: {  	v0 =	vimm.s32 $0x1780  }
0x2: {  	vm14 =	vcmask $0x300;
	vm13 =	vcmask $0x704;
	vm12 =	vcmask $0xB08  }
0x3: {  	vm11 =	vcmask $0xF0C;
	vm10 =	vcmask $0x1310;
	vm9 =	vcmask $0x1714  }
0x4: {  	vm8 =	vcmask $0x1B18;
	vm7 =	vcmask $0x1F1C;
	vm6 =	vcmask $0x2320  }
0x5: {  	vm4 =	vcmask $0x2724;
	vm3 =	vcmask $0x2B28;
	vm5 =	vcmask $0x2F2C  }
0x6: {  	vm2 =	vcmask $0x3330;
	vm1 =	vcmask $0x3734;
	vm0 =	vcmask $0x3B38  }
0x7: {  	s4 =	rddreg [dreg:$0x2];
	v5 =	vimm.s32 $0x4000;
	v7 =	vimm.s32 $0x3F80;
	v8 =	vimm.s32 $0x6780  }
0x8: {  	s8 =	rddreg [dreg:$0x1];
	v9 =	vimm.s32 $0x8F80;
	v0 =	vsel vm14, $0x0, v0;
	s7 =	sadd.s32 $0x801200, s4;
	v7 =	vsel vm14, $0x2800, v7  }
0x9: {  	s31 =	sadd.s32 $0x1E8500, s8;
	v8 =	vsel vm14, $0x5000, v8;
	v9 =	vsel vm14, $0x7800, v9;
	v0 =	vsel vm13, $0x80, v0  }
0xa: {  	s10 =	sadd.s32 $0x2DC780, s8;
	v7 =	vsel vm13, $0x2880, v7;
	v8 =	vsel vm13, $0x5080, v8;
	v9 =	vsel vm13, $0x7880, v9  }
0xb: {  	s0 =	srdreg.scid;
	s13 =	sadd.s32 $0x3D0A00, s8;
	v0 =	vsel vm12, $0x100, v0;
	v7 =	vsel vm12, $0x2900, v7;
	v8 =	vsel vm12, $0x5100, v8  }
0xc: {  	s18 =	stileid.u32;
	s0 =	sand.u32 $0x1, s0;
	s14 =	sadd.s32 $0x4C4C80, s8;
	v9 =	vsel vm12, $0x7900, v9;
	v0 =	vsel vm11, $0x180, v0;
	v7 =	vsel vm11, $0x2980, v7  }
0xd: {  	s1 =	sshll.u32 s18, $0x1;
	s20 =	sadd.s32 $0x1200, s4;
	s15 =	sadd.s32 $0x5B8F00, s8;
	v8 =	vsel vm11, $0x5180, v8;
	v9 =	vsel vm11, $0x7980, v9;
	v0 =	vsel vm10, $0x200, v0  }
0xe: {  	s17 =	smul.u32 $0x408, s18;
	s24 =	sadd.s32 $0x6AD180, s8;
	s1 =	sor.u32 s0, s1;
	v7 =	vsel vm10, $0x2A00, v7;
	v8 =	vsel vm10, $0x5200, v8;
	v9 =	vsel vm10, $0x7A00, v9  }
0xf: {  	s16 =	sadd.s32 $0xF4280, s8;
	s28 =	sshll.u32 s18, $0xF;
	s2 =	smul.u32 $0xF5, s1;
	v0 =	vsel vm9, $0x280, v0;
	v7 =	vsel vm9, $0x2A80, v7;
	v8 =	vsel vm9, $0x5280, v8  }
0x10: {  	s4 =	simm.s32 $0x16000;
	s18 =	simm.s32 $0x1A900;
	s22 =	ssub.s32 $0x2, s0;
	v9 =	vsel vm9, $0x7A80, v9;
	v0 =	vsel vm8, $0x300, v0;
	v7 =	vsel vm8, $0x2B00, v7  }
0x11: {  	p0 =	seq.s32 s0, $0x1;
	s0 =	sshll.u32 s0, $0xE;
	s3 =	smax.u32 s2, $0x1D90;
	v8 =	vsel vm8, $0x5300, v8;
	v9 =	vsel vm8, $0x7B00, v9;
	v0 =	vsel vm7, $0x380, v0  }
0x12: {  	s30 =	smul.u32 $0x7A80, s1;
	s1 =	rddreg [dreg:$0x3];
	s3 =	sshll.u32 s3, $0x7;
	v7 =	vsel vm7, $0x2B80, v7;
	v8 =	vsel vm7, $0x5380, v8;
	v9 =	vsel vm7, $0x7B80, v9  }
0x13: {  	s23 =	sshrl.u32 s22, $0x1;
	s26 =	sshrl.u32 s17, $0x3;
	s19 =	sadd.s32 $0xFFF13800, s3;
	v0 =	vsel vm6, $0x1400, v0;
	v7 =	vsel vm6, $0x3C00, v7;
	v8 =	vsel vm6, $0x6400, v8  }
0x14: {  	s0 =	sor.u32 s0, s28;
	s1 =	smov.u32 @p0 s7;
	s5 =	ssub.s32 s30, s19;
	v9 =	vsel vm6, $0x8C00, v9;
	v1 =	vsel vm4, $0x1480, v0;
	v0 =	vmov s30  }
0x15: {  	s1 =	sadd.s32 s1, s26;
	s21 =	ssub.s32 $0xF4400, s3;
	s6 =	sadd.s32 $0x7A80, s5;
	v7 =	vsel vm4, $0x3C80, v7;
	v8 =	vsel vm4, $0x6480, v8;
	v9 =	vsel vm4, $0x8C80, v9  }
0x16: {  	s12 =	ssub.s32 $0xF4080, s3;
	s5 =	rddreg [dreg:$0x4];
	v2 =	vsel vm3, $0x1500, v1;
	v1 =	vmov s6;
	s6 =	simm.s32 $0x0;
	v7 =	vsel vm3, $0x3D00, v7  }
0x17: {  	s3 =	ssub.s32 s22, s23;
	s22 =	simm.s32 $0xE000;
	v8 =	vsel vm3, $0x6500, v8;
	v9 =	vsel vm3, $0x8D00, v9;
	v3 =	vsel vm5, $0x1580, v2;
	[smem:$0x7FF] =	sst s6  }
0x18: {  	s23 =	simm.s32 $0x12000;
	v2 =	vimm.s32 $0x0;
	v7 =	vsel vm5, $0x3D80, v7;
	v8 =	vsel vm5, $0x6580, v8;
	_ =	strace $0x80000047;
	[dreg:$0x6] =	wrdreg s20  }
.Ltmp0:
0x19: {  	s25 =	sadd.s32 s17, s5;
	v9 =	vsel vm5, $0x8D80, v9;
	v4 =	vsel vm2, $0x1600, v3;
	v3 =	vlaneseq.u32;
	[dreg:$0x7] =	wrdreg s24;
	(pc) =	sbr.rel .LBB2_1-.Ltmp0, $4  }
0x1a: {  	s11 =	sshrl.u32 s21, $0x9;
	s29 =	smax.u32 s3, $0x1;
	[dreg:$0x8] =	wrdreg s25;
	v7 =	vsel vm2, $0x3E00, v7;
	v8 =	vsel vm2, $0x6600, v8;
	v9 =	vsel vm2, $0x8E00, v9  }
0x1b: {  	s21 =	simm.s32 $0x2;
	s19 =	simm.s32 $0x1A880;
	[dreg:$0x9] =	wrdreg s29;
	v6 =	vsel vm1, $0x1680, v4;
	v4 =	vimm.s32 $0x3FFFFFFF;
	v7 =	vsel vm1, $0x3E80, v7  }
0x1c: {  	s3 =	simm.s32 $0x0;
	s17 =	simm.s32 $0x10;
	[dreg:$0xa] =	wrdreg s1;
	v8 =	vsel vm1, $0x6680, v8;
	v9 =	vsel vm1, $0x8E80, v9;
	v6 =	vsel vm0, $0x1700, v6  }
0x1d: {  	[dreg:$0xb] =	wrdreg s0;
	s0 =	simm.s32 $0x1;
	s1 =	simm.s32 $0x1A080;
	v7 =	vsel vm0, $0x3F00, v7;
	v8 =	vsel vm0, $0x6700, v8;
	v9 =	vsel vm0, $0x8F00, v9  }
.LBB2_16:
0x1e: {  	[bflag:$0x0] =	sbarrier.arrive $0xFFFF  }
0x1f: {  	s3 =	simm.s32 $0x1AD88;
	s2 =	rddreg [dreg:$0x8]  }
0x20: {  	[tilespmem:s3], [sflag:$0x2] =	stream.linear.gather [spmem:s2], $0x408, $0x38;
	[tilespmem:$0x1B208] =	vst v63  }
0x21: {  	_ =	swait.ge [sflag:s21], $0x408  }
0x22: {  	[sflag:s21] =	ssyncset.done $0x0  }
0x23: {  	s26 =	rddreg [dreg:$0xa];
	[sflag:s21] =	ssyncadd.s32 $0xFFFFFBF8  }
0x24: {  	[hbm4b:s26+s6] =	stream.linear.scatter [tilespmem:s3], [sflag:$0x2], $0x408, $0x38;
	[tilespmem:$0x1B208] =	vst v63  }
0x25: {  	_ =	swait.ge [sflag:s21], $0x408  }
0x26: {  	s28 =	rddreg [dreg:$0xc]  }
0x27: {  	s29 =	rddreg [dreg:$0x9];
	s3 =	sadd.s32 $0x1, s28  }
0x28: {  	p0 =	sne.s32 s3, s29  }
.Ltmp1:
0x29: {  	_ = 	snop;
	(pc) =	sbr.rel @!p0 .LBB2_17-.Ltmp1, $3  }
0x2a: {  	_ =	sdelay $0x1  }
0x2b: {  	[sflag:s21] =	ssyncset.done $0x0  }
0x2c: {  	[sflag:s21] =	ssyncadd.s32 $0xFFFFFBF8  }
.LBB2_1:
0x2d: {  	[dreg:$0xc] =	wrdreg s3  }
0x2e: {  	s29 =	simm.s32 $0xA000;
	s2 =	rddreg [dreg:$0x0]  }
0x2f: {  	[tilespmem:s29], [sflag:$0x2] =	stream.linear.gather [hbm4b:s2+s6], $0x4000, $0x38;
	[tilespmem:$0x1B208] =	vst v63  }
0x30: {  	_ =	swait.ge [sflag:s21], $0x4000  }
0x31: {  	[sflag:s21] =	ssyncset.done $0x0  }
0x32: {  	[sflag:s21] =	ssyncadd.s32 $0xFFFFC000  }
0x33: {  	v10 =	vld [tilespmem:s29+$0x0];
	_ =	sdelay $0x4  }
0x34: {  	vm0 =	vge.s32 v10, v0;
	vm1 =	vlt.s32 v10, v1  }
0x35: {  	vm0 =	vmand vm0, vm1  }
0x36: {  	v11 =	vsel vm0, $0x1, v2  }
0x37: {  	(xrf0) =	vadd.scan.msk.s32 $0xffff, v11;
	_ =	sdelay $0x2  }
0x38: {  	v11 =	vmov s6  }
0x39: {  	v11 =	vadd.s32 $0xFFFFFFFF, v11  }
0x3a: {  	v11 =	vbroadcast v11, $0x0  }
0x3b: {  	v12, _, _ =	vpop (xrf0)  }
0x3c: {  	v11 =	vadd.s32 v12, v11;
	(v2sf) =	vpush v12, $0xF;
	_ =	sdelay $0x4  }
0x3d: {  	[tilespmem:v11+s22+$0x0] =	vst.idx.msk vm0, v10;
	v10 =	vor.u32 s6, v3  }
0x3e: {  	s20 =	simm.s32 $0xA010;
	[tilespmem:v11+s23+$0x0] =	vst.idx.msk vm0, v10  }
0x3f: {  	s3 =	simm.s32 $0x10;
	s24 =	simm.s32 $0x20;
	s7 =	simm.s32 $0x0;
	v10 =	vld [tilespmem:s20+$0x0]  }
.LBB2_2:
0x40: {  	p0 =	sne.s32 s24, $0x3FF0;
	_ =	sdelay $0x3  }
0x41: {  	vm0 =	vge.s32 v10, v0;
	vm1 =	vlt.s32 v10, v1  }
0x42: {  	vm0 =	vmand vm0, vm1  }
0x43: {  	v11 =	vsel vm0, $0x1, v2  }
0x44: {  	(xrf0) =	vadd.scan.msk.s32 $0xffff, v11;
	s25 =	spop (v2sf)  }
0x45: {  	s7 =	sadd.s32 s7, s25  }
0x46: {  	v11 =	vmov s7  }
0x47: {  	v11 =	vadd.s32 $0xFFFFFFFF, v11  }
0x48: {  	v11 =	vbroadcast v11, $0x0;
	_ =	sdelay $0x1  }
0x49: {  	v12, _, _ =	vpop (xrf0)  }
0x4a: {  	v11 =	vadd.s32 v12, v11;
	(v2sf) =	vpush v12, $0xF;
	_ =	sdelay $0x2  }
.Ltmp2:
0x4b: {  	(pc) =	sbr.rel @p0 .LBB2_2-.Ltmp2, $4  }
0x4c: {  	_ = 	snop  }
0x4d: {  	[tilespmem:v11+s22+$0x0] =	vst.idx.msk vm0, v10;
	v10 =	vor.u32 s3, v3;
	s3 =	smov.u32 s24  }
0x4e: {  	s20 =	sadd.s32 $0x10, s20;
	[tilespmem:v11+s23+$0x0] =	vst.idx.msk vm0, v10  }
0x4f: {  	s24 =	sadd.s32 $0x10, s24;
	v10 =	vld [tilespmem:s20+$0x0]  }
0x50: {  	_ =	sdelay $0x3  }
0x51: {  	vm0 =	vge.s32 v10, v0;
	vm1 =	vlt.s32 v10, v1  }
0x52: {  	vm0 =	vmand vm0, vm1  }
0x53: {  	v11 =	vsel vm0, $0x1, v2  }
0x54: {  	(xrf0) =	vadd.scan.msk.s32 $0xffff, v11;
	_ =	sdelay $0x5  }
0x55: {  	v11, _, _ =	vpop (xrf0)  }
0x56: {  	(v2sf) =	vpush v11, $0xF;
	_ =	sdelay $0x8  }
0x57: {  	s20 =	spop (v2sf)  }
0x58: {  	s7 =	sadd.s32 s7, s20  }
0x59: {  	v12 =	vmov s7  }
0x5a: {  	v12 =	vadd.s32 $0xFFFFFFFF, v12  }
0x5b: {  	v12 =	vbroadcast v12, $0x0;
	_ =	sdelay $0x1  }
0x5c: {  	v11 =	vadd.s32 v11, v12;
	s28 =	spop (v2sf)  }
0x5d: {  	s7 =	sadd.s32 s7, s28  }
0x5e: {  	v63 =	vadd.s32 s7, v3  }
0x5f: {  	s20 =	sadd.s32 $0xF, s7  }
.Ltmp3:
0x60: {  	s7 =	sshra.s32 s20, $0x1F;
	(pc) =	sbr.rel .LBB2_4-.Ltmp3, $4  }
0x61: {  	[tilespmem:v11+s22+$0x0] =	vst.idx.msk vm0, v10;
	v10 =	vor.u32 s3, v3;
	s29 =	sshrl.u32 s7, $0x1C  }
0x62: {  	[tilespmem:v11+s23+$0x0] =	vst.idx.msk vm0, v10;
	s3 =	sadd.s32 s29, s20  }
0x63: {  	s24 =	simm.s32 $0x0;
	p0 =	slt.s32 s20, $0x10;
	s2 =	sshra.s32 s3, $0x4;
	[tilespmem:v63+s22+$0x0] =	vst.idx.msk $0xffff, v4  }
0x64: {  	s7 =	simm.s32 $0x0;
	s20 =	simm.s32 $0x0;
	[dreg:$0xd] =	wrdreg s2;
	[tilespmem:v63+s23+$0x0] =	vst.idx.msk $0xffff, v5  }
.LBB2_15:
0x65: {  	s24 =	sadd.s32 $0x1, s24  }
0x66: {  	p1 =	sne.s32 s24, s11  }
.Ltmp4:
0x67: {  	_ = 	snop;
	(pc) =	sbr.rel @!p1 .LBB2_16-.Ltmp4, $1  }
0x68: {  	_ =	sdelay $0x3  }
.LBB2_4:
0x69: {  	s25 =	sshll.u32 s24, $0x9  }
0x6a: {  	s26 =	smov.u32 s12;
	p1 =	slt.s32 s25, s12  }
0x6b: {  	s26 =	smov.u32 @p1 s25  }
0x6c: {  	s26 =	sadd.s32 s30, s26  }
0x6d: {  	s28 =	sadd.s32 s8, s26  }
0x6e: {  	[tilespmem:s7], [sflag:$0x1] =	stream.linear.gather [hbm4b:s28+s7], $0x1000, $0x38;
	[tilespmem:$0x1B208] =	vst v63  }
0x6f: {  	s2 =	simm.s32 $0x1400;
	s29 =	sadd.s32 s26, s16  }
0x70: {  	[tilespmem:s2], [sflag:$0x1] =	stream.linear.gather [hbm4b:s29+s7], $0x1000, $0x38;
	[tilespmem:$0x1B208] =	vst v63  }
0x71: {  	s9 =	simm.s32 $0x2800;
	s3 =	sadd.s32 s26, s31  }
0x72: {  	[tilespmem:s9], [sflag:$0x1] =	stream.linear.gather [hbm4b:s3+s7], $0x1000, $0x38;
	[tilespmem:$0x1B208] =	vst v63  }
0x73: {  	s28 =	sadd.s32 s26, s10;
	s29 =	simm.s32 $0x3C00  }
0x74: {  	[tilespmem:s29], [sflag:$0x1] =	stream.linear.gather [hbm4b:s28+s7], $0x1000, $0x38;
	[tilespmem:$0x1B208] =	vst v63  }
0x75: {  	s3 =	sadd.s32 s26, s13;
	s9 =	simm.s32 $0x5000  }
0x76: {  	[tilespmem:s9], [sflag:$0x1] =	stream.linear.gather [hbm4b:s3+s7], $0x1000, $0x38;
	[tilespmem:$0x1B208] =	vst v63  }
0x77: {  	s28 =	sadd.s32 s26, s14;
	s29 =	simm.s32 $0x6400  }
0x78: {  	[tilespmem:s29], [sflag:$0x1] =	stream.linear.gather [hbm4b:s28+s7], $0x1000, $0x38;
	[tilespmem:$0x1B208] =	vst v63  }
.Ltmp5:
0x79: {  	_ = 	snop;
	(pc) =	sbr.rel @p0 .LBB2_12-.Ltmp5, $4  }
0x7a: {  	s25 =	rddreg [dreg:$0x7];
	s3 =	sadd.s32 s26, s15;
	s9 =	simm.s32 $0x7800  }
0x7b: {  	[tilespmem:s9], [sflag:$0x1] =	stream.linear.gather [hbm4b:s3+s7], $0x1000, $0x38;
	[tilespmem:$0x1B208] =	vst v63  }
0x7c: {  	s28 =	sadd.s32 s26, s25;
	s29 =	simm.s32 $0x8C00;
	s25 =	simm.s32 $0x0  }
0x7d: {  	[tilespmem:s29], [sflag:$0x1] =	stream.linear.gather [hbm4b:s28+s7], $0x1000, $0x38;
	[tilespmem:$0x1B208] =	vst v63  }
0x7e: {  	s2 =	rddreg [dreg:$0xd]  }
0x7f: {  	p2 =	sne.s32 s2, $0x1  }
.Ltmp6:
0x80: {  	_ = 	snop;
	(pc) =	sbr.rel @!p2 .LBB2_6-.Ltmp6, $3  }
0x81: {  	_ =	sdelay $0x1  }
0x82: {  	s28 =	sadd.s32 $0x200, s26;
	s25 =	simm.s32 $0x0;
	s29 =	simm.s32 $0xE000  }
0x83: {  	v10 =	vmov s26;
	s26 =	simm.s32 $0x12000;
	p1 =	por $0x0, $0x0;
	v11 =	vmov s28;
	v12 =	vld [tilespmem:s29+$0x0];
	s28 =	sadd.s32 $0xFFFFFFFF, s2  }
0x84: {  	_ =	sdelay $0x3  }
0x85: {  	vm0 =	vge.s32 v12, v10;
	vm1 =	vlt.s32 v12, v11  }
0x86: {  	vm0 =	vmand vm0, vm1  }
0x87: {  	v13 =	vsel vm0, $0x1, v2  }
0x88: {  	(xrf0) =	vadd.scan.msk.s32 $0xffff, v13;
	_ =	sdelay $0x2  }
0x89: {  	v13 =	vmov s25  }
0x8a: {  	v13 =	vadd.s32 $0xFFFFFFFF, v13  }
0x8b: {  	v13 =	vbroadcast v13, $0x0  }
0x8c: {  	v14 =	vld [tilespmem:s26+$0x0];
	v15, _, _ =	vpop (xrf0)  }
0x8d: {  	v13 =	vadd.s32 v15, v13;
	(v2sf) =	vpush v15, $0xF  }
0x8e: {  	p2 =	sne.s32 s28, $0x1  }
.Ltmp7:
0x8f: {  	s3 =	smov.u32 s16;
	v12 =	vsub.s32 v12, v10;
	(pc) =	sbr.rel @!p2 .LBB2_8-.Ltmp7, $4  }
0x90: {  	s16 =	smov.u32 s15;
	s15 =	smov.u32 s14;
	s14 =	smov.u32 s13;
	v12 =	vshll.u32 v12, $0xF  }
0x91: {  	s13 =	smov.u32 s10;
	s10 =	smov.u32 s31;
	s9 =	smov.u32 s8;
	v12 =	vor.u32 v14, v12  }
0x92: {  	s8 =	smov.u32 s30;
	s30 =	simm.s32 $0xE010;
	s31 =	sadd.s32 $0xFFFFFFFF, s28;
	[tilespmem:v13+s4+$0x0] =	vst.idx.msk vm0, v12  }
0x93: {  	p1 =	por $0x1, $0x1;
	s29 =	simm.s32 $0x0;
	s28 =	simm.s32 $0x12000;
	v12 =	vld [tilespmem:s30+$0x0]  }
.LBB2_9:
0x94: {  	p2 =	sne.s32 s31, $0x1;
	_ =	sdelay $0x3  }
0x95: {  	vm0 =	vge.s32 v12, v10;
	vm1 =	vlt.s32 v12, v11;
	v12 =	vsub.s32 v12, v10  }
0x96: {  	vm0 =	vmand vm0, vm1  }
0x97: {  	v13 =	vsel vm0, $0x1, v2  }
0x98: {  	(xrf0) =	vadd.scan.msk.s32 $0xffff, v13  }
0x99: {  	s2 =	spop (v2sf)  }
0x9a: {  	s29 =	sadd.s32 s29, s2  }
0x9b: {  	v13 =	vmov s29  }
0x9c: {  	v13 =	vadd.s32 $0xFFFFFFFF, v13  }
0x9d: {  	s28 =	sadd.s32 $0x10, s28;
	v13 =	vbroadcast v13, $0x0  }
0x9e: {  	v14 =	vld [tilespmem:s28+$0x0];
	v15, _, _ =	vpop (xrf0)  }
0x9f: {  	v13 =	vadd.s32 v15, v13;
	(v2sf) =	vpush v15, $0xF;
	_ =	sdelay $0x1  }
.Ltmp8:
0xa0: {  	(pc) =	sbr.rel @p2 .LBB2_9-.Ltmp8, $4  }
0xa1: {  	v12 =	vshll.u32 v12, $0xF  }
0xa2: {  	v12 =	vor.u32 v14, v12  }
0xa3: {  	s30 =	sadd.s32 $0x10, s30;
	[tilespmem:v13+s4+$0x0] =	vst.idx.msk vm0, v12  }
0xa4: {  	s31 =	sadd.s32 $0xFFFFFFFF, s31;
	v12 =	vld [tilespmem:s30+$0x0]  }
0xa5: {  	s30 =	smov.u32 s8;
	s8 =	smov.u32 s9  }
0xa6: {  	s31 =	smov.u32 s10;
	s10 =	smov.u32 s13;
	s13 =	smov.u32 s14  }
0xa7: {  	s14 =	smov.u32 s15;
	s15 =	smov.u32 s16;
	s16 =	smov.u32 s3  }
.LBB2_11:
0xa8: {  	_ = 	snop  }
0xa9: {  	vm0 =	vge.s32 v12, v10;
	vm1 =	vlt.s32 v12, v11  }
0xaa: {  	vm0 =	vmand vm0, vm1  }
0xab: {  	v11 =	vsel vm0, $0x1, v2  }
0xac: {  	(xrf0) =	vadd.scan.msk.s32 $0xffff, v11;
	_ =	sdelay $0x5  }
0xad: {  	v11, _, _ =	vpop (xrf0)  }
0xae: {  	(v2sf) =	vpush v11, $0xF;
	_ =	sdelay $0x3  }
0xaf: {  	s2 =	spop @p1 (v2sf)  }
0xb0: {  	s2 =	sadd.s32 @p1 s29, s2  }
0xb1: {  	s25 =	smov.u32 @p1 s2  }
0xb2: {  	v13 =	vmov s25  }
0xb3: {  	s2 =	sadd.s32 @p1 $0x10, s28;
	v13 =	vadd.s32 $0xFFFFFFFF, v13  }
0xb4: {  	s26 =	smov.u32 @p1 s2;
	v13 =	vbroadcast v13, $0x0  }
0xb5: {  	v14 =	vld [tilespmem:s26+$0x0]  }
0xb6: {  	v11 =	vadd.s32 v11, v13;
	_ =	sdelay $0x1  }
0xb7: {  	v10 =	vsub.s32 v12, v10  }
0xb8: {  	v10 =	vshll.u32 v10, $0xF  }
0xb9: {  	v10 =	vor.u32 v14, v10;
	s29 =	spop (v2sf)  }
0xba: {  	[tilespmem:v11+s4+$0x0] =	vst.idx.msk vm0, v10;
	s25 =	sadd.s32 s25, s29  }
.LBB2_12:
0xbb: {  	v10 =	vadd.s32 s25, v3;
	_ =	sdelay $0x4  }
0xbc: {  	[tilespmem:v10+s4+$0x0] =	vst.idx.msk $0xffff, v5  }
0xbd: {  	_ =	swait.ge [sflag:s0], $0x1000  }
0xbe: {  	[sflag:s0] =	ssyncset.done $0x0  }
0xbf: {  	[sflag:s0] =	ssyncadd.s32 $0xFFFFF000  }
0xc0: {  	_ =	swait.ge [sflag:s0], $0x1000  }
0xc1: {  	[sflag:s0] =	ssyncset.done $0x0  }
0xc2: {  	[sflag:s0] =	ssyncadd.s32 $0xFFFFF000  }
0xc3: {  	_ =	swait.ge [sflag:s0], $0x1000  }
0xc4: {  	[sflag:s0] =	ssyncset.done $0x0  }
0xc5: {  	[sflag:s0] =	ssyncadd.s32 $0xFFFFF000  }
0xc6: {  	_ =	swait.ge [sflag:s0], $0x1000  }
0xc7: {  	[sflag:s0] =	ssyncset.done $0x0  }
0xc8: {  	[sflag:s0] =	ssyncadd.s32 $0xFFFFF000  }
0xc9: {  	_ =	swait.ge [sflag:s0], $0x1000  }
0xca: {  	[sflag:s0] =	ssyncset.done $0x0  }
0xcb: {  	[sflag:s0] =	ssyncadd.s32 $0xFFFFF000  }
0xcc: {  	_ =	swait.ge [sflag:s0], $0x1000  }
0xcd: {  	[sflag:s0] =	ssyncset.done $0x0  }
0xce: {  	s25 =	sadd.s32 $0xF, s25;
	[sflag:s0] =	ssyncadd.s32 $0xFFFFF000  }
0xcf: {  	p1 =	slt.s32 s25, $0x10;
	_ =	swait.ge [sflag:s0], $0x1000  }
.Ltmp9:
0xd0: {  	[sflag:s0] =	ssyncset.done $0x0;
	(pc) =	sbr.rel @p1 .LBB2_15-.Ltmp9, $4  }
0xd1: {  	[sflag:s0] =	ssyncadd.s32 $0xFFFFF000  }
0xd2: {  	_ =	swait.ge [sflag:s0], $0x1000  }
0xd3: {  	[sflag:s0] =	ssyncset.done $0x0  }
0xd4: {  	[sflag:s0] =	ssyncadd.s32 $0xFFFFF000  }
0xd5: {  	s2 =	sshra.s32 s25, $0x1F  }
0xd6: {  	s26 =	sshll.u32 s20, $0x4;
	s3 =	rddreg [dreg:$0xb];
	s2 =	sshrl.u32 s2, $0x1C  }
0xd7: {  	s2 =	sadd.s32 s2, s25;
	s25 =	sadd.s32 s26, s3  }
0xd8: {  	s9 =	rddreg [dreg:$0x6];
	s26 =	sshra.s32 s2, $0x4;
	s3 =	sshll.u32 s25, $0x4  }
0xd9: {  	s29 =	simm.s32 $0x16000;
	s28 =	sadd.s32 s3, s9;
	s20 =	sadd.s32 s26, s20  }
.LBB2_14:
0xda: {  	v10 =	vld [tilespmem:s29+$0x0];
	_ =	sdelay $0x4  }
0xdb: {  	v11 =	vshrl.u32 v10, $0xF  }
0xdc: {  	v12 =	vbroadcast v11, $0x0;
	_ =	sdelay $0x1  }
0xdd: {  	v13 =	vshll.u32 v12, $0x3  }
0xde: {  	v12 =	vand.u32 $0x7F, v12;
	v13 =	vand.u32 $0xFFC00, v13  }
0xdf: {  	v12 =	vor.u32 v12, v13  }
0xe0: {  	v13 =	vadd.s32 v6, v12;
	_ =	sdelay $0x4  }
0xe1: {  	v13 =	vld.idx.msk [tilespmem:v13+s6+$0x0], $0xffff  }
0xe2: {  	v14 =	vadd.s32 v7, v12;
	_ =	sdelay $0x3  }
0xe3: {  	[tilespmem:$0x1A080] =	vst v13  }
0xe4: {  	v13 =	vld.idx.msk [tilespmem:v14+s6+$0x0], $0xffff  }
0xe5: {  	v24 =	vadd.s32 v8, v12;
	_ =	sdelay $0x3  }
0xe6: {  	[tilespmem:$0x1A090] =	vst v13  }
0xe7: {  	v13 =	vld.idx.msk [tilespmem:v24+s6+$0x0], $0xffff  }
0xe8: {  	v12 =	vadd.s32 v9, v12  }
0xe9: {  	v25 =	vbroadcast v11, $0x1;
	_ =	sdelay $0x1  }
0xea: {  	v15 =	vshll.u32 v25, $0x3  }
0xeb: {  	v26 =	vand.u32 $0x7F, v25;
	v27 =	vand.u32 $0xFFC00, v15;
	[tilespmem:$0x1A0A0] =	vst v13  }
0xec: {  	v13 =	vor.u32 v26, v27;
	v12 =	vld.idx.msk [tilespmem:v12+s6+$0x0], $0xffff  }
0xed: {  	v14 =	vadd.s32 v6, v13;
	_ =	sdelay $0x3  }
0xee: {  	[tilespmem:$0x1A0B0] =	vst v12  }
0xef: {  	v12 =	vld.idx.msk [tilespmem:v14+s6+$0x0], $0xffff  }
0xf0: {  	v28 =	vadd.s32 v7, v13;
	_ =	sdelay $0x3  }
0xf1: {  	[tilespmem:$0x1A100] =	vst v12  }
0xf2: {  	v12 =	vld.idx.msk [tilespmem:v28+s6+$0x0], $0xffff  }
0xf3: {  	v29 =	vadd.s32 v8, v13;
	_ =	sdelay $0x3  }
0xf4: {  	[tilespmem:$0x1A110] =	vst v12  }
0xf5: {  	v12 =	vld.idx.msk [tilespmem:v29+s6+$0x0], $0xffff  }
0xf6: {  	v13 =	vadd.s32 v9, v13  }
0xf7: {  	v30 =	vbroadcast v11, $0x2;
	_ =	sdelay $0x1  }
0xf8: {  	v31 =	vshll.u32 v30, $0x3  }
0xf9: {  	v32 =	vand.u32 $0x7F, v30;
	v33 =	vand.u32 $0xFFC00, v31;
	[tilespmem:$0x1A120] =	vst v12  }
0xfa: {  	v12 =	vor.u32 v32, v33;
	v13 =	vld.idx.msk [tilespmem:v13+s6+$0x0], $0xffff  }
0xfb: {  	v14 =	vadd.s32 v6, v12;
	_ =	sdelay $0x3  }
0xfc: {  	[tilespmem:$0x1A130] =	vst v13  }
0xfd: {  	v13 =	vld.idx.msk [tilespmem:v14+s6+$0x0], $0xffff  }
0xfe: {  	v34 =	vadd.s32 v7, v12;
	_ =	sdelay $0x3  }
0xff: {  	[tilespmem:$0x1A180] =	vst v13  }
0x100: {  	v13 =	vld.idx.msk [tilespmem:v34+s6+$0x0], $0xffff  }
0x101: {  	v35 =	vadd.s32 v8, v12;
	_ =	sdelay $0x3  }
0x102: {  	[tilespmem:$0x1A190] =	vst v13  }
0x103: {  	v13 =	vld.idx.msk [tilespmem:v35+s6+$0x0], $0xffff  }
0x104: {  	v12 =	vadd.s32 v9, v12  }
0x105: {  	v36 =	vbroadcast v11, $0x3;
	_ =	sdelay $0x1  }
0x106: {  	v37 =	vshll.u32 v36, $0x3  }
0x107: {  	v38 =	vand.u32 $0x7F, v36;
	v39 =	vand.u32 $0xFFC00, v37;
	[tilespmem:$0x1A1A0] =	vst v13  }
0x108: {  	v13 =	vor.u32 v38, v39;
	v12 =	vld.idx.msk [tilespmem:v12+s6+$0x0], $0xffff  }
0x109: {  	v14 =	vadd.s32 v6, v13;
	_ =	sdelay $0x3  }
0x10a: {  	[tilespmem:$0x1A1B0] =	vst v12  }
0x10b: {  	v12 =	vld.idx.msk [tilespmem:v14+s6+$0x0], $0xffff  }
0x10c: {  	v40 =	vadd.s32 v7, v13;
	_ =	sdelay $0x3  }
0x10d: {  	[tilespmem:$0x1A200] =	vst v12  }
0x10e: {  	v12 =	vld.idx.msk [tilespmem:v40+s6+$0x0], $0xffff  }
0x10f: {  	v41 =	vadd.s32 v8, v13;
	_ =	sdelay $0x3  }
0x110: {  	[tilespmem:$0x1A210] =	vst v12  }
0x111: {  	v12 =	vld.idx.msk [tilespmem:v41+s6+$0x0], $0xffff  }
0x112: {  	v13 =	vadd.s32 v9, v13  }
0x113: {  	v42 =	vbroadcast v11, $0x4;
	_ =	sdelay $0x1  }
0x114: {  	v43 =	vshll.u32 v42, $0x3  }
0x115: {  	v44 =	vand.u32 $0x7F, v42;
	v45 =	vand.u32 $0xFFC00, v43;
	[tilespmem:$0x1A220] =	vst v12  }
0x116: {  	v12 =	vor.u32 v44, v45;
	v13 =	vld.idx.msk [tilespmem:v13+s6+$0x0], $0xffff  }
0x117: {  	v14 =	vadd.s32 v6, v12;
	_ =	sdelay $0x3  }
0x118: {  	[tilespmem:$0x1A230] =	vst v13  }
0x119: {  	v13 =	vld.idx.msk [tilespmem:v14+s6+$0x0], $0xffff  }
0x11a: {  	v46 =	vadd.s32 v7, v12;
	_ =	sdelay $0x3  }
0x11b: {  	[tilespmem:$0x1A280] =	vst v13  }
0x11c: {  	v13 =	vld.idx.msk [tilespmem:v46+s6+$0x0], $0xffff  }
0x11d: {  	v47 =	vadd.s32 v8, v12;
	_ =	sdelay $0x3  }
0x11e: {  	[tilespmem:$0x1A290] =	vst v13  }
0x11f: {  	v13 =	vld.idx.msk [tilespmem:v47+s6+$0x0], $0xffff  }
0x120: {  	v12 =	vadd.s32 v9, v12  }
0x121: {  	v48 =	vbroadcast v11, $0x5;
	_ =	sdelay $0x1  }
0x122: {  	v49 =	vshll.u32 v48, $0x3  }
0x123: {  	v50 =	vand.u32 $0x7F, v48;
	v51 =	vand.u32 $0xFFC00, v49;
	[tilespmem:$0x1A2A0] =	vst v13  }
0x124: {  	v13 =	vor.u32 v50, v51;
	v12 =	vld.idx.msk [tilespmem:v12+s6+$0x0], $0xffff  }
0x125: {  	v14 =	vadd.s32 v6, v13;
	_ =	sdelay $0x3  }
0x126: {  	[tilespmem:$0x1A2B0] =	vst v12  }
0x127: {  	v12 =	vld.idx.msk [tilespmem:v14+s6+$0x0], $0xffff  }
0x128: {  	v52 =	vadd.s32 v7, v13;
	_ =	sdelay $0x3  }
0x129: {  	[tilespmem:$0x1A300] =	vst v12  }
0x12a: {  	v12 =	vld.idx.msk [tilespmem:v52+s6+$0x0], $0xffff  }
0x12b: {  	v53 =	vadd.s32 v8, v13;
	_ =	sdelay $0x3  }
0x12c: {  	[tilespmem:$0x1A310] =	vst v12  }
0x12d: {  	v12 =	vld.idx.msk [tilespmem:v53+s6+$0x0], $0xffff  }
0x12e: {  	v13 =	vadd.s32 v9, v13  }
0x12f: {  	v54 =	vbroadcast v11, $0x6;
	_ =	sdelay $0x1  }
0x130: {  	v55 =	vshll.u32 v54, $0x3  }
0x131: {  	v56 =	vand.u32 $0x7F, v54;
	v57 =	vand.u32 $0xFFC00, v55;
	[tilespmem:$0x1A320] =	vst v12  }
0x132: {  	v12 =	vor.u32 v56, v57;
	v13 =	vld.idx.msk [tilespmem:v13+s6+$0x0], $0xffff  }
0x133: {  	v14 =	vadd.s32 v6, v12;
	_ =	sdelay $0x3  }
0x134: {  	[tilespmem:$0x1A330] =	vst v13  }
0x135: {  	v13 =	vld.idx.msk [tilespmem:v14+s6+$0x0], $0xffff  }
0x136: {  	v58 =	vadd.s32 v7, v12;
	_ =	sdelay $0x3  }
0x137: {  	[tilespmem:$0x1A380] =	vst v13  }
0x138: {  	v13 =	vld.idx.msk [tilespmem:v58+s6+$0x0], $0xffff  }
0x139: {  	v59 =	vadd.s32 v8, v12;
	_ =	sdelay $0x3  }
0x13a: {  	[tilespmem:$0x1A390] =	vst v13  }
0x13b: {  	v13 =	vld.idx.msk [tilespmem:v59+s6+$0x0], $0xffff  }
0x13c: {  	v12 =	vadd.s32 v9, v12  }
0x13d: {  	v60 =	vbroadcast v11, $0x7;
	_ =	sdelay $0x1  }
0x13e: {  	v61 =	vshll.u32 v60, $0x3  }
0x13f: {  	v62 =	vand.u32 $0x7F, v60;
	v63 =	vand.u32 $0xFFC00, v61;
	[tilespmem:$0x1A3A0] =	vst v13  }
0x140: {  	v13 =	vor.u32 v62, v63;
	v12 =	vld.idx.msk [tilespmem:v12+s6+$0x0], $0xffff  }
0x141: {  	v14 =	vadd.s32 v6, v13;
	_ =	sdelay $0x3  }
0x142: {  	[tilespmem:$0x1A3B0] =	vst v12  }
0x143: {  	v12 =	vld.idx.msk [tilespmem:v14+s6+$0x0], $0xffff  }
0x144: {  	v16 =	vadd.s32 v7, v13;
	_ =	sdelay $0x3  }
0x145: {  	[tilespmem:$0x1A400] =	vst v12  }
0x146: {  	v12 =	vld.idx.msk [tilespmem:v16+s6+$0x0], $0xffff  }
0x147: {  	v17 =	vadd.s32 v8, v13;
	_ =	sdelay $0x3  }
0x148: {  	[tilespmem:$0x1A410] =	vst v12  }
0x149: {  	v12 =	vld.idx.msk [tilespmem:v17+s6+$0x0], $0xffff  }
0x14a: {  	v13 =	vadd.s32 v9, v13  }
0x14b: {  	v18 =	vbroadcast v11, $0x8;
	_ =	sdelay $0x1  }
0x14c: {  	v19 =	vshll.u32 v18, $0x3  }
0x14d: {  	v20 =	vand.u32 $0x7F, v18;
	v21 =	vand.u32 $0xFFC00, v19;
	[tilespmem:$0x1A420] =	vst v12  }
0x14e: {  	v12 =	vor.u32 v20, v21;
	v13 =	vld.idx.msk [tilespmem:v13+s6+$0x0], $0xffff  }
0x14f: {  	v14 =	vadd.s32 v6, v12;
	_ =	sdelay $0x3  }
0x150: {  	[tilespmem:$0x1A430] =	vst v13  }
0x151: {  	v13 =	vld.idx.msk [tilespmem:v14+s6+$0x0], $0xffff  }
0x152: {  	v22 =	vadd.s32 v7, v12;
	_ =	sdelay $0x3  }
0x153: {  	[tilespmem:$0x1A480] =	vst v13  }
0x154: {  	v13 =	vld.idx.msk [tilespmem:v22+s6+$0x0], $0xffff  }
0x155: {  	v23 =	vadd.s32 v8, v12;
	_ =	sdelay $0x3  }
0x156: {  	[tilespmem:$0x1A490] =	vst v13  }
0x157: {  	v13 =	vld.idx.msk [tilespmem:v23+s6+$0x0], $0xffff  }
0x158: {  	v12 =	vadd.s32 v9, v12  }
0x159: {  	v24 =	vbroadcast v11, $0x9;
	_ =	sdelay $0x1  }
0x15a: {  	v25 =	vshll.u32 v24, $0x3  }
0x15b: {  	v26 =	vand.u32 $0x7F, v24;
	v27 =	vand.u32 $0xFFC00, v25;
	[tilespmem:$0x1A4A0] =	vst v13  }
0x15c: {  	v13 =	vor.u32 v26, v27;
	v12 =	vld.idx.msk [tilespmem:v12+s6+$0x0], $0xffff  }
0x15d: {  	v14 =	vadd.s32 v6, v13;
	_ =	sdelay $0x3  }
0x15e: {  	[tilespmem:$0x1A4B0] =	vst v12  }
0x15f: {  	v12 =	vld.idx.msk [tilespmem:v14+s6+$0x0], $0xffff  }
0x160: {  	v28 =	vadd.s32 v7, v13;
	_ =	sdelay $0x3  }
0x161: {  	[tilespmem:$0x1A500] =	vst v12  }
0x162: {  	v12 =	vld.idx.msk [tilespmem:v28+s6+$0x0], $0xffff  }
0x163: {  	v29 =	vadd.s32 v8, v13;
	_ =	sdelay $0x3  }
0x164: {  	[tilespmem:$0x1A510] =	vst v12  }
0x165: {  	v12 =	vld.idx.msk [tilespmem:v29+s6+$0x0], $0xffff  }
0x166: {  	v13 =	vadd.s32 v9, v13  }
0x167: {  	v30 =	vbroadcast v11, $0xA;
	_ =	sdelay $0x1  }
0x168: {  	v31 =	vshll.u32 v30, $0x3  }
0x169: {  	v32 =	vand.u32 $0x7F, v30;
	v33 =	vand.u32 $0xFFC00, v31;
	[tilespmem:$0x1A520] =	vst v12  }
0x16a: {  	v12 =	vor.u32 v32, v33;
	v13 =	vld.idx.msk [tilespmem:v13+s6+$0x0], $0xffff  }
0x16b: {  	v14 =	vadd.s32 v6, v12;
	_ =	sdelay $0x3  }
0x16c: {  	[tilespmem:$0x1A530] =	vst v13  }
0x16d: {  	v13 =	vld.idx.msk [tilespmem:v14+s6+$0x0], $0xffff  }
0x16e: {  	v34 =	vadd.s32 v7, v12;
	_ =	sdelay $0x3  }
0x16f: {  	[tilespmem:$0x1A580] =	vst v13  }
0x170: {  	v13 =	vld.idx.msk [tilespmem:v34+s6+$0x0], $0xffff  }
0x171: {  	v35 =	vadd.s32 v8, v12;
	_ =	sdelay $0x3  }
0x172: {  	[tilespmem:$0x1A590] =	vst v13  }
0x173: {  	v13 =	vld.idx.msk [tilespmem:v35+s6+$0x0], $0xffff  }
0x174: {  	v12 =	vadd.s32 v9, v12  }
0x175: {  	v36 =	vbroadcast v11, $0xB;
	_ =	sdelay $0x1  }
0x176: {  	v37 =	vshll.u32 v36, $0x3  }
0x177: {  	v38 =	vand.u32 $0x7F, v36;
	v39 =	vand.u32 $0xFFC00, v37;
	[tilespmem:$0x1A5A0] =	vst v13  }
0x178: {  	v13 =	vor.u32 v38, v39;
	v12 =	vld.idx.msk [tilespmem:v12+s6+$0x0], $0xffff  }
0x179: {  	v14 =	vadd.s32 v6, v13;
	_ =	sdelay $0x3  }
0x17a: {  	[tilespmem:$0x1A5B0] =	vst v12  }
0x17b: {  	v12 =	vld.idx.msk [tilespmem:v14+s6+$0x0], $0xffff  }
0x17c: {  	v40 =	vadd.s32 v7, v13;
	_ =	sdelay $0x3  }
0x17d: {  	[tilespmem:$0x1A600] =	vst v12  }
0x17e: {  	v12 =	vld.idx.msk [tilespmem:v40+s6+$0x0], $0xffff  }
0x17f: {  	v41 =	vadd.s32 v8, v13;
	_ =	sdelay $0x3  }
0x180: {  	[tilespmem:$0x1A610] =	vst v12  }
0x181: {  	v12 =	vld.idx.msk [tilespmem:v41+s6+$0x0], $0xffff  }
0x182: {  	v13 =	vadd.s32 v9, v13  }
0x183: {  	v42 =	vbroadcast v11, $0xC;
	_ =	sdelay $0x1  }
0x184: {  	v43 =	vshll.u32 v42, $0x3  }
0x185: {  	v44 =	vand.u32 $0x7F, v42;
	v45 =	vand.u32 $0xFFC00, v43;
	[tilespmem:$0x1A620] =	vst v12  }
0x186: {  	v12 =	vor.u32 v44, v45;
	v13 =	vld.idx.msk [tilespmem:v13+s6+$0x0], $0xffff  }
0x187: {  	v14 =	vadd.s32 v6, v12;
	_ =	sdelay $0x3  }
0x188: {  	[tilespmem:$0x1A630] =	vst v13  }
0x189: {  	v13 =	vld.idx.msk [tilespmem:v14+s6+$0x0], $0xffff  }
0x18a: {  	v46 =	vadd.s32 v7, v12;
	_ =	sdelay $0x3  }
0x18b: {  	[tilespmem:$0x1A680] =	vst v13  }
0x18c: {  	v13 =	vld.idx.msk [tilespmem:v46+s6+$0x0], $0xffff  }
0x18d: {  	v47 =	vadd.s32 v8, v12;
	_ =	sdelay $0x3  }
0x18e: {  	[tilespmem:$0x1A690] =	vst v13  }
0x18f: {  	v13 =	vld.idx.msk [tilespmem:v47+s6+$0x0], $0xffff  }
0x190: {  	v12 =	vadd.s32 v9, v12  }
0x191: {  	v48 =	vbroadcast v11, $0xD;
	_ =	sdelay $0x1  }
0x192: {  	v49 =	vshll.u32 v48, $0x3  }
0x193: {  	v50 =	vand.u32 $0x7F, v48;
	v51 =	vand.u32 $0xFFC00, v49;
	[tilespmem:$0x1A6A0] =	vst v13  }
0x194: {  	v13 =	vor.u32 v50, v51;
	v12 =	vld.idx.msk [tilespmem:v12+s6+$0x0], $0xffff  }
0x195: {  	v14 =	vadd.s32 v6, v13;
	_ =	sdelay $0x3  }
0x196: {  	[tilespmem:$0x1A6B0] =	vst v12  }
0x197: {  	v12 =	vld.idx.msk [tilespmem:v14+s6+$0x0], $0xffff  }
0x198: {  	v52 =	vadd.s32 v7, v13;
	_ =	sdelay $0x3  }
0x199: {  	[tilespmem:$0x1A700] =	vst v12  }
0x19a: {  	v12 =	vld.idx.msk [tilespmem:v52+s6+$0x0], $0xffff  }
0x19b: {  	v53 =	vadd.s32 v8, v13;
	_ =	sdelay $0x3  }
0x19c: {  	[tilespmem:$0x1A710] =	vst v12  }
0x19d: {  	v12 =	vld.idx.msk [tilespmem:v53+s6+$0x0], $0xffff  }
0x19e: {  	v13 =	vadd.s32 v9, v13  }
0x19f: {  	v54 =	vbroadcast v11, $0xE;
	_ =	sdelay $0x1  }
0x1a0: {  	v55 =	vshll.u32 v54, $0x3  }
0x1a1: {  	v56 =	vand.u32 $0x7F, v54;
	v57 =	vand.u32 $0xFFC00, v55;
	[tilespmem:$0x1A720] =	vst v12  }
0x1a2: {  	v12 =	vor.u32 v56, v57;
	v13 =	vld.idx.msk [tilespmem:v13+s6+$0x0], $0xffff  }
0x1a3: {  	v14 =	vadd.s32 v6, v12;
	_ =	sdelay $0x3  }
0x1a4: {  	[tilespmem:$0x1A730] =	vst v13  }
0x1a5: {  	v13 =	vld.idx.msk [tilespmem:v14+s6+$0x0], $0xffff  }
0x1a6: {  	v58 =	vadd.s32 v7, v12;
	_ =	sdelay $0x3  }
0x1a7: {  	[tilespmem:$0x1A780] =	vst v13  }
0x1a8: {  	v13 =	vld.idx.msk [tilespmem:v58+s6+$0x0], $0xffff  }
0x1a9: {  	v59 =	vadd.s32 v8, v12;
	_ =	sdelay $0x3  }
0x1aa: {  	[tilespmem:$0x1A790] =	vst v13  }
0x1ab: {  	v13 =	vld.idx.msk [tilespmem:v59+s6+$0x0], $0xffff  }
0x1ac: {  	v12 =	vadd.s32 v9, v12  }
0x1ad: {  	v11 =	vbroadcast v11, $0xF;
	_ =	sdelay $0x1  }
0x1ae: {  	v60 =	vshll.u32 v11, $0x3  }
0x1af: {  	v11 =	vand.u32 $0x7F, v11;
	v61 =	vand.u32 $0xFFC00, v60;
	[tilespmem:$0x1A7A0] =	vst v13  }
0x1b0: {  	v11 =	vor.u32 v11, v61;
	v12 =	vld.idx.msk [tilespmem:v12+s6+$0x0], $0xffff  }
0x1b1: {  	v13 =	vadd.s32 v6, v11;
	_ =	sdelay $0x3  }
0x1b2: {  	[tilespmem:$0x1A7B0] =	vst v12  }
0x1b3: {  	v12 =	vld.idx.msk [tilespmem:v13+s6+$0x0], $0xffff  }
0x1b4: {  	v62 =	vadd.s32 v7, v11;
	_ =	sdelay $0x3  }
0x1b5: {  	[tilespmem:$0x1A800] =	vst v12  }
0x1b6: {  	v12 =	vld.idx.msk [tilespmem:v62+s6+$0x0], $0xffff  }
0x1b7: {  	v63 =	vadd.s32 v8, v11;
	_ =	sdelay $0x3  }
0x1b8: {  	[tilespmem:$0x1A810] =	vst v12  }
0x1b9: {  	v12 =	vld.idx.msk [tilespmem:v63+s6+$0x0], $0xffff  }
0x1ba: {  	v11 =	vadd.s32 v9, v11;
	_ =	sdelay $0x3  }
0x1bb: {  	[tilespmem:$0x1A820] =	vst v12  }
0x1bc: {  	v11 =	vld.idx.msk [tilespmem:v11+s6+$0x0], $0xffff;
	_ =	sdelay $0x4  }
0x1bd: {  	[tilespmem:$0x1A830] =	vst v11  }
0x1be: {  	[hbm4b:s28+s6] =	stream.linear.scatter [tilespmem:s1], [sflag:$0x2], $0x800, $0x38;
	[tilespmem:$0x1B208] =	vst v63  }
0x1bf: {  	_ =	swait.ge [sflag:s21], $0x800  }
0x1c0: {  	[sflag:s21] =	ssyncset.done $0x0  }
0x1c1: {  	v11 =	vor.u32 s25, v3;
	[sflag:s21] =	ssyncadd.s32 $0xFFFFF800  }
0x1c2: {  	p1 =	sne.s32 s26, $0x1;
	v10 =	vand.u32 $0x7FFF, v10;
	[tilespmem:$0x1A880] =	vst v11  }
.Ltmp10:
0x1c3: {  	[tilespmem:$0x1A900] =	vst v10;
	(pc) =	sbr.rel @p1 .LBB2_14-.Ltmp10, $4  }
0x1c4: {  	[spmem:s5] =	stream.indirect.scatter [tilespmem:s19], [sflag:$0x2], $0x1, s18, s17, $0xb8;
	[tilespmem:$0x1B208] =	vst v63  }
0x1c5: {  	_ =	swait.ge [sflag:s21], $0x10  }
0x1c6: {  	s29 =	sadd.s32 $0x10, s29;
	s26 =	sadd.s32 $0xFFFFFFFF, s26;
	[sflag:s21] =	ssyncset.done $0x0  }
0x1c7: {  	s25 =	sadd.s32 $0x10, s25;
	s28 =	sadd.s32 $0x100, s28;
	[sflag:s21] =	ssyncadd.s32 $0xFFFFFFF0  }
.Ltmp11:
0x1c8: {  	_ = 	snop;
	(pc) =	sbr.rel .LBB2_15-.Ltmp11, $1  }
0x1c9: {  	_ =	sdelay $0x3  }
.LBB2_6:
.Ltmp12:
0x1ca: {  	(pc) =	sbr.rel .LBB2_11-.Ltmp12, $2  }
0x1cb: {  	_ =	sdelay $0x2  }
0x1cc: {  	s29 =	simm.s32 $0x0;
	s28 =	simm.s32 $0x12000  }
.LBB2_8:
.Ltmp13:
0x1cd: {  	(pc) =	sbr.rel .LBB2_11-.Ltmp13, $4  }
0x1ce: {  	s29 =	simm.s32 $0x0  }
0x1cf: {  	s28 =	simm.s32 $0x12000;
	s30 =	smov.u32 s8;
	s8 =	smov.u32 s9  }
0x1d0: {  	s31 =	smov.u32 s10;
	s10 =	smov.u32 s13;
	s13 =	smov.u32 s14  }
0x1d1: {  	s14 =	smov.u32 s15;
	s15 =	smov.u32 s16;
	s16 =	smov.u32 s3  }
.LBB2_17:
0x1d2: {  	_ =	sfence.sel $0x180000  }
0x1d3: {  	[bflag:$0x0] =	sbarrier.arrive $0xFFFF  }
0x1d4: {  	_ =	strace $0x90000047  }
0x1d5: {  	s0 =	stileid.u32;
	[bflag:$0x2] =	sbarrier.arrive $0xFFFF  }
0x1d6: {  	p0 =	sne.s32 s0, $0x0;
	s0 =	rddreg [dreg:$0x5]  }
0x1d7: {  	s0 =	sadd.s32 @!p0 $0x100000, s0  }
0x1d8: {  	[sflag:s0] =	ssyncadd.tile.s32 @!p0 $0x1;
	_ =	shalt  }
.Lfunc_end2:
_tile_overlayer_lowered:
.L_overlay_start_2:
0x1d9: {  	(tag) =	ssettag $0x2  }
0x1da: {  	s0 =	rddreg [dreg:$0x0];
	s2 =	stileid.u32  }
0x1db: {  	s1 =	rddreg [dreg:$0x1];
	p0 =	sne.s32 s2, $0x0  }
0x1dc: {  	s3 =	rddreg [dreg:$0x2];
	[bflag:$0x3] =	sbarrier.arrive $0xFFFF;
	s2 =	simm.s32 @!p0 $0x1C02  }
0x1dd: {  	[timem:s3], [sflag:s2] =	dma.local @!p0 [hbm:s0], s1  }
0x1de: {  	s0 =	simm.s32 @!p0 $0x2  }
0x1df: {  	_ =	swait.ge @!p0 [sflag:s0], s1  }
0x1e0: {  	s1 =	ssub.s32 @!p0 $0x0, s1;
	[sflag:s0] =	ssyncset.done @!p0 $0x0  }
0x1e1: {  	[sflag:s0] =	ssyncadd.s32 @!p0 s1  }
0x1e2: {  	[bflag:$0x3] =	sbarrier.arrive $0xFFFF  }
0x1e3: {  	_ =	shalt  }

// kernel: _scan_gather.7.cloned.1.call-start
scs
__scs_entry_jumppad:
0x0: {  	(pc) =	sbr.rel $0x88, $3  }
0x1: {  	(tag) =	ssettag $0x0;
	lr =	simm.s32 $0x1  }
0x2: {  	[smem:$0x3F9F] =	sst lr;
	_ =	strace $0xD0000000  }
0x3: {  	_ = 	snop  }
0x4: {  	_ = 	snop  }
0x5: {  	_ = 	snop  }
0x6: {  	_ = 	snop  }
0x7: {  	_ = 	snop  }
__scs_overlays_trampoline_lowered:
0x8: {  	[smem:$0x3FAE] =	sst s0  }
0x9: {  	[smem:$0x3FAF] =	sst s1  }
0xa: {  	[smem:$0x3FB0] =	sst s2  }
0xb: {  	[smem:$0x3FB1] =	sst s3  }
0xc: {  	[smem:$0x3FB2] =	sst s4  }
0xd: {  	[smem:$0x3FB3] =	sst s5  }
0xe: {  	[smem:$0x3FB4] =	sst s6  }
0xf: {  	[smem:$0x3FB5] =	sst s7  }
0x10: {  	[smem:$0x3FB6] =	sst s8  }
0x11: {  	[smem:$0x3FB7] =	sst s9;
	s0 =	simm.s32 @!p0 $0x0  }
0x12: {  	s1 =	sld [smem:$0x3F9D];
	s0 =	simm.s32 @p0 $0x1  }
0x13: {  	[smem:$0x3FB8] =	sst s0;
	s0 =	simm.s32 @!p1 $0x0  }
0x14: {  	s2 =	sld [smem:$0x3F9C];
	s0 =	simm.s32 @p1 $0x1  }
0x15: {  	[smem:$0x3FB9] =	sst s0;
	s0 =	simm.s32 @!p2 $0x0  }
0x16: {  	s3 =	sld [smem:$0x3FDB];
	s0 =	simm.s32 @p2 $0x1  }
0x17: {  	s4 =	simm.s32 $0x1BF5;
	[smem:$0x3FBB] =	sst s0  }
0x18: {  	s0 =	sld [smem:$0x3F9E];
	_ =	swait.ge [sflag:s4], $0x0  }
0x19: {  	s7 =	sld [smem:$0x3F9F]  }
0x1a: {  	s8 =	sadd.s32 $0xFFFFE003, lr  }
0x1b: {  	s9 =	sadd.s32 $0xFFFFFEF7, lr;
	s5 =	simm.s32 $0xFFFFFFFF;
	p2 =	slt.u32 s8, $0xFFFFF086  }
0x1c: {  	p1 =	slt.u32 s9, $0xF7A;
	s5 =	simm.s32 @!p2 $0x0  }
0x1d: {  	s5 =	simm.s32 @p1 $0x1;
	p0 =	seq.s32 s7, s2  }
0x1e: {  	s7 =	smul.u32 @!p0 $0xF7A, s2;
	p2 =	seq.s32 @!p0 s5, $0x0  }
0x1f: {  	s9 =	smul.u32 $0xF7A, s1;
	s8 =	simm.s32 @!p0 $0x1BF5;
	p2 =	por !p2, p0  }
0x20: {  	[sflag:s8] =	ssyncset.s32 @!p0 $0xFFFFF086;
	s6 =	sadd.s32 @!p0 s3, s7;
	s7 =	simm.s32 @!p0 $0x108  }
0x21: {  	s3 =	sadd.s32 s3, s9;
	s6 =	sadd.s32 @!p0 $0x88, s6;
	s7 =	simm.s32 @p2 $0x1082  }
0x22: {  	[simem:s7], [sflag:s8] =	dma.local @!p0 [hbm:s6], $0xF7A  }
0x23: {  	s9 =	sor.u32 $0xD0000000, s2;
	s6 =	simm.s32 $0x108;
	_ =	swait.ge @!p0 [sflag:s8], $0x0  }
0x24: {  	s3 =	sadd.s32 $0x88, s3;
	s6 =	simm.s32 @!p1 $0x1082;
	[sflag:s4] =	ssyncset.s32 $0xFFFFF086  }
0x25: {  	[simem:s6], [sflag:s4] =	dma.local [hbm:s3], $0xF7A  }
0x26: {  	[smem:$0x3F9F] =	sst s1;
	(tag) =	ssettag s2;
	_ =	strace s9  }
0x27: {  	s1 =	sld [smem:$0x3FAF]  }
0x28: {  	s2 =	sld [smem:$0x3FB0]  }
0x29: {  	s4 =	sld [smem:$0x3FB2]  }
0x2a: {  	p0 =	seq.s32 s5, $0x0;
	s5 =	sld [smem:$0x3FB3]  }
0x2b: {  	s6 =	sld [smem:$0x3FB4]  }
0x2c: {  	s7 =	sld [smem:$0x3FB5]  }
0x2d: {  	s3 =	simm.s32 $0x108;
	s8 =	sld [smem:$0x3FB6]  }
0x2e: {  	s3 =	simm.s32 @!p0 $0x1082;
	s9 =	sld [smem:$0x3FB7]  }
0x2f: {  	lr =	sadd.s32 s0, s3;
	s0 =	sld [smem:$0x3FAE]  }
0x30: {  	s3 =	sld [smem:$0x3FB1]  }
0x31: {  	[smem:$0x3FBA] =	sst s10  }
0x32: {  	s10 =	sld [smem:$0x3FB8];
	_ =	sdelay $0x3  }
0x33: {  	p0 =	seq.s32 s10, $0x1;
	s10 =	sld [smem:$0x3FBA];
	_ =	sdelay $0x3  }
0x34: {  	[smem:$0x3FBA] =	sst s10  }
0x35: {  	s10 =	sld [smem:$0x3FB9];
	_ =	sdelay $0x3  }
0x36: {  	p1 =	seq.s32 s10, $0x1;
	s10 =	sld [smem:$0x3FBA];
	_ =	sdelay $0x3  }
0x37: {  	[smem:$0x3FBA] =	sst s10  }
0x38: {  	s10 =	sld [smem:$0x3FBB]  }
0x39: {  	_ = 	snop;
	(pc) =	sbr.ind lr, $3  }
0x3a: {  	_ = 	snop  }
0x3b: {  	_ = 	snop  }
0x3c: {  	p2 =	seq.s32 s10, $0x1;
	s10 =	sld [smem:$0x3FBA]  }
0x3d: {  	_ =	shalt  }
0x3e: {  	_ =	shalt  }
0x3f: {  	_ =	shalt  }
0x40: {  	_ =	shalt  }
0x41: {  	_ =	shalt  }
0x42: {  	_ =	shalt  }
0x43: {  	_ =	shalt  }
0x44: {  	_ =	shalt  }
0x45: {  	_ =	shalt  }
0x46: {  	_ =	shalt  }
0x47: {  	_ =	shalt  }
0x48: {  	_ =	shalt  }
0x49: {  	_ =	shalt  }
0x4a: {  	_ =	shalt  }
0x4b: {  	_ =	shalt  }
0x4c: {  	_ =	shalt  }
0x4d: {  	_ =	shalt  }
0x4e: {  	_ =	shalt  }
0x4f: {  	_ =	shalt  }
0x50: {  	_ =	shalt  }
0x51: {  	_ =	shalt  }
0x52: {  	_ =	shalt  }
0x53: {  	_ =	shalt  }
0x54: {  	_ =	shalt  }
0x55: {  	_ =	shalt  }
0x56: {  	_ =	shalt  }
0x57: {  	_ =	shalt  }
0x58: {  	_ =	shalt  }
0x59: {  	_ =	shalt  }
0x5a: {  	_ =	shalt  }
0x5b: {  	_ =	shalt  }
0x5c: {  	_ =	shalt  }
0x5d: {  	_ =	shalt  }
0x5e: {  	_ =	shalt  }
0x5f: {  	_ =	shalt  }
0x60: {  	_ =	shalt  }
0x61: {  	_ =	shalt  }
0x62: {  	_ =	shalt  }
0x63: {  	_ =	shalt  }
0x64: {  	_ =	shalt  }
0x65: {  	_ =	shalt  }
0x66: {  	_ =	shalt  }
0x67: {  	_ =	shalt  }
0x68: {  	_ =	shalt  }
0x69: {  	_ =	shalt  }
0x6a: {  	_ =	shalt  }
0x6b: {  	_ =	shalt  }
0x6c: {  	_ =	shalt  }
0x6d: {  	_ =	shalt  }
0x6e: {  	_ =	shalt  }
0x6f: {  	_ =	shalt  }
0x70: {  	_ =	shalt  }
0x71: {  	_ =	shalt  }
0x72: {  	_ =	shalt  }
0x73: {  	_ =	shalt  }
0x74: {  	_ =	shalt  }
0x75: {  	_ =	shalt  }
0x76: {  	_ =	shalt  }
0x77: {  	_ =	shalt  }
0x78: {  	_ =	shalt  }
0x79: {  	_ =	shalt  }
0x7a: {  	_ =	shalt  }
0x7b: {  	_ =	shalt  }
0x7c: {  	_ =	shalt  }
0x7d: {  	_ =	shalt  }
0x7e: {  	_ =	shalt  }
0x7f: {  	_ =	shalt  }
0x80: {  	_ =	shalt  }
0x81: {  	_ =	shalt  }
0x82: {  	_ =	shalt  }
0x83: {  	_ =	shalt  }
0x84: {  	_ =	shalt  }
0x85: {  	_ =	shalt  }
0x86: {  	_ =	shalt  }
0x87: {  	_ =	shalt  }
.Lfunc_end0:
.L_simem_size_0:
called_computation.1_lowered:
.L_overlay_start_0:
0x88: {  	s2 =	sld [smem:$0x3FD9]  }
0x89: {  	s3 =	sld [smem:$0x3FFE];
	_ =	sdelay $0x1  }
0x8a: {  	s1 =	srdreg.scid  }
0x8b: {  	s0 =	sand.u32 $0x1, s1  }
0x8c: {  	s17 =	sshll.u32 s0, $0xA;
	s2 =	sadd.s32 s3, s2  }
0x8d: {  	s2 =	sadd.s32 s2, s17  }
0x8e: {  	[smem:$0x3FC6] =	sst s2  }
0x8f: {  	_ = 	snop  }
0x90: {  	s2 =	sld [smem:$0x3FD0];
	(tm) =	ssettm $0x1  }
0x91: {  	s18 =	sld [smem:$0x3FFB];
	_ =	sdelay $0x3  }
0x92: {  	_ =	strace s18  }
0x93: {  	s3 =	sld [smem:$0x3FFC];
	_ =	sdelay $0x3  }
0x94: {  	_ =	strace s3  }
0x95: {  	s3 =	sld [smem:$0x3FFD];
	_ =	sdelay $0x3  }
0x96: {  	_ =	strace s3  }
0x97: {  	_ =	strace $0x8FFFFFFF  }
0x98: {  	s19 =	sld [smem:$0x3FDB];
	_ =	sdelay $0x1  }
0x99: {  	s4 =	simm.s32 $_scs_section_size  }
0x9a: {  	s5 =	simm.s32 $_size__tile_overlayer_lowered;
	s6 =	simm.s32 $_tile_overlayer_lowered  }
0x9b: {  	s22 =	simm.s32 $0x1BFF;
	s21 =	sshll.u32 s6, $0x1;
	s3 =	sadd.s32 s4, s19  }
0x9c: {  	s7 =	simm.s32 $0x0;
	s20 =	sshll.u32 s5, $0x1;
	s5 =	sadd.s32 s21, s3  }
0x9d: {  	[timem:s7], [sflag:s22] =	dma.local [hbm:s5], s20  }
0x9e: {  	_ =	swait.ge [sflag:s22], s20  }
0x9f: {  	s4 =	ssub.s32 $0x0, s20;
	[sflag:s22] =	ssyncset.done $0x0  }
0xa0: {  	[sflag:s22] =	ssyncadd.s32 s4;
	_ =	sdelay $0x1  }
0xa1: {  	s23 =	simm.s32 $0x1B8B  }
0xa2: {  	_ =	swait.ge [sflag:s23], $0x1  }
0xa3: {  	[sflag:s23] =	ssyncset.done $0x0  }
0xa4: {  	s25 =	simm.s32 $0x1B8E;
	s24 =	sld [smem:$0x3FFE];
	[sflag:s23] =	ssyncadd.s32 $0xFFFFFFFF  }
0xa5: {  	s26 =	simm.s32 $execute0_lowered;
	[smem:$0x3FD2] =	sst s25  }
0xa6: {  	s5 =	sshll.u32 s26, $0x1;
	_ =	strace $0x80000049;
	[dreg:$0x1] =	wrdreg $0xFFFFFFFF  }
0xa7: {  	s28 =	simm.s32 $_size_execute0_lowered;
	s3 =	sadd.s32 s3, s5;
	[dreg:$0x0] =	wrdreg $0x0  }
0xa8: {  	s5 =	sshll.u32 s28, $0x1;
	[dreg:$0x2] =	wrdreg s3  }
0xa9: {  	[dreg:$0x3] =	wrdreg s5  }
0xaa: {  	[dreg:$0x4] =	wrdreg $0xC0  }
0xab: {  	_ =	task [dreg:s7], $0x5FFFF  }
0xac: {  	[dreg:$0x1] =	wrdreg $0xFFFFFFFF  }
0xad: {  	[dreg:$0x0] =	wrdreg $0x60  }
0xae: {  	[dreg:$0x2] =	wrdreg s24  }
0xaf: {  	[dreg:$0x3] =	wrdreg s2  }
0xb0: {  	[dreg:$0x4] =	wrdreg $0x9  }
0xb1: {  	_ =	task.clear_ibuf [dreg:s7], $0x5FFFF;
	_ =	strace $0x90000049  }
0xb2: {  	s29 =	simm.s32 $0x9;
	_ =	strace $0x8000004B  }
0xb3: {  	_ =	swait.ge [sflag:s29], $0x1  }
0xb4: {  	[sflag:s29] =	ssyncadd.s32 $0xFFFFFFFF  }
0xb5: {  	_ =	strace $0x9000004B  }
0xb6: {  	_ =	sfence  }
0xb7: {  	s30 =	sld [smem:$0x0];
	_ =	sdelay $0x2  }
0xb8: {  	s31 =	sshll.u32 s1, $0xD;
	s1 =	sshrl.u32 s1, $0x2  }
0xb9: {  	s3 =	sand.u32 $0x4000, s31;
	s1 =	sadd.s32 s1, s30  }
0xba: {  	s0 =	sor.u32 s3, s0;
	s1 =	sshll.u32 s1, $0x11  }
0xbb: {  	s0 =	sor.u32 s1, s0  }
0xbc: {  	s0 =	sadd.s32 $0x8F2B, s0  }
0xbd: {  	[sflag:s0] =	ssyncadd.remote.s32 $0x1  }
0xbe: {  	_ =	sfence.sel $0xFFFF  }
0xbf: {  	[dreg:$0x0] =	wrdreg $0xFFFFFFFF;
	(pc) =	sbr.abs _section_cstart, $3  }
0xc0: {  	[dreg:$0x1] =	wrdreg $0xFFFFFFFF  }
0xc1: {  	_ =	task.clear_ibuf [dreg:s7], $0x2FFFF;
	_ =	strace $0x9FFFFFFF  }
0xc2: {  	(tm) =	ssettm $0x7FFFFFFF  }
0xc3: {  	_ =	shalt  }
tec
execute0_lowered:
.L_overlay_start_1:
0x0: {  	(tag) =	ssettag $0x1  }
0x1: {  	s4 =	rddreg [dreg:$0x0]  }
0x2: {  	s6 =	rddreg [dreg:$0x1]  }
0x3: {  	s0 =	rddreg [dreg:$0x2];
	s2 =	simm.s32 $0x0  }
0x4: {  	s3 =	srdreg.scid;
	s1 =	stileid.u32;
	s12 =	simm.s32 $0x0  }
0x5: {  	[smem:$0x7FF] =	sst s2;
	s5 =	sand.u32 $0x1, s3;
	s3 =	sadd.s32 $0x1200, s4  }
0x6: {  	s7 =	sshll.u32 s1, $0x7;
	s10 =	sshll.u32 s1, $0xE;
	_ =	strace $0x8000004A  }
.Ltmp0:
0x7: {  	s8 =	ssub.s32 $0x2, s5;
	s9 =	sadd.s32 s7, s4;
	(pc) =	sbr.rel .LBB2_1-.Ltmp0, $4  }
0x8: {  	s10 =	sadd.s32 s10, s4;
	p0 =	seq.s32 s5, $0x1;
	s6 =	sadd.s32 s7, s6  }
0x9: {  	s11 =	sshrl.u32 s8, $0x1;
	s5 =	sadd.s32 $0x801C00, s10;
	s7 =	sadd.s32 $0x841C00, s10  }
0xa: {  	s10 =	simm.s32 $0x80;
	s31 =	ssub.s32 s8, s11;
	s8 =	sadd.s32 $0x801200, s9  }
0xb: {  	s9 =	simm.s32 $0x2;
	s11 =	simm.s32 $0x1;
	s4 =	smax.u32 s31, $0x1  }
.LBB2_7:
0xc: {  	[tilespmem:s28], [sflag:$0x1] =	stream.indirect.gather [hbm4b:s3+s10], $0x80, s10, s10, $0xb8;
	[tilespmem:$0x8100] =	vst v63  }
0xd: {  	_ =	swait.ge [sflag:s11], $0x4000  }
0xe: {  	[sflag:s11] =	ssyncset.done $0x0  }
0xf: {  	[sflag:s11] =	ssyncadd.s32 $0xFFFFC000  }
0x10: {  	[hbm4b:s24+s2] =	stream.linear.scatter [tilespmem:s28], [sflag:$0x2], $0x4000, $0x38;
	[tilespmem:$0x8100] =	vst v63  }
0x11: {  	_ =	swait.ge [sflag:s9], $0x4000  }
0x12: {  	[sflag:s9] =	ssyncset.done $0x0  }
0x13: {  	[sflag:s9] =	ssyncadd.s32 $0xFFFFC000  }
0x14: {  	[tilespmem:s2], [sflag:$0x2] =	stream.linear.gather [hbm4b:s21+s2], $0x80, $0x38;
	[tilespmem:$0x8100] =	vst v63  }
0x15: {  	_ =	swait.ge [sflag:s9], $0x80  }
0x16: {  	[sflag:s9] =	ssyncset.done $0x0  }
0x17: {  	[sflag:s9] =	ssyncadd.s32 $0xFFFFFF80  }
0x18: {  	v0 =	vld [tilespmem:$0x70]  }
0x19: {  	v1 =	vld [tilespmem:$0x0]  }
0x1a: {  	v2 =	vld [tilespmem:$0x10]  }
0x1b: {  	v3 =	vld [tilespmem:$0x50]  }
0x1c: {  	v5 =	vld [tilespmem:$0x60]  }
0x1d: {  	v6 =	vld [tilespmem:$0x40];
	vm0 =	vgt.s32 v0, $0x0  }
0x1e: {  	v7 =	vld [tilespmem:$0x30];
	vm6 =	vgt.s32 v1, $0x0;
	v0 =	vnsel vm0, $0x0, v0  }
0x1f: {  	v4 =	vld [tilespmem:$0x20];
	vm7 =	vgt.s32 v2, $0x0;
	v1 =	vnsel vm6, $0x0, v1;
	v0 =	vmin.u32 v0, $0x7FFFF  }
0x20: {  	vm1 =	vgt.s32 v3, $0x0;
	v19 =	vnsel vm7, $0x0, v2;
	v18 =	vmin.u32 v1, $0x7FFFF;
	[tilespmem:$0xF0] =	vst v0  }
0x21: {  	vm9 =	vgt.s32 v5, $0x0;
	v20 =	vnsel vm1, $0x0, v3;
	v21 =	vmin.u32 v19, $0x7FFFF;
	[tilespmem:$0x80] =	vst v18  }
0x22: {  	vm10 =	vgt.s32 v6, $0x0;
	v24 =	vnsel vm9, $0x0, v5;
	v22 =	vmin.u32 v20, $0x7FFFF;
	[tilespmem:$0x90] =	vst v21  }
0x23: {  	vm11 =	vgt.s32 v7, $0x0;
	v25 =	vnsel vm10, $0x0, v6;
	v2 =	vmin.u32 v24, $0x7FFFF;
	[tilespmem:$0xD0] =	vst v22  }
0x24: {  	vm8 =	vgt.s32 v4, $0x0;
	v27 =	vnsel vm11, $0x0, v7;
	v26 =	vmin.u32 v25, $0x7FFFF;
	[tilespmem:$0xE0] =	vst v2  }
0x25: {  	s20 =	sand.u32 $0x10000, s20;
	v23 =	vnsel vm8, $0x0, v4;
	v1 =	vmin.u32 v27, $0x7FFFF;
	[tilespmem:$0xC0] =	vst v26  }
0x26: {  	s20 =	sshrl.u32 s20, $0x2;
	v0 =	vmin.u32 v23, $0x7FFFF;
	[tilespmem:$0xB0] =	vst v1  }
0x27: {  	s20 =	sor.u32 $0x100, s20;
	[tilespmem:$0xA0] =	vst v0  }
0x28: {  	[tilespmem:s20], [sflag:$0x1] =	stream.indirect.gather [hbm4b:s3+s10], $0x80, s10, s10, $0xb8;
	[tilespmem:$0x8100] =	vst v63  }
0x29: {  	_ =	swait.ge [sflag:s11], $0x4000  }
0x2a: {  	[sflag:s11] =	ssyncset.done $0x0  }
0x2b: {  	[sflag:s11] =	ssyncadd.s32 $0xFFFFC000  }
0x2c: {  	[hbm4b:s18+s2] =	stream.linear.scatter [tilespmem:s20], [sflag:$0x2], $0x4000, $0x38;
	[tilespmem:$0x8100] =	vst v63  }
0x2d: {  	_ =	swait.ge [sflag:s9], $0x4000  }
0x2e: {  	[sflag:s9] =	ssyncset.done $0x0  }
0x2f: {  	[sflag:s9] =	ssyncadd.s32 $0xFFFFC000  }
0x30: {  	[tilespmem:s2], [sflag:$0x2] =	stream.linear.gather [hbm4b:s19+s2], $0x80, $0x38;
	[tilespmem:$0x8100] =	vst v63  }
0x31: {  	_ =	swait.ge [sflag:s9], $0x80  }
0x32: {  	[sflag:s9] =	ssyncset.done $0x0  }
0x33: {  	[sflag:s9] =	ssyncadd.s32 $0xFFFFFF80  }
0x34: {  	v28 =	vld [tilespmem:$0x70]  }
0x35: {  	v29 =	vld [tilespmem:$0x0]  }
0x36: {  	v30 =	vld [tilespmem:$0x10]  }
0x37: {  	v31 =	vld [tilespmem:$0x50]  }
0x38: {  	v33 =	vld [tilespmem:$0x60]  }
0x39: {  	v34 =	vld [tilespmem:$0x40];
	vm12 =	vgt.s32 v28, $0x0  }
0x3a: {  	v35 =	vld [tilespmem:$0x30];
	vm13 =	vgt.s32 v29, $0x0;
	v0 =	vnsel vm12, $0x0, v28  }
0x3b: {  	v32 =	vld [tilespmem:$0x20];
	vm14 =	vgt.s32 v30, $0x0;
	v1 =	vnsel vm13, $0x0, v29;
	v0 =	vmin.u32 v0, $0x7FFFF  }
0x3c: {  	vm15 =	vgt.s32 v31, $0x0;
	v37 =	vnsel vm14, $0x0, v30;
	v36 =	vmin.u32 v1, $0x7FFFF;
	[tilespmem:$0xF0] =	vst v0  }
0x3d: {  	vm5 =	vgt.s32 v33, $0x0;
	v38 =	vnsel vm15, $0x0, v31;
	v39 =	vmin.u32 v37, $0x7FFFF;
	[tilespmem:$0x80] =	vst v36  }
0x3e: {  	vm6 =	vgt.s32 v34, $0x0;
	v42 =	vnsel vm5, $0x0, v33;
	v40 =	vmin.u32 v38, $0x7FFFF;
	[tilespmem:$0x90] =	vst v39  }
0x3f: {  	vm7 =	vgt.s32 v35, $0x0;
	v43 =	vnsel vm6, $0x0, v34;
	v2 =	vmin.u32 v42, $0x7FFFF;
	[tilespmem:$0xD0] =	vst v40  }
0x40: {  	vm4 =	vgt.s32 v32, $0x0;
	v45 =	vnsel vm7, $0x0, v35;
	v44 =	vmin.u32 v43, $0x7FFFF;
	[tilespmem:$0xE0] =	vst v2  }
0x41: {  	s17 =	sand.u32 $0x10000, s17;
	v41 =	vnsel vm4, $0x0, v32;
	v1 =	vmin.u32 v45, $0x7FFFF;
	[tilespmem:$0xC0] =	vst v44  }
0x42: {  	s17 =	sshrl.u32 s17, $0x2;
	v0 =	vmin.u32 v41, $0x7FFFF;
	[tilespmem:$0xB0] =	vst v1  }
0x43: {  	s17 =	sor.u32 $0x100, s17;
	[tilespmem:$0xA0] =	vst v0  }
0x44: {  	[tilespmem:s17], [sflag:$0x1] =	stream.indirect.gather [hbm4b:s3+s10], $0x80, s10, s10, $0xb8;
	[tilespmem:$0x8100] =	vst v63  }
0x45: {  	_ =	swait.ge [sflag:s11], $0x4000  }
0x46: {  	[sflag:s11] =	ssyncset.done $0x0  }
0x47: {  	[sflag:s11] =	ssyncadd.s32 $0xFFFFC000  }
0x48: {  	[hbm4b:s15+s2] =	stream.linear.scatter [tilespmem:s17], [sflag:$0x2], $0x4000, $0x38;
	[tilespmem:$0x8100] =	vst v63  }
0x49: {  	_ =	swait.ge [sflag:s9], $0x4000  }
0x4a: {  	[sflag:s9] =	ssyncset.done $0x0  }
0x4b: {  	[sflag:s9] =	ssyncadd.s32 $0xFFFFC000  }
0x4c: {  	[tilespmem:s2], [sflag:$0x2] =	stream.linear.gather [hbm4b:s16+s2], $0x80, $0x38;
	[tilespmem:$0x8100] =	vst v63  }
0x4d: {  	_ =	swait.ge [sflag:s9], $0x80  }
0x4e: {  	[sflag:s9] =	ssyncset.done $0x0  }
0x4f: {  	[sflag:s9] =	ssyncadd.s32 $0xFFFFFF80  }
0x50: {  	v46 =	vld [tilespmem:$0x70]  }
0x51: {  	v47 =	vld [tilespmem:$0x0]  }
0x52: {  	v48 =	vld [tilespmem:$0x10]  }
0x53: {  	v49 =	vld [tilespmem:$0x50]  }
0x54: {  	v51 =	vld [tilespmem:$0x60]  }
0x55: {  	v52 =	vld [tilespmem:$0x40];
	vm8 =	vgt.s32 v46, $0x0  }
0x56: {  	v53 =	vld [tilespmem:$0x30];
	vm9 =	vgt.s32 v47, $0x0;
	v0 =	vnsel vm8, $0x0, v46  }
0x57: {  	v50 =	vld [tilespmem:$0x20];
	vm10 =	vgt.s32 v48, $0x0;
	v1 =	vnsel vm9, $0x0, v47;
	v0 =	vmin.u32 v0, $0x7FFFF  }
0x58: {  	vm11 =	vgt.s32 v49, $0x0;
	v55 =	vnsel vm10, $0x0, v48;
	v54 =	vmin.u32 v1, $0x7FFFF;
	[tilespmem:$0xF0] =	vst v0  }
0x59: {  	vm13 =	vgt.s32 v51, $0x0;
	v56 =	vnsel vm11, $0x0, v49;
	v57 =	vmin.u32 v55, $0x7FFFF;
	[tilespmem:$0x80] =	vst v54  }
0x5a: {  	vm14 =	vgt.s32 v52, $0x0;
	v60 =	vnsel vm13, $0x0, v51;
	v58 =	vmin.u32 v56, $0x7FFFF;
	[tilespmem:$0x90] =	vst v57  }
0x5b: {  	vm15 =	vgt.s32 v53, $0x0;
	v61 =	vnsel vm14, $0x0, v52;
	v2 =	vmin.u32 v60, $0x7FFFF;
	[tilespmem:$0xD0] =	vst v58  }
0x5c: {  	vm12 =	vgt.s32 v50, $0x0;
	v63 =	vnsel vm15, $0x0, v53;
	v62 =	vmin.u32 v61, $0x7FFFF;
	[tilespmem:$0xE0] =	vst v2  }
0x5d: {  	s14 =	sand.u32 $0x10000, s14;
	v59 =	vnsel vm12, $0x0, v50;
	v1 =	vmin.u32 v63, $0x7FFFF;
	[tilespmem:$0xC0] =	vst v62  }
0x5e: {  	s14 =	sshrl.u32 s14, $0x2;
	v0 =	vmin.u32 v59, $0x7FFFF;
	[tilespmem:$0xB0] =	vst v1  }
0x5f: {  	s14 =	sor.u32 $0x100, s14;
	[tilespmem:$0xA0] =	vst v0  }
0x60: {  	[tilespmem:s14], [sflag:$0x1] =	stream.indirect.gather [hbm4b:s3+s10], $0x80, s10, s10, $0xb8;
	[tilespmem:$0x8100] =	vst v63  }
0x61: {  	_ =	swait.ge [sflag:s11], $0x4000  }
0x62: {  	[sflag:s11] =	ssyncset.done $0x0  }
0x63: {  	[sflag:s11] =	ssyncadd.s32 $0xFFFFC000  }
0x64: {  	[hbm4b:s13+s2] =	stream.linear.scatter [tilespmem:s14], [sflag:$0x2], $0x4000, $0x38;
	[tilespmem:$0x8100] =	vst v63  }
0x65: {  	_ =	swait.ge [sflag:s9], $0x4000  }
0x66: {  	[sflag:s9] =	ssyncset.done $0x0  }
0x67: {  	[sflag:s9] =	ssyncadd.s32 $0xFFFFC000  }
.LBB2_8:
0x68: {  	s12 =	sadd.s32 $0x1, s12  }
0x69: {  	p1 =	sne.s32 s12, s4  }
.Ltmp1:
0x6a: {  	_ = 	snop;
	(pc) =	sbr.rel @!p1 .LBB2_9-.Ltmp1, $1  }
0x6b: {  	_ =	sdelay $0x3  }
.LBB2_1:
.Ltmp2:
0x6c: {  	(pc) =	sbr.rel @!p0 .LBB2_2-.Ltmp2, $1  }
0x6d: {  	_ =	sdelay $0x3  }
0x6e: {  	[tilespmem:s2], [sflag:$0x2] =	stream.linear.gather [hbm4b:s8+s2], $0x80, $0x38;
	[tilespmem:$0x8100] =	vst v63  }
0x6f: {  	_ =	swait.ge [sflag:s9], $0x80  }
0x70: {  	[sflag:s9] =	ssyncset.done $0x0  }
0x71: {  	[sflag:s9] =	ssyncadd.s32 $0xFFFFFF80  }
0x72: {  	v0 =	vld [tilespmem:$0x70]  }
0x73: {  	v1 =	vld [tilespmem:$0x0]  }
0x74: {  	v2 =	vld [tilespmem:$0x10]  }
0x75: {  	v3 =	vld [tilespmem:$0x50]  }
0x76: {  	v5 =	vld [tilespmem:$0x60]  }
0x77: {  	v6 =	vld [tilespmem:$0x40];
	vm0 =	vgt.s32 v0, $0x0  }
0x78: {  	v7 =	vld [tilespmem:$0x30];
	vm10 =	vgt.s32 v1, $0x0;
	v0 =	vnsel vm0, $0x0, v0  }
0x79: {  	v4 =	vld [tilespmem:$0x20];
	vm11 =	vgt.s32 v2, $0x0;
	v1 =	vnsel vm10, $0x0, v1;
	v0 =	vmin.u32 v0, $0x7FFFF  }
0x7a: {  	vm1 =	vgt.s32 v3, $0x0;
	v55 =	vnsel vm11, $0x0, v2;
	v54 =	vmin.u32 v1, $0x7FFFF;
	[tilespmem:$0xF0] =	vst v0  }
0x7b: {  	vm13 =	vgt.s32 v5, $0x0;
	v56 =	vnsel vm1, $0x0, v3;
	v57 =	vmin.u32 v55, $0x7FFFF;
	[tilespmem:$0x80] =	vst v54  }
0x7c: {  	s20 =	simm.s32 $0x10000;
	vm14 =	vgt.s32 v6, $0x0;
	v60 =	vnsel vm13, $0x0, v5;
	v58 =	vmin.u32 v56, $0x7FFFF;
	[tilespmem:$0x90] =	vst v57  }
0x7d: {  	s18 =	sadd.s32 $0x800, s7;
	s21 =	sadd.s32 $0x10, s8;
	s17 =	simm.s32 $0x20000;
	vm15 =	vgt.s32 v7, $0x0;
	v61 =	vnsel vm14, $0x0, v6;
	v2 =	vmin.u32 v60, $0x7FFFF;
	[tilespmem:$0xD0] =	vst v58  }
0x7e: {  	s14 =	simm.s32 $0x30000;
	s23 =	sand.u32 $0x10000, s2;
	s22 =	simm.s32 $0x40000;
	vm12 =	vgt.s32 v4, $0x0;
	v63 =	vnsel vm15, $0x0, v7;
	v62 =	vmin.u32 v61, $0x7FFFF;
	[tilespmem:$0xE0] =	vst v2  }
0x7f: {  	s24 =	smov.u32 s7;
	s15 =	sadd.s32 $0x800, s18;
	s19 =	sadd.s32 $0x10, s21;
	v59 =	vnsel vm12, $0x0, v4;
	v1 =	vmin.u32 v63, $0x7FFFF;
	[tilespmem:$0xC0] =	vst v62  }
0x80: {  	s23 =	sshrl.u32 s23, $0x2;
	s13 =	sadd.s32 $0x800, s15;
	s16 =	sadd.s32 $0x10, s19;
	v0 =	vmin.u32 v59, $0x7FFFF;
	[tilespmem:$0xB0] =	vst v1  }
0x81: {  	s28 =	sor.u32 $0x100, s23;
	s23 =	sadd.s32 $0x800, s13;
	s25 =	sadd.s32 $0x10, s16;
	[tilespmem:$0xA0] =	vst v0  }
.LBB2_6:
0x82: {  	[tilespmem:s28], [sflag:$0x1] =	stream.indirect.gather [hbm4b:s3+s10], $0x80, s10, s10, $0xb8;
	[tilespmem:$0x8100] =	vst v63  }
0x83: {  	s26 =	smov.u32 s22  }
0x84: {  	p1 =	sne.s32 s22, $0x70000;
	s22 =	sadd.s32 $0x10000, s22;
	_ =	swait.ge [sflag:s11], $0x4000  }
0x85: {  	[sflag:s11] =	ssyncset.done $0x0  }
0x86: {  	[sflag:s11] =	ssyncadd.s32 $0xFFFFC000  }
0x87: {  	[hbm4b:s24+s2] =	stream.linear.scatter [tilespmem:s28], [sflag:$0x2], $0x4000, $0x38;
	[tilespmem:$0x8100] =	vst v63  }
0x88: {  	s24 =	smov.u32 s18;
	s18 =	smov.u32 s15;
	_ =	swait.ge [sflag:s9], $0x4000  }
0x89: {  	s15 =	smov.u32 s13;
	s13 =	smov.u32 s23;
	[sflag:s9] =	ssyncset.done $0x0  }
0x8a: {  	[sflag:s9] =	ssyncadd.s32 $0xFFFFC000  }
0x8b: {  	[tilespmem:s2], [sflag:$0x2] =	stream.linear.gather [hbm4b:s21+s2], $0x80, $0x38;
	[tilespmem:$0x8100] =	vst v63  }
0x8c: {  	s21 =	smov.u32 s19;
	s19 =	smov.u32 s16;
	_ =	swait.ge [sflag:s9], $0x80  }
0x8d: {  	s16 =	smov.u32 s25;
	[sflag:s9] =	ssyncset.done $0x0  }
0x8e: {  	[sflag:s9] =	ssyncadd.s32 $0xFFFFFF80  }
0x8f: {  	v0 =	vld [tilespmem:$0x70]  }
0x90: {  	v1 =	vld [tilespmem:$0x0]  }
0x91: {  	v2 =	vld [tilespmem:$0x50]  }
0x92: {  	v3 =	vld [tilespmem:$0x10]  }
0x93: {  	v4 =	vld [tilespmem:$0x20]  }
0x94: {  	v5 =	vld [tilespmem:$0x60];
	vm0 =	vgt.s32 v0, $0x0  }
0x95: {  	v6 =	vld [tilespmem:$0x40];
	v0 =	vnsel vm0, $0x0, v0  }
0x96: {  	vm0 =	vgt.s32 v1, $0x0;
	v7 =	vld [tilespmem:$0x30];
	vm1 =	vgt.s32 v2, $0x0;
	v0 =	vmin.u32 v0, $0x7FFFF  }
0x97: {  	v1 =	vnsel vm0, $0x0, v1;
	vm0 =	vgt.s32 v3, $0x0;
	v2 =	vnsel vm1, $0x0, v2;
	[tilespmem:$0xF0] =	vst v0  }
0x98: {  	v0 =	vmin.u32 v1, $0x7FFFF;
	v1 =	vnsel vm0, $0x0, v3;
	vm0 =	vgt.s32 v4, $0x0  }
0x99: {  	[tilespmem:$0x80] =	vst v0;
	v0 =	vmin.u32 v1, $0x7FFFF;
	v1 =	vmin.u32 v2, $0x7FFFF;
	vm1 =	vgt.s32 v5, $0x0  }
0x9a: {  	[tilespmem:$0x90] =	vst v0;
	v0 =	vnsel vm0, $0x0, v4;
	vm0 =	vgt.s32 v6, $0x0;
	v2 =	vnsel vm1, $0x0, v5  }
.Ltmp3:
0x9b: {  	v0 =	vmin.u32 v0, $0x7FFFF;
	v3 =	vnsel vm0, $0x0, v6;
	[tilespmem:$0xD0] =	vst v1;
	v1 =	vmin.u32 v2, $0x7FFFF;
	(pc) =	sbr.rel @p1 .LBB2_6-.Ltmp3, $4  }
0x9c: {  	s28 =	sand.u32 $0x10000, s20;
	s20 =	smov.u32 s17;
	s17 =	smov.u32 s14;
	vm0 =	vgt.s32 v7, $0x0;
	[tilespmem:$0xA0] =	vst v0;
	v0 =	vmin.u32 v3, $0x7FFFF  }
0x9d: {  	s14 =	smov.u32 s26;
	s28 =	sshrl.u32 s28, $0x2;
	v2 =	vnsel vm0, $0x0, v7;
	[tilespmem:$0xE0] =	vst v1  }
0x9e: {  	s28 =	sor.u32 $0x100, s28;
	v1 =	vmin.u32 v2, $0x7FFFF;
	[tilespmem:$0xC0] =	vst v0  }
0x9f: {  	s23 =	sadd.s32 $0x800, s23;
	s25 =	sadd.s32 $0x10, s25;
	[tilespmem:$0xB0] =	vst v1  }
.Ltmp4:
0xa0: {  	_ = 	snop;
	(pc) =	sbr.rel .LBB2_7-.Ltmp4, $1  }
0xa1: {  	_ =	sdelay $0x3  }
.LBB2_2:
0xa2: {  	[tilespmem:s2], [sflag:$0x2] =	stream.linear.gather [hbm4b:s6+s2], $0x80, $0x38;
	[tilespmem:$0x8100] =	vst v63  }
0xa3: {  	_ =	swait.ge [sflag:s9], $0x80  }
0xa4: {  	[sflag:s9] =	ssyncset.done $0x0  }
0xa5: {  	[sflag:s9] =	ssyncadd.s32 $0xFFFFFF80  }
0xa6: {  	v0 =	vld [tilespmem:$0x70]  }
0xa7: {  	v1 =	vld [tilespmem:$0x0]  }
0xa8: {  	v2 =	vld [tilespmem:$0x10]  }
0xa9: {  	v3 =	vld [tilespmem:$0x50]  }
0xaa: {  	v5 =	vld [tilespmem:$0x60]  }
0xab: {  	v6 =	vld [tilespmem:$0x40];
	vm0 =	vgt.s32 v0, $0x0  }
0xac: {  	v7 =	vld [tilespmem:$0x30];
	vm10 =	vgt.s32 v1, $0x0;
	v0 =	vnsel vm0, $0x0, v0  }
0xad: {  	v4 =	vld [tilespmem:$0x20];
	vm11 =	vgt.s32 v2, $0x0;
	v1 =	vnsel vm10, $0x0, v1;
	v0 =	vmin.u32 v0, $0x7FFFF  }
0xae: {  	vm1 =	vgt.s32 v3, $0x0;
	v55 =	vnsel vm11, $0x0, v2;
	v54 =	vmin.u32 v1, $0x7FFFF;
	[tilespmem:$0xF0] =	vst v0  }
0xaf: {  	vm13 =	vgt.s32 v5, $0x0;
	v56 =	vnsel vm1, $0x0, v3;
	v57 =	vmin.u32 v55, $0x7FFFF;
	[tilespmem:$0x80] =	vst v54  }
0xb0: {  	s20 =	simm.s32 $0x10000;
	vm14 =	vgt.s32 v6, $0x0;
	v60 =	vnsel vm13, $0x0, v5;
	v58 =	vmin.u32 v56, $0x7FFFF;
	[tilespmem:$0x90] =	vst v57  }
0xb1: {  	s18 =	sadd.s32 $0x800, s5;
	s21 =	sadd.s32 $0x10, s6;
	s17 =	simm.s32 $0x20000;
	vm15 =	vgt.s32 v7, $0x0;
	v61 =	vnsel vm14, $0x0, v6;
	v2 =	vmin.u32 v60, $0x7FFFF;
	[tilespmem:$0xD0] =	vst v58  }
0xb2: {  	s14 =	simm.s32 $0x30000;
	s23 =	sand.u32 $0x10000, s2;
	s22 =	simm.s32 $0x40000;
	vm12 =	vgt.s32 v4, $0x0;
	v63 =	vnsel vm15, $0x0, v7;
	v62 =	vmin.u32 v61, $0x7FFFF;
	[tilespmem:$0xE0] =	vst v2  }
0xb3: {  	s24 =	smov.u32 s5;
	s15 =	sadd.s32 $0x800, s18;
	s19 =	sadd.s32 $0x10, s21;
	v59 =	vnsel vm12, $0x0, v4;
	v1 =	vmin.u32 v63, $0x7FFFF;
	[tilespmem:$0xC0] =	vst v62  }
0xb4: {  	s23 =	sshrl.u32 s23, $0x2;
	s13 =	sadd.s32 $0x800, s15;
	s16 =	sadd.s32 $0x10, s19;
	v0 =	vmin.u32 v59, $0x7FFFF;
	[tilespmem:$0xB0] =	vst v1  }
0xb5: {  	s28 =	sor.u32 $0x100, s23;
	s23 =	sadd.s32 $0x800, s13;
	s25 =	sadd.s32 $0x10, s16;
	[tilespmem:$0xA0] =	vst v0  }
.LBB2_3:
0xb6: {  	[tilespmem:s28], [sflag:$0x1] =	stream.indirect.gather [hbm4b:s3+s10], $0x80, s10, s10, $0xb8;
	[tilespmem:$0x8100] =	vst v63  }
0xb7: {  	s26 =	smov.u32 s22  }
0xb8: {  	p1 =	seq.s32 s22, $0x70000;
	s22 =	sadd.s32 $0x10000, s22;
	_ =	swait.ge [sflag:s11], $0x4000  }
0xb9: {  	[sflag:s11] =	ssyncset.done $0x0  }
0xba: {  	[sflag:s11] =	ssyncadd.s32 $0xFFFFC000  }
0xbb: {  	[hbm4b:s24+s2] =	stream.linear.scatter [tilespmem:s28], [sflag:$0x2], $0x4000, $0x38;
	[tilespmem:$0x8100] =	vst v63  }
0xbc: {  	s24 =	smov.u32 s18;
	s18 =	smov.u32 s15;
	_ =	swait.ge [sflag:s9], $0x4000  }
0xbd: {  	s15 =	smov.u32 s13;
	s13 =	smov.u32 s23;
	[sflag:s9] =	ssyncset.done $0x0  }
0xbe: {  	[sflag:s9] =	ssyncadd.s32 $0xFFFFC000  }
0xbf: {  	[tilespmem:s2], [sflag:$0x2] =	stream.linear.gather [hbm4b:s21+s2], $0x80, $0x38;
	[tilespmem:$0x8100] =	vst v63  }
0xc0: {  	s21 =	smov.u32 s19;
	s19 =	smov.u32 s16;
	_ =	swait.ge [sflag:s9], $0x80  }
0xc1: {  	s16 =	smov.u32 s25;
	[sflag:s9] =	ssyncset.done $0x0  }
0xc2: {  	[sflag:s9] =	ssyncadd.s32 $0xFFFFFF80  }
0xc3: {  	v0 =	vld [tilespmem:$0x70]  }
0xc4: {  	v1 =	vld [tilespmem:$0x0]  }
0xc5: {  	v2 =	vld [tilespmem:$0x50]  }
0xc6: {  	v3 =	vld [tilespmem:$0x10]  }
0xc7: {  	v4 =	vld [tilespmem:$0x20]  }
0xc8: {  	v5 =	vld [tilespmem:$0x60];
	vm0 =	vgt.s32 v0, $0x0  }
0xc9: {  	v6 =	vld [tilespmem:$0x40];
	v0 =	vnsel vm0, $0x0, v0  }
0xca: {  	vm0 =	vgt.s32 v1, $0x0;
	v7 =	vld [tilespmem:$0x30];
	vm1 =	vgt.s32 v2, $0x0;
	v0 =	vmin.u32 v0, $0x7FFFF  }
0xcb: {  	v1 =	vnsel vm0, $0x0, v1;
	vm0 =	vgt.s32 v3, $0x0;
	v2 =	vnsel vm1, $0x0, v2;
	[tilespmem:$0xF0] =	vst v0  }
0xcc: {  	v0 =	vmin.u32 v1, $0x7FFFF;
	v1 =	vnsel vm0, $0x0, v3;
	vm0 =	vgt.s32 v4, $0x0  }
0xcd: {  	[tilespmem:$0x80] =	vst v0;
	v0 =	vmin.u32 v1, $0x7FFFF;
	v1 =	vmin.u32 v2, $0x7FFFF;
	vm1 =	vgt.s32 v5, $0x0  }
0xce: {  	[tilespmem:$0x90] =	vst v0;
	v0 =	vnsel vm0, $0x0, v4;
	vm0 =	vgt.s32 v6, $0x0;
	v2 =	vnsel vm1, $0x0, v5  }
.Ltmp5:
0xcf: {  	v0 =	vmin.u32 v0, $0x7FFFF;
	v3 =	vnsel vm0, $0x0, v6;
	[tilespmem:$0xD0] =	vst v1;
	v1 =	vmin.u32 v2, $0x7FFFF;
	(pc) =	sbr.rel @!p1 .LBB2_3-.Ltmp5, $4  }
0xd0: {  	s28 =	sand.u32 $0x10000, s20;
	s20 =	smov.u32 s17;
	s17 =	smov.u32 s14;
	vm0 =	vgt.s32 v7, $0x0;
	[tilespmem:$0xA0] =	vst v0;
	v0 =	vmin.u32 v3, $0x7FFFF  }
0xd1: {  	s14 =	smov.u32 s26;
	s28 =	sshrl.u32 s28, $0x2;
	v2 =	vnsel vm0, $0x0, v7;
	[tilespmem:$0xE0] =	vst v1  }
0xd2: {  	s28 =	sor.u32 $0x100, s28;
	v1 =	vmin.u32 v2, $0x7FFFF;
	[tilespmem:$0xC0] =	vst v0  }
0xd3: {  	s23 =	sadd.s32 $0x800, s23;
	s25 =	sadd.s32 $0x10, s25;
	[tilespmem:$0xB0] =	vst v1  }
0xd4: {  	[tilespmem:s28], [sflag:$0x1] =	stream.indirect.gather [hbm4b:s3+s10], $0x80, s10, s10, $0xb8;
	[tilespmem:$0x8100] =	vst v63  }
0xd5: {  	_ =	swait.ge [sflag:s11], $0x4000  }
0xd6: {  	[sflag:s11] =	ssyncset.done $0x0  }
0xd7: {  	[sflag:s11] =	ssyncadd.s32 $0xFFFFC000  }
0xd8: {  	[hbm4b:s24+s2] =	stream.linear.scatter [tilespmem:s28], [sflag:$0x2], $0x4000, $0x38;
	[tilespmem:$0x8100] =	vst v63  }
0xd9: {  	_ =	swait.ge [sflag:s9], $0x4000  }
0xda: {  	[sflag:s9] =	ssyncset.done $0x0  }
0xdb: {  	[sflag:s9] =	ssyncadd.s32 $0xFFFFC000  }
0xdc: {  	[tilespmem:s2], [sflag:$0x2] =	stream.linear.gather [hbm4b:s21+s2], $0x80, $0x38;
	[tilespmem:$0x8100] =	vst v63  }
0xdd: {  	_ =	swait.ge [sflag:s9], $0x80  }
0xde: {  	[sflag:s9] =	ssyncset.done $0x0  }
0xdf: {  	[sflag:s9] =	ssyncadd.s32 $0xFFFFFF80  }
0xe0: {  	v0 =	vld [tilespmem:$0x70]  }
0xe1: {  	v1 =	vld [tilespmem:$0x0]  }
0xe2: {  	v2 =	vld [tilespmem:$0x10]  }
0xe3: {  	v3 =	vld [tilespmem:$0x50]  }
0xe4: {  	v5 =	vld [tilespmem:$0x60]  }
0xe5: {  	v6 =	vld [tilespmem:$0x40];
	vm0 =	vgt.s32 v0, $0x0  }
0xe6: {  	v7 =	vld [tilespmem:$0x30];
	vm6 =	vgt.s32 v1, $0x0;
	v0 =	vnsel vm0, $0x0, v0  }
0xe7: {  	v4 =	vld [tilespmem:$0x20];
	vm7 =	vgt.s32 v2, $0x0;
	v1 =	vnsel vm6, $0x0, v1;
	v0 =	vmin.u32 v0, $0x7FFFF  }
0xe8: {  	vm1 =	vgt.s32 v3, $0x0;
	v19 =	vnsel vm7, $0x0, v2;
	v18 =	vmin.u32 v1, $0x7FFFF;
	[tilespmem:$0xF0] =	vst v0  }
0xe9: {  	vm9 =	vgt.s32 v5, $0x0;
	v20 =	vnsel vm1, $0x0, v3;
	v21 =	vmin.u32 v19, $0x7FFFF;
	[tilespmem:$0x80] =	vst v18  }
0xea: {  	vm10 =	vgt.s32 v6, $0x0;
	v24 =	vnsel vm9, $0x0, v5;
	v22 =	vmin.u32 v20, $0x7FFFF;
	[tilespmem:$0x90] =	vst v21  }
0xeb: {  	vm11 =	vgt.s32 v7, $0x0;
	v25 =	vnsel vm10, $0x0, v6;
	v2 =	vmin.u32 v24, $0x7FFFF;
	[tilespmem:$0xD0] =	vst v22  }
0xec: {  	vm8 =	vgt.s32 v4, $0x0;
	v27 =	vnsel vm11, $0x0, v7;
	v26 =	vmin.u32 v25, $0x7FFFF;
	[tilespmem:$0xE0] =	vst v2  }
0xed: {  	s20 =	sand.u32 $0x10000, s20;
	v23 =	vnsel vm8, $0x0, v4;
	v1 =	vmin.u32 v27, $0x7FFFF;
	[tilespmem:$0xC0] =	vst v26  }
0xee: {  	s20 =	sshrl.u32 s20, $0x2;
	v0 =	vmin.u32 v23, $0x7FFFF;
	[tilespmem:$0xB0] =	vst v1  }
0xef: {  	s20 =	sor.u32 $0x100, s20;
	[tilespmem:$0xA0] =	vst v0  }
0xf0: {  	[tilespmem:s20], [sflag:$0x1] =	stream.indirect.gather [hbm4b:s3+s10], $0x80, s10, s10, $0xb8;
	[tilespmem:$0x8100] =	vst v63  }
0xf1: {  	_ =	swait.ge [sflag:s11], $0x4000  }
0xf2: {  	[sflag:s11] =	ssyncset.done $0x0  }
0xf3: {  	[sflag:s11] =	ssyncadd.s32 $0xFFFFC000  }
0xf4: {  	[hbm4b:s18+s2] =	stream.linear.scatter [tilespmem:s20], [sflag:$0x2], $0x4000, $0x38;
	[tilespmem:$0x8100] =	vst v63  }
0xf5: {  	_ =	swait.ge [sflag:s9], $0x4000  }
0xf6: {  	[sflag:s9] =	ssyncset.done $0x0  }
0xf7: {  	[sflag:s9] =	ssyncadd.s32 $0xFFFFC000  }
0xf8: {  	[tilespmem:s2], [sflag:$0x2] =	stream.linear.gather [hbm4b:s19+s2], $0x80, $0x38;
	[tilespmem:$0x8100] =	vst v63  }
0xf9: {  	_ =	swait.ge [sflag:s9], $0x80  }
0xfa: {  	[sflag:s9] =	ssyncset.done $0x0  }
0xfb: {  	[sflag:s9] =	ssyncadd.s32 $0xFFFFFF80  }
0xfc: {  	v28 =	vld [tilespmem:$0x70]  }
0xfd: {  	v29 =	vld [tilespmem:$0x0]  }
0xfe: {  	v30 =	vld [tilespmem:$0x10]  }
0xff: {  	v31 =	vld [tilespmem:$0x50]  }
0x100: {  	v33 =	vld [tilespmem:$0x60]  }
0x101: {  	v34 =	vld [tilespmem:$0x40];
	vm12 =	vgt.s32 v28, $0x0  }
0x102: {  	v35 =	vld [tilespmem:$0x30];
	vm13 =	vgt.s32 v29, $0x0;
	v0 =	vnsel vm12, $0x0, v28  }
0x103: {  	v32 =	vld [tilespmem:$0x20];
	vm14 =	vgt.s32 v30, $0x0;
	v1 =	vnsel vm13, $0x0, v29;
	v0 =	vmin.u32 v0, $0x7FFFF  }
0x104: {  	vm15 =	vgt.s32 v31, $0x0;
	v37 =	vnsel vm14, $0x0, v30;
	v36 =	vmin.u32 v1, $0x7FFFF;
	[tilespmem:$0xF0] =	vst v0  }
0x105: {  	vm5 =	vgt.s32 v33, $0x0;
	v38 =	vnsel vm15, $0x0, v31;
	v39 =	vmin.u32 v37, $0x7FFFF;
	[tilespmem:$0x80] =	vst v36  }
0x106: {  	vm6 =	vgt.s32 v34, $0x0;
	v42 =	vnsel vm5, $0x0, v33;
	v40 =	vmin.u32 v38, $0x7FFFF;
	[tilespmem:$0x90] =	vst v39  }
0x107: {  	vm7 =	vgt.s32 v35, $0x0;
	v43 =	vnsel vm6, $0x0, v34;
	v2 =	vmin.u32 v42, $0x7FFFF;
	[tilespmem:$0xD0] =	vst v40  }
0x108: {  	vm4 =	vgt.s32 v32, $0x0;
	v45 =	vnsel vm7, $0x0, v35;
	v44 =	vmin.u32 v43, $0x7FFFF;
	[tilespmem:$0xE0] =	vst v2  }
0x109: {  	s17 =	sand.u32 $0x10000, s17;
	v41 =	vnsel vm4, $0x0, v32;
	v1 =	vmin.u32 v45, $0x7FFFF;
	[tilespmem:$0xC0] =	vst v44  }
0x10a: {  	s17 =	sshrl.u32 s17, $0x2;
	v0 =	vmin.u32 v41, $0x7FFFF;
	[tilespmem:$0xB0] =	vst v1  }
0x10b: {  	s17 =	sor.u32 $0x100, s17;
	[tilespmem:$0xA0] =	vst v0  }
0x10c: {  	[tilespmem:s17], [sflag:$0x1] =	stream.indirect.gather [hbm4b:s3+s10], $0x80, s10, s10, $0xb8;
	[tilespmem:$0x8100] =	vst v63  }
0x10d: {  	_ =	swait.ge [sflag:s11], $0x4000  }
0x10e: {  	[sflag:s11] =	ssyncset.done $0x0  }
0x10f: {  	[sflag:s11] =	ssyncadd.s32 $0xFFFFC000  }
0x110: {  	[hbm4b:s15+s2] =	stream.linear.scatter [tilespmem:s17], [sflag:$0x2], $0x4000, $0x38;
	[tilespmem:$0x8100] =	vst v63  }
0x111: {  	_ =	swait.ge [sflag:s9], $0x4000  }
0x112: {  	[sflag:s9] =	ssyncset.done $0x0  }
0x113: {  	[sflag:s9] =	ssyncadd.s32 $0xFFFFC000  }
0x114: {  	[tilespmem:s2], [sflag:$0x2] =	stream.linear.gather [hbm4b:s16+s2], $0x80, $0x38;
	[tilespmem:$0x8100] =	vst v63  }
0x115: {  	_ =	swait.ge [sflag:s9], $0x80  }
0x116: {  	[sflag:s9] =	ssyncset.done $0x0  }
0x117: {  	[sflag:s9] =	ssyncadd.s32 $0xFFFFFF80  }
0x118: {  	v46 =	vld [tilespmem:$0x70]  }
0x119: {  	v47 =	vld [tilespmem:$0x0]  }
0x11a: {  	v48 =	vld [tilespmem:$0x10]  }
0x11b: {  	v49 =	vld [tilespmem:$0x50]  }
0x11c: {  	v51 =	vld [tilespmem:$0x60]  }
0x11d: {  	v52 =	vld [tilespmem:$0x40];
	vm8 =	vgt.s32 v46, $0x0  }
0x11e: {  	v53 =	vld [tilespmem:$0x30];
	vm9 =	vgt.s32 v47, $0x0;
	v0 =	vnsel vm8, $0x0, v46  }
0x11f: {  	v50 =	vld [tilespmem:$0x20];
	vm10 =	vgt.s32 v48, $0x0;
	v1 =	vnsel vm9, $0x0, v47;
	v0 =	vmin.u32 v0, $0x7FFFF  }
0x120: {  	vm11 =	vgt.s32 v49, $0x0;
	v55 =	vnsel vm10, $0x0, v48;
	v54 =	vmin.u32 v1, $0x7FFFF;
	[tilespmem:$0xF0] =	vst v0  }
0x121: {  	vm13 =	vgt.s32 v51, $0x0;
	v56 =	vnsel vm11, $0x0, v49;
	v57 =	vmin.u32 v55, $0x7FFFF;
	[tilespmem:$0x80] =	vst v54  }
0x122: {  	vm14 =	vgt.s32 v52, $0x0;
	v60 =	vnsel vm13, $0x0, v51;
	v58 =	vmin.u32 v56, $0x7FFFF;
	[tilespmem:$0x90] =	vst v57  }
0x123: {  	vm15 =	vgt.s32 v53, $0x0;
	v61 =	vnsel vm14, $0x0, v52;
	v2 =	vmin.u32 v60, $0x7FFFF;
	[tilespmem:$0xD0] =	vst v58  }
0x124: {  	vm12 =	vgt.s32 v50, $0x0;
	v63 =	vnsel vm15, $0x0, v53;
	v62 =	vmin.u32 v61, $0x7FFFF;
	[tilespmem:$0xE0] =	vst v2  }
0x125: {  	s14 =	sand.u32 $0x10000, s14;
	v59 =	vnsel vm12, $0x0, v50;
	v1 =	vmin.u32 v63, $0x7FFFF;
	[tilespmem:$0xC0] =	vst v62  }
0x126: {  	s14 =	sshrl.u32 s14, $0x2;
	v0 =	vmin.u32 v59, $0x7FFFF;
	[tilespmem:$0xB0] =	vst v1  }
0x127: {  	s14 =	sor.u32 $0x100, s14;
	[tilespmem:$0xA0] =	vst v0  }
0x128: {  	[tilespmem:s14], [sflag:$0x1] =	stream.indirect.gather [hbm4b:s3+s10], $0x80, s10, s10, $0xb8;
	[tilespmem:$0x8100] =	vst v63  }
0x129: {  	_ =	swait.ge [sflag:s11], $0x4000  }
0x12a: {  	[sflag:s11] =	ssyncset.done $0x0  }
.Ltmp6:
0x12b: {  	[sflag:s11] =	ssyncadd.s32 $0xFFFFC000;
	(pc) =	sbr.rel .LBB2_8-.Ltmp6, $4  }
0x12c: {  	[hbm4b:s13+s2] =	stream.linear.scatter [tilespmem:s14], [sflag:$0x2], $0x4000, $0x38;
	[tilespmem:$0x8100] =	vst v63  }
0x12d: {  	_ =	swait.ge [sflag:s9], $0x4000  }
0x12e: {  	[sflag:s9] =	ssyncset.done $0x0  }
0x12f: {  	[sflag:s9] =	ssyncadd.s32 $0xFFFFC000  }
.LBB2_9:
0x130: {  	_ =	sfence.sel $0x180000  }
0x131: {  	[bflag:$0x0] =	sbarrier.arrive $0xFFFF  }
0x132: {  	p0 =	sne.s32 s1, $0x0;
	_ =	strace $0x9000004A  }
0x133: {  	s0 =	sadd.s32 @!p0 $0x100000, s0;
	[bflag:$0x2] =	sbarrier.arrive $0xFFFF  }
0x134: {  	[sflag:s0] =	ssyncadd.tile.s32 @!p0 $0x1;
	_ =	shalt  }
.Lfunc_end2:
_tile_overlayer_lowered:
.L_overlay_start_2:
0x135: {  	(tag) =	ssettag $0x2  }
0x136: {  	s0 =	rddreg [dreg:$0x0];
	s2 =	stileid.u32  }
0x137: {  	s1 =	rddreg [dreg:$0x1];
	p0 =	sne.s32 s2, $0x0  }
0x138: {  	s3 =	rddreg [dreg:$0x2];
	[bflag:$0x3] =	sbarrier.arrive $0xFFFF;
	s2 =	simm.s32 @!p0 $0x1C02  }
0x139: {  	[timem:s3], [sflag:s2] =	dma.local @!p0 [hbm:s0], s1  }
0x13a: {  	s0 =	simm.s32 @!p0 $0x2  }
0x13b: {  	_ =	swait.ge @!p0 [sflag:s0], s1  }
0x13c: {  	s1 =	ssub.s32 @!p0 $0x0, s1;
	[sflag:s0] =	ssyncset.done @!p0 $0x0  }
0x13d: {  	[sflag:s0] =	ssyncadd.s32 @!p0 s1  }
0x13e: {  	[bflag:$0x3] =	sbarrier.arrive $0xFFFF  }
0x13f: {  	_ =	shalt  }

</sc_bundles>
